<compile_context>
chip_gen: v7x
topology: tpu7x:2x2x1
jax: 0.10.2.dev20260603
libtpu: 0.0.44.dev20260713+nightly
codegen_flags: <defaults>
</compile_context>

<pallas_src>
import functools
import math

import jax
import jax.numpy as jnp
from jax import lax
from jax.experimental import pallas as pl
from jax.experimental.pallas import tpu as pltpu
from jax.experimental.pallas import tpu_sc as plsc

_V = 32000
_PAD = 0
_SMOOTHING = 0.1
_CONF = 1.0 - _SMOOTHING
_EPS = _SMOOTHING / (_V - 1)
_C = (_V - 1) * _EPS * math.log(_EPS) + _CONF * math.log(_CONF)

_NC = 2
_NS = 16
_L = 16
_NW = _NC * _NS
_NBUF = 4
_G = 16


def _sc_body(x_hbm, tgt_hbm, sums_hbm, cnts_hbm, drows_hbm,
             tgt_v, vec_v, cvec_v, dout_v, buf0, buf1, buf2, buf3,
             sem0, sem1, sem2, sem3):
    chunk = tgt_v.shape[0]
    wid = lax.axis_index("s") * _NC + lax.axis_index("c")
    base = wid * chunk
    pltpu.sync_copy(tgt_hbm.at[pl.ds(base, chunk)], tgt_v)
    iota = lax.iota(jnp.int32, _L)

    bufs = (buf0, buf1, buf2, buf3)
    sems = (sem0, sem1, sem2, sem3)
    for b in range(_NBUF):
        pltpu.async_copy(x_hbm.at[pl.ds(base + b, 1)], bufs[b], sems[b])
    vec_v[...] = jnp.zeros((_L,), jnp.float32)

    def _row_sum(buf):
        zero = jnp.zeros((_L,), jnp.float32)

        def inner(k, a):
            b = k * (16 * _L)
            return tuple(a[j] + buf[0, pl.ds(b + _L * j, _L)]
                         for j in range(16))

        accs = lax.fori_loop(0, _V // (16 * _L), inner, (zero,) * 16)
        w = accs[0]
        for j in range(1, 16):
            w = w + accs[j]
        return w

    @pl.loop(0, chunk // _G)
    def _group(g):
        r0 = g * _G
        t16 = tgt_v[pl.ds(r0, _G)]
        for k in range(_G):
            r = r0 + k
            buf = bufs[k % _NBUF]
            sem = sems[k % _NBUF]
            pltpu.make_async_copy(
                x_hbm.at[pl.ds(base + r, 1)], buf, sem).wait()
            dout_v[pl.ds(r * _L, _L)] = _row_sum(buf)
            t_r = t16[k]
            seg = buf[0, pl.ds((t_r >> 4) * _L, _L)]
            sel = jnp.where(iota == (t_r & (_L - 1)), seg, jnp.float32(0.0))
            validf = jnp.where(t_r != _PAD, jnp.float32(1.0),
                               jnp.float32(0.0))
            vec_v[...] = vec_v[...] + sel * validf

            @pl.when(r + _NBUF < chunk)
            def _():
                pltpu.async_copy(
                    x_hbm.at[pl.ds(base + r + _NBUF, 1)], buf, sem)

    cnt = jnp.zeros((_L,), jnp.int32)
    for j in range(chunk // _L):
        t16 = tgt_v[pl.ds(j * _L, _L)]
        cnt = cnt + jnp.where(t16 != _PAD, 1, 0)
    cvec_v[...] = cnt
    pltpu.sync_copy(vec_v, sums_hbm.at[wid])
    pltpu.sync_copy(cvec_v, cnts_hbm.at[wid])
    pltpu.sync_copy(dout_v, drows_hbm.at[wid])


def _sc_pass(x, tgt):
    n = tgt.shape[0]
    chunk = n // _NW
    mesh = plsc.VectorSubcoreMesh(core_axis_name="c", subcore_axis_name="s")
    run = functools.partial(
        pl.kernel,
        out_type=(
            jax.ShapeDtypeStruct((_NW, _L), jnp.float32),
            jax.ShapeDtypeStruct((_NW, _L), jnp.int32),
            jax.ShapeDtypeStruct((_NW, chunk * _L), jnp.float32),
        ),
        mesh=mesh,
        scratch_types=(
            pltpu.VMEM((chunk,), jnp.int32),
            pltpu.VMEM((_L,), jnp.float32),
            pltpu.VMEM((_L,), jnp.int32),
            pltpu.VMEM((chunk * _L,), jnp.float32),
            pltpu.VMEM((1, _V), jnp.float32),
            pltpu.VMEM((1, _V), jnp.float32),
            pltpu.VMEM((1, _V), jnp.float32),
            pltpu.VMEM((1, _V), jnp.float32),
            pltpu.SemaphoreType.DMA,
            pltpu.SemaphoreType.DMA,
            pltpu.SemaphoreType.DMA,
            pltpu.SemaphoreType.DMA,
        ),
    )(_sc_body)
    return run(x, tgt)


def _comb_body(sums_ref, cnts_ref, drows_ref, trep_ref, out_ref):
    s_t = jnp.sum(sums_ref[...])
    nv = jnp.sum(cnts_ref[...]).astype(jnp.float32)
    dmask = (trep_ref[...] != _PAD).astype(jnp.float32)
    s_all = jnp.sum(drows_ref[...] * dmask)
    out_ref[0, 0] = (nv * jnp.float32(_C)
                     - jnp.float32(_EPS) * s_all
                     - jnp.float32(_CONF - _EPS) * s_t) / nv


def _combine(sums, cnts, drows, trep):
    return pl.pallas_call(
        _comb_body,
        in_specs=[
            pl.BlockSpec(),
            pl.BlockSpec(),
            pl.BlockSpec(),
            pl.BlockSpec(),
        ],
        out_specs=pl.BlockSpec(memory_space=pltpu.SMEM),
        out_shape=jax.ShapeDtypeStruct((1, 1), jnp.float32),
    )(sums, cnts, drows, trep)


def kernel(x, target):
    n, v = x.shape
    target = target.astype(jnp.int32)
    sums, cnts, drows = _sc_pass(x, target)
    trep = jnp.repeat(target, _L).reshape(drows.shape)
    out = _combine(sums, cnts, drows, trep)
    return out[0, 0]

# --- scband reference (transcript-rebuilt; emitter-appended) ---
"""Pipeline reference for scband-label-smoothing-7971459301882 (READ-ONLY COPY).

The authoritative reference and input builder live on the scoring server;
editing this copy changes nothing except your own understanding.
"""

import jax, jax.numpy as jnp
import numpy as np

SIZE = 32000
PADDING_IDX = 0
SMOOTHING = 0.1
CONFIDENCE = 1.0 - SMOOTHING


def setup_inputs(seed: int = 0) -> dict:
    key = jax.random.key(seed)
    k1, k2 = jax.random.split(key)
    x = jax.random.normal(k1, (2048, SIZE), dtype=jnp.float32)
    # KLDivLoss expects log-probabilities as input; use log_softmax of the random
    # logits so the math matches typical usage (the torch module would also run on
    # raw randn, but log-probs keep values in a sane range).
    x = jax.nn.log_softmax(x, axis=-1)
    target = jax.random.randint(k2, (2048,), 0, SIZE, dtype=jnp.int64) if jax.config.jax_enable_x64 else jax.random.randint(k2, (2048,), 0, SIZE, dtype=jnp.int32)
    return {"x": x, "target": target}


def reference(x, target):
    n = x.shape[0]
    # true_dist built under no_grad in torch: constant w.r.t. x
    true_dist = jnp.full(x.shape, SMOOTHING / (SIZE - 1), dtype=x.dtype)
    mask = target != PADDING_IDX
    tokens = mask.sum().astype(x.dtype)
    tgt = jnp.where(mask, target, 0)
    true_dist = true_dist.at[jnp.arange(n), tgt].set(CONFIDENCE)
    # torch KLDivLoss(reduction='none'): loss = target * (log(target) - input)
    kl = true_dist * (jnp.log(true_dist) - x)
    kl = jnp.where(mask[:, None], kl, jnp.zeros_like(kl))
    return kl.sum() / tokens

if __name__ == "__main__":
    import jax
    _d = setup_inputs()
    print(jax.jit(kernel)(*tuple(_d.values())))

</pallas_src>

<mosaic_0001>
#map = affine_map<(d0, d1) -> (0, 0)>
#map1 = affine_map<(d0, d1) -> (0)>
module attributes {stable_mosaic.version = 14 : i64} {
  func.func @_sc_body(%arg0: i32, %arg1: i32, %arg2: memref<2048x32000xf32, #tpu.memory_space<hbm>>, %arg3: memref<2048xi32, #tpu.memory_space<hbm>>, %arg4: memref<32x16xf32, #tpu.memory_space<hbm>>, %arg5: memref<32x16xi32, #tpu.memory_space<hbm>>, %arg6: memref<32x1024xf32, #tpu.memory_space<hbm>>, %arg7: memref<64xi32, #tpu.memory_space<vmem>>, %arg8: memref<16xf32, #tpu.memory_space<vmem>>, %arg9: memref<16xi32, #tpu.memory_space<vmem>>, %arg10: memref<1024xf32, #tpu.memory_space<vmem>>, %arg11: memref<1x32000xf32, #tpu.memory_space<vmem>>, %arg12: memref<1x32000xf32, #tpu.memory_space<vmem>>, %arg13: memref<1x32000xf32, #tpu.memory_space<vmem>>, %arg14: memref<1x32000xf32, #tpu.memory_space<vmem>>, %arg15: memref<!tpu.dma_semaphore, #tpu.memory_space<semaphore_mem>>, %arg16: memref<!tpu.dma_semaphore, #tpu.memory_space<semaphore_mem>>, %arg17: memref<!tpu.dma_semaphore, #tpu.memory_space<semaphore_mem>>, %arg18: memref<!tpu.dma_semaphore, #tpu.memory_space<semaphore_mem>>) attributes {dimension_semantics = [#tpu.dimension_semantics<core_parallel>, #tpu.dimension_semantics<subcore_parallel>], iteration_bounds = array<i64: 2, 16>, scalar_prefetch = 0 : i64, scratch_operands = 12 : i64, tpu.core_type = #tpu.core_type<sc_vector_subcore>, window_params = [{transform_indices = #map}, {transform_indices = #map1}, {transform_indices = #map}, {transform_indices = #map}, {transform_indices = #map}]} {
    %mul3A = arith.constant 2 : i32
    %mul3A_0 = arith.muli %arg1, %mul3A : i32
    %add3A = arith.addi %mul3A_0, %arg0 : i32
    %mul3A_1 = arith.constant 64 : i32
    %mul3A_2 = arith.muli %add3A, %mul3A_1 : i32
    "tpu.region"() ({
      %run_scoped3A = tpu.sem_alloc : memref<!tpu.dma_semaphore, #tpu.memory_space<semaphore_mem>>
      %dma_start3A_84 = tpu.memref_slice %arg3[%mul3A_2] : memref<2048xi32, #tpu.memory_space<hbm>> -> memref<64xi32, #tpu.memory_space<hbm>>
      %dma_start3A_85 = tpu.memref_slice %arg3[%mul3A_2] : memref<2048xi32, #tpu.memory_space<hbm>> -> memref<64xi32, #tpu.memory_space<hbm>>
      tpu.enqueue_dma source(%dma_start3A_85 : memref<64xi32, #tpu.memory_space<hbm>>) target(%arg7 : memref<64xi32, #tpu.memory_space<vmem>>) target_semaphore(%run_scoped3A : memref<!tpu.dma_semaphore, #tpu.memory_space<semaphore_mem>>)
      %dma_wait3A = tpu.memref_slice %arg3[%mul3A_2] : memref<2048xi32, #tpu.memory_space<hbm>> -> memref<64xi32, #tpu.memory_space<hbm>>
      %dma_wait3A_86 = tpu.memref_slice %arg3[%mul3A_2] : memref<2048xi32, #tpu.memory_space<hbm>> -> memref<64xi32, #tpu.memory_space<hbm>>
      tpu.wait_dma2 semaphore(%run_scoped3A : memref<!tpu.dma_semaphore, #tpu.memory_space<semaphore_mem>>) src(%dma_wait3A_86 : memref<64xi32, #tpu.memory_space<hbm>>) dst(%arg7 : memref<64xi32, #tpu.memory_space<vmem>>)
      tpu.yield
    }) : () -> ()
    %iota3A = tpu.iota {dimensions = array<i32: 0>} : vector<16xi32>
    %add3A_3 = arith.constant 0 : i32
    %add3A_4 = arith.addi %mul3A_2, %add3A_3 : i32
    %dma_start3A = arith.constant 0 : i32
    %dma_start3A_5 = tpu.memref_slice %arg2[%add3A_4, %dma_start3A] : memref<2048x32000xf32, #tpu.memory_space<hbm>> -> memref<1x32000xf32, #tpu.memory_space<hbm>>
    %dma_start3A_6 = arith.constant 0 : i32
    %dma_start3A_7 = tpu.memref_slice %arg2[%add3A_4, %dma_start3A_6] : memref<2048x32000xf32, #tpu.memory_space<hbm>> -> memref<1x32000xf32, #tpu.memory_space<hbm>>
    tpu.enqueue_dma source(%dma_start3A_7 : memref<1x32000xf32, #tpu.memory_space<hbm>>) target(%arg11 : memref<1x32000xf32, #tpu.memory_space<vmem>>) target_semaphore(%arg15 : memref<!tpu.dma_semaphore, #tpu.memory_space<semaphore_mem>>)
    %add3A_8 = arith.constant 1 : i32
    %add3A_9 = arith.addi %mul3A_2, %add3A_8 : i32
    %dma_start3A_10 = arith.constant 0 : i32
    %dma_start3A_11 = tpu.memref_slice %arg2[%add3A_9, %dma_start3A_10] : memref<2048x32000xf32, #tpu.memory_space<hbm>> -> memref<1x32000xf32, #tpu.memory_space<hbm>>
    %dma_start3A_12 = arith.constant 0 : i32
    %dma_start3A_13 = tpu.memref_slice %arg2[%add3A_9, %dma_start3A_12] : memref<2048x32000xf32, #tpu.memory_space<hbm>> -> memref<1x32000xf32, #tpu.memory_space<hbm>>
    tpu.enqueue_dma source(%dma_start3A_13 : memref<1x32000xf32, #tpu.memory_space<hbm>>) target(%arg12 : memref<1x32000xf32, #tpu.memory_space<vmem>>) target_semaphore(%arg16 : memref<!tpu.dma_semaphore, #tpu.memory_space<semaphore_mem>>)
    %add3A_14 = arith.constant 2 : i32
    %add3A_15 = arith.addi %mul3A_2, %add3A_14 : i32
    %dma_start3A_16 = arith.constant 0 : i32
    %dma_start3A_17 = tpu.memref_slice %arg2[%add3A_15, %dma_start3A_16] : memref<2048x32000xf32, #tpu.memory_space<hbm>> -> memref<1x32000xf32, #tpu.memory_space<hbm>>
    %dma_start3A_18 = arith.constant 0 : i32
    %dma_start3A_19 = tpu.memref_slice %arg2[%add3A_15, %dma_start3A_18] : memref<2048x32000xf32, #tpu.memory_space<hbm>> -> memref<1x32000xf32, #tpu.memory_space<hbm>>
    tpu.enqueue_dma source(%dma_start3A_19 : memref<1x32000xf32, #tpu.memory_space<hbm>>) target(%arg13 : memref<1x32000xf32, #tpu.memory_space<vmem>>) target_semaphore(%arg17 : memref<!tpu.dma_semaphore, #tpu.memory_space<semaphore_mem>>)
    %add3A_20 = arith.constant 3 : i32
    %add3A_21 = arith.addi %mul3A_2, %add3A_20 : i32
    %dma_start3A_22 = arith.constant 0 : i32
    %dma_start3A_23 = tpu.memref_slice %arg2[%add3A_21, %dma_start3A_22] : memref<2048x32000xf32, #tpu.memory_space<hbm>> -> memref<1x32000xf32, #tpu.memory_space<hbm>>
    %dma_start3A_24 = arith.constant 0 : i32
    %dma_start3A_25 = tpu.memref_slice %arg2[%add3A_21, %dma_start3A_24] : memref<2048x32000xf32, #tpu.memory_space<hbm>> -> memref<1x32000xf32, #tpu.memory_space<hbm>>
    tpu.enqueue_dma source(%dma_start3A_25 : memref<1x32000xf32, #tpu.memory_space<hbm>>) target(%arg14 : memref<1x32000xf32, #tpu.memory_space<vmem>>) target_semaphore(%arg18 : memref<!tpu.dma_semaphore, #tpu.memory_space<semaphore_mem>>)
    %broadcast_in_dim3A = arith.constant 0.000000e+00 : f32
    %broadcast_in_dim3A_26 = vector.broadcast %broadcast_in_dim3A : f32 to vector<16xf32>
    %swap3A = arith.constant 0 : index
    %swap3A_27 = tpu.vector_load %arg8[%swap3A] {strides = array<i32>} : memref<16xf32, #tpu.memory_space<vmem>>, vector<16xf32>,
    %swap3A_28 = vector.shape_cast %swap3A_27 : vector<16xf32> to vector<16xf32>
    %swap3A_29 = vector.shape_cast %broadcast_in_dim3A_26 : vector<16xf32> to vector<16xf32>
    tpu.vector_store %arg8[%swap3A], %swap3A_29 {strides = array<i32>} : memref<16xf32, #tpu.memory_space<vmem>>, vector<16xf32>,
    %scan3A = arith.constant 0 : i32
    %scan3A_30 = arith.constant 4 : i32
    %scan3A_31 = arith.addi %scan3A, %scan3A_30 : i32
    %scan3A_32 = arith.constant 1 : i32
    scf.for %scan3A_84 = %scan3A to %scan3A_31 step %scan3A_32  : i32 {
      %mul3A_85 = arith.constant 1 : i32
      %mul3A_86 = arith.muli %scan3A_84, %mul3A_85 : i32
      %add3A_87 = arith.constant 0 : i32
      %add3A_88 = arith.addi %add3A_87, %mul3A_86 : i32
      %mul3A_89 = arith.constant 16 : i32
      %mul3A_90 = arith.muli %add3A_88, %mul3A_89 : i32
      %get3A_91 = arith.index_cast %mul3A_90 : i32 to index
      %get3A_92 = tpu.vector_load %arg7[%get3A_91] {strides = array<i32>} : memref<64xi32, #tpu.memory_space<vmem>>, vector<16xi32>,
      %get3A_93 = vector.shape_cast %get3A_92 : vector<16xi32> to vector<16xi32>
      %add3A_94 = arith.constant 0 : i32
      %add3A_95 = arith.addi %mul3A_90, %add3A_94 : i32
      %add3A_96 = arith.addi %mul3A_2, %add3A_95 : i32
      %dma_wait3A = arith.constant 0 : i32
      %dma_wait3A_97 = tpu.memref_slice %arg2[%add3A_96, %dma_wait3A] : memref<2048x32000xf32, #tpu.memory_space<hbm>> -> memref<1x32000xf32, #tpu.memory_space<hbm>>
      %dma_wait3A_98 = arith.constant 0 : i32
      %dma_wait3A_99 = tpu.memref_slice %arg2[%add3A_96, %dma_wait3A_98] : memref<2048x32000xf32, #tpu.memory_space<hbm>> -> memref<1x32000xf32, #tpu.memory_space<hbm>>
      tpu.wait_dma2 semaphore(%arg15 : memref<!tpu.dma_semaphore, #tpu.memory_space<semaphore_mem>>) src(%dma_wait3A_99 : memref<1x32000xf32, #tpu.memory_space<hbm>>) dst(%arg11 : memref<1x32000xf32, #tpu.memory_space<vmem>>)
      %broadcast_in_dim3A_100 = arith.constant 0.000000e+00 : f32
      %broadcast_in_dim3A_101 = vector.broadcast %broadcast_in_dim3A_100 : f32 to vector<16xf32>
      %scan3A_102 = arith.constant 0 : i32
      %scan3A_103 = arith.constant 125 : i32
      %scan3A_104 = arith.addi %scan3A_102, %scan3A_103 : i32
      %scan3A_105 = arith.constant 1 : i32
      %scan3A_106:16 = scf.for %scan3A_1301 = %scan3A_102 to %scan3A_104 step %scan3A_105 iter_args(%scan3A_1302 = %broadcast_in_dim3A_101, %scan3A_1303 = %broadcast_in_dim3A_101, %scan3A_1304 = %broadcast_in_dim3A_101, %scan3A_1305 = %broadcast_in_dim3A_101, %scan3A_1306 = %broadcast_in_dim3A_101, %scan3A_1307 = %broadcast_in_dim3A_101, %scan3A_1308 = %broadcast_in_dim3A_101, %scan3A_1309 = %broadcast_in_dim3A_101, %scan3A_1310 = %broadcast_in_dim3A_101, %scan3A_1311 = %broadcast_in_dim3A_101, %scan3A_1312 = %broadcast_in_dim3A_101, %scan3A_1313 = %broadcast_in_dim3A_101, %scan3A_1314 = %broadcast_in_dim3A_101, %scan3A_1315 = %broadcast_in_dim3A_101, %scan3A_1316 = %broadcast_in_dim3A_101, %scan3A_1317 = %broadcast_in_dim3A_101) -> (vector<16xf32>, vector<16xf32>, vector<16xf32>, vector<16xf32>, vector<16xf32>, vector<16xf32>, vector<16xf32>, vector<16xf32>, vector<16xf32>, vector<16xf32>, vector<16xf32>, vector<16xf32>, vector<16xf32>, vector<16xf32>, vector<16xf32>, vector<16xf32>)  : i32 {
        %mul3A_1318 = arith.constant 256 : i32
        %mul3A_1319 = arith.muli %scan3A_1301, %mul3A_1318 : i32
        %add3A_1320 = arith.constant 0 : i32
        %add3A_1321 = arith.addi %mul3A_1319, %add3A_1320 : i32
        %get3A_1322 = arith.constant 0 : i32
        %get3A_1323 = arith.index_cast %get3A_1322 : i32 to index
        %get3A_1324 = arith.index_cast %add3A_1321 : i32 to index
        %get3A_1325 = tpu.vector_load %arg11[%get3A_1323, %get3A_1324] {strides = array<i32>} : memref<1x32000xf32, #tpu.memory_space<vmem>>, vector<1x16xf32>,
        %get3A_1326 = vector.shape_cast %get3A_1325 : vector<1x16xf32> to vector<16xf32>
        %add3A_1327 = arith.addf %scan3A_1302, %get3A_1326 : vector<16xf32>
        %add3A_1328 = arith.constant 16 : i32
        %add3A_1329 = arith.addi %mul3A_1319, %add3A_1328 : i32
        %get3A_1330 = arith.constant 0 : i32
        %get3A_1331 = arith.index_cast %get3A_1330 : i32 to index
        %get3A_1332 = arith.index_cast %add3A_1329 : i32 to index
        %get3A_1333 = tpu.vector_load %arg11[%get3A_1331, %get3A_1332] {strides = array<i32>} : memref<1x32000xf32, #tpu.memory_space<vmem>>, vector<1x16xf32>,
        %get3A_1334 = vector.shape_cast %get3A_1333 : vector<1x16xf32> to vector<16xf32>
        %add3A_1335 = arith.addf %scan3A_1303, %get3A_1334 : vector<16xf32>
        %add3A_1336 = arith.constant 32 : i32
        %add3A_1337 = arith.addi %mul3A_1319, %add3A_1336 : i32
        %get3A_1338 = arith.constant 0 : i32
        %get3A_1339 = arith.index_cast %get3A_1338 : i32 to index
        %get3A_1340 = arith.index_cast %add3A_1337 : i32 to index
        %get3A_1341 = tpu.vector_load %arg11[%get3A_1339, %get3A_1340] {strides = array<i32>} : memref<1x32000xf32, #tpu.memory_space<vmem>>, vector<1x16xf32>,
        %get3A_1342 = vector.shape_cast %get3A_1341 : vector<1x16xf32> to vector<16xf32>
        %add3A_1343 = arith.addf %scan3A_1304, %get3A_1342 : vector<16xf32>
        %add3A_1344 = arith.constant 48 : i32
        %add3A_1345 = arith.addi %mul3A_1319, %add3A_1344 : i32
        %get3A_1346 = arith.constant 0 : i32
        %get3A_1347 = arith.index_cast %get3A_1346 : i32 to index
        %get3A_1348 = arith.index_cast %add3A_1345 : i32 to index
        %get3A_1349 = tpu.vector_load %arg11[%get3A_1347, %get3A_1348] {strides = array<i32>} : memref<1x32000xf32, #tpu.memory_space<vmem>>, vector<1x16xf32>,
        %get3A_1350 = vector.shape_cast %get3A_1349 : vector<1x16xf32> to vector<16xf32>
        %add3A_1351 = arith.addf %scan3A_1305, %get3A_1350 : vector<16xf32>
        %add3A_1352 = arith.constant 64 : i32
        %add3A_1353 = arith.addi %mul3A_1319, %add3A_1352 : i32
        %get3A_1354 = arith.constant 0 : i32
        %get3A_1355 = arith.index_cast %get3A_1354 : i32 to index
        %get3A_1356 = arith.index_cast %add3A_1353 : i32 to index
        %get3A_1357 = tpu.vector_load %arg11[%get3A_1355, %get3A_1356] {strides = array<i32>} : memref<1x32000xf32, #tpu.memory_space<vmem>>, vector<1x16xf32>,
        %get3A_1358 = vector.shape_cast %get3A_1357 : vector<1x16xf32> to vector<16xf32>
        %add3A_1359 = arith.addf %scan3A_1306, %get3A_1358 : vector<16xf32>
        %add3A_1360 = arith.constant 80 : i32
        %add3A_1361 = arith.addi %mul3A_1319, %add3A_1360 : i32
        %get3A_1362 = arith.constant 0 : i32
        %get3A_1363 = arith.index_cast %get3A_1362 : i32 to index
        %get3A_1364 = arith.index_cast %add3A_1361 : i32 to index
        %get3A_1365 = tpu.vector_load %arg11[%get3A_1363, %get3A_1364] {strides = array<i32>} : memref<1x32000xf32, #tpu.memory_space<vmem>>, vector<1x16xf32>,
        %get3A_1366 = vector.shape_cast %get3A_1365 : vector<1x16xf32> to vector<16xf32>
        %add3A_1367 = arith.addf %scan3A_1307, %get3A_1366 : vector<16xf32>
        %add3A_1368 = arith.constant 96 : i32
        %add3A_1369 = arith.addi %mul3A_1319, %add3A_1368 : i32
        %get3A_1370 = arith.constant 0 : i32
        %get3A_1371 = arith.index_cast %get3A_1370 : i32 to index
        %get3A_1372 = arith.index_cast %add3A_1369 : i32 to index
        %get3A_1373 = tpu.vector_load %arg11[%get3A_1371, %get3A_1372] {strides = array<i32>} : memref<1x32000xf32, #tpu.memory_space<vmem>>, vector<1x16xf32>,
        %get3A_1374 = vector.shape_cast %get3A_1373 : vector<1x16xf32> to vector<16xf32>
        %add3A_1375 = arith.addf %scan3A_1308, %get3A_1374 : vector<16xf32>
        %add3A_1376 = arith.constant 112 : i32
        %add3A_1377 = arith.addi %mul3A_1319, %add3A_1376 : i32
        %get3A_1378 = arith.constant 0 : i32
        %get3A_1379 = arith.index_cast %get3A_1378 : i32 to index
        %get3A_1380 = arith.index_cast %add3A_1377 : i32 to index
        %get3A_1381 = tpu.vector_load %arg11[%get3A_1379, %get3A_1380] {strides = array<i32>} : memref<1x32000xf32, #tpu.memory_space<vmem>>, vector<1x16xf32>,
        %get3A_1382 = vector.shape_cast %get3A_1381 : vector<1x16xf32> to vector<16xf32>
        %add3A_1383 = arith.addf %scan3A_1309, %get3A_1382 : vector<16xf32>
        %add3A_1384 = arith.constant 128 : i32
        %add3A_1385 = arith.addi %mul3A_1319, %add3A_1384 : i32
        %get3A_1386 = arith.constant 0 : i32
        %get3A_1387 = arith.index_cast %get3A_1386 : i32 to index
        %get3A_1388 = arith.index_cast %add3A_1385 : i32 to index
        %get3A_1389 = tpu.vector_load %arg11[%get3A_1387, %get3A_1388] {strides = array<i32>} : memref<1x32000xf32, #tpu.memory_space<vmem>>, vector<1x16xf32>,
        %get3A_1390 = vector.shape_cast %get3A_1389 : vector<1x16xf32> to vector<16xf32>
        %add3A_1391 = arith.addf %scan3A_1310, %get3A_1390 : vector<16xf32>
        %add3A_1392 = arith.constant 144 : i32
        %add3A_1393 = arith.addi %mul3A_1319, %add3A_1392 : i32
        %get3A_1394 = arith.constant 0 : i32
        %get3A_1395 = arith.index_cast %get3A_1394 : i32 to index
        %get3A_1396 = arith.index_cast %add3A_1393 : i32 to index
        %get3A_1397 = tpu.vector_load %arg11[%get3A_1395, %get3A_1396] {strides = array<i32>} : memref<1x32000xf32, #tpu.memory_space<vmem>>, vector<1x16xf32>,
        %get3A_1398 = vector.shape_cast %get3A_1397 : vector<1x16xf32> to vector<16xf32>
        %add3A_1399 = arith.addf %scan3A_1311, %get3A_1398 : vector<16xf32>
        %add3A_1400 = arith.constant 160 : i32
        %add3A_1401 = arith.addi %mul3A_1319, %add3A_1400 : i32
        %get3A_1402 = arith.constant 0 : i32
        %get3A_1403 = arith.index_cast %get3A_1402 : i32 to index
        %get3A_1404 = arith.index_cast %add3A_1401 : i32 to index
        %get3A_1405 = tpu.vector_load %arg11[%get3A_1403, %get3A_1404] {strides = array<i32>} : memref<1x32000xf32, #tpu.memory_space<vmem>>, vector<1x16xf32>,
        %get3A_1406 = vector.shape_cast %get3A_1405 : vector<1x16xf32> to vector<16xf32>
        %add3A_1407 = arith.addf %scan3A_1312, %get3A_1406 : vector<16xf32>
        %add3A_1408 = arith.constant 176 : i32
        %add3A_1409 = arith.addi %mul3A_1319, %add3A_1408 : i32
        %get3A_1410 = arith.constant 0 : i32
        %get3A_1411 = arith.index_cast %get3A_1410 : i32 to index
        %get3A_1412 = arith.index_cast %add3A_1409 : i32 to index
        %get3A_1413 = tpu.vector_load %arg11[%get3A_1411, %get3A_1412] {strides = array<i32>} : memref<1x32000xf32, #tpu.memory_space<vmem>>, vector<1x16xf32>,
        %get3A_1414 = vector.shape_cast %get3A_1413 : vector<1x16xf32> to vector<16xf32>
        %add3A_1415 = arith.addf %scan3A_1313, %get3A_1414 : vector<16xf32>
        %add3A_1416 = arith.constant 192 : i32
        %add3A_1417 = arith.addi %mul3A_1319, %add3A_1416 : i32
        %get3A_1418 = arith.constant 0 : i32
        %get3A_1419 = arith.index_cast %get3A_1418 : i32 to index
        %get3A_1420 = arith.index_cast %add3A_1417 : i32 to index
        %get3A_1421 = tpu.vector_load %arg11[%get3A_1419, %get3A_1420] {strides = array<i32>} : memref<1x32000xf32, #tpu.memory_space<vmem>>, vector<1x16xf32>,
        %get3A_1422 = vector.shape_cast %get3A_1421 : vector<1x16xf32> to vector<16xf32>
        %add3A_1423 = arith.addf %scan3A_1314, %get3A_1422 : vector<16xf32>
        %add3A_1424 = arith.constant 208 : i32
        %add3A_1425 = arith.addi %mul3A_1319, %add3A_1424 : i32
        %get3A_1426 = arith.constant 0 : i32
        %get3A_1427 = arith.index_cast %get3A_1426 : i32 to index
        %get3A_1428 = arith.index_cast %add3A_1425 : i32 to index
        %get3A_1429 = tpu.vector_load %arg11[%get3A_1427, %get3A_1428] {strides = array<i32>} : memref<1x32000xf32, #tpu.memory_space<vmem>>, vector<1x16xf32>,
        %get3A_1430 = vector.shape_cast %get3A_1429 : vector<1x16xf32> to vector<16xf32>
        %add3A_1431 = arith.addf %scan3A_1315, %get3A_1430 : vector<16xf32>
        %add3A_1432 = arith.constant 224 : i32
        %add3A_1433 = arith.addi %mul3A_1319, %add3A_1432 : i32
        %get3A_1434 = arith.constant 0 : i32
        %get3A_1435 = arith.index_cast %get3A_1434 : i32 to index
        %get3A_1436 = arith.index_cast %add3A_1433 : i32 to index
        %get3A_1437 = tpu.vector_load %arg11[%get3A_1435, %get3A_1436] {strides = array<i32>} : memref<1x32000xf32, #tpu.memory_space<vmem>>, vector<1x16xf32>,
        %get3A_1438 = vector.shape_cast %get3A_1437 : vector<1x16xf32> to vector<16xf32>
        %add3A_1439 = arith.addf %scan3A_1316, %get3A_1438 : vector<16xf32>
        %add3A_1440 = arith.constant 240 : i32
        %add3A_1441 = arith.addi %mul3A_1319, %add3A_1440 : i32
        %get3A_1442 = arith.constant 0 : i32
        %get3A_1443 = arith.index_cast %get3A_1442 : i32 to index
        %get3A_1444 = arith.index_cast %add3A_1441 : i32 to index
        %get3A_1445 = tpu.vector_load %arg11[%get3A_1443, %get3A_1444] {strides = array<i32>} : memref<1x32000xf32, #tpu.memory_space<vmem>>, vector<1x16xf32>,
        %get3A_1446 = vector.shape_cast %get3A_1445 : vector<1x16xf32> to vector<16xf32>
        %add3A_1447 = arith.addf %scan3A_1317, %get3A_1446 : vector<16xf32>
        scf.yield %add3A_1327, %add3A_1335, %add3A_1343, %add3A_1351, %add3A_1359, %add3A_1367, %add3A_1375, %add3A_1383, %add3A_1391, %add3A_1399, %add3A_1407, %add3A_1415, %add3A_1423, %add3A_1431, %add3A_1439, %add3A_1447 : vector<16xf32>, vector<16xf32>, vector<16xf32>, vector<16xf32>, vector<16xf32>, vector<16xf32>, vector<16xf32>, vector<16xf32>, vector<16xf32>, vector<16xf32>, vector<16xf32>, vector<16xf32>, vector<16xf32>, vector<16xf32>, vector<16xf32>, vector<16xf32>
      }
      %scan3A_107 = arith.constant 125 : i32
      %add3A_108 = arith.addf %scan3A_106#0, %scan3A_106#1 : vector<16xf32>
      %add3A_109 = arith.addf %add3A_108, %scan3A_106#2 : vector<16xf32>
      %add3A_110 = arith.addf %add3A_109, %scan3A_106#3 : vector<16xf32>
      %add3A_111 = arith.addf %add3A_110, %scan3A_106#4 : vector<16xf32>
      %add3A_112 = arith.addf %add3A_111, %scan3A_106#5 : vector<16xf32>
      %add3A_113 = arith.addf %add3A_112, %scan3A_106#6 : vector<16xf32>
      %add3A_114 = arith.addf %add3A_113, %scan3A_106#7 : vector<16xf32>
      %add3A_115 = arith.addf %add3A_114, %scan3A_106#8 : vector<16xf32>
      %add3A_116 = arith.addf %add3A_115, %scan3A_106#9 : vector<16xf32>
      %add3A_117 = arith.addf %add3A_116, %scan3A_106#10 : vector<16xf32>
      %add3A_118 = arith.addf %add3A_117, %scan3A_106#11 : vector<16xf32>
      %add3A_119 = arith.addf %add3A_118, %scan3A_106#12 : vector<16xf32>
      %add3A_120 = arith.addf %add3A_119, %scan3A_106#13 : vector<16xf32>
      %add3A_121 = arith.addf %add3A_120, %scan3A_106#14 : vector<16xf32>
      %add3A_122 = arith.addf %add3A_121, %scan3A_106#15 : vector<16xf32>
      %mul3A_123 = arith.constant 16 : i32
      %mul3A_124 = arith.muli %add3A_95, %mul3A_123 : i32
      %swap3A_125 = arith.index_cast %mul3A_124 : i32 to index
      %swap3A_126 = tpu.vector_load %arg10[%swap3A_125] {strides = array<i32>} : memref<1024xf32, #tpu.memory_space<vmem>>, vector<16xf32>,
      %swap3A_127 = vector.shape_cast %swap3A_126 : vector<16xf32> to vector<16xf32>
      %swap3A_128 = vector.shape_cast %add3A_122 : vector<16xf32> to vector<16xf32>
      tpu.vector_store %arg10[%swap3A_125], %swap3A_128 {strides = array<i32>} : memref<1024xf32, #tpu.memory_space<vmem>>, vector<16xf32>,
      %slice3A = vector.extract_strided_slice %get3A_93 {offsets = [0], sizes = [1], strides = [1]} : vector<16xi32> to vector<1xi32>
      %squeeze3A = vector.extract %slice3A[0] : i32 from vector<1xi32>
      %shift_right_arithmetic3A = arith.constant 4 : i32
      %shift_right_arithmetic3A_129 = arith.shrsi %squeeze3A, %shift_right_arithmetic3A : i32
      %mul3A_130 = arith.constant 16 : i32
      %mul3A_131 = arith.muli %shift_right_arithmetic3A_129, %mul3A_130 : i32
      %get3A_132 = arith.constant 0 : i32
      %get3A_133 = arith.index_cast %get3A_132 : i32 to index
      %get3A_134 = arith.index_cast %mul3A_131 : i32 to index
      %get3A_135 = tpu.vector_load %arg11[%get3A_133, %get3A_134] {strides = array<i32>} : memref<1x32000xf32, #tpu.memory_space<vmem>>, vector<1x16xf32>,
      %get3A_136 = vector.shape_cast %get3A_135 : vector<1x16xf32> to vector<16xf32>
      %and3A = arith.constant 15 : i32
      %and3A_137 = arith.andi %squeeze3A, %and3A : i32
      %eq3A = vector.broadcast %and3A_137 : i32 to vector<16xi32>
      %eq3A_138 = arith.cmpi eq, %iota3A, %eq3A : vector<16xi32>
      %jit3A_139 = arith.constant 0.000000e+00 : f32
      %broadcast_in_dim3A_140 = vector.broadcast %jit3A_139 : f32 to vector<16xf32>
      %select_n3A_141 = arith.select %eq3A_138, %get3A_136, %broadcast_in_dim3A_140 : vector<16xi1>, vector<16xf32>
      %ne3A_142 = arith.constant 0 : i32
      %ne3A_143 = arith.cmpi ne, %squeeze3A, %ne3A_142 : i32
      %jit3A_144 = arith.constant 1.000000e+00 : f32
      %jit3A_145 = arith.constant 0.000000e+00 : f32
      %select_n3A_146 = arith.select %ne3A_143, %jit3A_144, %jit3A_145 : f32
      %get3A_147 = arith.constant 0 : index
      %get3A_148 = tpu.vector_load %arg8[%get3A_147] {strides = array<i32>} : memref<16xf32, #tpu.memory_space<vmem>>, vector<16xf32>,
      %get3A_149 = vector.shape_cast %get3A_148 : vector<16xf32> to vector<16xf32>
      %mul3A_150 = vector.broadcast %select_n3A_146 : f32 to vector<16xf32>
      %mul3A_151 = arith.mulf %select_n3A_141, %mul3A_150 : vector<16xf32>
      %add3A_152 = arith.addf %get3A_149, %mul3A_151 : vector<16xf32>
      %swap3A_153 = arith.constant 0 : index
      %swap3A_154 = tpu.vector_load %arg8[%swap3A_153] {strides = array<i32>} : memref<16xf32, #tpu.memory_space<vmem>>, vector<16xf32>,
      %swap3A_155 = vector.shape_cast %swap3A_154 : vector<16xf32> to vector<16xf32>
      %swap3A_156 = vector.shape_cast %add3A_152 : vector<16xf32> to vector<16xf32>
      tpu.vector_store %arg8[%swap3A_153], %swap3A_156 {strides = array<i32>} : memref<16xf32, #tpu.memory_space<vmem>>, vector<16xf32>,
      %add3A_157 = arith.constant 4 : i32
      %add3A_158 = arith.addi %add3A_95, %add3A_157 : i32
      %lt3A = arith.constant 64 : i32
      %lt3A_159 = arith.cmpi slt, %add3A_158, %lt3A : i32
      %convert_element_type3A = arith.extui %lt3A_159 : i1 to i32
      %cond3A = arith.constant 0 : i32
      %cond3A_160 = arith.cmpi ne, %convert_element_type3A, %cond3A : i32
      scf.if %cond3A_160 {
        %add3A_1301 = arith.addi %mul3A_2, %add3A_95 : i32
        %add3A_1302 = arith.constant 4 : i32
        %add3A_1303 = arith.addi %add3A_1301, %add3A_1302 : i32
        %dma_start3A_1304 = arith.constant 0 : i32
        %dma_start3A_1305 = tpu.memref_slice %arg2[%add3A_1303, %dma_start3A_1304] : memref<2048x32000xf32, #tpu.memory_space<hbm>> -> memref<1x32000xf32, #tpu.memory_space<hbm>>
        %dma_start3A_1306 = arith.constant 0 : i32
        %dma_start3A_1307 = tpu.memref_slice %arg2[%add3A_1303, %dma_start3A_1306] : memref<2048x32000xf32, #tpu.memory_space<hbm>> -> memref<1x32000xf32, #tpu.memory_space<hbm>>
        tpu.enqueue_dma source(%dma_start3A_1307 : memref<1x32000xf32, #tpu.memory_space<hbm>>) target(%arg11 : memref<1x32000xf32, #tpu.memory_space<vmem>>) target_semaphore(%arg15 : memref<!tpu.dma_semaphore, #tpu.memory_space<semaphore_mem>>)
      } else {
      }
      %add3A_161 = arith.constant 1 : i32
      %add3A_162 = arith.addi %mul3A_90, %add3A_161 : i32
      %add3A_163 = arith.addi %mul3A_2, %add3A_162 : i32
      %dma_wait3A_164 = arith.constant 0 : i32
      %dma_wait3A_165 = tpu.memref_slice %arg2[%add3A_163, %dma_wait3A_164] : memref<2048x32000xf32, #tpu.memory_space<hbm>> -> memref<1x32000xf32, #tpu.memory_space<hbm>>
      %dma_wait3A_166 = arith.constant 0 : i32
      %dma_wait3A_167 = tpu.memref_slice %arg2[%add3A_163, %dma_wait3A_166] : memref<2048x32000xf32, #tpu.memory_space<hbm>> -> memref<1x32000xf32, #tpu.memory_space<hbm>>
      tpu.wait_dma2 semaphore(%arg16 : memref<!tpu.dma_semaphore, #tpu.memory_space<semaphore_mem>>) src(%dma_wait3A_167 : memref<1x32000xf32, #tpu.memory_space<hbm>>) dst(%arg12 : memref<1x32000xf32, #tpu.memory_space<vmem>>)
      %broadcast_in_dim3A_168 = arith.constant 0.000000e+00 : f32
      %broadcast_in_dim3A_169 = vector.broadcast %broadcast_in_dim3A_168 : f32 to vector<16xf32>
      %scan3A_170 = arith.constant 0 : i32
      %scan3A_171 = arith.constant 125 : i32
      %scan3A_172 = arith.addi %scan3A_170, %scan3A_171 : i32
      %scan3A_173 = arith.constant 1 : i32
      %scan3A_174:16 = scf.for %scan3A_1301 = %scan3A_170 to %scan3A_172 step %scan3A_173 iter_args(%scan3A_1302 = %broadcast_in_dim3A_169, %scan3A_1303 = %broadcast_in_dim3A_169, %scan3A_1304 = %broadcast_in_dim3A_169, %scan3A_1305 = %broadcast_in_dim3A_169, %scan3A_1306 = %broadcast_in_dim3A_169, %scan3A_1307 = %broadcast_in_dim3A_169, %scan3A_1308 = %broadcast_in_dim3A_169, %scan3A_1309 = %broadcast_in_dim3A_169, %scan3A_1310 = %broadcast_in_dim3A_169, %scan3A_1311 = %broadcast_in_dim3A_169, %scan3A_1312 = %broadcast_in_dim3A_169, %scan3A_1313 = %broadcast_in_dim3A_169, %scan3A_1314 = %broadcast_in_dim3A_169, %scan3A_1315 = %broadcast_in_dim3A_169, %scan3A_1316 = %broadcast_in_dim3A_169, %scan3A_1317 = %broadcast_in_dim3A_169) -> (vector<16xf32>, vector<16xf32>, vector<16xf32>, vector<16xf32>, vector<16xf32>, vector<16xf32>, vector<16xf32>, vector<16xf32>, vector<16xf32>, vector<16xf32>, vector<16xf32>, vector<16xf32>, vector<16xf32>, vector<16xf32>, vector<16xf32>, vector<16xf32>)  : i32 {
        %mul3A_1318 = arith.constant 256 : i32
        %mul3A_1319 = arith.muli %scan3A_1301, %mul3A_1318 : i32
        %add3A_1320 = arith.constant 0 : i32
        %add3A_1321 = arith.addi %mul3A_1319, %add3A_1320 : i32
        %get3A_1322 = arith.constant 0 : i32
        %get3A_1323 = arith.index_cast %get3A_1322 : i32 to index
        %get3A_1324 = arith.index_cast %add3A_1321 : i32 to index
        %get3A_1325 = tpu.vector_load %arg12[%get3A_1323, %get3A_1324] {strides = array<i32>} : memref<1x32000xf32, #tpu.memory_space<vmem>>, vector<1x16xf32>,
        %get3A_1326 = vector.shape_cast %get3A_1325 : vector<1x16xf32> to vector<16xf32>
        %add3A_1327 = arith.addf %scan3A_1302, %get3A_1326 : vector<16xf32>
        %add3A_1328 = arith.constant 16 : i32
        %add3A_1329 = arith.addi %mul3A_1319, %add3A_1328 : i32
        %get3A_1330 = arith.constant 0 : i32
        %get3A_1331 = arith.index_cast %get3A_1330 : i32 to index
        %get3A_1332 = arith.index_cast %add3A_1329 : i32 to index
        %get3A_1333 = tpu.vector_load %arg12[%get3A_1331, %get3A_1332] {strides = array<i32>} : memref<1x32000xf32, #tpu.memory_space<vmem>>, vector<1x16xf32>,
        %get3A_1334 = vector.shape_cast %get3A_1333 : vector<1x16xf32> to vector<16xf32>
        %add3A_1335 = arith.addf %scan3A_1303, %get3A_1334 : vector<16xf32>
        %add3A_1336 = arith.constant 32 : i32
        %add3A_1337 = arith.addi %mul3A_1319, %add3A_1336 : i32
        %get3A_1338 = arith.constant 0 : i32
        %get3A_1339 = arith.index_cast %get3A_1338 : i32 to index
        %get3A_1340 = arith.index_cast %add3A_1337 : i32 to index
        %get3A_1341 = tpu.vector_load %arg12[%get3A_1339, %get3A_1340] {strides = array<i32>} : memref<1x32000xf32, #tpu.memory_space<vmem>>, vector<1x16xf32>,
        %get3A_1342 = vector.shape_cast %get3A_1341 : vector<1x16xf32> to vector<16xf32>
        %add3A_1343 = arith.addf %scan3A_1304, %get3A_1342 : vector<16xf32>
        %add3A_1344 = arith.constant 48 : i32
        %add3A_1345 = arith.addi %mul3A_1319, %add3A_1344 : i32
        %get3A_1346 = arith.constant 0 : i32
        %get3A_1347 = arith.index_cast %get3A_1346 : i32 to index
        %get3A_1348 = arith.index_cast %add3A_1345 : i32 to index
        %get3A_1349 = tpu.vector_load %arg12[%get3A_1347, %get3A_1348] {strides = array<i32>} : memref<1x32000xf32, #tpu.memory_space<vmem>>, vector<1x16xf32>,
        %get3A_1350 = vector.shape_cast %get3A_1349 : vector<1x16xf32> to vector<16xf32>
        %add3A_1351 = arith.addf %scan3A_1305, %get3A_1350 : vector<16xf32>
        %add3A_1352 = arith.constant 64 : i32
        %add3A_1353 = arith.addi %mul3A_1319, %add3A_1352 : i32
        %get3A_1354 = arith.constant 0 : i32
        %get3A_1355 = arith.index_cast %get3A_1354 : i32 to index
        %get3A_1356 = arith.index_cast %add3A_1353 : i32 to index
        %get3A_1357 = tpu.vector_load %arg12[%get3A_1355, %get3A_1356] {strides = array<i32>} : memref<1x32000xf32, #tpu.memory_space<vmem>>, vector<1x16xf32>,
        %get3A_1358 = vector.shape_cast %get3A_1357 : vector<1x16xf32> to vector<16xf32>
        %add3A_1359 = arith.addf %scan3A_1306, %get3A_1358 : vector<16xf32>
        %add3A_1360 = arith.constant 80 : i32
        %add3A_1361 = arith.addi %mul3A_1319, %add3A_1360 : i32
        %get3A_1362 = arith.constant 0 : i32
        %get3A_1363 = arith.index_cast %get3A_1362 : i32 to index
        %get3A_1364 = arith.index_cast %add3A_1361 : i32 to index
        %get3A_1365 = tpu.vector_load %arg12[%get3A_1363, %get3A_1364] {strides = array<i32>} : memref<1x32000xf32, #tpu.memory_space<vmem>>, vector<1x16xf32>,
        %get3A_1366 = vector.shape_cast %get3A_1365 : vector<1x16xf32> to vector<16xf32>
        %add3A_1367 = arith.addf %scan3A_1307, %get3A_1366 : vector<16xf32>
        %add3A_1368 = arith.constant 96 : i32
        %add3A_1369 = arith.addi %mul3A_1319, %add3A_1368 : i32
        %get3A_1370 = arith.constant 0 : i32
        %get3A_1371 = arith.index_cast %get3A_1370 : i32 to index
        %get3A_1372 = arith.index_cast %add3A_1369 : i32 to index
        %get3A_1373 = tpu.vector_load %arg12[%get3A_1371, %get3A_1372] {strides = array<i32>} : memref<1x32000xf32, #tpu.memory_space<vmem>>, vector<1x16xf32>,
        %get3A_1374 = vector.shape_cast %get3A_1373 : vector<1x16xf32> to vector<16xf32>
        %add3A_1375 = arith.addf %scan3A_1308, %get3A_1374 : vector<16xf32>
        %add3A_1376 = arith.constant 112 : i32
        %add3A_1377 = arith.addi %mul3A_1319, %add3A_1376 : i32
        %get3A_1378 = arith.constant 0 : i32
        %get3A_1379 = arith.index_cast %get3A_1378 : i32 to index
        %get3A_1380 = arith.index_cast %add3A_1377 : i32 to index
        %get3A_1381 = tpu.vector_load %arg12[%get3A_1379, %get3A_1380] {strides = array<i32>} : memref<1x32000xf32, #tpu.memory_space<vmem>>, vector<1x16xf32>,
        %get3A_1382 = vector.shape_cast %get3A_1381 : vector<1x16xf32> to vector<16xf32>
        %add3A_1383 = arith.addf %scan3A_1309, %get3A_1382 : vector<16xf32>
        %add3A_1384 = arith.constant 128 : i32
        %add3A_1385 = arith.addi %mul3A_1319, %add3A_1384 : i32
        %get3A_1386 = arith.constant 0 : i32
        %get3A_1387 = arith.index_cast %get3A_1386 : i32 to index
        %get3A_1388 = arith.index_cast %add3A_1385 : i32 to index
        %get3A_1389 = tpu.vector_load %arg12[%get3A_1387, %get3A_1388] {strides = array<i32>} : memref<1x32000xf32, #tpu.memory_space<vmem>>, vector<1x16xf32>,
        %get3A_1390 = vector.shape_cast %get3A_1389 : vector<1x16xf32> to vector<16xf32>
        %add3A_1391 = arith.addf %scan3A_1310, %get3A_1390 : vector<16xf32>
        %add3A_1392 = arith.constant 144 : i32
        %add3A_1393 = arith.addi %mul3A_1319, %add3A_1392 : i32
        %get3A_1394 = arith.constant 0 : i32
        %get3A_1395 = arith.index_cast %get3A_1394 : i32 to index
        %get3A_1396 = arith.index_cast %add3A_1393 : i32 to index
        %get3A_1397 = tpu.vector_load %arg12[%get3A_1395, %get3A_1396] {strides = array<i32>} : memref<1x32000xf32, #tpu.memory_space<vmem>>, vector<1x16xf32>,
        %get3A_1398 = vector.shape_cast %get3A_1397 : vector<1x16xf32> to vector<16xf32>
        %add3A_1399 = arith.addf %scan3A_1311, %get3A_1398 : vector<16xf32>
        %add3A_1400 = arith.constant 160 : i32
        %add3A_1401 = arith.addi %mul3A_1319, %add3A_1400 : i32
        %get3A_1402 = arith.constant 0 : i32
        %get3A_1403 = arith.index_cast %get3A_1402 : i32 to index
        %get3A_1404 = arith.index_cast %add3A_1401 : i32 to index
        %get3A_1405 = tpu.vector_load %arg12[%get3A_1403, %get3A_1404] {strides = array<i32>} : memref<1x32000xf32, #tpu.memory_space<vmem>>, vector<1x16xf32>,
        %get3A_1406 = vector.shape_cast %get3A_1405 : vector<1x16xf32> to vector<16xf32>
        %add3A_1407 = arith.addf %scan3A_1312, %get3A_1406 : vector<16xf32>
        %add3A_1408 = arith.constant 176 : i32
        %add3A_1409 = arith.addi %mul3A_1319, %add3A_1408 : i32
        %get3A_1410 = arith.constant 0 : i32
        %get3A_1411 = arith.index_cast %get3A_1410 : i32 to index
        %get3A_1412 = arith.index_cast %add3A_1409 : i32 to index
        %get3A_1413 = tpu.vector_load %arg12[%get3A_1411, %get3A_1412] {strides = array<i32>} : memref<1x32000xf32, #tpu.memory_space<vmem>>, vector<1x16xf32>,
        %get3A_1414 = vector.shape_cast %get3A_1413 : vector<1x16xf32> to vector<16xf32>
        %add3A_1415 = arith.addf %scan3A_1313, %get3A_1414 : vector<16xf32>
        %add3A_1416 = arith.constant 192 : i32
        %add3A_1417 = arith.addi %mul3A_1319, %add3A_1416 : i32
        %get3A_1418 = arith.constant 0 : i32
        %get3A_1419 = arith.index_cast %get3A_1418 : i32 to index
        %get3A_1420 = arith.index_cast %add3A_1417 : i32 to index
        %get3A_1421 = tpu.vector_load %arg12[%get3A_1419, %get3A_1420] {strides = array<i32>} : memref<1x32000xf32, #tpu.memory_space<vmem>>, vector<1x16xf32>,
        %get3A_1422 = vector.shape_cast %get3A_1421 : vector<1x16xf32> to vector<16xf32>
        %add3A_1423 = arith.addf %scan3A_1314, %get3A_1422 : vector<16xf32>
        %add3A_1424 = arith.constant 208 : i32
        %add3A_1425 = arith.addi %mul3A_1319, %add3A_1424 : i32
        %get3A_1426 = arith.constant 0 : i32
        %get3A_1427 = arith.index_cast %get3A_1426 : i32 to index
        %get3A_1428 = arith.index_cast %add3A_1425 : i32 to index
        %get3A_1429 = tpu.vector_load %arg12[%get3A_1427, %get3A_1428] {strides = array<i32>} : memref<1x32000xf32, #tpu.memory_space<vmem>>, vector<1x16xf32>,
        %get3A_1430 = vector.shape_cast %get3A_1429 : vector<1x16xf32> to vector<16xf32>
        %add3A_1431 = arith.addf %scan3A_1315, %get3A_1430 : vector<16xf32>
        %add3A_1432 = arith.constant 224 : i32
        %add3A_1433 = arith.addi %mul3A_1319, %add3A_1432 : i32
        %get3A_1434 = arith.constant 0 : i32
        %get3A_1435 = arith.index_cast %get3A_1434 : i32 to index
        %get3A_1436 = arith.index_cast %add3A_1433 : i32 to index
        %get3A_1437 = tpu.vector_load %arg12[%get3A_1435, %get3A_1436] {strides = array<i32>} : memref<1x32000xf32, #tpu.memory_space<vmem>>, vector<1x16xf32>,
        %get3A_1438 = vector.shape_cast %get3A_1437 : vector<1x16xf32> to vector<16xf32>
        %add3A_1439 = arith.addf %scan3A_1316, %get3A_1438 : vector<16xf32>
        %add3A_1440 = arith.constant 240 : i32
        %add3A_1441 = arith.addi %mul3A_1319, %add3A_1440 : i32
        %get3A_1442 = arith.constant 0 : i32
        %get3A_1443 = arith.index_cast %get3A_1442 : i32 to index
        %get3A_1444 = arith.index_cast %add3A_1441 : i32 to index
        %get3A_1445 = tpu.vector_load %arg12[%get3A_1443, %get3A_1444] {strides = array<i32>} : memref<1x32000xf32, #tpu.memory_space<vmem>>, vector<1x16xf32>,
        %get3A_1446 = vector.shape_cast %get3A_1445 : vector<1x16xf32> to vector<16xf32>
        %add3A_1447 = arith.addf %scan3A_1317, %get3A_1446 : vector<16xf32>
        scf.yield %add3A_1327, %add3A_1335, %add3A_1343, %add3A_1351, %add3A_1359, %add3A_1367, %add3A_1375, %add3A_1383, %add3A_1391, %add3A_1399, %add3A_1407, %add3A_1415, %add3A_1423, %add3A_1431, %add3A_1439, %add3A_1447 : vector<16xf32>, vector<16xf32>, vector<16xf32>, vector<16xf32>, vector<16xf32>, vector<16xf32>, vector<16xf32>, vector<16xf32>, vector<16xf32>, vector<16xf32>, vector<16xf32>, vector<16xf32>, vector<16xf32>, vector<16xf32>, vector<16xf32>, vector<16xf32>
      }
      %scan3A_175 = arith.constant 125 : i32
      %add3A_176 = arith.addf %scan3A_174#0, %scan3A_174#1 : vector<16xf32>
      %add3A_177 = arith.addf %add3A_176, %scan3A_174#2 : vector<16xf32>
      %add3A_178 = arith.addf %add3A_177, %scan3A_174#3 : vector<16xf32>
      %add3A_179 = arith.addf %add3A_178, %scan3A_174#4 : vector<16xf32>
      %add3A_180 = arith.addf %add3A_179, %scan3A_174#5 : vector<16xf32>
      %add3A_181 = arith.addf %add3A_180, %scan3A_174#6 : vector<16xf32>
      %add3A_182 = arith.addf %add3A_181, %scan3A_174#7 : vector<16xf32>
      %add3A_183 = arith.addf %add3A_182, %scan3A_174#8 : vector<16xf32>
      %add3A_184 = arith.addf %add3A_183, %scan3A_174#9 : vector<16xf32>
      %add3A_185 = arith.addf %add3A_184, %scan3A_174#10 : vector<16xf32>
      %add3A_186 = arith.addf %add3A_185, %scan3A_174#11 : vector<16xf32>
      %add3A_187 = arith.addf %add3A_186, %scan3A_174#12 : vector<16xf32>
      %add3A_188 = arith.addf %add3A_187, %scan3A_174#13 : vector<16xf32>
      %add3A_189 = arith.addf %add3A_188, %scan3A_174#14 : vector<16xf32>
      %add3A_190 = arith.addf %add3A_189, %scan3A_174#15 : vector<16xf32>
      %mul3A_191 = arith.constant 16 : i32
      %mul3A_192 = arith.muli %add3A_162, %mul3A_191 : i32
      %swap3A_193 = arith.index_cast %mul3A_192 : i32 to index
      %swap3A_194 = tpu.vector_load %arg10[%swap3A_193] {strides = array<i32>} : memref<1024xf32, #tpu.memory_space<vmem>>, vector<16xf32>,
      %swap3A_195 = vector.shape_cast %swap3A_194 : vector<16xf32> to vector<16xf32>
      %swap3A_196 = vector.shape_cast %add3A_190 : vector<16xf32> to vector<16xf32>
      tpu.vector_store %arg10[%swap3A_193], %swap3A_196 {strides = array<i32>} : memref<1024xf32, #tpu.memory_space<vmem>>, vector<16xf32>,
      %slice3A_197 = vector.extract_strided_slice %get3A_93 {offsets = [1], sizes = [1], strides = [1]} : vector<16xi32> to vector<1xi32>
      %squeeze3A_198 = vector.extract %slice3A_197[0] : i32 from vector<1xi32>
      %shift_right_arithmetic3A_199 = arith.constant 4 : i32
      %shift_right_arithmetic3A_200 = arith.shrsi %squeeze3A_198, %shift_right_arithmetic3A_199 : i32
      %mul3A_201 = arith.constant 16 : i32
      %mul3A_202 = arith.muli %shift_right_arithmetic3A_200, %mul3A_201 : i32
      %get3A_203 = arith.constant 0 : i32
      %get3A_204 = arith.index_cast %get3A_203 : i32 to index
      %get3A_205 = arith.index_cast %mul3A_202 : i32 to index
      %get3A_206 = tpu.vector_load %arg12[%get3A_204, %get3A_205] {strides = array<i32>} : memref<1x32000xf32, #tpu.memory_space<vmem>>, vector<1x16xf32>,
      %get3A_207 = vector.shape_cast %get3A_206 : vector<1x16xf32> to vector<16xf32>
      %and3A_208 = arith.constant 15 : i32
      %and3A_209 = arith.andi %squeeze3A_198, %and3A_208 : i32
      %eq3A_210 = vector.broadcast %and3A_209 : i32 to vector<16xi32>
      %eq3A_211 = arith.cmpi eq, %iota3A, %eq3A_210 : vector<16xi32>
      %jit3A_212 = arith.constant 0.000000e+00 : f32
      %broadcast_in_dim3A_213 = vector.broadcast %jit3A_212 : f32 to vector<16xf32>
      %select_n3A_214 = arith.select %eq3A_211, %get3A_207, %broadcast_in_dim3A_213 : vector<16xi1>, vector<16xf32>
      %ne3A_215 = arith.constant 0 : i32
      %ne3A_216 = arith.cmpi ne, %squeeze3A_198, %ne3A_215 : i32
      %jit3A_217 = arith.constant 1.000000e+00 : f32
      %jit3A_218 = arith.constant 0.000000e+00 : f32
      %select_n3A_219 = arith.select %ne3A_216, %jit3A_217, %jit3A_218 : f32
      %get3A_220 = arith.constant 0 : index
      %get3A_221 = tpu.vector_load %arg8[%get3A_220] {strides = array<i32>} : memref<16xf32, #tpu.memory_space<vmem>>, vector<16xf32>,
      %get3A_222 = vector.shape_cast %get3A_221 : vector<16xf32> to vector<16xf32>
      %mul3A_223 = vector.broadcast %select_n3A_219 : f32 to vector<16xf32>
      %mul3A_224 = arith.mulf %select_n3A_214, %mul3A_223 : vector<16xf32>
      %add3A_225 = arith.addf %get3A_222, %mul3A_224 : vector<16xf32>
      %swap3A_226 = arith.constant 0 : index
      %swap3A_227 = tpu.vector_load %arg8[%swap3A_226] {strides = array<i32>} : memref<16xf32, #tpu.memory_space<vmem>>, vector<16xf32>,
      %swap3A_228 = vector.shape_cast %swap3A_227 : vector<16xf32> to vector<16xf32>
      %swap3A_229 = vector.shape_cast %add3A_225 : vector<16xf32> to vector<16xf32>
      tpu.vector_store %arg8[%swap3A_226], %swap3A_229 {strides = array<i32>} : memref<16xf32, #tpu.memory_space<vmem>>, vector<16xf32>,
      %add3A_230 = arith.constant 4 : i32
      %add3A_231 = arith.addi %add3A_162, %add3A_230 : i32
      %lt3A_232 = arith.constant 64 : i32
      %lt3A_233 = arith.cmpi slt, %add3A_231, %lt3A_232 : i32
      %convert_element_type3A_234 = arith.extui %lt3A_233 : i1 to i32
      %cond3A_235 = arith.constant 0 : i32
      %cond3A_236 = arith.cmpi ne, %convert_element_type3A_234, %cond3A_235 : i32
      scf.if %cond3A_236 {
        %add3A_1301 = arith.addi %mul3A_2, %add3A_162 : i32
        %add3A_1302 = arith.constant 4 : i32
        %add3A_1303 = arith.addi %add3A_1301, %add3A_1302 : i32
        %dma_start3A_1304 = arith.constant 0 : i32
        %dma_start3A_1305 = tpu.memref_slice %arg2[%add3A_1303, %dma_start3A_1304] : memref<2048x32000xf32, #tpu.memory_space<hbm>> -> memref<1x32000xf32, #tpu.memory_space<hbm>>
        %dma_start3A_1306 = arith.constant 0 : i32
        %dma_start3A_1307 = tpu.memref_slice %arg2[%add3A_1303, %dma_start3A_1306] : memref<2048x32000xf32, #tpu.memory_space<hbm>> -> memref<1x32000xf32, #tpu.memory_space<hbm>>
        tpu.enqueue_dma source(%dma_start3A_1307 : memref<1x32000xf32, #tpu.memory_space<hbm>>) target(%arg12 : memref<1x32000xf32, #tpu.memory_space<vmem>>) target_semaphore(%arg16 : memref<!tpu.dma_semaphore, #tpu.memory_space<semaphore_mem>>)
      } else {
      }
      %add3A_237 = arith.constant 2 : i32
      %add3A_238 = arith.addi %mul3A_90, %add3A_237 : i32
      %add3A_239 = arith.addi %mul3A_2, %add3A_238 : i32
      %dma_wait3A_240 = arith.constant 0 : i32
      %dma_wait3A_241 = tpu.memref_slice %arg2[%add3A_239, %dma_wait3A_240] : memref<2048x32000xf32, #tpu.memory_space<hbm>> -> memref<1x32000xf32, #tpu.memory_space<hbm>>
      %dma_wait3A_242 = arith.constant 0 : i32
      %dma_wait3A_243 = tpu.memref_slice %arg2[%add3A_239, %dma_wait3A_242] : memref<2048x32000xf32, #tpu.memory_space<hbm>> -> memref<1x32000xf32, #tpu.memory_space<hbm>>
      tpu.wait_dma2 semaphore(%arg17 : memref<!tpu.dma_semaphore, #tpu.memory_space<semaphore_mem>>) src(%dma_wait3A_243 : memref<1x32000xf32, #tpu.memory_space<hbm>>) dst(%arg13 : memref<1x32000xf32, #tpu.memory_space<vmem>>)
      %broadcast_in_dim3A_244 = arith.constant 0.000000e+00 : f32
      %broadcast_in_dim3A_245 = vector.broadcast %broadcast_in_dim3A_244 : f32 to vector<16xf32>
      %scan3A_246 = arith.constant 0 : i32
      %scan3A_247 = arith.constant 125 : i32
      %scan3A_248 = arith.addi %scan3A_246, %scan3A_247 : i32
      %scan3A_249 = arith.constant 1 : i32
      %scan3A_250:16 = scf.for %scan3A_1301 = %scan3A_246 to %scan3A_248 step %scan3A_249 iter_args(%scan3A_1302 = %broadcast_in_dim3A_245, %scan3A_1303 = %broadcast_in_dim3A_245, %scan3A_1304 = %broadcast_in_dim3A_245, %scan3A_1305 = %broadcast_in_dim3A_245, %scan3A_1306 = %broadcast_in_dim3A_245, %scan3A_1307 = %broadcast_in_dim3A_245, %scan3A_1308 = %broadcast_in_dim3A_245, %scan3A_1309 = %broadcast_in_dim3A_245, %scan3A_1310 = %broadcast_in_dim3A_245, %scan3A_1311 = %broadcast_in_dim3A_245, %scan3A_1312 = %broadcast_in_dim3A_245, %scan3A_1313 = %broadcast_in_dim3A_245, %scan3A_1314 = %broadcast_in_dim3A_245, %scan3A_1315 = %broadcast_in_dim3A_245, %scan3A_1316 = %broadcast_in_dim3A_245, %scan3A_1317 = %broadcast_in_dim3A_245) -> (vector<16xf32>, vector<16xf32>, vector<16xf32>, vector<16xf32>, vector<16xf32>, vector<16xf32>, vector<16xf32>, vector<16xf32>, vector<16xf32>, vector<16xf32>, vector<16xf32>, vector<16xf32>, vector<16xf32>, vector<16xf32>, vector<16xf32>, vector<16xf32>)  : i32 {
        %mul3A_1318 = arith.constant 256 : i32
        %mul3A_1319 = arith.muli %scan3A_1301, %mul3A_1318 : i32
        %add3A_1320 = arith.constant 0 : i32
        %add3A_1321 = arith.addi %mul3A_1319, %add3A_1320 : i32
        %get3A_1322 = arith.constant 0 : i32
        %get3A_1323 = arith.index_cast %get3A_1322 : i32 to index
        %get3A_1324 = arith.index_cast %add3A_1321 : i32 to index
        %get3A_1325 = tpu.vector_load %arg13[%get3A_1323, %get3A_1324] {strides = array<i32>} : memref<1x32000xf32, #tpu.memory_space<vmem>>, vector<1x16xf32>,
        %get3A_1326 = vector.shape_cast %get3A_1325 : vector<1x16xf32> to vector<16xf32>
        %add3A_1327 = arith.addf %scan3A_1302, %get3A_1326 : vector<16xf32>
        %add3A_1328 = arith.constant 16 : i32
        %add3A_1329 = arith.addi %mul3A_1319, %add3A_1328 : i32
        %get3A_1330 = arith.constant 0 : i32
        %get3A_1331 = arith.index_cast %get3A_1330 : i32 to index
        %get3A_1332 = arith.index_cast %add3A_1329 : i32 to index
        %get3A_1333 = tpu.vector_load %arg13[%get3A_1331, %get3A_1332] {strides = array<i32>} : memref<1x32000xf32, #tpu.memory_space<vmem>>, vector<1x16xf32>,
        %get3A_1334 = vector.shape_cast %get3A_1333 : vector<1x16xf32> to vector<16xf32>
        %add3A_1335 = arith.addf %scan3A_1303, %get3A_1334 : vector<16xf32>
        %add3A_1336 = arith.constant 32 : i32
        %add3A_1337 = arith.addi %mul3A_1319, %add3A_1336 : i32
        %get3A_1338 = arith.constant 0 : i32
        %get3A_1339 = arith.index_cast %get3A_1338 : i32 to index
        %get3A_1340 = arith.index_cast %add3A_1337 : i32 to index
        %get3A_1341 = tpu.vector_load %arg13[%get3A_1339, %get3A_1340] {strides = array<i32>} : memref<1x32000xf32, #tpu.memory_space<vmem>>, vector<1x16xf32>,
        %get3A_1342 = vector.shape_cast %get3A_1341 : vector<1x16xf32> to vector<16xf32>
        %add3A_1343 = arith.addf %scan3A_1304, %get3A_1342 : vector<16xf32>
        %add3A_1344 = arith.constant 48 : i32
        %add3A_1345 = arith.addi %mul3A_1319, %add3A_1344 : i32
        %get3A_1346 = arith.constant 0 : i32
        %get3A_1347 = arith.index_cast %get3A_1346 : i32 to index
        %get3A_1348 = arith.index_cast %add3A_1345 : i32 to index
        %get3A_1349 = tpu.vector_load %arg13[%get3A_1347, %get3A_1348] {strides = array<i32>} : memref<1x32000xf32, #tpu.memory_space<vmem>>, vector<1x16xf32>,
        %get3A_1350 = vector.shape_cast %get3A_1349 : vector<1x16xf32> to vector<16xf32>
        %add3A_1351 = arith.addf %scan3A_1305, %get3A_1350 : vector<16xf32>
        %add3A_1352 = arith.constant 64 : i32
        %add3A_1353 = arith.addi %mul3A_1319, %add3A_1352 : i32
        %get3A_1354 = arith.constant 0 : i32
        %get3A_1355 = arith.index_cast %get3A_1354 : i32 to index
        %get3A_1356 = arith.index_cast %add3A_1353 : i32 to index
        %get3A_1357 = tpu.vector_load %arg13[%get3A_1355, %get3A_1356] {strides = array<i32>} : memref<1x32000xf32, #tpu.memory_space<vmem>>, vector<1x16xf32>,
        %get3A_1358 = vector.shape_cast %get3A_1357 : vector<1x16xf32> to vector<16xf32>
        %add3A_1359 = arith.addf %scan3A_1306, %get3A_1358 : vector<16xf32>
        %add3A_1360 = arith.constant 80 : i32
        %add3A_1361 = arith.addi %mul3A_1319, %add3A_1360 : i32
        %get3A_1362 = arith.constant 0 : i32
        %get3A_1363 = arith.index_cast %get3A_1362 : i32 to index
        %get3A_1364 = arith.index_cast %add3A_1361 : i32 to index
        %get3A_1365 = tpu.vector_load %arg13[%get3A_1363, %get3A_1364] {strides = array<i32>} : memref<1x32000xf32, #tpu.memory_space<vmem>>, vector<1x16xf32>,
        %get3A_1366 = vector.shape_cast %get3A_1365 : vector<1x16xf32> to vector<16xf32>
        %add3A_1367 = arith.addf %scan3A_1307, %get3A_1366 : vector<16xf32>
        %add3A_1368 = arith.constant 96 : i32
        %add3A_1369 = arith.addi %mul3A_1319, %add3A_1368 : i32
        %get3A_1370 = arith.constant 0 : i32
        %get3A_1371 = arith.index_cast %get3A_1370 : i32 to index
        %get3A_1372 = arith.index_cast %add3A_1369 : i32 to index
        %get3A_1373 = tpu.vector_load %arg13[%get3A_1371, %get3A_1372] {strides = array<i32>} : memref<1x32000xf32, #tpu.memory_space<vmem>>, vector<1x16xf32>,
        %get3A_1374 = vector.shape_cast %get3A_1373 : vector<1x16xf32> to vector<16xf32>
        %add3A_1375 = arith.addf %scan3A_1308, %get3A_1374 : vector<16xf32>
        %add3A_1376 = arith.constant 112 : i32
        %add3A_1377 = arith.addi %mul3A_1319, %add3A_1376 : i32
        %get3A_1378 = arith.constant 0 : i32
        %get3A_1379 = arith.index_cast %get3A_1378 : i32 to index
        %get3A_1380 = arith.index_cast %add3A_1377 : i32 to index
        %get3A_1381 = tpu.vector_load %arg13[%get3A_1379, %get3A_1380] {strides = array<i32>} : memref<1x32000xf32, #tpu.memory_space<vmem>>, vector<1x16xf32>,
        %get3A_1382 = vector.shape_cast %get3A_1381 : vector<1x16xf32> to vector<16xf32>
        %add3A_1383 = arith.addf %scan3A_1309, %get3A_1382 : vector<16xf32>
        %add3A_1384 = arith.constant 128 : i32
        %add3A_1385 = arith.addi %mul3A_1319, %add3A_1384 : i32
        %get3A_1386 = arith.constant 0 : i32
        %get3A_1387 = arith.index_cast %get3A_1386 : i32 to index
        %get3A_1388 = arith.index_cast %add3A_1385 : i32 to index
        %get3A_1389 = tpu.vector_load %arg13[%get3A_1387, %get3A_1388] {strides = array<i32>} : memref<1x32000xf32, #tpu.memory_space<vmem>>, vector<1x16xf32>,
        %get3A_1390 = vector.shape_cast %get3A_1389 : vector<1x16xf32> to vector<16xf32>
        %add3A_1391 = arith.addf %scan3A_1310, %get3A_1390 : vector<16xf32>
        %add3A_1392 = arith.constant 144 : i32
        %add3A_1393 = arith.addi %mul3A_1319, %add3A_1392 : i32
        %get3A_1394 = arith.constant 0 : i32
        %get3A_1395 = arith.index_cast %get3A_1394 : i32 to index
        %get3A_1396 = arith.index_cast %add3A_1393 : i32 to index
        %get3A_1397 = tpu.vector_load %arg13[%get3A_1395, %get3A_1396] {strides = array<i32>} : memref<1x32000xf32, #tpu.memory_space<vmem>>, vector<1x16xf32>,
        %get3A_1398 = vector.shape_cast %get3A_1397 : vector<1x16xf32> to vector<16xf32>
        %add3A_1399 = arith.addf %scan3A_1311, %get3A_1398 : vector<16xf32>
        %add3A_1400 = arith.constant 160 : i32
        %add3A_1401 = arith.addi %mul3A_1319, %add3A_1400 : i32
        %get3A_1402 = arith.constant 0 : i32
        %get3A_1403 = arith.index_cast %get3A_1402 : i32 to index
        %get3A_1404 = arith.index_cast %add3A_1401 : i32 to index
        %get3A_1405 = tpu.vector_load %arg13[%get3A_1403, %get3A_1404] {strides = array<i32>} : memref<1x32000xf32, #tpu.memory_space<vmem>>, vector<1x16xf32>,
        %get3A_1406 = vector.shape_cast %get3A_1405 : vector<1x16xf32> to vector<16xf32>
        %add3A_1407 = arith.addf %scan3A_1312, %get3A_1406 : vector<16xf32>
        %add3A_1408 = arith.constant 176 : i32
        %add3A_1409 = arith.addi %mul3A_1319, %add3A_1408 : i32
        %get3A_1410 = arith.constant 0 : i32
        %get3A_1411 = arith.index_cast %get3A_1410 : i32 to index
        %get3A_1412 = arith.index_cast %add3A_1409 : i32 to index
        %get3A_1413 = tpu.vector_load %arg13[%get3A_1411, %get3A_1412] {strides = array<i32>} : memref<1x32000xf32, #tpu.memory_space<vmem>>, vector<1x16xf32>,
        %get3A_1414 = vector.shape_cast %get3A_1413 : vector<1x16xf32> to vector<16xf32>
        %add3A_1415 = arith.addf %scan3A_1313, %get3A_1414 : vector<16xf32>
        %add3A_1416 = arith.constant 192 : i32
        %add3A_1417 = arith.addi %mul3A_1319, %add3A_1416 : i32
        %get3A_1418 = arith.constant 0 : i32
        %get3A_1419 = arith.index_cast %get3A_1418 : i32 to index
        %get3A_1420 = arith.index_cast %add3A_1417 : i32 to index
        %get3A_1421 = tpu.vector_load %arg13[%get3A_1419, %get3A_1420] {strides = array<i32>} : memref<1x32000xf32, #tpu.memory_space<vmem>>, vector<1x16xf32>,
        %get3A_1422 = vector.shape_cast %get3A_1421 : vector<1x16xf32> to vector<16xf32>
        %add3A_1423 = arith.addf %scan3A_1314, %get3A_1422 : vector<16xf32>
        %add3A_1424 = arith.constant 208 : i32
        %add3A_1425 = arith.addi %mul3A_1319, %add3A_1424 : i32
        %get3A_1426 = arith.constant 0 : i32
        %get3A_1427 = arith.index_cast %get3A_1426 : i32 to index
        %get3A_1428 = arith.index_cast %add3A_1425 : i32 to index
        %get3A_1429 = tpu.vector_load %arg13[%get3A_1427, %get3A_1428] {strides = array<i32>} : memref<1x32000xf32, #tpu.memory_space<vmem>>, vector<1x16xf32>,
        %get3A_1430 = vector.shape_cast %get3A_1429 : vector<1x16xf32> to vector<16xf32>
        %add3A_1431 = arith.addf %scan3A_1315, %get3A_1430 : vector<16xf32>
        %add3A_1432 = arith.constant 224 : i32
        %add3A_1433 = arith.addi %mul3A_1319, %add3A_1432 : i32
        %get3A_1434 = arith.constant 0 : i32
        %get3A_1435 = arith.index_cast %get3A_1434 : i32 to index
        %get3A_1436 = arith.index_cast %add3A_1433 : i32 to index
        %get3A_1437 = tpu.vector_load %arg13[%get3A_1435, %get3A_1436] {strides = array<i32>} : memref<1x32000xf32, #tpu.memory_space<vmem>>, vector<1x16xf32>,
        %get3A_1438 = vector.shape_cast %get3A_1437 : vector<1x16xf32> to vector<16xf32>
        %add3A_1439 = arith.addf %scan3A_1316, %get3A_1438 : vector<16xf32>
        %add3A_1440 = arith.constant 240 : i32
        %add3A_1441 = arith.addi %mul3A_1319, %add3A_1440 : i32
        %get3A_1442 = arith.constant 0 : i32
        %get3A_1443 = arith.index_cast %get3A_1442 : i32 to index
        %get3A_1444 = arith.index_cast %add3A_1441 : i32 to index
        %get3A_1445 = tpu.vector_load %arg13[%get3A_1443, %get3A_1444] {strides = array<i32>} : memref<1x32000xf32, #tpu.memory_space<vmem>>, vector<1x16xf32>,
        %get3A_1446 = vector.shape_cast %get3A_1445 : vector<1x16xf32> to vector<16xf32>
        %add3A_1447 = arith.addf %scan3A_1317, %get3A_1446 : vector<16xf32>
        scf.yield %add3A_1327, %add3A_1335, %add3A_1343, %add3A_1351, %add3A_1359, %add3A_1367, %add3A_1375, %add3A_1383, %add3A_1391, %add3A_1399, %add3A_1407, %add3A_1415, %add3A_1423, %add3A_1431, %add3A_1439, %add3A_1447 : vector<16xf32>, vector<16xf32>, vector<16xf32>, vector<16xf32>, vector<16xf32>, vector<16xf32>, vector<16xf32>, vector<16xf32>, vector<16xf32>, vector<16xf32>, vector<16xf32>, vector<16xf32>, vector<16xf32>, vector<16xf32>, vector<16xf32>, vector<16xf32>
      }
      %scan3A_251 = arith.constant 125 : i32
      %add3A_252 = arith.addf %scan3A_250#0, %scan3A_250#1 : vector<16xf32>
      %add3A_253 = arith.addf %add3A_252, %scan3A_250#2 : vector<16xf32>
      %add3A_254 = arith.addf %add3A_253, %scan3A_250#3 : vector<16xf32>
      %add3A_255 = arith.addf %add3A_254, %scan3A_250#4 : vector<16xf32>
      %add3A_256 = arith.addf %add3A_255, %scan3A_250#5 : vector<16xf32>
      %add3A_257 = arith.addf %add3A_256, %scan3A_250#6 : vector<16xf32>
      %add3A_258 = arith.addf %add3A_257, %scan3A_250#7 : vector<16xf32>
      %add3A_259 = arith.addf %add3A_258, %scan3A_250#8 : vector<16xf32>
      %add3A_260 = arith.addf %add3A_259, %scan3A_250#9 : vector<16xf32>
      %add3A_261 = arith.addf %add3A_260, %scan3A_250#10 : vector<16xf32>
      %add3A_262 = arith.addf %add3A_261, %scan3A_250#11 : vector<16xf32>
      %add3A_263 = arith.addf %add3A_262, %scan3A_250#12 : vector<16xf32>
      %add3A_264 = arith.addf %add3A_263, %scan3A_250#13 : vector<16xf32>
      %add3A_265 = arith.addf %add3A_264, %scan3A_250#14 : vector<16xf32>
      %add3A_266 = arith.addf %add3A_265, %scan3A_250#15 : vector<16xf32>
      %mul3A_267 = arith.constant 16 : i32
      %mul3A_268 = arith.muli %add3A_238, %mul3A_267 : i32
      %swap3A_269 = arith.index_cast %mul3A_268 : i32 to index
      %swap3A_270 = tpu.vector_load %arg10[%swap3A_269] {strides = array<i32>} : memref<1024xf32, #tpu.memory_space<vmem>>, vector<16xf32>,
      %swap3A_271 = vector.shape_cast %swap3A_270 : vector<16xf32> to vector<16xf32>
      %swap3A_272 = vector.shape_cast %add3A_266 : vector<16xf32> to vector<16xf32>
      tpu.vector_store %arg10[%swap3A_269], %swap3A_272 {strides = array<i32>} : memref<1024xf32, #tpu.memory_space<vmem>>, vector<16xf32>,
      %slice3A_273 = vector.extract_strided_slice %get3A_93 {offsets = [2], sizes = [1], strides = [1]} : vector<16xi32> to vector<1xi32>
      %squeeze3A_274 = vector.extract %slice3A_273[0] : i32 from vector<1xi32>
      %shift_right_arithmetic3A_275 = arith.constant 4 : i32
      %shift_right_arithmetic3A_276 = arith.shrsi %squeeze3A_274, %shift_right_arithmetic3A_275 : i32
      %mul3A_277 = arith.constant 16 : i32
      %mul3A_278 = arith.muli %shift_right_arithmetic3A_276, %mul3A_277 : i32
      %get3A_279 = arith.constant 0 : i32
      %get3A_280 = arith.index_cast %get3A_279 : i32 to index
      %get3A_281 = arith.index_cast %mul3A_278 : i32 to index
      %get3A_282 = tpu.vector_load %arg13[%get3A_280, %get3A_281] {strides = array<i32>} : memref<1x32000xf32, #tpu.memory_space<vmem>>, vector<1x16xf32>,
      %get3A_283 = vector.shape_cast %get3A_282 : vector<1x16xf32> to vector<16xf32>
      %and3A_284 = arith.constant 15 : i32
      %and3A_285 = arith.andi %squeeze3A_274, %and3A_284 : i32
      %eq3A_286 = vector.broadcast %and3A_285 : i32 to vector<16xi32>
      %eq3A_287 = arith.cmpi eq, %iota3A, %eq3A_286 : vector<16xi32>
      %jit3A_288 = arith.constant 0.000000e+00 : f32
      %broadcast_in_dim3A_289 = vector.broadcast %jit3A_288 : f32 to vector<16xf32>
      %select_n3A_290 = arith.select %eq3A_287, %get3A_283, %broadcast_in_dim3A_289 : vector<16xi1>, vector<16xf32>
      %ne3A_291 = arith.constant 0 : i32
      %ne3A_292 = arith.cmpi ne, %squeeze3A_274, %ne3A_291 : i32
      %jit3A_293 = arith.constant 1.000000e+00 : f32
      %jit3A_294 = arith.constant 0.000000e+00 : f32
      %select_n3A_295 = arith.select %ne3A_292, %jit3A_293, %jit3A_294 : f32
      %get3A_296 = arith.constant 0 : index
      %get3A_297 = tpu.vector_load %arg8[%get3A_296] {strides = array<i32>} : memref<16xf32, #tpu.memory_space<vmem>>, vector<16xf32>,
      %get3A_298 = vector.shape_cast %get3A_297 : vector<16xf32> to vector<16xf32>
      %mul3A_299 = vector.broadcast %select_n3A_295 : f32 to vector<16xf32>
      %mul3A_300 = arith.mulf %select_n3A_290, %mul3A_299 : vector<16xf32>
      %add3A_301 = arith.addf %get3A_298, %mul3A_300 : vector<16xf32>
      %swap3A_302 = arith.constant 0 : index
      %swap3A_303 = tpu.vector_load %arg8[%swap3A_302] {strides = array<i32>} : memref<16xf32, #tpu.memory_space<vmem>>, vector<16xf32>,
      %swap3A_304 = vector.shape_cast %swap3A_303 : vector<16xf32> to vector<16xf32>
      %swap3A_305 = vector.shape_cast %add3A_301 : vector<16xf32> to vector<16xf32>
      tpu.vector_store %arg8[%swap3A_302], %swap3A_305 {strides = array<i32>} : memref<16xf32, #tpu.memory_space<vmem>>, vector<16xf32>,
      %add3A_306 = arith.constant 4 : i32
      %add3A_307 = arith.addi %add3A_238, %add3A_306 : i32
      %lt3A_308 = arith.constant 64 : i32
      %lt3A_309 = arith.cmpi slt, %add3A_307, %lt3A_308 : i32
      %convert_element_type3A_310 = arith.extui %lt3A_309 : i1 to i32
      %cond3A_311 = arith.constant 0 : i32
      %cond3A_312 = arith.cmpi ne, %convert_element_type3A_310, %cond3A_311 : i32
      scf.if %cond3A_312 {
        %add3A_1301 = arith.addi %mul3A_2, %add3A_238 : i32
        %add3A_1302 = arith.constant 4 : i32
        %add3A_1303 = arith.addi %add3A_1301, %add3A_1302 : i32
        %dma_start3A_1304 = arith.constant 0 : i32
        %dma_start3A_1305 = tpu.memref_slice %arg2[%add3A_1303, %dma_start3A_1304] : memref<2048x32000xf32, #tpu.memory_space<hbm>> -> memref<1x32000xf32, #tpu.memory_space<hbm>>
        %dma_start3A_1306 = arith.constant 0 : i32
        %dma_start3A_1307 = tpu.memref_slice %arg2[%add3A_1303, %dma_start3A_1306] : memref<2048x32000xf32, #tpu.memory_space<hbm>> -> memref<1x32000xf32, #tpu.memory_space<hbm>>
        tpu.enqueue_dma source(%dma_start3A_1307 : memref<1x32000xf32, #tpu.memory_space<hbm>>) target(%arg13 : memref<1x32000xf32, #tpu.memory_space<vmem>>) target_semaphore(%arg17 : memref<!tpu.dma_semaphore, #tpu.memory_space<semaphore_mem>>)
      } else {
      }
      %add3A_313 = arith.constant 3 : i32
      %add3A_314 = arith.addi %mul3A_90, %add3A_313 : i32
      %add3A_315 = arith.addi %mul3A_2, %add3A_314 : i32
      %dma_wait3A_316 = arith.constant 0 : i32
      %dma_wait3A_317 = tpu.memref_slice %arg2[%add3A_315, %dma_wait3A_316] : memref<2048x32000xf32, #tpu.memory_space<hbm>> -> memref<1x32000xf32, #tpu.memory_space<hbm>>
      %dma_wait3A_318 = arith.constant 0 : i32
      %dma_wait3A_319 = tpu.memref_slice %arg2[%add3A_315, %dma_wait3A_318] : memref<2048x32000xf32, #tpu.memory_space<hbm>> -> memref<1x32000xf32, #tpu.memory_space<hbm>>
      tpu.wait_dma2 semaphore(%arg18 : memref<!tpu.dma_semaphore, #tpu.memory_space<semaphore_mem>>) src(%dma_wait3A_319 : memref<1x32000xf32, #tpu.memory_space<hbm>>) dst(%arg14 : memref<1x32000xf32, #tpu.memory_space<vmem>>)
      %broadcast_in_dim3A_320 = arith.constant 0.000000e+00 : f32
      %broadcast_in_dim3A_321 = vector.broadcast %broadcast_in_dim3A_320 : f32 to vector<16xf32>
      %scan3A_322 = arith.constant 0 : i32
      %scan3A_323 = arith.constant 125 : i32
      %scan3A_324 = arith.addi %scan3A_322, %scan3A_323 : i32
      %scan3A_325 = arith.constant 1 : i32
      %scan3A_326:16 = scf.for %scan3A_1301 = %scan3A_322 to %scan3A_324 step %scan3A_325 iter_args(%scan3A_1302 = %broadcast_in_dim3A_321, %scan3A_1303 = %broadcast_in_dim3A_321, %scan3A_1304 = %broadcast_in_dim3A_321, %scan3A_1305 = %broadcast_in_dim3A_321, %scan3A_1306 = %broadcast_in_dim3A_321, %scan3A_1307 = %broadcast_in_dim3A_321, %scan3A_1308 = %broadcast_in_dim3A_321, %scan3A_1309 = %broadcast_in_dim3A_321, %scan3A_1310 = %broadcast_in_dim3A_321, %scan3A_1311 = %broadcast_in_dim3A_321, %scan3A_1312 = %broadcast_in_dim3A_321, %scan3A_1313 = %broadcast_in_dim3A_321, %scan3A_1314 = %broadcast_in_dim3A_321, %scan3A_1315 = %broadcast_in_dim3A_321, %scan3A_1316 = %broadcast_in_dim3A_321, %scan3A_1317 = %broadcast_in_dim3A_321) -> (vector<16xf32>, vector<16xf32>, vector<16xf32>, vector<16xf32>, vector<16xf32>, vector<16xf32>, vector<16xf32>, vector<16xf32>, vector<16xf32>, vector<16xf32>, vector<16xf32>, vector<16xf32>, vector<16xf32>, vector<16xf32>, vector<16xf32>, vector<16xf32>)  : i32 {
        %mul3A_1318 = arith.constant 256 : i32
        %mul3A_1319 = arith.muli %scan3A_1301, %mul3A_1318 : i32
        %add3A_1320 = arith.constant 0 : i32
        %add3A_1321 = arith.addi %mul3A_1319, %add3A_1320 : i32
        %get3A_1322 = arith.constant 0 : i32
        %get3A_1323 = arith.index_cast %get3A_1322 : i32 to index
        %get3A_1324 = arith.index_cast %add3A_1321 : i32 to index
        %get3A_1325 = tpu.vector_load %arg14[%get3A_1323, %get3A_1324] {strides = array<i32>} : memref<1x32000xf32, #tpu.memory_space<vmem>>, vector<1x16xf32>,
        %get3A_1326 = vector.shape_cast %get3A_1325 : vector<1x16xf32> to vector<16xf32>
        %add3A_1327 = arith.addf %scan3A_1302, %get3A_1326 : vector<16xf32>
        %add3A_1328 = arith.constant 16 : i32
        %add3A_1329 = arith.addi %mul3A_1319, %add3A_1328 : i32
        %get3A_1330 = arith.constant 0 : i32
        %get3A_1331 = arith.index_cast %get3A_1330 : i32 to index
        %get3A_1332 = arith.index_cast %add3A_1329 : i32 to index
        %get3A_1333 = tpu.vector_load %arg14[%get3A_1331, %get3A_1332] {strides = array<i32>} : memref<1x32000xf32, #tpu.memory_space<vmem>>, vector<1x16xf32>,
        %get3A_1334 = vector.shape_cast %get3A_1333 : vector<1x16xf32> to vector<16xf32>
        %add3A_1335 = arith.addf %scan3A_1303, %get3A_1334 : vector<16xf32>
        %add3A_1336 = arith.constant 32 : i32
        %add3A_1337 = arith.addi %mul3A_1319, %add3A_1336 : i32
        %get3A_1338 = arith.constant 0 : i32
        %get3A_1339 = arith.index_cast %get3A_1338 : i32 to index
        %get3A_1340 = arith.index_cast %add3A_1337 : i32 to index
        %get3A_1341 = tpu.vector_load %arg14[%get3A_1339, %get3A_1340] {strides = array<i32>} : memref<1x32000xf32, #tpu.memory_space<vmem>>, vector<1x16xf32>,
        %get3A_1342 = vector.shape_cast %get3A_1341 : vector<1x16xf32> to vector<16xf32>
        %add3A_1343 = arith.addf %scan3A_1304, %get3A_1342 : vector<16xf32>
        %add3A_1344 = arith.constant 48 : i32
        %add3A_1345 = arith.addi %mul3A_1319, %add3A_1344 : i32
        %get3A_1346 = arith.constant 0 : i32
        %get3A_1347 = arith.index_cast %get3A_1346 : i32 to index
        %get3A_1348 = arith.index_cast %add3A_1345 : i32 to index
        %get3A_1349 = tpu.vector_load %arg14[%get3A_1347, %get3A_1348] {strides = array<i32>} : memref<1x32000xf32, #tpu.memory_space<vmem>>, vector<1x16xf32>,
        %get3A_1350 = vector.shape_cast %get3A_1349 : vector<1x16xf32> to vector<16xf32>
        %add3A_1351 = arith.addf %scan3A_1305, %get3A_1350 : vector<16xf32>
        %add3A_1352 = arith.constant 64 : i32
        %add3A_1353 = arith.addi %mul3A_1319, %add3A_1352 : i32
        %get3A_1354 = arith.constant 0 : i32
        %get3A_1355 = arith.index_cast %get3A_1354 : i32 to index
        %get3A_1356 = arith.index_cast %add3A_1353 : i32 to index
        %get3A_1357 = tpu.vector_load %arg14[%get3A_1355, %get3A_1356] {strides = array<i32>} : memref<1x32000xf32, #tpu.memory_space<vmem>>, vector<1x16xf32>,
        %get3A_1358 = vector.shape_cast %get3A_1357 : vector<1x16xf32> to vector<16xf32>
        %add3A_1359 = arith.addf %scan3A_1306, %get3A_1358 : vector<16xf32>
        %add3A_1360 = arith.constant 80 : i32
        %add3A_1361 = arith.addi %mul3A_1319, %add3A_1360 : i32
        %get3A_1362 = arith.constant 0 : i32
        %get3A_1363 = arith.index_cast %get3A_1362 : i32 to index
        %get3A_1364 = arith.index_cast %add3A_1361 : i32 to index
        %get3A_1365 = tpu.vector_load %arg14[%get3A_1363, %get3A_1364] {strides = array<i32>} : memref<1x32000xf32, #tpu.memory_space<vmem>>, vector<1x16xf32>,
        %get3A_1366 = vector.shape_cast %get3A_1365 : vector<1x16xf32> to vector<16xf32>
        %add3A_1367 = arith.addf %scan3A_1307, %get3A_1366 : vector<16xf32>
        %add3A_1368 = arith.constant 96 : i32
        %add3A_1369 = arith.addi %mul3A_1319, %add3A_1368 : i32
        %get3A_1370 = arith.constant 0 : i32
        %get3A_1371 = arith.index_cast %get3A_1370 : i32 to index
        %get3A_1372 = arith.index_cast %add3A_1369 : i32 to index
        %get3A_1373 = tpu.vector_load %arg14[%get3A_1371, %get3A_1372] {strides = array<i32>} : memref<1x32000xf32, #tpu.memory_space<vmem>>, vector<1x16xf32>,
        %get3A_1374 = vector.shape_cast %get3A_1373 : vector<1x16xf32> to vector<16xf32>
        %add3A_1375 = arith.addf %scan3A_1308, %get3A_1374 : vector<16xf32>
        %add3A_1376 = arith.constant 112 : i32
        %add3A_1377 = arith.addi %mul3A_1319, %add3A_1376 : i32
        %get3A_1378 = arith.constant 0 : i32
        %get3A_1379 = arith.index_cast %get3A_1378 : i32 to index
        %get3A_1380 = arith.index_cast %add3A_1377 : i32 to index
        %get3A_1381 = tpu.vector_load %arg14[%get3A_1379, %get3A_1380] {strides = array<i32>} : memref<1x32000xf32, #tpu.memory_space<vmem>>, vector<1x16xf32>,
        %get3A_1382 = vector.shape_cast %get3A_1381 : vector<1x16xf32> to vector<16xf32>
        %add3A_1383 = arith.addf %scan3A_1309, %get3A_1382 : vector<16xf32>
        %add3A_1384 = arith.constant 128 : i32
        %add3A_1385 = arith.addi %mul3A_1319, %add3A_1384 : i32
        %get3A_1386 = arith.constant 0 : i32
        %get3A_1387 = arith.index_cast %get3A_1386 : i32 to index
        %get3A_1388 = arith.index_cast %add3A_1385 : i32 to index
        %get3A_1389 = tpu.vector_load %arg14[%get3A_1387, %get3A_1388] {strides = array<i32>} : memref<1x32000xf32, #tpu.memory_space<vmem>>, vector<1x16xf32>,
        %get3A_1390 = vector.shape_cast %get3A_1389 : vector<1x16xf32> to vector<16xf32>
        %add3A_1391 = arith.addf %scan3A_1310, %get3A_1390 : vector<16xf32>
        %add3A_1392 = arith.constant 144 : i32
        %add3A_1393 = arith.addi %mul3A_1319, %add3A_1392 : i32
        %get3A_1394 = arith.constant 0 : i32
        %get3A_1395 = arith.index_cast %get3A_1394 : i32 to index
        %get3A_1396 = arith.index_cast %add3A_1393 : i32 to index
        %get3A_1397 = tpu.vector_load %arg14[%get3A_1395, %get3A_1396] {strides = array<i32>} : memref<1x32000xf32, #tpu.memory_space<vmem>>, vector<1x16xf32>,
        %get3A_1398 = vector.shape_cast %get3A_1397 : vector<1x16xf32> to vector<16xf32>
        %add3A_1399 = arith.addf %scan3A_1311, %get3A_1398 : vector<16xf32>
        %add3A_1400 = arith.constant 160 : i32
        %add3A_1401 = arith.addi %mul3A_1319, %add3A_1400 : i32
        %get3A_1402 = arith.constant 0 : i32
        %get3A_1403 = arith.index_cast %get3A_1402 : i32 to index
        %get3A_1404 = arith.index_cast %add3A_1401 : i32 to index
        %get3A_1405 = tpu.vector_load %arg14[%get3A_1403, %get3A_1404] {strides = array<i32>} : memref<1x32000xf32, #tpu.memory_space<vmem>>, vector<1x16xf32>,
        %get3A_1406 = vector.shape_cast %get3A_1405 : vector<1x16xf32> to vector<16xf32>
        %add3A_1407 = arith.addf %scan3A_1312, %get3A_1406 : vector<16xf32>
        %add3A_1408 = arith.constant 176 : i32
        %add3A_1409 = arith.addi %mul3A_1319, %add3A_1408 : i32
        %get3A_1410 = arith.constant 0 : i32
        %get3A_1411 = arith.index_cast %get3A_1410 : i32 to index
        %get3A_1412 = arith.index_cast %add3A_1409 : i32 to index
        %get3A_1413 = tpu.vector_load %arg14[%get3A_1411, %get3A_1412] {strides = array<i32>} : memref<1x32000xf32, #tpu.memory_space<vmem>>, vector<1x16xf32>,
        %get3A_1414 = vector.shape_cast %get3A_1413 : vector<1x16xf32> to vector<16xf32>
        %add3A_1415 = arith.addf %scan3A_1313, %get3A_1414 : vector<16xf32>
        %add3A_1416 = arith.constant 192 : i32
        %add3A_1417 = arith.addi %mul3A_1319, %add3A_1416 : i32
        %get3A_1418 = arith.constant 0 : i32
        %get3A_1419 = arith.index_cast %get3A_1418 : i32 to index
        %get3A_1420 = arith.index_cast %add3A_1417 : i32 to index
        %get3A_1421 = tpu.vector_load %arg14[%get3A_1419, %get3A_1420] {strides = array<i32>} : memref<1x32000xf32, #tpu.memory_space<vmem>>, vector<1x16xf32>,
        %get3A_1422 = vector.shape_cast %get3A_1421 : vector<1x16xf32> to vector<16xf32>
        %add3A_1423 = arith.addf %scan3A_1314, %get3A_1422 : vector<16xf32>
        %add3A_1424 = arith.constant 208 : i32
        %add3A_1425 = arith.addi %mul3A_1319, %add3A_1424 : i32
        %get3A_1426 = arith.constant 0 : i32
        %get3A_1427 = arith.index_cast %get3A_1426 : i32 to index
        %get3A_1428 = arith.index_cast %add3A_1425 : i32 to index
        %get3A_1429 = tpu.vector_load %arg14[%get3A_1427, %get3A_1428] {strides = array<i32>} : memref<1x32000xf32, #tpu.memory_space<vmem>>, vector<1x16xf32>,
        %get3A_1430 = vector.shape_cast %get3A_1429 : vector<1x16xf32> to vector<16xf32>
        %add3A_1431 = arith.addf %scan3A_1315, %get3A_1430 : vector<16xf32>
        %add3A_1432 = arith.constant 224 : i32
        %add3A_1433 = arith.addi %mul3A_1319, %add3A_1432 : i32
        %get3A_1434 = arith.constant 0 : i32
        %get3A_1435 = arith.index_cast %get3A_1434 : i32 to index
        %get3A_1436 = arith.index_cast %add3A_1433 : i32 to index
        %get3A_1437 = tpu.vector_load %arg14[%get3A_1435, %get3A_1436] {strides = array<i32>} : memref<1x32000xf32, #tpu.memory_space<vmem>>, vector<1x16xf32>,
        %get3A_1438 = vector.shape_cast %get3A_1437 : vector<1x16xf32> to vector<16xf32>
        %add3A_1439 = arith.addf %scan3A_1316, %get3A_1438 : vector<16xf32>
        %add3A_1440 = arith.constant 240 : i32
        %add3A_1441 = arith.addi %mul3A_1319, %add3A_1440 : i32
        %get3A_1442 = arith.constant 0 : i32
        %get3A_1443 = arith.index_cast %get3A_1442 : i32 to index
        %get3A_1444 = arith.index_cast %add3A_1441 : i32 to index
        %get3A_1445 = tpu.vector_load %arg14[%get3A_1443, %get3A_1444] {strides = array<i32>} : memref<1x32000xf32, #tpu.memory_space<vmem>>, vector<1x16xf32>,
        %get3A_1446 = vector.shape_cast %get3A_1445 : vector<1x16xf32> to vector<16xf32>
        %add3A_1447 = arith.addf %scan3A_1317, %get3A_1446 : vector<16xf32>
        scf.yield %add3A_1327, %add3A_1335, %add3A_1343, %add3A_1351, %add3A_1359, %add3A_1367, %add3A_1375, %add3A_1383, %add3A_1391, %add3A_1399, %add3A_1407, %add3A_1415, %add3A_1423, %add3A_1431, %add3A_1439, %add3A_1447 : vector<16xf32>, vector<16xf32>, vector<16xf32>, vector<16xf32>, vector<16xf32>, vector<16xf32>, vector<16xf32>, vector<16xf32>, vector<16xf32>, vector<16xf32>, vector<16xf32>, vector<16xf32>, vector<16xf32>, vector<16xf32>, vector<16xf32>, vector<16xf32>
      }
      %scan3A_327 = arith.constant 125 : i32
      %add3A_328 = arith.addf %scan3A_326#0, %scan3A_326#1 : vector<16xf32>
      %add3A_329 = arith.addf %add3A_328, %scan3A_326#2 : vector<16xf32>
      %add3A_330 = arith.addf %add3A_329, %scan3A_326#3 : vector<16xf32>
      %add3A_331 = arith.addf %add3A_330, %scan3A_326#4 : vector<16xf32>
      %add3A_332 = arith.addf %add3A_331, %scan3A_326#5 : vector<16xf32>
      %add3A_333 = arith.addf %add3A_332, %scan3A_326#6 : vector<16xf32>
      %add3A_334 = arith.addf %add3A_333, %scan3A_326#7 : vector<16xf32>
      %add3A_335 = arith.addf %add3A_334, %scan3A_326#8 : vector<16xf32>
      %add3A_336 = arith.addf %add3A_335, %scan3A_326#9 : vector<16xf32>
      %add3A_337 = arith.addf %add3A_336, %scan3A_326#10 : vector<16xf32>
      %add3A_338 = arith.addf %add3A_337, %scan3A_326#11 : vector<16xf32>
      %add3A_339 = arith.addf %add3A_338, %scan3A_326#12 : vector<16xf32>
      %add3A_340 = arith.addf %add3A_339, %scan3A_326#13 : vector<16xf32>
      %add3A_341 = arith.addf %add3A_340, %scan3A_326#14 : vector<16xf32>
      %add3A_342 = arith.addf %add3A_341, %scan3A_326#15 : vector<16xf32>
      %mul3A_343 = arith.constant 16 : i32
      %mul3A_344 = arith.muli %add3A_314, %mul3A_343 : i32
      %swap3A_345 = arith.index_cast %mul3A_344 : i32 to index
      %swap3A_346 = tpu.vector_load %arg10[%swap3A_345] {strides = array<i32>} : memref<1024xf32, #tpu.memory_space<vmem>>, vector<16xf32>,
      %swap3A_347 = vector.shape_cast %swap3A_346 : vector<16xf32> to vector<16xf32>
      %swap3A_348 = vector.shape_cast %add3A_342 : vector<16xf32> to vector<16xf32>
      tpu.vector_store %arg10[%swap3A_345], %swap3A_348 {strides = array<i32>} : memref<1024xf32, #tpu.memory_space<vmem>>, vector<16xf32>,
      %slice3A_349 = vector.extract_strided_slice %get3A_93 {offsets = [3], sizes = [1], strides = [1]} : vector<16xi32> to vector<1xi32>
      %squeeze3A_350 = vector.extract %slice3A_349[0] : i32 from vector<1xi32>
      %shift_right_arithmetic3A_351 = arith.constant 4 : i32
      %shift_right_arithmetic3A_352 = arith.shrsi %squeeze3A_350, %shift_right_arithmetic3A_351 : i32
      %mul3A_353 = arith.constant 16 : i32
      %mul3A_354 = arith.muli %shift_right_arithmetic3A_352, %mul3A_353 : i32
      %get3A_355 = arith.constant 0 : i32
      %get3A_356 = arith.index_cast %get3A_355 : i32 to index
      %get3A_357 = arith.index_cast %mul3A_354 : i32 to index
      %get3A_358 = tpu.vector_load %arg14[%get3A_356, %get3A_357] {strides = array<i32>} : memref<1x32000xf32, #tpu.memory_space<vmem>>, vector<1x16xf32>,
      %get3A_359 = vector.shape_cast %get3A_358 : vector<1x16xf32> to vector<16xf32>
      %and3A_360 = arith.constant 15 : i32
      %and3A_361 = arith.andi %squeeze3A_350, %and3A_360 : i32
      %eq3A_362 = vector.broadcast %and3A_361 : i32 to vector<16xi32>
      %eq3A_363 = arith.cmpi eq, %iota3A, %eq3A_362 : vector<16xi32>
      %jit3A_364 = arith.constant 0.000000e+00 : f32
      %broadcast_in_dim3A_365 = vector.broadcast %jit3A_364 : f32 to vector<16xf32>
      %select_n3A_366 = arith.select %eq3A_363, %get3A_359, %broadcast_in_dim3A_365 : vector<16xi1>, vector<16xf32>
      %ne3A_367 = arith.constant 0 : i32
      %ne3A_368 = arith.cmpi ne, %squeeze3A_350, %ne3A_367 : i32
      %jit3A_369 = arith.constant 1.000000e+00 : f32
      %jit3A_370 = arith.constant 0.000000e+00 : f32
      %select_n3A_371 = arith.select %ne3A_368, %jit3A_369, %jit3A_370 : f32
      %get3A_372 = arith.constant 0 : index
      %get3A_373 = tpu.vector_load %arg8[%get3A_372] {strides = array<i32>} : memref<16xf32, #tpu.memory_space<vmem>>, vector<16xf32>,
      %get3A_374 = vector.shape_cast %get3A_373 : vector<16xf32> to vector<16xf32>
      %mul3A_375 = vector.broadcast %select_n3A_371 : f32 to vector<16xf32>
      %mul3A_376 = arith.mulf %select_n3A_366, %mul3A_375 : vector<16xf32>
      %add3A_377 = arith.addf %get3A_374, %mul3A_376 : vector<16xf32>
      %swap3A_378 = arith.constant 0 : index
      %swap3A_379 = tpu.vector_load %arg8[%swap3A_378] {strides = array<i32>} : memref<16xf32, #tpu.memory_space<vmem>>, vector<16xf32>,
      %swap3A_380 = vector.shape_cast %swap3A_379 : vector<16xf32> to vector<16xf32>
      %swap3A_381 = vector.shape_cast %add3A_377 : vector<16xf32> to vector<16xf32>
      tpu.vector_store %arg8[%swap3A_378], %swap3A_381 {strides = array<i32>} : memref<16xf32, #tpu.memory_space<vmem>>, vector<16xf32>,
      %add3A_382 = arith.constant 4 : i32
      %add3A_383 = arith.addi %add3A_314, %add3A_382 : i32
      %lt3A_384 = arith.constant 64 : i32
      %lt3A_385 = arith.cmpi slt, %add3A_383, %lt3A_384 : i32
      %convert_element_type3A_386 = arith.extui %lt3A_385 : i1 to i32
      %cond3A_387 = arith.constant 0 : i32
      %cond3A_388 = arith.cmpi ne, %convert_element_type3A_386, %cond3A_387 : i32
      scf.if %cond3A_388 {
        %add3A_1301 = arith.addi %mul3A_2, %add3A_314 : i32
        %add3A_1302 = arith.constant 4 : i32
        %add3A_1303 = arith.addi %add3A_1301, %add3A_1302 : i32
        %dma_start3A_1304 = arith.constant 0 : i32
        %dma_start3A_1305 = tpu.memref_slice %arg2[%add3A_1303, %dma_start3A_1304] : memref<2048x32000xf32, #tpu.memory_space<hbm>> -> memref<1x32000xf32, #tpu.memory_space<hbm>>
        %dma_start3A_1306 = arith.constant 0 : i32
        %dma_start3A_1307 = tpu.memref_slice %arg2[%add3A_1303, %dma_start3A_1306] : memref<2048x32000xf32, #tpu.memory_space<hbm>> -> memref<1x32000xf32, #tpu.memory_space<hbm>>
        tpu.enqueue_dma source(%dma_start3A_1307 : memref<1x32000xf32, #tpu.memory_space<hbm>>) target(%arg14 : memref<1x32000xf32, #tpu.memory_space<vmem>>) target_semaphore(%arg18 : memref<!tpu.dma_semaphore, #tpu.memory_space<semaphore_mem>>)
      } else {
      }
      %add3A_389 = arith.constant 4 : i32
      %add3A_390 = arith.addi %mul3A_90, %add3A_389 : i32
      %add3A_391 = arith.addi %mul3A_2, %add3A_390 : i32
      %dma_wait3A_392 = arith.constant 0 : i32
      %dma_wait3A_393 = tpu.memref_slice %arg2[%add3A_391, %dma_wait3A_392] : memref<2048x32000xf32, #tpu.memory_space<hbm>> -> memref<1x32000xf32, #tpu.memory_space<hbm>>
      %dma_wait3A_394 = arith.constant 0 : i32
      %dma_wait3A_395 = tpu.memref_slice %arg2[%add3A_391, %dma_wait3A_394] : memref<2048x32000xf32, #tpu.memory_space<hbm>> -> memref<1x32000xf32, #tpu.memory_space<hbm>>
      tpu.wait_dma2 semaphore(%arg15 : memref<!tpu.dma_semaphore, #tpu.memory_space<semaphore_mem>>) src(%dma_wait3A_395 : memref<1x32000xf32, #tpu.memory_space<hbm>>) dst(%arg11 : memref<1x32000xf32, #tpu.memory_space<vmem>>)
      %broadcast_in_dim3A_396 = arith.constant 0.000000e+00 : f32
      %broadcast_in_dim3A_397 = vector.broadcast %broadcast_in_dim3A_396 : f32 to vector<16xf32>
      %scan3A_398 = arith.constant 0 : i32
      %scan3A_399 = arith.constant 125 : i32
      %scan3A_400 = arith.addi %scan3A_398, %scan3A_399 : i32
      %scan3A_401 = arith.constant 1 : i32
      %scan3A_402:16 = scf.for %scan3A_1301 = %scan3A_398 to %scan3A_400 step %scan3A_401 iter_args(%scan3A_1302 = %broadcast_in_dim3A_397, %scan3A_1303 = %broadcast_in_dim3A_397, %scan3A_1304 = %broadcast_in_dim3A_397, %scan3A_1305 = %broadcast_in_dim3A_397, %scan3A_1306 = %broadcast_in_dim3A_397, %scan3A_1307 = %broadcast_in_dim3A_397, %scan3A_1308 = %broadcast_in_dim3A_397, %scan3A_1309 = %broadcast_in_dim3A_397, %scan3A_1310 = %broadcast_in_dim3A_397, %scan3A_1311 = %broadcast_in_dim3A_397, %scan3A_1312 = %broadcast_in_dim3A_397, %scan3A_1313 = %broadcast_in_dim3A_397, %scan3A_1314 = %broadcast_in_dim3A_397, %scan3A_1315 = %broadcast_in_dim3A_397, %scan3A_1316 = %broadcast_in_dim3A_397, %scan3A_1317 = %broadcast_in_dim3A_397) -> (vector<16xf32>, vector<16xf32>, vector<16xf32>, vector<16xf32>, vector<16xf32>, vector<16xf32>, vector<16xf32>, vector<16xf32>, vector<16xf32>, vector<16xf32>, vector<16xf32>, vector<16xf32>, vector<16xf32>, vector<16xf32>, vector<16xf32>, vector<16xf32>)  : i32 {
        %mul3A_1318 = arith.constant 256 : i32
        %mul3A_1319 = arith.muli %scan3A_1301, %mul3A_1318 : i32
        %add3A_1320 = arith.constant 0 : i32
        %add3A_1321 = arith.addi %mul3A_1319, %add3A_1320 : i32
        %get3A_1322 = arith.constant 0 : i32
        %get3A_1323 = arith.index_cast %get3A_1322 : i32 to index
        %get3A_1324 = arith.index_cast %add3A_1321 : i32 to index
        %get3A_1325 = tpu.vector_load %arg11[%get3A_1323, %get3A_1324] {strides = array<i32>} : memref<1x32000xf32, #tpu.memory_space<vmem>>, vector<1x16xf32>,
        %get3A_1326 = vector.shape_cast %get3A_1325 : vector<1x16xf32> to vector<16xf32>
        %add3A_1327 = arith.addf %scan3A_1302, %get3A_1326 : vector<16xf32>
        %add3A_1328 = arith.constant 16 : i32
        %add3A_1329 = arith.addi %mul3A_1319, %add3A_1328 : i32
        %get3A_1330 = arith.constant 0 : i32
        %get3A_1331 = arith.index_cast %get3A_1330 : i32 to index
        %get3A_1332 = arith.index_cast %add3A_1329 : i32 to index
        %get3A_1333 = tpu.vector_load %arg11[%get3A_1331, %get3A_1332] {strides = array<i32>} : memref<1x32000xf32, #tpu.memory_space<vmem>>, vector<1x16xf32>,
        %get3A_1334 = vector.shape_cast %get3A_1333 : vector<1x16xf32> to vector<16xf32>
        %add3A_1335 = arith.addf %scan3A_1303, %get3A_1334 : vector<16xf32>
        %add3A_1336 = arith.constant 32 : i32
        %add3A_1337 = arith.addi %mul3A_1319, %add3A_1336 : i32
        %get3A_1338 = arith.constant 0 : i32
        %get3A_1339 = arith.index_cast %get3A_1338 : i32 to index
        %get3A_1340 = arith.index_cast %add3A_1337 : i32 to index
        %get3A_1341 = tpu.vector_load %arg11[%get3A_1339, %get3A_1340] {strides = array<i32>} : memref<1x32000xf32, #tpu.memory_space<vmem>>, vector<1x16xf32>,
        %get3A_1342 = vector.shape_cast %get3A_1341 : vector<1x16xf32> to vector<16xf32>
        %add3A_1343 = arith.addf %scan3A_1304, %get3A_1342 : vector<16xf32>
        %add3A_1344 = arith.constant 48 : i32
        %add3A_1345 = arith.addi %mul3A_1319, %add3A_1344 : i32
        %get3A_1346 = arith.constant 0 : i32
        %get3A_1347 = arith.index_cast %get3A_1346 : i32 to index
        %get3A_1348 = arith.index_cast %add3A_1345 : i32 to index
        %get3A_1349 = tpu.vector_load %arg11[%get3A_1347, %get3A_1348] {strides = array<i32>} : memref<1x32000xf32, #tpu.memory_space<vmem>>, vector<1x16xf32>,
        %get3A_1350 = vector.shape_cast %get3A_1349 : vector<1x16xf32> to vector<16xf32>
        %add3A_1351 = arith.addf %scan3A_1305, %get3A_1350 : vector<16xf32>
        %add3A_1352 = arith.constant 64 : i32
        %add3A_1353 = arith.addi %mul3A_1319, %add3A_1352 : i32
        %get3A_1354 = arith.constant 0 : i32
        %get3A_1355 = arith.index_cast %get3A_1354 : i32 to index
        %get3A_1356 = arith.index_cast %add3A_1353 : i32 to index
        %get3A_1357 = tpu.vector_load %arg11[%get3A_1355, %get3A_1356] {strides = array<i32>} : memref<1x32000xf32, #tpu.memory_space<vmem>>, vector<1x16xf32>,
        %get3A_1358 = vector.shape_cast %get3A_1357 : vector<1x16xf32> to vector<16xf32>
        %add3A_1359 = arith.addf %scan3A_1306, %get3A_1358 : vector<16xf32>
        %add3A_1360 = arith.constant 80 : i32
        %add3A_1361 = arith.addi %mul3A_1319, %add3A_1360 : i32
        %get3A_1362 = arith.constant 0 : i32
        %get3A_1363 = arith.index_cast %get3A_1362 : i32 to index
        %get3A_1364 = arith.index_cast %add3A_1361 : i32 to index
        %get3A_1365 = tpu.vector_load %arg11[%get3A_1363, %get3A_1364] {strides = array<i32>} : memref<1x32000xf32, #tpu.memory_space<vmem>>, vector<1x16xf32>,
        %get3A_1366 = vector.shape_cast %get3A_1365 : vector<1x16xf32> to vector<16xf32>
        %add3A_1367 = arith.addf %scan3A_1307, %get3A_1366 : vector<16xf32>
        %add3A_1368 = arith.constant 96 : i32
        %add3A_1369 = arith.addi %mul3A_1319, %add3A_1368 : i32
        %get3A_1370 = arith.constant 0 : i32
        %get3A_1371 = arith.index_cast %get3A_1370 : i32 to index
        %get3A_1372 = arith.index_cast %add3A_1369 : i32 to index
        %get3A_1373 = tpu.vector_load %arg11[%get3A_1371, %get3A_1372] {strides = array<i32>} : memref<1x32000xf32, #tpu.memory_space<vmem>>, vector<1x16xf32>,
        %get3A_1374 = vector.shape_cast %get3A_1373 : vector<1x16xf32> to vector<16xf32>
        %add3A_1375 = arith.addf %scan3A_1308, %get3A_1374 : vector<16xf32>
        %add3A_1376 = arith.constant 112 : i32
        %add3A_1377 = arith.addi %mul3A_1319, %add3A_1376 : i32
        %get3A_1378 = arith.constant 0 : i32
        %get3A_1379 = arith.index_cast %get3A_1378 : i32 to index
        %get3A_1380 = arith.index_cast %add3A_1377 : i32 to index
        %get3A_1381 = tpu.vector_load %arg11[%get3A_1379, %get3A_1380] {strides = array<i32>} : memref<1x32000xf32, #tpu.memory_space<vmem>>, vector<1x16xf32>,
        %get3A_1382 = vector.shape_cast %get3A_1381 : vector<1x16xf32> to vector<16xf32>
        %add3A_1383 = arith.addf %scan3A_1309, %get3A_1382 : vector<16xf32>
        %add3A_1384 = arith.constant 128 : i32
        %add3A_1385 = arith.addi %mul3A_1319, %add3A_1384 : i32
        %get3A_1386 = arith.constant 0 : i32
        %get3A_1387 = arith.index_cast %get3A_1386 : i32 to index
        %get3A_1388 = arith.index_cast %add3A_1385 : i32 to index
        %get3A_1389 = tpu.vector_load %arg11[%get3A_1387, %get3A_1388] {strides = array<i32>} : memref<1x32000xf32, #tpu.memory_space<vmem>>, vector<1x16xf32>,
        %get3A_1390 = vector.shape_cast %get3A_1389 : vector<1x16xf32> to vector<16xf32>
        %add3A_1391 = arith.addf %scan3A_1310, %get3A_1390 : vector<16xf32>
        %add3A_1392 = arith.constant 144 : i32
        %add3A_1393 = arith.addi %mul3A_1319, %add3A_1392 : i32
        %get3A_1394 = arith.constant 0 : i32
        %get3A_1395 = arith.index_cast %get3A_1394 : i32 to index
        %get3A_1396 = arith.index_cast %add3A_1393 : i32 to index
        %get3A_1397 = tpu.vector_load %arg11[%get3A_1395, %get3A_1396] {strides = array<i32>} : memref<1x32000xf32, #tpu.memory_space<vmem>>, vector<1x16xf32>,
        %get3A_1398 = vector.shape_cast %get3A_1397 : vector<1x16xf32> to vector<16xf32>
        %add3A_1399 = arith.addf %scan3A_1311, %get3A_1398 : vector<16xf32>
        %add3A_1400 = arith.constant 160 : i32
        %add3A_1401 = arith.addi %mul3A_1319, %add3A_1400 : i32
        %get3A_1402 = arith.constant 0 : i32
        %get3A_1403 = arith.index_cast %get3A_1402 : i32 to index
        %get3A_1404 = arith.index_cast %add3A_1401 : i32 to index
        %get3A_1405 = tpu.vector_load %arg11[%get3A_1403, %get3A_1404] {strides = array<i32>} : memref<1x32000xf32, #tpu.memory_space<vmem>>, vector<1x16xf32>,
        %get3A_1406 = vector.shape_cast %get3A_1405 : vector<1x16xf32> to vector<16xf32>
        %add3A_1407 = arith.addf %scan3A_1312, %get3A_1406 : vector<16xf32>
        %add3A_1408 = arith.constant 176 : i32
        %add3A_1409 = arith.addi %mul3A_1319, %add3A_1408 : i32
        %get3A_1410 = arith.constant 0 : i32
        %get3A_1411 = arith.index_cast %get3A_1410 : i32 to index
        %get3A_1412 = arith.index_cast %add3A_1409 : i32 to index
        %get3A_1413 = tpu.vector_load %arg11[%get3A_1411, %get3A_1412] {strides = array<i32>} : memref<1x32000xf32, #tpu.memory_space<vmem>>, vector<1x16xf32>,
        %get3A_1414 = vector.shape_cast %get3A_1413 : vector<1x16xf32> to vector<16xf32>
        %add3A_1415 = arith.addf %scan3A_1313, %get3A_1414 : vector<16xf32>
        %add3A_1416 = arith.constant 192 : i32
        %add3A_1417 = arith.addi %mul3A_1319, %add3A_1416 : i32
        %get3A_1418 = arith.constant 0 : i32
        %get3A_1419 = arith.index_cast %get3A_1418 : i32 to index
        %get3A_1420 = arith.index_cast %add3A_1417 : i32 to index
        %get3A_1421 = tpu.vector_load %arg11[%get3A_1419, %get3A_1420] {strides = array<i32>} : memref<1x32000xf32, #tpu.memory_space<vmem>>, vector<1x16xf32>,
        %get3A_1422 = vector.shape_cast %get3A_1421 : vector<1x16xf32> to vector<16xf32>
        %add3A_1423 = arith.addf %scan3A_1314, %get3A_1422 : vector<16xf32>
        %add3A_1424 = arith.constant 208 : i32
        %add3A_1425 = arith.addi %mul3A_1319, %add3A_1424 : i32
        %get3A_1426 = arith.constant 0 : i32
        %get3A_1427 = arith.index_cast %get3A_1426 : i32 to index
        %get3A_1428 = arith.index_cast %add3A_1425 : i32 to index
        %get3A_1429 = tpu.vector_load %arg11[%get3A_1427, %get3A_1428] {strides = array<i32>} : memref<1x32000xf32, #tpu.memory_space<vmem>>, vector<1x16xf32>,
        %get3A_1430 = vector.shape_cast %get3A_1429 : vector<1x16xf32> to vector<16xf32>
        %add3A_1431 = arith.addf %scan3A_1315, %get3A_1430 : vector<16xf32>
        %add3A_1432 = arith.constant 224 : i32
        %add3A_1433 = arith.addi %mul3A_1319, %add3A_1432 : i32
        %get3A_1434 = arith.constant 0 : i32
        %get3A_1435 = arith.index_cast %get3A_1434 : i32 to index
        %get3A_1436 = arith.index_cast %add3A_1433 : i32 to index
        %get3A_1437 = tpu.vector_load %arg11[%get3A_1435, %get3A_1436] {strides = array<i32>} : memref<1x32000xf32, #tpu.memory_space<vmem>>, vector<1x16xf32>,
        %get3A_1438 = vector.shape_cast %get3A_1437 : vector<1x16xf32> to vector<16xf32>
        %add3A_1439 = arith.addf %scan3A_1316, %get3A_1438 : vector<16xf32>
        %add3A_1440 = arith.constant 240 : i32
        %add3A_1441 = arith.addi %mul3A_1319, %add3A_1440 : i32
        %get3A_1442 = arith.constant 0 : i32
        %get3A_1443 = arith.index_cast %get3A_1442 : i32 to index
        %get3A_1444 = arith.index_cast %add3A_1441 : i32 to index
        %get3A_1445 = tpu.vector_load %arg11[%get3A_1443, %get3A_1444] {strides = array<i32>} : memref<1x32000xf32, #tpu.memory_space<vmem>>, vector<1x16xf32>,
        %get3A_1446 = vector.shape_cast %get3A_1445 : vector<1x16xf32> to vector<16xf32>
        %add3A_1447 = arith.addf %scan3A_1317, %get3A_1446 : vector<16xf32>
        scf.yield %add3A_1327, %add3A_1335, %add3A_1343, %add3A_1351, %add3A_1359, %add3A_1367, %add3A_1375, %add3A_1383, %add3A_1391, %add3A_1399, %add3A_1407, %add3A_1415, %add3A_1423, %add3A_1431, %add3A_1439, %add3A_1447 : vector<16xf32>, vector<16xf32>, vector<16xf32>, vector<16xf32>, vector<16xf32>, vector<16xf32>, vector<16xf32>, vector<16xf32>, vector<16xf32>, vector<16xf32>, vector<16xf32>, vector<16xf32>, vector<16xf32>, vector<16xf32>, vector<16xf32>, vector<16xf32>
      }
      %scan3A_403 = arith.constant 125 : i32
      %add3A_404 = arith.addf %scan3A_402#0, %scan3A_402#1 : vector<16xf32>
      %add3A_405 = arith.addf %add3A_404, %scan3A_402#2 : vector<16xf32>
      %add3A_406 = arith.addf %add3A_405, %scan3A_402#3 : vector<16xf32>
      %add3A_407 = arith.addf %add3A_406, %scan3A_402#4 : vector<16xf32>
      %add3A_408 = arith.addf %add3A_407, %scan3A_402#5 : vector<16xf32>
      %add3A_409 = arith.addf %add3A_408, %scan3A_402#6 : vector<16xf32>
      %add3A_410 = arith.addf %add3A_409, %scan3A_402#7 : vector<16xf32>
      %add3A_411 = arith.addf %add3A_410, %scan3A_402#8 : vector<16xf32>
      %add3A_412 = arith.addf %add3A_411, %scan3A_402#9 : vector<16xf32>
      %add3A_413 = arith.addf %add3A_412, %scan3A_402#10 : vector<16xf32>
      %add3A_414 = arith.addf %add3A_413, %scan3A_402#11 : vector<16xf32>
      %add3A_415 = arith.addf %add3A_414, %scan3A_402#12 : vector<16xf32>
      %add3A_416 = arith.addf %add3A_415, %scan3A_402#13 : vector<16xf32>
      %add3A_417 = arith.addf %add3A_416, %scan3A_402#14 : vector<16xf32>
      %add3A_418 = arith.addf %add3A_417, %scan3A_402#15 : vector<16xf32>
      %mul3A_419 = arith.constant 16 : i32
      %mul3A_420 = arith.muli %add3A_390, %mul3A_419 : i32
      %swap3A_421 = arith.index_cast %mul3A_420 : i32 to index
      %swap3A_422 = tpu.vector_load %arg10[%swap3A_421] {strides = array<i32>} : memref<1024xf32, #tpu.memory_space<vmem>>, vector<16xf32>,
      %swap3A_423 = vector.shape_cast %swap3A_422 : vector<16xf32> to vector<16xf32>
      %swap3A_424 = vector.shape_cast %add3A_418 : vector<16xf32> to vector<16xf32>
      tpu.vector_store %arg10[%swap3A_421], %swap3A_424 {strides = array<i32>} : memref<1024xf32, #tpu.memory_space<vmem>>, vector<16xf32>,
      %slice3A_425 = vector.extract_strided_slice %get3A_93 {offsets = [4], sizes = [1], strides = [1]} : vector<16xi32> to vector<1xi32>
      %squeeze3A_426 = vector.extract %slice3A_425[0] : i32 from vector<1xi32>
      %shift_right_arithmetic3A_427 = arith.constant 4 : i32
      %shift_right_arithmetic3A_428 = arith.shrsi %squeeze3A_426, %shift_right_arithmetic3A_427 : i32
      %mul3A_429 = arith.constant 16 : i32
      %mul3A_430 = arith.muli %shift_right_arithmetic3A_428, %mul3A_429 : i32
      %get3A_431 = arith.constant 0 : i32
      %get3A_432 = arith.index_cast %get3A_431 : i32 to index
      %get3A_433 = arith.index_cast %mul3A_430 : i32 to index
      %get3A_434 = tpu.vector_load %arg11[%get3A_432, %get3A_433] {strides = array<i32>} : memref<1x32000xf32, #tpu.memory_space<vmem>>, vector<1x16xf32>,
      %get3A_435 = vector.shape_cast %get3A_434 : vector<1x16xf32> to vector<16xf32>
      %and3A_436 = arith.constant 15 : i32
      %and3A_437 = arith.andi %squeeze3A_426, %and3A_436 : i32
      %eq3A_438 = vector.broadcast %and3A_437 : i32 to vector<16xi32>
      %eq3A_439 = arith.cmpi eq, %iota3A, %eq3A_438 : vector<16xi32>
      %jit3A_440 = arith.constant 0.000000e+00 : f32
      %broadcast_in_dim3A_441 = vector.broadcast %jit3A_440 : f32 to vector<16xf32>
      %select_n3A_442 = arith.select %eq3A_439, %get3A_435, %broadcast_in_dim3A_441 : vector<16xi1>, vector<16xf32>
      %ne3A_443 = arith.constant 0 : i32
      %ne3A_444 = arith.cmpi ne, %squeeze3A_426, %ne3A_443 : i32
      %jit3A_445 = arith.constant 1.000000e+00 : f32
      %jit3A_446 = arith.constant 0.000000e+00 : f32
      %select_n3A_447 = arith.select %ne3A_444, %jit3A_445, %jit3A_446 : f32
      %get3A_448 = arith.constant 0 : index
      %get3A_449 = tpu.vector_load %arg8[%get3A_448] {strides = array<i32>} : memref<16xf32, #tpu.memory_space<vmem>>, vector<16xf32>,
      %get3A_450 = vector.shape_cast %get3A_449 : vector<16xf32> to vector<16xf32>
      %mul3A_451 = vector.broadcast %select_n3A_447 : f32 to vector<16xf32>
      %mul3A_452 = arith.mulf %select_n3A_442, %mul3A_451 : vector<16xf32>
      %add3A_453 = arith.addf %get3A_450, %mul3A_452 : vector<16xf32>
      %swap3A_454 = arith.constant 0 : index
      %swap3A_455 = tpu.vector_load %arg8[%swap3A_454] {strides = array<i32>} : memref<16xf32, #tpu.memory_space<vmem>>, vector<16xf32>,
      %swap3A_456 = vector.shape_cast %swap3A_455 : vector<16xf32> to vector<16xf32>
      %swap3A_457 = vector.shape_cast %add3A_453 : vector<16xf32> to vector<16xf32>
      tpu.vector_store %arg8[%swap3A_454], %swap3A_457 {strides = array<i32>} : memref<16xf32, #tpu.memory_space<vmem>>, vector<16xf32>,
      %add3A_458 = arith.constant 4 : i32
      %add3A_459 = arith.addi %add3A_390, %add3A_458 : i32
      %lt3A_460 = arith.constant 64 : i32
      %lt3A_461 = arith.cmpi slt, %add3A_459, %lt3A_460 : i32
      %convert_element_type3A_462 = arith.extui %lt3A_461 : i1 to i32
      %cond3A_463 = arith.constant 0 : i32
      %cond3A_464 = arith.cmpi ne, %convert_element_type3A_462, %cond3A_463 : i32
      scf.if %cond3A_464 {
        %add3A_1301 = arith.addi %mul3A_2, %add3A_390 : i32
        %add3A_1302 = arith.constant 4 : i32
        %add3A_1303 = arith.addi %add3A_1301, %add3A_1302 : i32
        %dma_start3A_1304 = arith.constant 0 : i32
        %dma_start3A_1305 = tpu.memref_slice %arg2[%add3A_1303, %dma_start3A_1304] : memref<2048x32000xf32, #tpu.memory_space<hbm>> -> memref<1x32000xf32, #tpu.memory_space<hbm>>
        %dma_start3A_1306 = arith.constant 0 : i32
        %dma_start3A_1307 = tpu.memref_slice %arg2[%add3A_1303, %dma_start3A_1306] : memref<2048x32000xf32, #tpu.memory_space<hbm>> -> memref<1x32000xf32, #tpu.memory_space<hbm>>
        tpu.enqueue_dma source(%dma_start3A_1307 : memref<1x32000xf32, #tpu.memory_space<hbm>>) target(%arg11 : memref<1x32000xf32, #tpu.memory_space<vmem>>) target_semaphore(%arg15 : memref<!tpu.dma_semaphore, #tpu.memory_space<semaphore_mem>>)
      } else {
      }
      %add3A_465 = arith.constant 5 : i32
      %add3A_466 = arith.addi %mul3A_90, %add3A_465 : i32
      %add3A_467 = arith.addi %mul3A_2, %add3A_466 : i32
      %dma_wait3A_468 = arith.constant 0 : i32
      %dma_wait3A_469 = tpu.memref_slice %arg2[%add3A_467, %dma_wait3A_468] : memref<2048x32000xf32, #tpu.memory_space<hbm>> -> memref<1x32000xf32, #tpu.memory_space<hbm>>
      %dma_wait3A_470 = arith.constant 0 : i32
      %dma_wait3A_471 = tpu.memref_slice %arg2[%add3A_467, %dma_wait3A_470] : memref<2048x32000xf32, #tpu.memory_space<hbm>> -> memref<1x32000xf32, #tpu.memory_space<hbm>>
      tpu.wait_dma2 semaphore(%arg16 : memref<!tpu.dma_semaphore, #tpu.memory_space<semaphore_mem>>) src(%dma_wait3A_471 : memref<1x32000xf32, #tpu.memory_space<hbm>>) dst(%arg12 : memref<1x32000xf32, #tpu.memory_space<vmem>>)
      %broadcast_in_dim3A_472 = arith.constant 0.000000e+00 : f32
      %broadcast_in_dim3A_473 = vector.broadcast %broadcast_in_dim3A_472 : f32 to vector<16xf32>
      %scan3A_474 = arith.constant 0 : i32
      %scan3A_475 = arith.constant 125 : i32
      %scan3A_476 = arith.addi %scan3A_474, %scan3A_475 : i32
      %scan3A_477 = arith.constant 1 : i32
      %scan3A_478:16 = scf.for %scan3A_1301 = %scan3A_474 to %scan3A_476 step %scan3A_477 iter_args(%scan3A_1302 = %broadcast_in_dim3A_473, %scan3A_1303 = %broadcast_in_dim3A_473, %scan3A_1304 = %broadcast_in_dim3A_473, %scan3A_1305 = %broadcast_in_dim3A_473, %scan3A_1306 = %broadcast_in_dim3A_473, %scan3A_1307 = %broadcast_in_dim3A_473, %scan3A_1308 = %broadcast_in_dim3A_473, %scan3A_1309 = %broadcast_in_dim3A_473, %scan3A_1310 = %broadcast_in_dim3A_473, %scan3A_1311 = %broadcast_in_dim3A_473, %scan3A_1312 = %broadcast_in_dim3A_473, %scan3A_1313 = %broadcast_in_dim3A_473, %scan3A_1314 = %broadcast_in_dim3A_473, %scan3A_1315 = %broadcast_in_dim3A_473, %scan3A_1316 = %broadcast_in_dim3A_473, %scan3A_1317 = %broadcast_in_dim3A_473) -> (vector<16xf32>, vector<16xf32>, vector<16xf32>, vector<16xf32>, vector<16xf32>, vector<16xf32>, vector<16xf32>, vector<16xf32>, vector<16xf32>, vector<16xf32>, vector<16xf32>, vector<16xf32>, vector<16xf32>, vector<16xf32>, vector<16xf32>, vector<16xf32>)  : i32 {
        %mul3A_1318 = arith.constant 256 : i32
        %mul3A_1319 = arith.muli %scan3A_1301, %mul3A_1318 : i32
        %add3A_1320 = arith.constant 0 : i32
        %add3A_1321 = arith.addi %mul3A_1319, %add3A_1320 : i32
        %get3A_1322 = arith.constant 0 : i32
        %get3A_1323 = arith.index_cast %get3A_1322 : i32 to index
        %get3A_1324 = arith.index_cast %add3A_1321 : i32 to index
        %get3A_1325 = tpu.vector_load %arg12[%get3A_1323, %get3A_1324] {strides = array<i32>} : memref<1x32000xf32, #tpu.memory_space<vmem>>, vector<1x16xf32>,
        %get3A_1326 = vector.shape_cast %get3A_1325 : vector<1x16xf32> to vector<16xf32>
        %add3A_1327 = arith.addf %scan3A_1302, %get3A_1326 : vector<16xf32>
        %add3A_1328 = arith.constant 16 : i32
        %add3A_1329 = arith.addi %mul3A_1319, %add3A_1328 : i32
        %get3A_1330 = arith.constant 0 : i32
        %get3A_1331 = arith.index_cast %get3A_1330 : i32 to index
        %get3A_1332 = arith.index_cast %add3A_1329 : i32 to index
        %get3A_1333 = tpu.vector_load %arg12[%get3A_1331, %get3A_1332] {strides = array<i32>} : memref<1x32000xf32, #tpu.memory_space<vmem>>, vector<1x16xf32>,
        %get3A_1334 = vector.shape_cast %get3A_1333 : vector<1x16xf32> to vector<16xf32>
        %add3A_1335 = arith.addf %scan3A_1303, %get3A_1334 : vector<16xf32>
        %add3A_1336 = arith.constant 32 : i32
        %add3A_1337 = arith.addi %mul3A_1319, %add3A_1336 : i32
        %get3A_1338 = arith.constant 0 : i32
        %get3A_1339 = arith.index_cast %get3A_1338 : i32 to index
        %get3A_1340 = arith.index_cast %add3A_1337 : i32 to index
        %get3A_1341 = tpu.vector_load %arg12[%get3A_1339, %get3A_1340] {strides = array<i32>} : memref<1x32000xf32, #tpu.memory_space<vmem>>, vector<1x16xf32>,
        %get3A_1342 = vector.shape_cast %get3A_1341 : vector<1x16xf32> to vector<16xf32>
        %add3A_1343 = arith.addf %scan3A_1304, %get3A_1342 : vector<16xf32>
        %add3A_1344 = arith.constant 48 : i32
        %add3A_1345 = arith.addi %mul3A_1319, %add3A_1344 : i32
        %get3A_1346 = arith.constant 0 : i32
        %get3A_1347 = arith.index_cast %get3A_1346 : i32 to index
        %get3A_1348 = arith.index_cast %add3A_1345 : i32 to index
        %get3A_1349 = tpu.vector_load %arg12[%get3A_1347, %get3A_1348] {strides = array<i32>} : memref<1x32000xf32, #tpu.memory_space<vmem>>, vector<1x16xf32>,
        %get3A_1350 = vector.shape_cast %get3A_1349 : vector<1x16xf32> to vector<16xf32>
        %add3A_1351 = arith.addf %scan3A_1305, %get3A_1350 : vector<16xf32>
        %add3A_1352 = arith.constant 64 : i32
        %add3A_1353 = arith.addi %mul3A_1319, %add3A_1352 : i32
        %get3A_1354 = arith.constant 0 : i32
        %get3A_1355 = arith.index_cast %get3A_1354 : i32 to index
        %get3A_1356 = arith.index_cast %add3A_1353 : i32 to index
        %get3A_1357 = tpu.vector_load %arg12[%get3A_1355, %get3A_1356] {strides = array<i32>} : memref<1x32000xf32, #tpu.memory_space<vmem>>, vector<1x16xf32>,
        %get3A_1358 = vector.shape_cast %get3A_1357 : vector<1x16xf32> to vector<16xf32>
        %add3A_1359 = arith.addf %scan3A_1306, %get3A_1358 : vector<16xf32>
        %add3A_1360 = arith.constant 80 : i32
        %add3A_1361 = arith.addi %mul3A_1319, %add3A_1360 : i32
        %get3A_1362 = arith.constant 0 : i32
        %get3A_1363 = arith.index_cast %get3A_1362 : i32 to index
        %get3A_1364 = arith.index_cast %add3A_1361 : i32 to index
        %get3A_1365 = tpu.vector_load %arg12[%get3A_1363, %get3A_1364] {strides = array<i32>} : memref<1x32000xf32, #tpu.memory_space<vmem>>, vector<1x16xf32>,
        %get3A_1366 = vector.shape_cast %get3A_1365 : vector<1x16xf32> to vector<16xf32>
        %add3A_1367 = arith.addf %scan3A_1307, %get3A_1366 : vector<16xf32>
        %add3A_1368 = arith.constant 96 : i32
        %add3A_1369 = arith.addi %mul3A_1319, %add3A_1368 : i32
        %get3A_1370 = arith.constant 0 : i32
        %get3A_1371 = arith.index_cast %get3A_1370 : i32 to index
        %get3A_1372 = arith.index_cast %add3A_1369 : i32 to index
        %get3A_1373 = tpu.vector_load %arg12[%get3A_1371, %get3A_1372] {strides = array<i32>} : memref<1x32000xf32, #tpu.memory_space<vmem>>, vector<1x16xf32>,
        %get3A_1374 = vector.shape_cast %get3A_1373 : vector<1x16xf32> to vector<16xf32>
        %add3A_1375 = arith.addf %scan3A_1308, %get3A_1374 : vector<16xf32>
        %add3A_1376 = arith.constant 112 : i32
        %add3A_1377 = arith.addi %mul3A_1319, %add3A_1376 : i32
        %get3A_1378 = arith.constant 0 : i32
        %get3A_1379 = arith.index_cast %get3A_1378 : i32 to index
        %get3A_1380 = arith.index_cast %add3A_1377 : i32 to index
        %get3A_1381 = tpu.vector_load %arg12[%get3A_1379, %get3A_1380] {strides = array<i32>} : memref<1x32000xf32, #tpu.memory_space<vmem>>, vector<1x16xf32>,
        %get3A_1382 = vector.shape_cast %get3A_1381 : vector<1x16xf32> to vector<16xf32>
        %add3A_1383 = arith.addf %scan3A_1309, %get3A_1382 : vector<16xf32>
        %add3A_1384 = arith.constant 128 : i32
        %add3A_1385 = arith.addi %mul3A_1319, %add3A_1384 : i32
        %get3A_1386 = arith.constant 0 : i32
        %get3A_1387 = arith.index_cast %get3A_1386 : i32 to index
        %get3A_1388 = arith.index_cast %add3A_1385 : i32 to index
        %get3A_1389 = tpu.vector_load %arg12[%get3A_1387, %get3A_1388] {strides = array<i32>} : memref<1x32000xf32, #tpu.memory_space<vmem>>, vector<1x16xf32>,
        %get3A_1390 = vector.shape_cast %get3A_1389 : vector<1x16xf32> to vector<16xf32>
        %add3A_1391 = arith.addf %scan3A_1310, %get3A_1390 : vector<16xf32>
        %add3A_1392 = arith.constant 144 : i32
        %add3A_1393 = arith.addi %mul3A_1319, %add3A_1392 : i32
        %get3A_1394 = arith.constant 0 : i32
        %get3A_1395 = arith.index_cast %get3A_1394 : i32 to index
        %get3A_1396 = arith.index_cast %add3A_1393 : i32 to index
        %get3A_1397 = tpu.vector_load %arg12[%get3A_1395, %get3A_1396] {strides = array<i32>} : memref<1x32000xf32, #tpu.memory_space<vmem>>, vector<1x16xf32>,
        %get3A_1398 = vector.shape_cast %get3A_1397 : vector<1x16xf32> to vector<16xf32>
        %add3A_1399 = arith.addf %scan3A_1311, %get3A_1398 : vector<16xf32>
        %add3A_1400 = arith.constant 160 : i32
        %add3A_1401 = arith.addi %mul3A_1319, %add3A_1400 : i32
        %get3A_1402 = arith.constant 0 : i32
        %get3A_1403 = arith.index_cast %get3A_1402 : i32 to index
        %get3A_1404 = arith.index_cast %add3A_1401 : i32 to index
        %get3A_1405 = tpu.vector_load %arg12[%get3A_1403, %get3A_1404] {strides = array<i32>} : memref<1x32000xf32, #tpu.memory_space<vmem>>, vector<1x16xf32>,
        %get3A_1406 = vector.shape_cast %get3A_1405 : vector<1x16xf32> to vector<16xf32>
        %add3A_1407 = arith.addf %scan3A_1312, %get3A_1406 : vector<16xf32>
        %add3A_1408 = arith.constant 176 : i32
        %add3A_1409 = arith.addi %mul3A_1319, %add3A_1408 : i32
        %get3A_1410 = arith.constant 0 : i32
        %get3A_1411 = arith.index_cast %get3A_1410 : i32 to index
        %get3A_1412 = arith.index_cast %add3A_1409 : i32 to index
        %get3A_1413 = tpu.vector_load %arg12[%get3A_1411, %get3A_1412] {strides = array<i32>} : memref<1x32000xf32, #tpu.memory_space<vmem>>, vector<1x16xf32>,
        %get3A_1414 = vector.shape_cast %get3A_1413 : vector<1x16xf32> to vector<16xf32>
        %add3A_1415 = arith.addf %scan3A_1313, %get3A_1414 : vector<16xf32>
        %add3A_1416 = arith.constant 192 : i32
        %add3A_1417 = arith.addi %mul3A_1319, %add3A_1416 : i32
        %get3A_1418 = arith.constant 0 : i32
        %get3A_1419 = arith.index_cast %get3A_1418 : i32 to index
        %get3A_1420 = arith.index_cast %add3A_1417 : i32 to index
        %get3A_1421 = tpu.vector_load %arg12[%get3A_1419, %get3A_1420] {strides = array<i32>} : memref<1x32000xf32, #tpu.memory_space<vmem>>, vector<1x16xf32>,
        %get3A_1422 = vector.shape_cast %get3A_1421 : vector<1x16xf32> to vector<16xf32>
        %add3A_1423 = arith.addf %scan3A_1314, %get3A_1422 : vector<16xf32>
        %add3A_1424 = arith.constant 208 : i32
        %add3A_1425 = arith.addi %mul3A_1319, %add3A_1424 : i32
        %get3A_1426 = arith.constant 0 : i32
        %get3A_1427 = arith.index_cast %get3A_1426 : i32 to index
        %get3A_1428 = arith.index_cast %add3A_1425 : i32 to index
        %get3A_1429 = tpu.vector_load %arg12[%get3A_1427, %get3A_1428] {strides = array<i32>} : memref<1x32000xf32, #tpu.memory_space<vmem>>, vector<1x16xf32>,
        %get3A_1430 = vector.shape_cast %get3A_1429 : vector<1x16xf32> to vector<16xf32>
        %add3A_1431 = arith.addf %scan3A_1315, %get3A_1430 : vector<16xf32>
        %add3A_1432 = arith.constant 224 : i32
        %add3A_1433 = arith.addi %mul3A_1319, %add3A_1432 : i32
        %get3A_1434 = arith.constant 0 : i32
        %get3A_1435 = arith.index_cast %get3A_1434 : i32 to index
        %get3A_1436 = arith.index_cast %add3A_1433 : i32 to index
        %get3A_1437 = tpu.vector_load %arg12[%get3A_1435, %get3A_1436] {strides = array<i32>} : memref<1x32000xf32, #tpu.memory_space<vmem>>, vector<1x16xf32>,
        %get3A_1438 = vector.shape_cast %get3A_1437 : vector<1x16xf32> to vector<16xf32>
        %add3A_1439 = arith.addf %scan3A_1316, %get3A_1438 : vector<16xf32>
        %add3A_1440 = arith.constant 240 : i32
        %add3A_1441 = arith.addi %mul3A_1319, %add3A_1440 : i32
        %get3A_1442 = arith.constant 0 : i32
        %get3A_1443 = arith.index_cast %get3A_1442 : i32 to index
        %get3A_1444 = arith.index_cast %add3A_1441 : i32 to index
        %get3A_1445 = tpu.vector_load %arg12[%get3A_1443, %get3A_1444] {strides = array<i32>} : memref<1x32000xf32, #tpu.memory_space<vmem>>, vector<1x16xf32>,
        %get3A_1446 = vector.shape_cast %get3A_1445 : vector<1x16xf32> to vector<16xf32>
        %add3A_1447 = arith.addf %scan3A_1317, %get3A_1446 : vector<16xf32>
        scf.yield %add3A_1327, %add3A_1335, %add3A_1343, %add3A_1351, %add3A_1359, %add3A_1367, %add3A_1375, %add3A_1383, %add3A_1391, %add3A_1399, %add3A_1407, %add3A_1415, %add3A_1423, %add3A_1431, %add3A_1439, %add3A_1447 : vector<16xf32>, vector<16xf32>, vector<16xf32>, vector<16xf32>, vector<16xf32>, vector<16xf32>, vector<16xf32>, vector<16xf32>, vector<16xf32>, vector<16xf32>, vector<16xf32>, vector<16xf32>, vector<16xf32>, vector<16xf32>, vector<16xf32>, vector<16xf32>
      }
      %scan3A_479 = arith.constant 125 : i32
      %add3A_480 = arith.addf %scan3A_478#0, %scan3A_478#1 : vector<16xf32>
      %add3A_481 = arith.addf %add3A_480, %scan3A_478#2 : vector<16xf32>
      %add3A_482 = arith.addf %add3A_481, %scan3A_478#3 : vector<16xf32>
      %add3A_483 = arith.addf %add3A_482, %scan3A_478#4 : vector<16xf32>
      %add3A_484 = arith.addf %add3A_483, %scan3A_478#5 : vector<16xf32>
      %add3A_485 = arith.addf %add3A_484, %scan3A_478#6 : vector<16xf32>
      %add3A_486 = arith.addf %add3A_485, %scan3A_478#7 : vector<16xf32>
      %add3A_487 = arith.addf %add3A_486, %scan3A_478#8 : vector<16xf32>
      %add3A_488 = arith.addf %add3A_487, %scan3A_478#9 : vector<16xf32>
      %add3A_489 = arith.addf %add3A_488, %scan3A_478#10 : vector<16xf32>
      %add3A_490 = arith.addf %add3A_489, %scan3A_478#11 : vector<16xf32>
      %add3A_491 = arith.addf %add3A_490, %scan3A_478#12 : vector<16xf32>
      %add3A_492 = arith.addf %add3A_491, %scan3A_478#13 : vector<16xf32>
      %add3A_493 = arith.addf %add3A_492, %scan3A_478#14 : vector<16xf32>
      %add3A_494 = arith.addf %add3A_493, %scan3A_478#15 : vector<16xf32>
      %mul3A_495 = arith.constant 16 : i32
      %mul3A_496 = arith.muli %add3A_466, %mul3A_495 : i32
      %swap3A_497 = arith.index_cast %mul3A_496 : i32 to index
      %swap3A_498 = tpu.vector_load %arg10[%swap3A_497] {strides = array<i32>} : memref<1024xf32, #tpu.memory_space<vmem>>, vector<16xf32>,
      %swap3A_499 = vector.shape_cast %swap3A_498 : vector<16xf32> to vector<16xf32>
      %swap3A_500 = vector.shape_cast %add3A_494 : vector<16xf32> to vector<16xf32>
      tpu.vector_store %arg10[%swap3A_497], %swap3A_500 {strides = array<i32>} : memref<1024xf32, #tpu.memory_space<vmem>>, vector<16xf32>,
      %slice3A_501 = vector.extract_strided_slice %get3A_93 {offsets = [5], sizes = [1], strides = [1]} : vector<16xi32> to vector<1xi32>
      %squeeze3A_502 = vector.extract %slice3A_501[0] : i32 from vector<1xi32>
      %shift_right_arithmetic3A_503 = arith.constant 4 : i32
      %shift_right_arithmetic3A_504 = arith.shrsi %squeeze3A_502, %shift_right_arithmetic3A_503 : i32
      %mul3A_505 = arith.constant 16 : i32
      %mul3A_506 = arith.muli %shift_right_arithmetic3A_504, %mul3A_505 : i32
      %get3A_507 = arith.constant 0 : i32
      %get3A_508 = arith.index_cast %get3A_507 : i32 to index
      %get3A_509 = arith.index_cast %mul3A_506 : i32 to index
      %get3A_510 = tpu.vector_load %arg12[%get3A_508, %get3A_509] {strides = array<i32>} : memref<1x32000xf32, #tpu.memory_space<vmem>>, vector<1x16xf32>,
      %get3A_511 = vector.shape_cast %get3A_510 : vector<1x16xf32> to vector<16xf32>
      %and3A_512 = arith.constant 15 : i32
      %and3A_513 = arith.andi %squeeze3A_502, %and3A_512 : i32
      %eq3A_514 = vector.broadcast %and3A_513 : i32 to vector<16xi32>
      %eq3A_515 = arith.cmpi eq, %iota3A, %eq3A_514 : vector<16xi32>
      %jit3A_516 = arith.constant 0.000000e+00 : f32
      %broadcast_in_dim3A_517 = vector.broadcast %jit3A_516 : f32 to vector<16xf32>
      %select_n3A_518 = arith.select %eq3A_515, %get3A_511, %broadcast_in_dim3A_517 : vector<16xi1>, vector<16xf32>
      %ne3A_519 = arith.constant 0 : i32
      %ne3A_520 = arith.cmpi ne, %squeeze3A_502, %ne3A_519 : i32
      %jit3A_521 = arith.constant 1.000000e+00 : f32
      %jit3A_522 = arith.constant 0.000000e+00 : f32
      %select_n3A_523 = arith.select %ne3A_520, %jit3A_521, %jit3A_522 : f32
      %get3A_524 = arith.constant 0 : index
      %get3A_525 = tpu.vector_load %arg8[%get3A_524] {strides = array<i32>} : memref<16xf32, #tpu.memory_space<vmem>>, vector<16xf32>,
      %get3A_526 = vector.shape_cast %get3A_525 : vector<16xf32> to vector<16xf32>
      %mul3A_527 = vector.broadcast %select_n3A_523 : f32 to vector<16xf32>
      %mul3A_528 = arith.mulf %select_n3A_518, %mul3A_527 : vector<16xf32>
      %add3A_529 = arith.addf %get3A_526, %mul3A_528 : vector<16xf32>
      %swap3A_530 = arith.constant 0 : index
      %swap3A_531 = tpu.vector_load %arg8[%swap3A_530] {strides = array<i32>} : memref<16xf32, #tpu.memory_space<vmem>>, vector<16xf32>,
      %swap3A_532 = vector.shape_cast %swap3A_531 : vector<16xf32> to vector<16xf32>
      %swap3A_533 = vector.shape_cast %add3A_529 : vector<16xf32> to vector<16xf32>
      tpu.vector_store %arg8[%swap3A_530], %swap3A_533 {strides = array<i32>} : memref<16xf32, #tpu.memory_space<vmem>>, vector<16xf32>,
      %add3A_534 = arith.constant 4 : i32
      %add3A_535 = arith.addi %add3A_466, %add3A_534 : i32
      %lt3A_536 = arith.constant 64 : i32
      %lt3A_537 = arith.cmpi slt, %add3A_535, %lt3A_536 : i32
      %convert_element_type3A_538 = arith.extui %lt3A_537 : i1 to i32
      %cond3A_539 = arith.constant 0 : i32
      %cond3A_540 = arith.cmpi ne, %convert_element_type3A_538, %cond3A_539 : i32
      scf.if %cond3A_540 {
        %add3A_1301 = arith.addi %mul3A_2, %add3A_466 : i32
        %add3A_1302 = arith.constant 4 : i32
        %add3A_1303 = arith.addi %add3A_1301, %add3A_1302 : i32
        %dma_start3A_1304 = arith.constant 0 : i32
        %dma_start3A_1305 = tpu.memref_slice %arg2[%add3A_1303, %dma_start3A_1304] : memref<2048x32000xf32, #tpu.memory_space<hbm>> -> memref<1x32000xf32, #tpu.memory_space<hbm>>
        %dma_start3A_1306 = arith.constant 0 : i32
        %dma_start3A_1307 = tpu.memref_slice %arg2[%add3A_1303, %dma_start3A_1306] : memref<2048x32000xf32, #tpu.memory_space<hbm>> -> memref<1x32000xf32, #tpu.memory_space<hbm>>
        tpu.enqueue_dma source(%dma_start3A_1307 : memref<1x32000xf32, #tpu.memory_space<hbm>>) target(%arg12 : memref<1x32000xf32, #tpu.memory_space<vmem>>) target_semaphore(%arg16 : memref<!tpu.dma_semaphore, #tpu.memory_space<semaphore_mem>>)
      } else {
      }
      %add3A_541 = arith.constant 6 : i32
      %add3A_542 = arith.addi %mul3A_90, %add3A_541 : i32
      %add3A_543 = arith.addi %mul3A_2, %add3A_542 : i32
      %dma_wait3A_544 = arith.constant 0 : i32
      %dma_wait3A_545 = tpu.memref_slice %arg2[%add3A_543, %dma_wait3A_544] : memref<2048x32000xf32, #tpu.memory_space<hbm>> -> memref<1x32000xf32, #tpu.memory_space<hbm>>
      %dma_wait3A_546 = arith.constant 0 : i32
      %dma_wait3A_547 = tpu.memref_slice %arg2[%add3A_543, %dma_wait3A_546] : memref<2048x32000xf32, #tpu.memory_space<hbm>> -> memref<1x32000xf32, #tpu.memory_space<hbm>>
      tpu.wait_dma2 semaphore(%arg17 : memref<!tpu.dma_semaphore, #tpu.memory_space<semaphore_mem>>) src(%dma_wait3A_547 : memref<1x32000xf32, #tpu.memory_space<hbm>>) dst(%arg13 : memref<1x32000xf32, #tpu.memory_space<vmem>>)
      %broadcast_in_dim3A_548 = arith.constant 0.000000e+00 : f32
      %broadcast_in_dim3A_549 = vector.broadcast %broadcast_in_dim3A_548 : f32 to vector<16xf32>
      %scan3A_550 = arith.constant 0 : i32
      %scan3A_551 = arith.constant 125 : i32
      %scan3A_552 = arith.addi %scan3A_550, %scan3A_551 : i32
      %scan3A_553 = arith.constant 1 : i32
      %scan3A_554:16 = scf.for %scan3A_1301 = %scan3A_550 to %scan3A_552 step %scan3A_553 iter_args(%scan3A_1302 = %broadcast_in_dim3A_549, %scan3A_1303 = %broadcast_in_dim3A_549, %scan3A_1304 = %broadcast_in_dim3A_549, %scan3A_1305 = %broadcast_in_dim3A_549, %scan3A_1306 = %broadcast_in_dim3A_549, %scan3A_1307 = %broadcast_in_dim3A_549, %scan3A_1308 = %broadcast_in_dim3A_549, %scan3A_1309 = %broadcast_in_dim3A_549, %scan3A_1310 = %broadcast_in_dim3A_549, %scan3A_1311 = %broadcast_in_dim3A_549, %scan3A_1312 = %broadcast_in_dim3A_549, %scan3A_1313 = %broadcast_in_dim3A_549, %scan3A_1314 = %broadcast_in_dim3A_549, %scan3A_1315 = %broadcast_in_dim3A_549, %scan3A_1316 = %broadcast_in_dim3A_549, %scan3A_1317 = %broadcast_in_dim3A_549) -> (vector<16xf32>, vector<16xf32>, vector<16xf32>, vector<16xf32>, vector<16xf32>, vector<16xf32>, vector<16xf32>, vector<16xf32>, vector<16xf32>, vector<16xf32>, vector<16xf32>, vector<16xf32>, vector<16xf32>, vector<16xf32>, vector<16xf32>, vector<16xf32>)  : i32 {
        %mul3A_1318 = arith.constant 256 : i32
        %mul3A_1319 = arith.muli %scan3A_1301, %mul3A_1318 : i32
        %add3A_1320 = arith.constant 0 : i32
        %add3A_1321 = arith.addi %mul3A_1319, %add3A_1320 : i32
        %get3A_1322 = arith.constant 0 : i32
        %get3A_1323 = arith.index_cast %get3A_1322 : i32 to index
        %get3A_1324 = arith.index_cast %add3A_1321 : i32 to index
        %get3A_1325 = tpu.vector_load %arg13[%get3A_1323, %get3A_1324] {strides = array<i32>} : memref<1x32000xf32, #tpu.memory_space<vmem>>, vector<1x16xf32>,
        %get3A_1326 = vector.shape_cast %get3A_1325 : vector<1x16xf32> to vector<16xf32>
        %add3A_1327 = arith.addf %scan3A_1302, %get3A_1326 : vector<16xf32>
        %add3A_1328 = arith.constant 16 : i32
        %add3A_1329 = arith.addi %mul3A_1319, %add3A_1328 : i32
        %get3A_1330 = arith.constant 0 : i32
        %get3A_1331 = arith.index_cast %get3A_1330 : i32 to index
        %get3A_1332 = arith.index_cast %add3A_1329 : i32 to index
        %get3A_1333 = tpu.vector_load %arg13[%get3A_1331, %get3A_1332] {strides = array<i32>} : memref<1x32000xf32, #tpu.memory_space<vmem>>, vector<1x16xf32>,
        %get3A_1334 = vector.shape_cast %get3A_1333 : vector<1x16xf32> to vector<16xf32>
        %add3A_1335 = arith.addf %scan3A_1303, %get3A_1334 : vector<16xf32>
        %add3A_1336 = arith.constant 32 : i32
        %add3A_1337 = arith.addi %mul3A_1319, %add3A_1336 : i32
        %get3A_1338 = arith.constant 0 : i32
        %get3A_1339 = arith.index_cast %get3A_1338 : i32 to index
        %get3A_1340 = arith.index_cast %add3A_1337 : i32 to index
        %get3A_1341 = tpu.vector_load %arg13[%get3A_1339, %get3A_1340] {strides = array<i32>} : memref<1x32000xf32, #tpu.memory_space<vmem>>, vector<1x16xf32>,
        %get3A_1342 = vector.shape_cast %get3A_1341 : vector<1x16xf32> to vector<16xf32>
        %add3A_1343 = arith.addf %scan3A_1304, %get3A_1342 : vector<16xf32>
        %add3A_1344 = arith.constant 48 : i32
        %add3A_1345 = arith.addi %mul3A_1319, %add3A_1344 : i32
        %get3A_1346 = arith.constant 0 : i32
        %get3A_1347 = arith.index_cast %get3A_1346 : i32 to index
        %get3A_1348 = arith.index_cast %add3A_1345 : i32 to index
        %get3A_1349 = tpu.vector_load %arg13[%get3A_1347, %get3A_1348] {strides = array<i32>} : memref<1x32000xf32, #tpu.memory_space<vmem>>, vector<1x16xf32>,
        %get3A_1350 = vector.shape_cast %get3A_1349 : vector<1x16xf32> to vector<16xf32>
        %add3A_1351 = arith.addf %scan3A_1305, %get3A_1350 : vector<16xf32>
        %add3A_1352 = arith.constant 64 : i32
        %add3A_1353 = arith.addi %mul3A_1319, %add3A_1352 : i32
        %get3A_1354 = arith.constant 0 : i32
        %get3A_1355 = arith.index_cast %get3A_1354 : i32 to index
        %get3A_1356 = arith.index_cast %add3A_1353 : i32 to index
        %get3A_1357 = tpu.vector_load %arg13[%get3A_1355, %get3A_1356] {strides = array<i32>} : memref<1x32000xf32, #tpu.memory_space<vmem>>, vector<1x16xf32>,
        %get3A_1358 = vector.shape_cast %get3A_1357 : vector<1x16xf32> to vector<16xf32>
        %add3A_1359 = arith.addf %scan3A_1306, %get3A_1358 : vector<16xf32>
        %add3A_1360 = arith.constant 80 : i32
        %add3A_1361 = arith.addi %mul3A_1319, %add3A_1360 : i32
        %get3A_1362 = arith.constant 0 : i32
        %get3A_1363 = arith.index_cast %get3A_1362 : i32 to index
        %get3A_1364 = arith.index_cast %add3A_1361 : i32 to index
        %get3A_1365 = tpu.vector_load %arg13[%get3A_1363, %get3A_1364] {strides = array<i32>} : memref<1x32000xf32, #tpu.memory_space<vmem>>, vector<1x16xf32>,
        %get3A_1366 = vector.shape_cast %get3A_1365 : vector<1x16xf32> to vector<16xf32>
        %add3A_1367 = arith.addf %scan3A_1307, %get3A_1366 : vector<16xf32>
        %add3A_1368 = arith.constant 96 : i32
        %add3A_1369 = arith.addi %mul3A_1319, %add3A_1368 : i32
        %get3A_1370 = arith.constant 0 : i32
        %get3A_1371 = arith.index_cast %get3A_1370 : i32 to index
        %get3A_1372 = arith.index_cast %add3A_1369 : i32 to index
        %get3A_1373 = tpu.vector_load %arg13[%get3A_1371, %get3A_1372] {strides = array<i32>} : memref<1x32000xf32, #tpu.memory_space<vmem>>, vector<1x16xf32>,
        %get3A_1374 = vector.shape_cast %get3A_1373 : vector<1x16xf32> to vector<16xf32>
        %add3A_1375 = arith.addf %scan3A_1308, %get3A_1374 : vector<16xf32>
        %add3A_1376 = arith.constant 112 : i32
        %add3A_1377 = arith.addi %mul3A_1319, %add3A_1376 : i32
        %get3A_1378 = arith.constant 0 : i32
        %get3A_1379 = arith.index_cast %get3A_1378 : i32 to index
        %get3A_1380 = arith.index_cast %add3A_1377 : i32 to index
        %get3A_1381 = tpu.vector_load %arg13[%get3A_1379, %get3A_1380] {strides = array<i32>} : memref<1x32000xf32, #tpu.memory_space<vmem>>, vector<1x16xf32>,
        %get3A_1382 = vector.shape_cast %get3A_1381 : vector<1x16xf32> to vector<16xf32>
        %add3A_1383 = arith.addf %scan3A_1309, %get3A_1382 : vector<16xf32>
        %add3A_1384 = arith.constant 128 : i32
        %add3A_1385 = arith.addi %mul3A_1319, %add3A_1384 : i32
        %get3A_1386 = arith.constant 0 : i32
        %get3A_1387 = arith.index_cast %get3A_1386 : i32 to index
        %get3A_1388 = arith.index_cast %add3A_1385 : i32 to index
        %get3A_1389 = tpu.vector_load %arg13[%get3A_1387, %get3A_1388] {strides = array<i32>} : memref<1x32000xf32, #tpu.memory_space<vmem>>, vector<1x16xf32>,
        %get3A_1390 = vector.shape_cast %get3A_1389 : vector<1x16xf32> to vector<16xf32>
        %add3A_1391 = arith.addf %scan3A_1310, %get3A_1390 : vector<16xf32>
        %add3A_1392 = arith.constant 144 : i32
        %add3A_1393 = arith.addi %mul3A_1319, %add3A_1392 : i32
        %get3A_1394 = arith.constant 0 : i32
        %get3A_1395 = arith.index_cast %get3A_1394 : i32 to index
        %get3A_1396 = arith.index_cast %add3A_1393 : i32 to index
        %get3A_1397 = tpu.vector_load %arg13[%get3A_1395, %get3A_1396] {strides = array<i32>} : memref<1x32000xf32, #tpu.memory_space<vmem>>, vector<1x16xf32>,
        %get3A_1398 = vector.shape_cast %get3A_1397 : vector<1x16xf32> to vector<16xf32>
        %add3A_1399 = arith.addf %scan3A_1311, %get3A_1398 : vector<16xf32>
        %add3A_1400 = arith.constant 160 : i32
        %add3A_1401 = arith.addi %mul3A_1319, %add3A_1400 : i32
        %get3A_1402 = arith.constant 0 : i32
        %get3A_1403 = arith.index_cast %get3A_1402 : i32 to index
        %get3A_1404 = arith.index_cast %add3A_1401 : i32 to index
        %get3A_1405 = tpu.vector_load %arg13[%get3A_1403, %get3A_1404] {strides = array<i32>} : memref<1x32000xf32, #tpu.memory_space<vmem>>, vector<1x16xf32>,
        %get3A_1406 = vector.shape_cast %get3A_1405 : vector<1x16xf32> to vector<16xf32>
        %add3A_1407 = arith.addf %scan3A_1312, %get3A_1406 : vector<16xf32>
        %add3A_1408 = arith.constant 176 : i32
        %add3A_1409 = arith.addi %mul3A_1319, %add3A_1408 : i32
        %get3A_1410 = arith.constant 0 : i32
        %get3A_1411 = arith.index_cast %get3A_1410 : i32 to index
        %get3A_1412 = arith.index_cast %add3A_1409 : i32 to index
        %get3A_1413 = tpu.vector_load %arg13[%get3A_1411, %get3A_1412] {strides = array<i32>} : memref<1x32000xf32, #tpu.memory_space<vmem>>, vector<1x16xf32>,
        %get3A_1414 = vector.shape_cast %get3A_1413 : vector<1x16xf32> to vector<16xf32>
        %add3A_1415 = arith.addf %scan3A_1313, %get3A_1414 : vector<16xf32>
        %add3A_1416 = arith.constant 192 : i32
        %add3A_1417 = arith.addi %mul3A_1319, %add3A_1416 : i32
        %get3A_1418 = arith.constant 0 : i32
        %get3A_1419 = arith.index_cast %get3A_1418 : i32 to index
        %get3A_1420 = arith.index_cast %add3A_1417 : i32 to index
        %get3A_1421 = tpu.vector_load %arg13[%get3A_1419, %get3A_1420] {strides = array<i32>} : memref<1x32000xf32, #tpu.memory_space<vmem>>, vector<1x16xf32>,
        %get3A_1422 = vector.shape_cast %get3A_1421 : vector<1x16xf32> to vector<16xf32>
        %add3A_1423 = arith.addf %scan3A_1314, %get3A_1422 : vector<16xf32>
        %add3A_1424 = arith.constant 208 : i32
        %add3A_1425 = arith.addi %mul3A_1319, %add3A_1424 : i32
        %get3A_1426 = arith.constant 0 : i32
        %get3A_1427 = arith.index_cast %get3A_1426 : i32 to index
        %get3A_1428 = arith.index_cast %add3A_1425 : i32 to index
        %get3A_1429 = tpu.vector_load %arg13[%get3A_1427, %get3A_1428] {strides = array<i32>} : memref<1x32000xf32, #tpu.memory_space<vmem>>, vector<1x16xf32>,
        %get3A_1430 = vector.shape_cast %get3A_1429 : vector<1x16xf32> to vector<16xf32>
        %add3A_1431 = arith.addf %scan3A_1315, %get3A_1430 : vector<16xf32>
        %add3A_1432 = arith.constant 224 : i32
        %add3A_1433 = arith.addi %mul3A_1319, %add3A_1432 : i32
        %get3A_1434 = arith.constant 0 : i32
        %get3A_1435 = arith.index_cast %get3A_1434 : i32 to index
        %get3A_1436 = arith.index_cast %add3A_1433 : i32 to index
        %get3A_1437 = tpu.vector_load %arg13[%get3A_1435, %get3A_1436] {strides = array<i32>} : memref<1x32000xf32, #tpu.memory_space<vmem>>, vector<1x16xf32>,
        %get3A_1438 = vector.shape_cast %get3A_1437 : vector<1x16xf32> to vector<16xf32>
        %add3A_1439 = arith.addf %scan3A_1316, %get3A_1438 : vector<16xf32>
        %add3A_1440 = arith.constant 240 : i32
        %add3A_1441 = arith.addi %mul3A_1319, %add3A_1440 : i32
        %get3A_1442 = arith.constant 0 : i32
        %get3A_1443 = arith.index_cast %get3A_1442 : i32 to index
        %get3A_1444 = arith.index_cast %add3A_1441 : i32 to index
        %get3A_1445 = tpu.vector_load %arg13[%get3A_1443, %get3A_1444] {strides = array<i32>} : memref<1x32000xf32, #tpu.memory_space<vmem>>, vector<1x16xf32>,
        %get3A_1446 = vector.shape_cast %get3A_1445 : vector<1x16xf32> to vector<16xf32>
        %add3A_1447 = arith.addf %scan3A_1317, %get3A_1446 : vector<16xf32>
        scf.yield %add3A_1327, %add3A_1335, %add3A_1343, %add3A_1351, %add3A_1359, %add3A_1367, %add3A_1375, %add3A_1383, %add3A_1391, %add3A_1399, %add3A_1407, %add3A_1415, %add3A_1423, %add3A_1431, %add3A_1439, %add3A_1447 : vector<16xf32>, vector<16xf32>, vector<16xf32>, vector<16xf32>, vector<16xf32>, vector<16xf32>, vector<16xf32>, vector<16xf32>, vector<16xf32>, vector<16xf32>, vector<16xf32>, vector<16xf32>, vector<16xf32>, vector<16xf32>, vector<16xf32>, vector<16xf32>
      }
      %scan3A_555 = arith.constant 125 : i32
      %add3A_556 = arith.addf %scan3A_554#0, %scan3A_554#1 : vector<16xf32>
      %add3A_557 = arith.addf %add3A_556, %scan3A_554#2 : vector<16xf32>
      %add3A_558 = arith.addf %add3A_557, %scan3A_554#3 : vector<16xf32>
      %add3A_559 = arith.addf %add3A_558, %scan3A_554#4 : vector<16xf32>
      %add3A_560 = arith.addf %add3A_559, %scan3A_554#5 : vector<16xf32>
      %add3A_561 = arith.addf %add3A_560, %scan3A_554#6 : vector<16xf32>
      %add3A_562 = arith.addf %add3A_561, %scan3A_554#7 : vector<16xf32>
      %add3A_563 = arith.addf %add3A_562, %scan3A_554#8 : vector<16xf32>
      %add3A_564 = arith.addf %add3A_563, %scan3A_554#9 : vector<16xf32>
      %add3A_565 = arith.addf %add3A_564, %scan3A_554#10 : vector<16xf32>
      %add3A_566 = arith.addf %add3A_565, %scan3A_554#11 : vector<16xf32>
      %add3A_567 = arith.addf %add3A_566, %scan3A_554#12 : vector<16xf32>
      %add3A_568 = arith.addf %add3A_567, %scan3A_554#13 : vector<16xf32>
      %add3A_569 = arith.addf %add3A_568, %scan3A_554#14 : vector<16xf32>
      %add3A_570 = arith.addf %add3A_569, %scan3A_554#15 : vector<16xf32>
      %mul3A_571 = arith.constant 16 : i32
      %mul3A_572 = arith.muli %add3A_542, %mul3A_571 : i32
      %swap3A_573 = arith.index_cast %mul3A_572 : i32 to index
      %swap3A_574 = tpu.vector_load %arg10[%swap3A_573] {strides = array<i32>} : memref<1024xf32, #tpu.memory_space<vmem>>, vector<16xf32>,
      %swap3A_575 = vector.shape_cast %swap3A_574 : vector<16xf32> to vector<16xf32>
      %swap3A_576 = vector.shape_cast %add3A_570 : vector<16xf32> to vector<16xf32>
      tpu.vector_store %arg10[%swap3A_573], %swap3A_576 {strides = array<i32>} : memref<1024xf32, #tpu.memory_space<vmem>>, vector<16xf32>,
      %slice3A_577 = vector.extract_strided_slice %get3A_93 {offsets = [6], sizes = [1], strides = [1]} : vector<16xi32> to vector<1xi32>
      %squeeze3A_578 = vector.extract %slice3A_577[0] : i32 from vector<1xi32>
      %shift_right_arithmetic3A_579 = arith.constant 4 : i32
      %shift_right_arithmetic3A_580 = arith.shrsi %squeeze3A_578, %shift_right_arithmetic3A_579 : i32
      %mul3A_581 = arith.constant 16 : i32
      %mul3A_582 = arith.muli %shift_right_arithmetic3A_580, %mul3A_581 : i32
      %get3A_583 = arith.constant 0 : i32
      %get3A_584 = arith.index_cast %get3A_583 : i32 to index
      %get3A_585 = arith.index_cast %mul3A_582 : i32 to index
      %get3A_586 = tpu.vector_load %arg13[%get3A_584, %get3A_585] {strides = array<i32>} : memref<1x32000xf32, #tpu.memory_space<vmem>>, vector<1x16xf32>,
      %get3A_587 = vector.shape_cast %get3A_586 : vector<1x16xf32> to vector<16xf32>
      %and3A_588 = arith.constant 15 : i32
      %and3A_589 = arith.andi %squeeze3A_578, %and3A_588 : i32
      %eq3A_590 = vector.broadcast %and3A_589 : i32 to vector<16xi32>
      %eq3A_591 = arith.cmpi eq, %iota3A, %eq3A_590 : vector<16xi32>
      %jit3A_592 = arith.constant 0.000000e+00 : f32
      %broadcast_in_dim3A_593 = vector.broadcast %jit3A_592 : f32 to vector<16xf32>
      %select_n3A_594 = arith.select %eq3A_591, %get3A_587, %broadcast_in_dim3A_593 : vector<16xi1>, vector<16xf32>
      %ne3A_595 = arith.constant 0 : i32
      %ne3A_596 = arith.cmpi ne, %squeeze3A_578, %ne3A_595 : i32
      %jit3A_597 = arith.constant 1.000000e+00 : f32
      %jit3A_598 = arith.constant 0.000000e+00 : f32
      %select_n3A_599 = arith.select %ne3A_596, %jit3A_597, %jit3A_598 : f32
      %get3A_600 = arith.constant 0 : index
      %get3A_601 = tpu.vector_load %arg8[%get3A_600] {strides = array<i32>} : memref<16xf32, #tpu.memory_space<vmem>>, vector<16xf32>,
      %get3A_602 = vector.shape_cast %get3A_601 : vector<16xf32> to vector<16xf32>
      %mul3A_603 = vector.broadcast %select_n3A_599 : f32 to vector<16xf32>
      %mul3A_604 = arith.mulf %select_n3A_594, %mul3A_603 : vector<16xf32>
      %add3A_605 = arith.addf %get3A_602, %mul3A_604 : vector<16xf32>
      %swap3A_606 = arith.constant 0 : index
      %swap3A_607 = tpu.vector_load %arg8[%swap3A_606] {strides = array<i32>} : memref<16xf32, #tpu.memory_space<vmem>>, vector<16xf32>,
      %swap3A_608 = vector.shape_cast %swap3A_607 : vector<16xf32> to vector<16xf32>
      %swap3A_609 = vector.shape_cast %add3A_605 : vector<16xf32> to vector<16xf32>
      tpu.vector_store %arg8[%swap3A_606], %swap3A_609 {strides = array<i32>} : memref<16xf32, #tpu.memory_space<vmem>>, vector<16xf32>,
      %add3A_610 = arith.constant 4 : i32
      %add3A_611 = arith.addi %add3A_542, %add3A_610 : i32
      %lt3A_612 = arith.constant 64 : i32
      %lt3A_613 = arith.cmpi slt, %add3A_611, %lt3A_612 : i32
      %convert_element_type3A_614 = arith.extui %lt3A_613 : i1 to i32
      %cond3A_615 = arith.constant 0 : i32
      %cond3A_616 = arith.cmpi ne, %convert_element_type3A_614, %cond3A_615 : i32
      scf.if %cond3A_616 {
        %add3A_1301 = arith.addi %mul3A_2, %add3A_542 : i32
        %add3A_1302 = arith.constant 4 : i32
        %add3A_1303 = arith.addi %add3A_1301, %add3A_1302 : i32
        %dma_start3A_1304 = arith.constant 0 : i32
        %dma_start3A_1305 = tpu.memref_slice %arg2[%add3A_1303, %dma_start3A_1304] : memref<2048x32000xf32, #tpu.memory_space<hbm>> -> memref<1x32000xf32, #tpu.memory_space<hbm>>
        %dma_start3A_1306 = arith.constant 0 : i32
        %dma_start3A_1307 = tpu.memref_slice %arg2[%add3A_1303, %dma_start3A_1306] : memref<2048x32000xf32, #tpu.memory_space<hbm>> -> memref<1x32000xf32, #tpu.memory_space<hbm>>
        tpu.enqueue_dma source(%dma_start3A_1307 : memref<1x32000xf32, #tpu.memory_space<hbm>>) target(%arg13 : memref<1x32000xf32, #tpu.memory_space<vmem>>) target_semaphore(%arg17 : memref<!tpu.dma_semaphore, #tpu.memory_space<semaphore_mem>>)
      } else {
      }
      %add3A_617 = arith.constant 7 : i32
      %add3A_618 = arith.addi %mul3A_90, %add3A_617 : i32
      %add3A_619 = arith.addi %mul3A_2, %add3A_618 : i32
      %dma_wait3A_620 = arith.constant 0 : i32
      %dma_wait3A_621 = tpu.memref_slice %arg2[%add3A_619, %dma_wait3A_620] : memref<2048x32000xf32, #tpu.memory_space<hbm>> -> memref<1x32000xf32, #tpu.memory_space<hbm>>
      %dma_wait3A_622 = arith.constant 0 : i32
      %dma_wait3A_623 = tpu.memref_slice %arg2[%add3A_619, %dma_wait3A_622] : memref<2048x32000xf32, #tpu.memory_space<hbm>> -> memref<1x32000xf32, #tpu.memory_space<hbm>>
      tpu.wait_dma2 semaphore(%arg18 : memref<!tpu.dma_semaphore, #tpu.memory_space<semaphore_mem>>) src(%dma_wait3A_623 : memref<1x32000xf32, #tpu.memory_space<hbm>>) dst(%arg14 : memref<1x32000xf32, #tpu.memory_space<vmem>>)
      %broadcast_in_dim3A_624 = arith.constant 0.000000e+00 : f32
      %broadcast_in_dim3A_625 = vector.broadcast %broadcast_in_dim3A_624 : f32 to vector<16xf32>
      %scan3A_626 = arith.constant 0 : i32
      %scan3A_627 = arith.constant 125 : i32
      %scan3A_628 = arith.addi %scan3A_626, %scan3A_627 : i32
      %scan3A_629 = arith.constant 1 : i32
      %scan3A_630:16 = scf.for %scan3A_1301 = %scan3A_626 to %scan3A_628 step %scan3A_629 iter_args(%scan3A_1302 = %broadcast_in_dim3A_625, %scan3A_1303 = %broadcast_in_dim3A_625, %scan3A_1304 = %broadcast_in_dim3A_625, %scan3A_1305 = %broadcast_in_dim3A_625, %scan3A_1306 = %broadcast_in_dim3A_625, %scan3A_1307 = %broadcast_in_dim3A_625, %scan3A_1308 = %broadcast_in_dim3A_625, %scan3A_1309 = %broadcast_in_dim3A_625, %scan3A_1310 = %broadcast_in_dim3A_625, %scan3A_1311 = %broadcast_in_dim3A_625, %scan3A_1312 = %broadcast_in_dim3A_625, %scan3A_1313 = %broadcast_in_dim3A_625, %scan3A_1314 = %broadcast_in_dim3A_625, %scan3A_1315 = %broadcast_in_dim3A_625, %scan3A_1316 = %broadcast_in_dim3A_625, %scan3A_1317 = %broadcast_in_dim3A_625) -> (vector<16xf32>, vector<16xf32>, vector<16xf32>, vector<16xf32>, vector<16xf32>, vector<16xf32>, vector<16xf32>, vector<16xf32>, vector<16xf32>, vector<16xf32>, vector<16xf32>, vector<16xf32>, vector<16xf32>, vector<16xf32>, vector<16xf32>, vector<16xf32>)  : i32 {
        %mul3A_1318 = arith.constant 256 : i32
        %mul3A_1319 = arith.muli %scan3A_1301, %mul3A_1318 : i32
        %add3A_1320 = arith.constant 0 : i32
        %add3A_1321 = arith.addi %mul3A_1319, %add3A_1320 : i32
        %get3A_1322 = arith.constant 0 : i32
        %get3A_1323 = arith.index_cast %get3A_1322 : i32 to index
        %get3A_1324 = arith.index_cast %add3A_1321 : i32 to index
        %get3A_1325 = tpu.vector_load %arg14[%get3A_1323, %get3A_1324] {strides = array<i32>} : memref<1x32000xf32, #tpu.memory_space<vmem>>, vector<1x16xf32>,
        %get3A_1326 = vector.shape_cast %get3A_1325 : vector<1x16xf32> to vector<16xf32>
        %add3A_1327 = arith.addf %scan3A_1302, %get3A_1326 : vector<16xf32>
        %add3A_1328 = arith.constant 16 : i32
        %add3A_1329 = arith.addi %mul3A_1319, %add3A_1328 : i32
        %get3A_1330 = arith.constant 0 : i32
        %get3A_1331 = arith.index_cast %get3A_1330 : i32 to index
        %get3A_1332 = arith.index_cast %add3A_1329 : i32 to index
        %get3A_1333 = tpu.vector_load %arg14[%get3A_1331, %get3A_1332] {strides = array<i32>} : memref<1x32000xf32, #tpu.memory_space<vmem>>, vector<1x16xf32>,
        %get3A_1334 = vector.shape_cast %get3A_1333 : vector<1x16xf32> to vector<16xf32>
        %add3A_1335 = arith.addf %scan3A_1303, %get3A_1334 : vector<16xf32>
        %add3A_1336 = arith.constant 32 : i32
        %add3A_1337 = arith.addi %mul3A_1319, %add3A_1336 : i32
        %get3A_1338 = arith.constant 0 : i32
        %get3A_1339 = arith.index_cast %get3A_1338 : i32 to index
        %get3A_1340 = arith.index_cast %add3A_1337 : i32 to index
        %get3A_1341 = tpu.vector_load %arg14[%get3A_1339, %get3A_1340] {strides = array<i32>} : memref<1x32000xf32, #tpu.memory_space<vmem>>, vector<1x16xf32>,
        %get3A_1342 = vector.shape_cast %get3A_1341 : vector<1x16xf32> to vector<16xf32>
        %add3A_1343 = arith.addf %scan3A_1304, %get3A_1342 : vector<16xf32>
        %add3A_1344 = arith.constant 48 : i32
        %add3A_1345 = arith.addi %mul3A_1319, %add3A_1344 : i32
        %get3A_1346 = arith.constant 0 : i32
        %get3A_1347 = arith.index_cast %get3A_1346 : i32 to index
        %get3A_1348 = arith.index_cast %add3A_1345 : i32 to index
        %get3A_1349 = tpu.vector_load %arg14[%get3A_1347, %get3A_1348] {strides = array<i32>} : memref<1x32000xf32, #tpu.memory_space<vmem>>, vector<1x16xf32>,
        %get3A_1350 = vector.shape_cast %get3A_1349 : vector<1x16xf32> to vector<16xf32>
        %add3A_1351 = arith.addf %scan3A_1305, %get3A_1350 : vector<16xf32>
        %add3A_1352 = arith.constant 64 : i32
        %add3A_1353 = arith.addi %mul3A_1319, %add3A_1352 : i32
        %get3A_1354 = arith.constant 0 : i32
        %get3A_1355 = arith.index_cast %get3A_1354 : i32 to index
        %get3A_1356 = arith.index_cast %add3A_1353 : i32 to index
        %get3A_1357 = tpu.vector_load %arg14[%get3A_1355, %get3A_1356] {strides = array<i32>} : memref<1x32000xf32, #tpu.memory_space<vmem>>, vector<1x16xf32>,
        %get3A_1358 = vector.shape_cast %get3A_1357 : vector<1x16xf32> to vector<16xf32>
        %add3A_1359 = arith.addf %scan3A_1306, %get3A_1358 : vector<16xf32>
        %add3A_1360 = arith.constant 80 : i32
        %add3A_1361 = arith.addi %mul3A_1319, %add3A_1360 : i32
        %get3A_1362 = arith.constant 0 : i32
        %get3A_1363 = arith.index_cast %get3A_1362 : i32 to index
        %get3A_1364 = arith.index_cast %add3A_1361 : i32 to index
        %get3A_1365 = tpu.vector_load %arg14[%get3A_1363, %get3A_1364] {strides = array<i32>} : memref<1x32000xf32, #tpu.memory_space<vmem>>, vector<1x16xf32>,
        %get3A_1366 = vector.shape_cast %get3A_1365 : vector<1x16xf32> to vector<16xf32>
        %add3A_1367 = arith.addf %scan3A_1307, %get3A_1366 : vector<16xf32>
        %add3A_1368 = arith.constant 96 : i32
        %add3A_1369 = arith.addi %mul3A_1319, %add3A_1368 : i32
        %get3A_1370 = arith.constant 0 : i32
        %get3A_1371 = arith.index_cast %get3A_1370 : i32 to index
        %get3A_1372 = arith.index_cast %add3A_1369 : i32 to index
        %get3A_1373 = tpu.vector_load %arg14[%get3A_1371, %get3A_1372] {strides = array<i32>} : memref<1x32000xf32, #tpu.memory_space<vmem>>, vector<1x16xf32>,
        %get3A_1374 = vector.shape_cast %get3A_1373 : vector<1x16xf32> to vector<16xf32>
        %add3A_1375 = arith.addf %scan3A_1308, %get3A_1374 : vector<16xf32>
        %add3A_1376 = arith.constant 112 : i32
        %add3A_1377 = arith.addi %mul3A_1319, %add3A_1376 : i32
        %get3A_1378 = arith.constant 0 : i32
        %get3A_1379 = arith.index_cast %get3A_1378 : i32 to index
        %get3A_1380 = arith.index_cast %add3A_1377 : i32 to index
        %get3A_1381 = tpu.vector_load %arg14[%get3A_1379, %get3A_1380] {strides = array<i32>} : memref<1x32000xf32, #tpu.memory_space<vmem>>, vector<1x16xf32>,
        %get3A_1382 = vector.shape_cast %get3A_1381 : vector<1x16xf32> to vector<16xf32>
        %add3A_1383 = arith.addf %scan3A_1309, %get3A_1382 : vector<16xf32>
        %add3A_1384 = arith.constant 128 : i32
        %add3A_1385 = arith.addi %mul3A_1319, %add3A_1384 : i32
        %get3A_1386 = arith.constant 0 : i32
        %get3A_1387 = arith.index_cast %get3A_1386 : i32 to index
        %get3A_1388 = arith.index_cast %add3A_1385 : i32 to index
        %get3A_1389 = tpu.vector_load %arg14[%get3A_1387, %get3A_1388] {strides = array<i32>} : memref<1x32000xf32, #tpu.memory_space<vmem>>, vector<1x16xf32>,
        %get3A_1390 = vector.shape_cast %get3A_1389 : vector<1x16xf32> to vector<16xf32>
        %add3A_1391 = arith.addf %scan3A_1310, %get3A_1390 : vector<16xf32>
        %add3A_1392 = arith.constant 144 : i32
        %add3A_1393 = arith.addi %mul3A_1319, %add3A_1392 : i32
        %get3A_1394 = arith.constant 0 : i32
        %get3A_1395 = arith.index_cast %get3A_1394 : i32 to index
        %get3A_1396 = arith.index_cast %add3A_1393 : i32 to index
        %get3A_1397 = tpu.vector_load %arg14[%get3A_1395, %get3A_1396] {strides = array<i32>} : memref<1x32000xf32, #tpu.memory_space<vmem>>, vector<1x16xf32>,
        %get3A_1398 = vector.shape_cast %get3A_1397 : vector<1x16xf32> to vector<16xf32>
        %add3A_1399 = arith.addf %scan3A_1311, %get3A_1398 : vector<16xf32>
        %add3A_1400 = arith.constant 160 : i32
        %add3A_1401 = arith.addi %mul3A_1319, %add3A_1400 : i32
        %get3A_1402 = arith.constant 0 : i32
        %get3A_1403 = arith.index_cast %get3A_1402 : i32 to index
        %get3A_1404 = arith.index_cast %add3A_1401 : i32 to index
        %get3A_1405 = tpu.vector_load %arg14[%get3A_1403, %get3A_1404] {strides = array<i32>} : memref<1x32000xf32, #tpu.memory_space<vmem>>, vector<1x16xf32>,
        %get3A_1406 = vector.shape_cast %get3A_1405 : vector<1x16xf32> to vector<16xf32>
        %add3A_1407 = arith.addf %scan3A_1312, %get3A_1406 : vector<16xf32>
        %add3A_1408 = arith.constant 176 : i32
        %add3A_1409 = arith.addi %mul3A_1319, %add3A_1408 : i32
        %get3A_1410 = arith.constant 0 : i32
        %get3A_1411 = arith.index_cast %get3A_1410 : i32 to index
        %get3A_1412 = arith.index_cast %add3A_1409 : i32 to index
        %get3A_1413 = tpu.vector_load %arg14[%get3A_1411, %get3A_1412] {strides = array<i32>} : memref<1x32000xf32, #tpu.memory_space<vmem>>, vector<1x16xf32>,
        %get3A_1414 = vector.shape_cast %get3A_1413 : vector<1x16xf32> to vector<16xf32>
        %add3A_1415 = arith.addf %scan3A_1313, %get3A_1414 : vector<16xf32>
        %add3A_1416 = arith.constant 192 : i32
        %add3A_1417 = arith.addi %mul3A_1319, %add3A_1416 : i32
        %get3A_1418 = arith.constant 0 : i32
        %get3A_1419 = arith.index_cast %get3A_1418 : i32 to index
        %get3A_1420 = arith.index_cast %add3A_1417 : i32 to index
        %get3A_1421 = tpu.vector_load %arg14[%get3A_1419, %get3A_1420] {strides = array<i32>} : memref<1x32000xf32, #tpu.memory_space<vmem>>, vector<1x16xf32>,
        %get3A_1422 = vector.shape_cast %get3A_1421 : vector<1x16xf32> to vector<16xf32>
        %add3A_1423 = arith.addf %scan3A_1314, %get3A_1422 : vector<16xf32>
        %add3A_1424 = arith.constant 208 : i32
        %add3A_1425 = arith.addi %mul3A_1319, %add3A_1424 : i32
        %get3A_1426 = arith.constant 0 : i32
        %get3A_1427 = arith.index_cast %get3A_1426 : i32 to index
        %get3A_1428 = arith.index_cast %add3A_1425 : i32 to index
        %get3A_1429 = tpu.vector_load %arg14[%get3A_1427, %get3A_1428] {strides = array<i32>} : memref<1x32000xf32, #tpu.memory_space<vmem>>, vector<1x16xf32>,
        %get3A_1430 = vector.shape_cast %get3A_1429 : vector<1x16xf32> to vector<16xf32>
        %add3A_1431 = arith.addf %scan3A_1315, %get3A_1430 : vector<16xf32>
        %add3A_1432 = arith.constant 224 : i32
        %add3A_1433 = arith.addi %mul3A_1319, %add3A_1432 : i32
        %get3A_1434 = arith.constant 0 : i32
        %get3A_1435 = arith.index_cast %get3A_1434 : i32 to index
        %get3A_1436 = arith.index_cast %add3A_1433 : i32 to index
        %get3A_1437 = tpu.vector_load %arg14[%get3A_1435, %get3A_1436] {strides = array<i32>} : memref<1x32000xf32, #tpu.memory_space<vmem>>, vector<1x16xf32>,
        %get3A_1438 = vector.shape_cast %get3A_1437 : vector<1x16xf32> to vector<16xf32>
        %add3A_1439 = arith.addf %scan3A_1316, %get3A_1438 : vector<16xf32>
        %add3A_1440 = arith.constant 240 : i32
        %add3A_1441 = arith.addi %mul3A_1319, %add3A_1440 : i32
        %get3A_1442 = arith.constant 0 : i32
        %get3A_1443 = arith.index_cast %get3A_1442 : i32 to index
        %get3A_1444 = arith.index_cast %add3A_1441 : i32 to index
        %get3A_1445 = tpu.vector_load %arg14[%get3A_1443, %get3A_1444] {strides = array<i32>} : memref<1x32000xf32, #tpu.memory_space<vmem>>, vector<1x16xf32>,
        %get3A_1446 = vector.shape_cast %get3A_1445 : vector<1x16xf32> to vector<16xf32>
        %add3A_1447 = arith.addf %scan3A_1317, %get3A_1446 : vector<16xf32>
        scf.yield %add3A_1327, %add3A_1335, %add3A_1343, %add3A_1351, %add3A_1359, %add3A_1367, %add3A_1375, %add3A_1383, %add3A_1391, %add3A_1399, %add3A_1407, %add3A_1415, %add3A_1423, %add3A_1431, %add3A_1439, %add3A_1447 : vector<16xf32>, vector<16xf32>, vector<16xf32>, vector<16xf32>, vector<16xf32>, vector<16xf32>, vector<16xf32>, vector<16xf32>, vector<16xf32>, vector<16xf32>, vector<16xf32>, vector<16xf32>, vector<16xf32>, vector<16xf32>, vector<16xf32>, vector<16xf32>
      }
      %scan3A_631 = arith.constant 125 : i32
      %add3A_632 = arith.addf %scan3A_630#0, %scan3A_630#1 : vector<16xf32>
      %add3A_633 = arith.addf %add3A_632, %scan3A_630#2 : vector<16xf32>
      %add3A_634 = arith.addf %add3A_633, %scan3A_630#3 : vector<16xf32>
      %add3A_635 = arith.addf %add3A_634, %scan3A_630#4 : vector<16xf32>
      %add3A_636 = arith.addf %add3A_635, %scan3A_630#5 : vector<16xf32>
      %add3A_637 = arith.addf %add3A_636, %scan3A_630#6 : vector<16xf32>
      %add3A_638 = arith.addf %add3A_637, %scan3A_630#7 : vector<16xf32>
      %add3A_639 = arith.addf %add3A_638, %scan3A_630#8 : vector<16xf32>
      %add3A_640 = arith.addf %add3A_639, %scan3A_630#9 : vector<16xf32>
      %add3A_641 = arith.addf %add3A_640, %scan3A_630#10 : vector<16xf32>
      %add3A_642 = arith.addf %add3A_641, %scan3A_630#11 : vector<16xf32>
      %add3A_643 = arith.addf %add3A_642, %scan3A_630#12 : vector<16xf32>
      %add3A_644 = arith.addf %add3A_643, %scan3A_630#13 : vector<16xf32>
      %add3A_645 = arith.addf %add3A_644, %scan3A_630#14 : vector<16xf32>
      %add3A_646 = arith.addf %add3A_645, %scan3A_630#15 : vector<16xf32>
      %mul3A_647 = arith.constant 16 : i32
      %mul3A_648 = arith.muli %add3A_618, %mul3A_647 : i32
      %swap3A_649 = arith.index_cast %mul3A_648 : i32 to index
      %swap3A_650 = tpu.vector_load %arg10[%swap3A_649] {strides = array<i32>} : memref<1024xf32, #tpu.memory_space<vmem>>, vector<16xf32>,
      %swap3A_651 = vector.shape_cast %swap3A_650 : vector<16xf32> to vector<16xf32>
      %swap3A_652 = vector.shape_cast %add3A_646 : vector<16xf32> to vector<16xf32>
      tpu.vector_store %arg10[%swap3A_649], %swap3A_652 {strides = array<i32>} : memref<1024xf32, #tpu.memory_space<vmem>>, vector<16xf32>,
      %slice3A_653 = vector.extract_strided_slice %get3A_93 {offsets = [7], sizes = [1], strides = [1]} : vector<16xi32> to vector<1xi32>
      %squeeze3A_654 = vector.extract %slice3A_653[0] : i32 from vector<1xi32>
      %shift_right_arithmetic3A_655 = arith.constant 4 : i32
      %shift_right_arithmetic3A_656 = arith.shrsi %squeeze3A_654, %shift_right_arithmetic3A_655 : i32
      %mul3A_657 = arith.constant 16 : i32
      %mul3A_658 = arith.muli %shift_right_arithmetic3A_656, %mul3A_657 : i32
      %get3A_659 = arith.constant 0 : i32
      %get3A_660 = arith.index_cast %get3A_659 : i32 to index
      %get3A_661 = arith.index_cast %mul3A_658 : i32 to index
      %get3A_662 = tpu.vector_load %arg14[%get3A_660, %get3A_661] {strides = array<i32>} : memref<1x32000xf32, #tpu.memory_space<vmem>>, vector<1x16xf32>,
      %get3A_663 = vector.shape_cast %get3A_662 : vector<1x16xf32> to vector<16xf32>
      %and3A_664 = arith.constant 15 : i32
      %and3A_665 = arith.andi %squeeze3A_654, %and3A_664 : i32
      %eq3A_666 = vector.broadcast %and3A_665 : i32 to vector<16xi32>
      %eq3A_667 = arith.cmpi eq, %iota3A, %eq3A_666 : vector<16xi32>
      %jit3A_668 = arith.constant 0.000000e+00 : f32
      %broadcast_in_dim3A_669 = vector.broadcast %jit3A_668 : f32 to vector<16xf32>
      %select_n3A_670 = arith.select %eq3A_667, %get3A_663, %broadcast_in_dim3A_669 : vector<16xi1>, vector<16xf32>
      %ne3A_671 = arith.constant 0 : i32
      %ne3A_672 = arith.cmpi ne, %squeeze3A_654, %ne3A_671 : i32
      %jit3A_673 = arith.constant 1.000000e+00 : f32
      %jit3A_674 = arith.constant 0.000000e+00 : f32
      %select_n3A_675 = arith.select %ne3A_672, %jit3A_673, %jit3A_674 : f32
      %get3A_676 = arith.constant 0 : index
      %get3A_677 = tpu.vector_load %arg8[%get3A_676] {strides = array<i32>} : memref<16xf32, #tpu.memory_space<vmem>>, vector<16xf32>,
      %get3A_678 = vector.shape_cast %get3A_677 : vector<16xf32> to vector<16xf32>
      %mul3A_679 = vector.broadcast %select_n3A_675 : f32 to vector<16xf32>
      %mul3A_680 = arith.mulf %select_n3A_670, %mul3A_679 : vector<16xf32>
      %add3A_681 = arith.addf %get3A_678, %mul3A_680 : vector<16xf32>
      %swap3A_682 = arith.constant 0 : index
      %swap3A_683 = tpu.vector_load %arg8[%swap3A_682] {strides = array<i32>} : memref<16xf32, #tpu.memory_space<vmem>>, vector<16xf32>,
      %swap3A_684 = vector.shape_cast %swap3A_683 : vector<16xf32> to vector<16xf32>
      %swap3A_685 = vector.shape_cast %add3A_681 : vector<16xf32> to vector<16xf32>
      tpu.vector_store %arg8[%swap3A_682], %swap3A_685 {strides = array<i32>} : memref<16xf32, #tpu.memory_space<vmem>>, vector<16xf32>,
      %add3A_686 = arith.constant 4 : i32
      %add3A_687 = arith.addi %add3A_618, %add3A_686 : i32
      %lt3A_688 = arith.constant 64 : i32
      %lt3A_689 = arith.cmpi slt, %add3A_687, %lt3A_688 : i32
      %convert_element_type3A_690 = arith.extui %lt3A_689 : i1 to i32
      %cond3A_691 = arith.constant 0 : i32
      %cond3A_692 = arith.cmpi ne, %convert_element_type3A_690, %cond3A_691 : i32
      scf.if %cond3A_692 {
        %add3A_1301 = arith.addi %mul3A_2, %add3A_618 : i32
        %add3A_1302 = arith.constant 4 : i32
        %add3A_1303 = arith.addi %add3A_1301, %add3A_1302 : i32
        %dma_start3A_1304 = arith.constant 0 : i32
        %dma_start3A_1305 = tpu.memref_slice %arg2[%add3A_1303, %dma_start3A_1304] : memref<2048x32000xf32, #tpu.memory_space<hbm>> -> memref<1x32000xf32, #tpu.memory_space<hbm>>
        %dma_start3A_1306 = arith.constant 0 : i32
        %dma_start3A_1307 = tpu.memref_slice %arg2[%add3A_1303, %dma_start3A_1306] : memref<2048x32000xf32, #tpu.memory_space<hbm>> -> memref<1x32000xf32, #tpu.memory_space<hbm>>
        tpu.enqueue_dma source(%dma_start3A_1307 : memref<1x32000xf32, #tpu.memory_space<hbm>>) target(%arg14 : memref<1x32000xf32, #tpu.memory_space<vmem>>) target_semaphore(%arg18 : memref<!tpu.dma_semaphore, #tpu.memory_space<semaphore_mem>>)
      } else {
      }
      %add3A_693 = arith.constant 8 : i32
      %add3A_694 = arith.addi %mul3A_90, %add3A_693 : i32
      %add3A_695 = arith.addi %mul3A_2, %add3A_694 : i32
      %dma_wait3A_696 = arith.constant 0 : i32
      %dma_wait3A_697 = tpu.memref_slice %arg2[%add3A_695, %dma_wait3A_696] : memref<2048x32000xf32, #tpu.memory_space<hbm>> -> memref<1x32000xf32, #tpu.memory_space<hbm>>
      %dma_wait3A_698 = arith.constant 0 : i32
      %dma_wait3A_699 = tpu.memref_slice %arg2[%add3A_695, %dma_wait3A_698] : memref<2048x32000xf32, #tpu.memory_space<hbm>> -> memref<1x32000xf32, #tpu.memory_space<hbm>>
      tpu.wait_dma2 semaphore(%arg15 : memref<!tpu.dma_semaphore, #tpu.memory_space<semaphore_mem>>) src(%dma_wait3A_699 : memref<1x32000xf32, #tpu.memory_space<hbm>>) dst(%arg11 : memref<1x32000xf32, #tpu.memory_space<vmem>>)
      %broadcast_in_dim3A_700 = arith.constant 0.000000e+00 : f32
      %broadcast_in_dim3A_701 = vector.broadcast %broadcast_in_dim3A_700 : f32 to vector<16xf32>
      %scan3A_702 = arith.constant 0 : i32
      %scan3A_703 = arith.constant 125 : i32
      %scan3A_704 = arith.addi %scan3A_702, %scan3A_703 : i32
      %scan3A_705 = arith.constant 1 : i32
      %scan3A_706:16 = scf.for %scan3A_1301 = %scan3A_702 to %scan3A_704 step %scan3A_705 iter_args(%scan3A_1302 = %broadcast_in_dim3A_701, %scan3A_1303 = %broadcast_in_dim3A_701, %scan3A_1304 = %broadcast_in_dim3A_701, %scan3A_1305 = %broadcast_in_dim3A_701, %scan3A_1306 = %broadcast_in_dim3A_701, %scan3A_1307 = %broadcast_in_dim3A_701, %scan3A_1308 = %broadcast_in_dim3A_701, %scan3A_1309 = %broadcast_in_dim3A_701, %scan3A_1310 = %broadcast_in_dim3A_701, %scan3A_1311 = %broadcast_in_dim3A_701, %scan3A_1312 = %broadcast_in_dim3A_701, %scan3A_1313 = %broadcast_in_dim3A_701, %scan3A_1314 = %broadcast_in_dim3A_701, %scan3A_1315 = %broadcast_in_dim3A_701, %scan3A_1316 = %broadcast_in_dim3A_701, %scan3A_1317 = %broadcast_in_dim3A_701) -> (vector<16xf32>, vector<16xf32>, vector<16xf32>, vector<16xf32>, vector<16xf32>, vector<16xf32>, vector<16xf32>, vector<16xf32>, vector<16xf32>, vector<16xf32>, vector<16xf32>, vector<16xf32>, vector<16xf32>, vector<16xf32>, vector<16xf32>, vector<16xf32>)  : i32 {
        %mul3A_1318 = arith.constant 256 : i32
        %mul3A_1319 = arith.muli %scan3A_1301, %mul3A_1318 : i32
        %add3A_1320 = arith.constant 0 : i32
        %add3A_1321 = arith.addi %mul3A_1319, %add3A_1320 : i32
        %get3A_1322 = arith.constant 0 : i32
        %get3A_1323 = arith.index_cast %get3A_1322 : i32 to index
        %get3A_1324 = arith.index_cast %add3A_1321 : i32 to index
        %get3A_1325 = tpu.vector_load %arg11[%get3A_1323, %get3A_1324] {strides = array<i32>} : memref<1x32000xf32, #tpu.memory_space<vmem>>, vector<1x16xf32>,
        %get3A_1326 = vector.shape_cast %get3A_1325 : vector<1x16xf32> to vector<16xf32>
        %add3A_1327 = arith.addf %scan3A_1302, %get3A_1326 : vector<16xf32>
        %add3A_1328 = arith.constant 16 : i32
        %add3A_1329 = arith.addi %mul3A_1319, %add3A_1328 : i32
        %get3A_1330 = arith.constant 0 : i32
        %get3A_1331 = arith.index_cast %get3A_1330 : i32 to index
        %get3A_1332 = arith.index_cast %add3A_1329 : i32 to index
        %get3A_1333 = tpu.vector_load %arg11[%get3A_1331, %get3A_1332] {strides = array<i32>} : memref<1x32000xf32, #tpu.memory_space<vmem>>, vector<1x16xf32>,
        %get3A_1334 = vector.shape_cast %get3A_1333 : vector<1x16xf32> to vector<16xf32>
        %add3A_1335 = arith.addf %scan3A_1303, %get3A_1334 : vector<16xf32>
        %add3A_1336 = arith.constant 32 : i32
        %add3A_1337 = arith.addi %mul3A_1319, %add3A_1336 : i32
        %get3A_1338 = arith.constant 0 : i32
        %get3A_1339 = arith.index_cast %get3A_1338 : i32 to index
        %get3A_1340 = arith.index_cast %add3A_1337 : i32 to index
        %get3A_1341 = tpu.vector_load %arg11[%get3A_1339, %get3A_1340] {strides = array<i32>} : memref<1x32000xf32, #tpu.memory_space<vmem>>, vector<1x16xf32>,
        %get3A_1342 = vector.shape_cast %get3A_1341 : vector<1x16xf32> to vector<16xf32>
        %add3A_1343 = arith.addf %scan3A_1304, %get3A_1342 : vector<16xf32>
        %add3A_1344 = arith.constant 48 : i32
        %add3A_1345 = arith.addi %mul3A_1319, %add3A_1344 : i32
        %get3A_1346 = arith.constant 0 : i32
        %get3A_1347 = arith.index_cast %get3A_1346 : i32 to index
        %get3A_1348 = arith.index_cast %add3A_1345 : i32 to index
        %get3A_1349 = tpu.vector_load %arg11[%get3A_1347, %get3A_1348] {strides = array<i32>} : memref<1x32000xf32, #tpu.memory_space<vmem>>, vector<1x16xf32>,
        %get3A_1350 = vector.shape_cast %get3A_1349 : vector<1x16xf32> to vector<16xf32>
        %add3A_1351 = arith.addf %scan3A_1305, %get3A_1350 : vector<16xf32>
        %add3A_1352 = arith.constant 64 : i32
        %add3A_1353 = arith.addi %mul3A_1319, %add3A_1352 : i32
        %get3A_1354 = arith.constant 0 : i32
        %get3A_1355 = arith.index_cast %get3A_1354 : i32 to index
        %get3A_1356 = arith.index_cast %add3A_1353 : i32 to index
        %get3A_1357 = tpu.vector_load %arg11[%get3A_1355, %get3A_1356] {strides = array<i32>} : memref<1x32000xf32, #tpu.memory_space<vmem>>, vector<1x16xf32>,
        %get3A_1358 = vector.shape_cast %get3A_1357 : vector<1x16xf32> to vector<16xf32>
        %add3A_1359 = arith.addf %scan3A_1306, %get3A_1358 : vector<16xf32>
        %add3A_1360 = arith.constant 80 : i32
        %add3A_1361 = arith.addi %mul3A_1319, %add3A_1360 : i32
        %get3A_1362 = arith.constant 0 : i32
        %get3A_1363 = arith.index_cast %get3A_1362 : i32 to index
        %get3A_1364 = arith.index_cast %add3A_1361 : i32 to index
        %get3A_1365 = tpu.vector_load %arg11[%get3A_1363, %get3A_1364] {strides = array<i32>} : memref<1x32000xf32, #tpu.memory_space<vmem>>, vector<1x16xf32>,
        %get3A_1366 = vector.shape_cast %get3A_1365 : vector<1x16xf32> to vector<16xf32>
        %add3A_1367 = arith.addf %scan3A_1307, %get3A_1366 : vector<16xf32>
        %add3A_1368 = arith.constant 96 : i32
        %add3A_1369 = arith.addi %mul3A_1319, %add3A_1368 : i32
        %get3A_1370 = arith.constant 0 : i32
        %get3A_1371 = arith.index_cast %get3A_1370 : i32 to index
        %get3A_1372 = arith.index_cast %add3A_1369 : i32 to index
        %get3A_1373 = tpu.vector_load %arg11[%get3A_1371, %get3A_1372] {strides = array<i32>} : memref<1x32000xf32, #tpu.memory_space<vmem>>, vector<1x16xf32>,
        %get3A_1374 = vector.shape_cast %get3A_1373 : vector<1x16xf32> to vector<16xf32>
        %add3A_1375 = arith.addf %scan3A_1308, %get3A_1374 : vector<16xf32>
        %add3A_1376 = arith.constant 112 : i32
        %add3A_1377 = arith.addi %mul3A_1319, %add3A_1376 : i32
        %get3A_1378 = arith.constant 0 : i32
        %get3A_1379 = arith.index_cast %get3A_1378 : i32 to index
        %get3A_1380 = arith.index_cast %add3A_1377 : i32 to index
        %get3A_1381 = tpu.vector_load %arg11[%get3A_1379, %get3A_1380] {strides = array<i32>} : memref<1x32000xf32, #tpu.memory_space<vmem>>, vector<1x16xf32>,
        %get3A_1382 = vector.shape_cast %get3A_1381 : vector<1x16xf32> to vector<16xf32>
        %add3A_1383 = arith.addf %scan3A_1309, %get3A_1382 : vector<16xf32>
        %add3A_1384 = arith.constant 128 : i32
        %add3A_1385 = arith.addi %mul3A_1319, %add3A_1384 : i32
        %get3A_1386 = arith.constant 0 : i32
        %get3A_1387 = arith.index_cast %get3A_1386 : i32 to index
        %get3A_1388 = arith.index_cast %add3A_1385 : i32 to index
        %get3A_1389 = tpu.vector_load %arg11[%get3A_1387, %get3A_1388] {strides = array<i32>} : memref<1x32000xf32, #tpu.memory_space<vmem>>, vector<1x16xf32>,
        %get3A_1390 = vector.shape_cast %get3A_1389 : vector<1x16xf32> to vector<16xf32>
        %add3A_1391 = arith.addf %scan3A_1310, %get3A_1390 : vector<16xf32>
        %add3A_1392 = arith.constant 144 : i32
        %add3A_1393 = arith.addi %mul3A_1319, %add3A_1392 : i32
        %get3A_1394 = arith.constant 0 : i32
        %get3A_1395 = arith.index_cast %get3A_1394 : i32 to index
        %get3A_1396 = arith.index_cast %add3A_1393 : i32 to index
        %get3A_1397 = tpu.vector_load %arg11[%get3A_1395, %get3A_1396] {strides = array<i32>} : memref<1x32000xf32, #tpu.memory_space<vmem>>, vector<1x16xf32>,
        %get3A_1398 = vector.shape_cast %get3A_1397 : vector<1x16xf32> to vector<16xf32>
        %add3A_1399 = arith.addf %scan3A_1311, %get3A_1398 : vector<16xf32>
        %add3A_1400 = arith.constant 160 : i32
        %add3A_1401 = arith.addi %mul3A_1319, %add3A_1400 : i32
        %get3A_1402 = arith.constant 0 : i32
        %get3A_1403 = arith.index_cast %get3A_1402 : i32 to index
        %get3A_1404 = arith.index_cast %add3A_1401 : i32 to index
        %get3A_1405 = tpu.vector_load %arg11[%get3A_1403, %get3A_1404] {strides = array<i32>} : memref<1x32000xf32, #tpu.memory_space<vmem>>, vector<1x16xf32>,
        %get3A_1406 = vector.shape_cast %get3A_1405 : vector<1x16xf32> to vector<16xf32>
        %add3A_1407 = arith.addf %scan3A_1312, %get3A_1406 : vector<16xf32>
        %add3A_1408 = arith.constant 176 : i32
        %add3A_1409 = arith.addi %mul3A_1319, %add3A_1408 : i32
        %get3A_1410 = arith.constant 0 : i32
        %get3A_1411 = arith.index_cast %get3A_1410 : i32 to index
        %get3A_1412 = arith.index_cast %add3A_1409 : i32 to index
        %get3A_1413 = tpu.vector_load %arg11[%get3A_1411, %get3A_1412] {strides = array<i32>} : memref<1x32000xf32, #tpu.memory_space<vmem>>, vector<1x16xf32>,
        %get3A_1414 = vector.shape_cast %get3A_1413 : vector<1x16xf32> to vector<16xf32>
        %add3A_1415 = arith.addf %scan3A_1313, %get3A_1414 : vector<16xf32>
        %add3A_1416 = arith.constant 192 : i32
        %add3A_1417 = arith.addi %mul3A_1319, %add3A_1416 : i32
        %get3A_1418 = arith.constant 0 : i32
        %get3A_1419 = arith.index_cast %get3A_1418 : i32 to index
        %get3A_1420 = arith.index_cast %add3A_1417 : i32 to index
        %get3A_1421 = tpu.vector_load %arg11[%get3A_1419, %get3A_1420] {strides = array<i32>} : memref<1x32000xf32, #tpu.memory_space<vmem>>, vector<1x16xf32>,
        %get3A_1422 = vector.shape_cast %get3A_1421 : vector<1x16xf32> to vector<16xf32>
        %add3A_1423 = arith.addf %scan3A_1314, %get3A_1422 : vector<16xf32>
        %add3A_1424 = arith.constant 208 : i32
        %add3A_1425 = arith.addi %mul3A_1319, %add3A_1424 : i32
        %get3A_1426 = arith.constant 0 : i32
        %get3A_1427 = arith.index_cast %get3A_1426 : i32 to index
        %get3A_1428 = arith.index_cast %add3A_1425 : i32 to index
        %get3A_1429 = tpu.vector_load %arg11[%get3A_1427, %get3A_1428] {strides = array<i32>} : memref<1x32000xf32, #tpu.memory_space<vmem>>, vector<1x16xf32>,
        %get3A_1430 = vector.shape_cast %get3A_1429 : vector<1x16xf32> to vector<16xf32>
        %add3A_1431 = arith.addf %scan3A_1315, %get3A_1430 : vector<16xf32>
        %add3A_1432 = arith.constant 224 : i32
        %add3A_1433 = arith.addi %mul3A_1319, %add3A_1432 : i32
        %get3A_1434 = arith.constant 0 : i32
        %get3A_1435 = arith.index_cast %get3A_1434 : i32 to index
        %get3A_1436 = arith.index_cast %add3A_1433 : i32 to index
        %get3A_1437 = tpu.vector_load %arg11[%get3A_1435, %get3A_1436] {strides = array<i32>} : memref<1x32000xf32, #tpu.memory_space<vmem>>, vector<1x16xf32>,
        %get3A_1438 = vector.shape_cast %get3A_1437 : vector<1x16xf32> to vector<16xf32>
        %add3A_1439 = arith.addf %scan3A_1316, %get3A_1438 : vector<16xf32>
        %add3A_1440 = arith.constant 240 : i32
        %add3A_1441 = arith.addi %mul3A_1319, %add3A_1440 : i32
        %get3A_1442 = arith.constant 0 : i32
        %get3A_1443 = arith.index_cast %get3A_1442 : i32 to index
        %get3A_1444 = arith.index_cast %add3A_1441 : i32 to index
        %get3A_1445 = tpu.vector_load %arg11[%get3A_1443, %get3A_1444] {strides = array<i32>} : memref<1x32000xf32, #tpu.memory_space<vmem>>, vector<1x16xf32>,
        %get3A_1446 = vector.shape_cast %get3A_1445 : vector<1x16xf32> to vector<16xf32>
        %add3A_1447 = arith.addf %scan3A_1317, %get3A_1446 : vector<16xf32>
        scf.yield %add3A_1327, %add3A_1335, %add3A_1343, %add3A_1351, %add3A_1359, %add3A_1367, %add3A_1375, %add3A_1383, %add3A_1391, %add3A_1399, %add3A_1407, %add3A_1415, %add3A_1423, %add3A_1431, %add3A_1439, %add3A_1447 : vector<16xf32>, vector<16xf32>, vector<16xf32>, vector<16xf32>, vector<16xf32>, vector<16xf32>, vector<16xf32>, vector<16xf32>, vector<16xf32>, vector<16xf32>, vector<16xf32>, vector<16xf32>, vector<16xf32>, vector<16xf32>, vector<16xf32>, vector<16xf32>
      }
      %scan3A_707 = arith.constant 125 : i32
      %add3A_708 = arith.addf %scan3A_706#0, %scan3A_706#1 : vector<16xf32>
      %add3A_709 = arith.addf %add3A_708, %scan3A_706#2 : vector<16xf32>
      %add3A_710 = arith.addf %add3A_709, %scan3A_706#3 : vector<16xf32>
      %add3A_711 = arith.addf %add3A_710, %scan3A_706#4 : vector<16xf32>
      %add3A_712 = arith.addf %add3A_711, %scan3A_706#5 : vector<16xf32>
      %add3A_713 = arith.addf %add3A_712, %scan3A_706#6 : vector<16xf32>
      %add3A_714 = arith.addf %add3A_713, %scan3A_706#7 : vector<16xf32>
      %add3A_715 = arith.addf %add3A_714, %scan3A_706#8 : vector<16xf32>
      %add3A_716 = arith.addf %add3A_715, %scan3A_706#9 : vector<16xf32>
      %add3A_717 = arith.addf %add3A_716, %scan3A_706#10 : vector<16xf32>
      %add3A_718 = arith.addf %add3A_717, %scan3A_706#11 : vector<16xf32>
      %add3A_719 = arith.addf %add3A_718, %scan3A_706#12 : vector<16xf32>
      %add3A_720 = arith.addf %add3A_719, %scan3A_706#13 : vector<16xf32>
      %add3A_721 = arith.addf %add3A_720, %scan3A_706#14 : vector<16xf32>
      %add3A_722 = arith.addf %add3A_721, %scan3A_706#15 : vector<16xf32>
      %mul3A_723 = arith.constant 16 : i32
      %mul3A_724 = arith.muli %add3A_694, %mul3A_723 : i32
      %swap3A_725 = arith.index_cast %mul3A_724 : i32 to index
      %swap3A_726 = tpu.vector_load %arg10[%swap3A_725] {strides = array<i32>} : memref<1024xf32, #tpu.memory_space<vmem>>, vector<16xf32>,
      %swap3A_727 = vector.shape_cast %swap3A_726 : vector<16xf32> to vector<16xf32>
      %swap3A_728 = vector.shape_cast %add3A_722 : vector<16xf32> to vector<16xf32>
      tpu.vector_store %arg10[%swap3A_725], %swap3A_728 {strides = array<i32>} : memref<1024xf32, #tpu.memory_space<vmem>>, vector<16xf32>,
      %slice3A_729 = vector.extract_strided_slice %get3A_93 {offsets = [8], sizes = [1], strides = [1]} : vector<16xi32> to vector<1xi32>
      %squeeze3A_730 = vector.extract %slice3A_729[0] : i32 from vector<1xi32>
      %shift_right_arithmetic3A_731 = arith.constant 4 : i32
      %shift_right_arithmetic3A_732 = arith.shrsi %squeeze3A_730, %shift_right_arithmetic3A_731 : i32
      %mul3A_733 = arith.constant 16 : i32
      %mul3A_734 = arith.muli %shift_right_arithmetic3A_732, %mul3A_733 : i32
      %get3A_735 = arith.constant 0 : i32
      %get3A_736 = arith.index_cast %get3A_735 : i32 to index
      %get3A_737 = arith.index_cast %mul3A_734 : i32 to index
      %get3A_738 = tpu.vector_load %arg11[%get3A_736, %get3A_737] {strides = array<i32>} : memref<1x32000xf32, #tpu.memory_space<vmem>>, vector<1x16xf32>,
      %get3A_739 = vector.shape_cast %get3A_738 : vector<1x16xf32> to vector<16xf32>
      %and3A_740 = arith.constant 15 : i32
      %and3A_741 = arith.andi %squeeze3A_730, %and3A_740 : i32
      %eq3A_742 = vector.broadcast %and3A_741 : i32 to vector<16xi32>
      %eq3A_743 = arith.cmpi eq, %iota3A, %eq3A_742 : vector<16xi32>
      %jit3A_744 = arith.constant 0.000000e+00 : f32
      %broadcast_in_dim3A_745 = vector.broadcast %jit3A_744 : f32 to vector<16xf32>
      %select_n3A_746 = arith.select %eq3A_743, %get3A_739, %broadcast_in_dim3A_745 : vector<16xi1>, vector<16xf32>
      %ne3A_747 = arith.constant 0 : i32
      %ne3A_748 = arith.cmpi ne, %squeeze3A_730, %ne3A_747 : i32
      %jit3A_749 = arith.constant 1.000000e+00 : f32
      %jit3A_750 = arith.constant 0.000000e+00 : f32
      %select_n3A_751 = arith.select %ne3A_748, %jit3A_749, %jit3A_750 : f32
      %get3A_752 = arith.constant 0 : index
      %get3A_753 = tpu.vector_load %arg8[%get3A_752] {strides = array<i32>} : memref<16xf32, #tpu.memory_space<vmem>>, vector<16xf32>,
      %get3A_754 = vector.shape_cast %get3A_753 : vector<16xf32> to vector<16xf32>
      %mul3A_755 = vector.broadcast %select_n3A_751 : f32 to vector<16xf32>
      %mul3A_756 = arith.mulf %select_n3A_746, %mul3A_755 : vector<16xf32>
      %add3A_757 = arith.addf %get3A_754, %mul3A_756 : vector<16xf32>
      %swap3A_758 = arith.constant 0 : index
      %swap3A_759 = tpu.vector_load %arg8[%swap3A_758] {strides = array<i32>} : memref<16xf32, #tpu.memory_space<vmem>>, vector<16xf32>,
      %swap3A_760 = vector.shape_cast %swap3A_759 : vector<16xf32> to vector<16xf32>
      %swap3A_761 = vector.shape_cast %add3A_757 : vector<16xf32> to vector<16xf32>
      tpu.vector_store %arg8[%swap3A_758], %swap3A_761 {strides = array<i32>} : memref<16xf32, #tpu.memory_space<vmem>>, vector<16xf32>,
      %add3A_762 = arith.constant 4 : i32
      %add3A_763 = arith.addi %add3A_694, %add3A_762 : i32
      %lt3A_764 = arith.constant 64 : i32
      %lt3A_765 = arith.cmpi slt, %add3A_763, %lt3A_764 : i32
      %convert_element_type3A_766 = arith.extui %lt3A_765 : i1 to i32
      %cond3A_767 = arith.constant 0 : i32
      %cond3A_768 = arith.cmpi ne, %convert_element_type3A_766, %cond3A_767 : i32
      scf.if %cond3A_768 {
        %add3A_1301 = arith.addi %mul3A_2, %add3A_694 : i32
        %add3A_1302 = arith.constant 4 : i32
        %add3A_1303 = arith.addi %add3A_1301, %add3A_1302 : i32
        %dma_start3A_1304 = arith.constant 0 : i32
        %dma_start3A_1305 = tpu.memref_slice %arg2[%add3A_1303, %dma_start3A_1304] : memref<2048x32000xf32, #tpu.memory_space<hbm>> -> memref<1x32000xf32, #tpu.memory_space<hbm>>
        %dma_start3A_1306 = arith.constant 0 : i32
        %dma_start3A_1307 = tpu.memref_slice %arg2[%add3A_1303, %dma_start3A_1306] : memref<2048x32000xf32, #tpu.memory_space<hbm>> -> memref<1x32000xf32, #tpu.memory_space<hbm>>
        tpu.enqueue_dma source(%dma_start3A_1307 : memref<1x32000xf32, #tpu.memory_space<hbm>>) target(%arg11 : memref<1x32000xf32, #tpu.memory_space<vmem>>) target_semaphore(%arg15 : memref<!tpu.dma_semaphore, #tpu.memory_space<semaphore_mem>>)
      } else {
      }
      %add3A_769 = arith.constant 9 : i32
      %add3A_770 = arith.addi %mul3A_90, %add3A_769 : i32
      %add3A_771 = arith.addi %mul3A_2, %add3A_770 : i32
      %dma_wait3A_772 = arith.constant 0 : i32
      %dma_wait3A_773 = tpu.memref_slice %arg2[%add3A_771, %dma_wait3A_772] : memref<2048x32000xf32, #tpu.memory_space<hbm>> -> memref<1x32000xf32, #tpu.memory_space<hbm>>
      %dma_wait3A_774 = arith.constant 0 : i32
      %dma_wait3A_775 = tpu.memref_slice %arg2[%add3A_771, %dma_wait3A_774] : memref<2048x32000xf32, #tpu.memory_space<hbm>> -> memref<1x32000xf32, #tpu.memory_space<hbm>>
      tpu.wait_dma2 semaphore(%arg16 : memref<!tpu.dma_semaphore, #tpu.memory_space<semaphore_mem>>) src(%dma_wait3A_775 : memref<1x32000xf32, #tpu.memory_space<hbm>>) dst(%arg12 : memref<1x32000xf32, #tpu.memory_space<vmem>>)
      %broadcast_in_dim3A_776 = arith.constant 0.000000e+00 : f32
      %broadcast_in_dim3A_777 = vector.broadcast %broadcast_in_dim3A_776 : f32 to vector<16xf32>
      %scan3A_778 = arith.constant 0 : i32
      %scan3A_779 = arith.constant 125 : i32
      %scan3A_780 = arith.addi %scan3A_778, %scan3A_779 : i32
      %scan3A_781 = arith.constant 1 : i32
      %scan3A_782:16 = scf.for %scan3A_1301 = %scan3A_778 to %scan3A_780 step %scan3A_781 iter_args(%scan3A_1302 = %broadcast_in_dim3A_777, %scan3A_1303 = %broadcast_in_dim3A_777, %scan3A_1304 = %broadcast_in_dim3A_777, %scan3A_1305 = %broadcast_in_dim3A_777, %scan3A_1306 = %broadcast_in_dim3A_777, %scan3A_1307 = %broadcast_in_dim3A_777, %scan3A_1308 = %broadcast_in_dim3A_777, %scan3A_1309 = %broadcast_in_dim3A_777, %scan3A_1310 = %broadcast_in_dim3A_777, %scan3A_1311 = %broadcast_in_dim3A_777, %scan3A_1312 = %broadcast_in_dim3A_777, %scan3A_1313 = %broadcast_in_dim3A_777, %scan3A_1314 = %broadcast_in_dim3A_777, %scan3A_1315 = %broadcast_in_dim3A_777, %scan3A_1316 = %broadcast_in_dim3A_777, %scan3A_1317 = %broadcast_in_dim3A_777) -> (vector<16xf32>, vector<16xf32>, vector<16xf32>, vector<16xf32>, vector<16xf32>, vector<16xf32>, vector<16xf32>, vector<16xf32>, vector<16xf32>, vector<16xf32>, vector<16xf32>, vector<16xf32>, vector<16xf32>, vector<16xf32>, vector<16xf32>, vector<16xf32>)  : i32 {
        %mul3A_1318 = arith.constant 256 : i32
        %mul3A_1319 = arith.muli %scan3A_1301, %mul3A_1318 : i32
        %add3A_1320 = arith.constant 0 : i32
        %add3A_1321 = arith.addi %mul3A_1319, %add3A_1320 : i32
        %get3A_1322 = arith.constant 0 : i32
        %get3A_1323 = arith.index_cast %get3A_1322 : i32 to index
        %get3A_1324 = arith.index_cast %add3A_1321 : i32 to index
        %get3A_1325 = tpu.vector_load %arg12[%get3A_1323, %get3A_1324] {strides = array<i32>} : memref<1x32000xf32, #tpu.memory_space<vmem>>, vector<1x16xf32>,
        %get3A_1326 = vector.shape_cast %get3A_1325 : vector<1x16xf32> to vector<16xf32>
        %add3A_1327 = arith.addf %scan3A_1302, %get3A_1326 : vector<16xf32>
        %add3A_1328 = arith.constant 16 : i32
        %add3A_1329 = arith.addi %mul3A_1319, %add3A_1328 : i32
        %get3A_1330 = arith.constant 0 : i32
        %get3A_1331 = arith.index_cast %get3A_1330 : i32 to index
        %get3A_1332 = arith.index_cast %add3A_1329 : i32 to index
        %get3A_1333 = tpu.vector_load %arg12[%get3A_1331, %get3A_1332] {strides = array<i32>} : memref<1x32000xf32, #tpu.memory_space<vmem>>, vector<1x16xf32>,
        %get3A_1334 = vector.shape_cast %get3A_1333 : vector<1x16xf32> to vector<16xf32>
        %add3A_1335 = arith.addf %scan3A_1303, %get3A_1334 : vector<16xf32>
        %add3A_1336 = arith.constant 32 : i32
        %add3A_1337 = arith.addi %mul3A_1319, %add3A_1336 : i32
        %get3A_1338 = arith.constant 0 : i32
        %get3A_1339 = arith.index_cast %get3A_1338 : i32 to index
        %get3A_1340 = arith.index_cast %add3A_1337 : i32 to index
        %get3A_1341 = tpu.vector_load %arg12[%get3A_1339, %get3A_1340] {strides = array<i32>} : memref<1x32000xf32, #tpu.memory_space<vmem>>, vector<1x16xf32>,
        %get3A_1342 = vector.shape_cast %get3A_1341 : vector<1x16xf32> to vector<16xf32>
        %add3A_1343 = arith.addf %scan3A_1304, %get3A_1342 : vector<16xf32>
        %add3A_1344 = arith.constant 48 : i32
        %add3A_1345 = arith.addi %mul3A_1319, %add3A_1344 : i32
        %get3A_1346 = arith.constant 0 : i32
        %get3A_1347 = arith.index_cast %get3A_1346 : i32 to index
        %get3A_1348 = arith.index_cast %add3A_1345 : i32 to index
        %get3A_1349 = tpu.vector_load %arg12[%get3A_1347, %get3A_1348] {strides = array<i32>} : memref<1x32000xf32, #tpu.memory_space<vmem>>, vector<1x16xf32>,
        %get3A_1350 = vector.shape_cast %get3A_1349 : vector<1x16xf32> to vector<16xf32>
        %add3A_1351 = arith.addf %scan3A_1305, %get3A_1350 : vector<16xf32>
        %add3A_1352 = arith.constant 64 : i32
        %add3A_1353 = arith.addi %mul3A_1319, %add3A_1352 : i32
        %get3A_1354 = arith.constant 0 : i32
        %get3A_1355 = arith.index_cast %get3A_1354 : i32 to index
        %get3A_1356 = arith.index_cast %add3A_1353 : i32 to index
        %get3A_1357 = tpu.vector_load %arg12[%get3A_1355, %get3A_1356] {strides = array<i32>} : memref<1x32000xf32, #tpu.memory_space<vmem>>, vector<1x16xf32>,
        %get3A_1358 = vector.shape_cast %get3A_1357 : vector<1x16xf32> to vector<16xf32>
        %add3A_1359 = arith.addf %scan3A_1306, %get3A_1358 : vector<16xf32>
        %add3A_1360 = arith.constant 80 : i32
        %add3A_1361 = arith.addi %mul3A_1319, %add3A_1360 : i32
        %get3A_1362 = arith.constant 0 : i32
        %get3A_1363 = arith.index_cast %get3A_1362 : i32 to index
        %get3A_1364 = arith.index_cast %add3A_1361 : i32 to index
        %get3A_1365 = tpu.vector_load %arg12[%get3A_1363, %get3A_1364] {strides = array<i32>} : memref<1x32000xf32, #tpu.memory_space<vmem>>, vector<1x16xf32>,
        %get3A_1366 = vector.shape_cast %get3A_1365 : vector<1x16xf32> to vector<16xf32>
        %add3A_1367 = arith.addf %scan3A_1307, %get3A_1366 : vector<16xf32>
        %add3A_1368 = arith.constant 96 : i32
        %add3A_1369 = arith.addi %mul3A_1319, %add3A_1368 : i32
        %get3A_1370 = arith.constant 0 : i32
        %get3A_1371 = arith.index_cast %get3A_1370 : i32 to index
        %get3A_1372 = arith.index_cast %add3A_1369 : i32 to index
        %get3A_1373 = tpu.vector_load %arg12[%get3A_1371, %get3A_1372] {strides = array<i32>} : memref<1x32000xf32, #tpu.memory_space<vmem>>, vector<1x16xf32>,
        %get3A_1374 = vector.shape_cast %get3A_1373 : vector<1x16xf32> to vector<16xf32>
        %add3A_1375 = arith.addf %scan3A_1308, %get3A_1374 : vector<16xf32>
        %add3A_1376 = arith.constant 112 : i32
        %add3A_1377 = arith.addi %mul3A_1319, %add3A_1376 : i32
        %get3A_1378 = arith.constant 0 : i32
        %get3A_1379 = arith.index_cast %get3A_1378 : i32 to index
        %get3A_1380 = arith.index_cast %add3A_1377 : i32 to index
        %get3A_1381 = tpu.vector_load %arg12[%get3A_1379, %get3A_1380] {strides = array<i32>} : memref<1x32000xf32, #tpu.memory_space<vmem>>, vector<1x16xf32>,
        %get3A_1382 = vector.shape_cast %get3A_1381 : vector<1x16xf32> to vector<16xf32>
        %add3A_1383 = arith.addf %scan3A_1309, %get3A_1382 : vector<16xf32>
        %add3A_1384 = arith.constant 128 : i32
        %add3A_1385 = arith.addi %mul3A_1319, %add3A_1384 : i32
        %get3A_1386 = arith.constant 0 : i32
        %get3A_1387 = arith.index_cast %get3A_1386 : i32 to index
        %get3A_1388 = arith.index_cast %add3A_1385 : i32 to index
        %get3A_1389 = tpu.vector_load %arg12[%get3A_1387, %get3A_1388] {strides = array<i32>} : memref<1x32000xf32, #tpu.memory_space<vmem>>, vector<1x16xf32>,
        %get3A_1390 = vector.shape_cast %get3A_1389 : vector<1x16xf32> to vector<16xf32>
        %add3A_1391 = arith.addf %scan3A_1310, %get3A_1390 : vector<16xf32>
        %add3A_1392 = arith.constant 144 : i32
        %add3A_1393 = arith.addi %mul3A_1319, %add3A_1392 : i32
        %get3A_1394 = arith.constant 0 : i32
        %get3A_1395 = arith.index_cast %get3A_1394 : i32 to index
        %get3A_1396 = arith.index_cast %add3A_1393 : i32 to index
        %get3A_1397 = tpu.vector_load %arg12[%get3A_1395, %get3A_1396] {strides = array<i32>} : memref<1x32000xf32, #tpu.memory_space<vmem>>, vector<1x16xf32>,
        %get3A_1398 = vector.shape_cast %get3A_1397 : vector<1x16xf32> to vector<16xf32>
        %add3A_1399 = arith.addf %scan3A_1311, %get3A_1398 : vector<16xf32>
        %add3A_1400 = arith.constant 160 : i32
        %add3A_1401 = arith.addi %mul3A_1319, %add3A_1400 : i32
        %get3A_1402 = arith.constant 0 : i32
        %get3A_1403 = arith.index_cast %get3A_1402 : i32 to index
        %get3A_1404 = arith.index_cast %add3A_1401 : i32 to index
        %get3A_1405 = tpu.vector_load %arg12[%get3A_1403, %get3A_1404] {strides = array<i32>} : memref<1x32000xf32, #tpu.memory_space<vmem>>, vector<1x16xf32>,
        %get3A_1406 = vector.shape_cast %get3A_1405 : vector<1x16xf32> to vector<16xf32>
        %add3A_1407 = arith.addf %scan3A_1312, %get3A_1406 : vector<16xf32>
        %add3A_1408 = arith.constant 176 : i32
        %add3A_1409 = arith.addi %mul3A_1319, %add3A_1408 : i32
        %get3A_1410 = arith.constant 0 : i32
        %get3A_1411 = arith.index_cast %get3A_1410 : i32 to index
        %get3A_1412 = arith.index_cast %add3A_1409 : i32 to index
        %get3A_1413 = tpu.vector_load %arg12[%get3A_1411, %get3A_1412] {strides = array<i32>} : memref<1x32000xf32, #tpu.memory_space<vmem>>, vector<1x16xf32>,
        %get3A_1414 = vector.shape_cast %get3A_1413 : vector<1x16xf32> to vector<16xf32>
        %add3A_1415 = arith.addf %scan3A_1313, %get3A_1414 : vector<16xf32>
        %add3A_1416 = arith.constant 192 : i32
        %add3A_1417 = arith.addi %mul3A_1319, %add3A_1416 : i32
        %get3A_1418 = arith.constant 0 : i32
        %get3A_1419 = arith.index_cast %get3A_1418 : i32 to index
        %get3A_1420 = arith.index_cast %add3A_1417 : i32 to index
        %get3A_1421 = tpu.vector_load %arg12[%get3A_1419, %get3A_1420] {strides = array<i32>} : memref<1x32000xf32, #tpu.memory_space<vmem>>, vector<1x16xf32>,
        %get3A_1422 = vector.shape_cast %get3A_1421 : vector<1x16xf32> to vector<16xf32>
        %add3A_1423 = arith.addf %scan3A_1314, %get3A_1422 : vector<16xf32>
        %add3A_1424 = arith.constant 208 : i32
        %add3A_1425 = arith.addi %mul3A_1319, %add3A_1424 : i32
        %get3A_1426 = arith.constant 0 : i32
        %get3A_1427 = arith.index_cast %get3A_1426 : i32 to index
        %get3A_1428 = arith.index_cast %add3A_1425 : i32 to index
        %get3A_1429 = tpu.vector_load %arg12[%get3A_1427, %get3A_1428] {strides = array<i32>} : memref<1x32000xf32, #tpu.memory_space<vmem>>, vector<1x16xf32>,
        %get3A_1430 = vector.shape_cast %get3A_1429 : vector<1x16xf32> to vector<16xf32>
        %add3A_1431 = arith.addf %scan3A_1315, %get3A_1430 : vector<16xf32>
        %add3A_1432 = arith.constant 224 : i32
        %add3A_1433 = arith.addi %mul3A_1319, %add3A_1432 : i32
        %get3A_1434 = arith.constant 0 : i32
        %get3A_1435 = arith.index_cast %get3A_1434 : i32 to index
        %get3A_1436 = arith.index_cast %add3A_1433 : i32 to index
        %get3A_1437 = tpu.vector_load %arg12[%get3A_1435, %get3A_1436] {strides = array<i32>} : memref<1x32000xf32, #tpu.memory_space<vmem>>, vector<1x16xf32>,
        %get3A_1438 = vector.shape_cast %get3A_1437 : vector<1x16xf32> to vector<16xf32>
        %add3A_1439 = arith.addf %scan3A_1316, %get3A_1438 : vector<16xf32>
        %add3A_1440 = arith.constant 240 : i32
        %add3A_1441 = arith.addi %mul3A_1319, %add3A_1440 : i32
        %get3A_1442 = arith.constant 0 : i32
        %get3A_1443 = arith.index_cast %get3A_1442 : i32 to index
        %get3A_1444 = arith.index_cast %add3A_1441 : i32 to index
        %get3A_1445 = tpu.vector_load %arg12[%get3A_1443, %get3A_1444] {strides = array<i32>} : memref<1x32000xf32, #tpu.memory_space<vmem>>, vector<1x16xf32>,
        %get3A_1446 = vector.shape_cast %get3A_1445 : vector<1x16xf32> to vector<16xf32>
        %add3A_1447 = arith.addf %scan3A_1317, %get3A_1446 : vector<16xf32>
        scf.yield %add3A_1327, %add3A_1335, %add3A_1343, %add3A_1351, %add3A_1359, %add3A_1367, %add3A_1375, %add3A_1383, %add3A_1391, %add3A_1399, %add3A_1407, %add3A_1415, %add3A_1423, %add3A_1431, %add3A_1439, %add3A_1447 : vector<16xf32>, vector<16xf32>, vector<16xf32>, vector<16xf32>, vector<16xf32>, vector<16xf32>, vector<16xf32>, vector<16xf32>, vector<16xf32>, vector<16xf32>, vector<16xf32>, vector<16xf32>, vector<16xf32>, vector<16xf32>, vector<16xf32>, vector<16xf32>
      }
      %scan3A_783 = arith.constant 125 : i32
      %add3A_784 = arith.addf %scan3A_782#0, %scan3A_782#1 : vector<16xf32>
      %add3A_785 = arith.addf %add3A_784, %scan3A_782#2 : vector<16xf32>
      %add3A_786 = arith.addf %add3A_785, %scan3A_782#3 : vector<16xf32>
      %add3A_787 = arith.addf %add3A_786, %scan3A_782#4 : vector<16xf32>
      %add3A_788 = arith.addf %add3A_787, %scan3A_782#5 : vector<16xf32>
      %add3A_789 = arith.addf %add3A_788, %scan3A_782#6 : vector<16xf32>
      %add3A_790 = arith.addf %add3A_789, %scan3A_782#7 : vector<16xf32>
      %add3A_791 = arith.addf %add3A_790, %scan3A_782#8 : vector<16xf32>
      %add3A_792 = arith.addf %add3A_791, %scan3A_782#9 : vector<16xf32>
      %add3A_793 = arith.addf %add3A_792, %scan3A_782#10 : vector<16xf32>
      %add3A_794 = arith.addf %add3A_793, %scan3A_782#11 : vector<16xf32>
      %add3A_795 = arith.addf %add3A_794, %scan3A_782#12 : vector<16xf32>
      %add3A_796 = arith.addf %add3A_795, %scan3A_782#13 : vector<16xf32>
      %add3A_797 = arith.addf %add3A_796, %scan3A_782#14 : vector<16xf32>
      %add3A_798 = arith.addf %add3A_797, %scan3A_782#15 : vector<16xf32>
      %mul3A_799 = arith.constant 16 : i32
      %mul3A_800 = arith.muli %add3A_770, %mul3A_799 : i32
      %swap3A_801 = arith.index_cast %mul3A_800 : i32 to index
      %swap3A_802 = tpu.vector_load %arg10[%swap3A_801] {strides = array<i32>} : memref<1024xf32, #tpu.memory_space<vmem>>, vector<16xf32>,
      %swap3A_803 = vector.shape_cast %swap3A_802 : vector<16xf32> to vector<16xf32>
      %swap3A_804 = vector.shape_cast %add3A_798 : vector<16xf32> to vector<16xf32>
      tpu.vector_store %arg10[%swap3A_801], %swap3A_804 {strides = array<i32>} : memref<1024xf32, #tpu.memory_space<vmem>>, vector<16xf32>,
      %slice3A_805 = vector.extract_strided_slice %get3A_93 {offsets = [9], sizes = [1], strides = [1]} : vector<16xi32> to vector<1xi32>
      %squeeze3A_806 = vector.extract %slice3A_805[0] : i32 from vector<1xi32>
      %shift_right_arithmetic3A_807 = arith.constant 4 : i32
      %shift_right_arithmetic3A_808 = arith.shrsi %squeeze3A_806, %shift_right_arithmetic3A_807 : i32
      %mul3A_809 = arith.constant 16 : i32
      %mul3A_810 = arith.muli %shift_right_arithmetic3A_808, %mul3A_809 : i32
      %get3A_811 = arith.constant 0 : i32
      %get3A_812 = arith.index_cast %get3A_811 : i32 to index
      %get3A_813 = arith.index_cast %mul3A_810 : i32 to index
      %get3A_814 = tpu.vector_load %arg12[%get3A_812, %get3A_813] {strides = array<i32>} : memref<1x32000xf32, #tpu.memory_space<vmem>>, vector<1x16xf32>,
      %get3A_815 = vector.shape_cast %get3A_814 : vector<1x16xf32> to vector<16xf32>
      %and3A_816 = arith.constant 15 : i32
      %and3A_817 = arith.andi %squeeze3A_806, %and3A_816 : i32
      %eq3A_818 = vector.broadcast %and3A_817 : i32 to vector<16xi32>
      %eq3A_819 = arith.cmpi eq, %iota3A, %eq3A_818 : vector<16xi32>
      %jit3A_820 = arith.constant 0.000000e+00 : f32
      %broadcast_in_dim3A_821 = vector.broadcast %jit3A_820 : f32 to vector<16xf32>
      %select_n3A_822 = arith.select %eq3A_819, %get3A_815, %broadcast_in_dim3A_821 : vector<16xi1>, vector<16xf32>
      %ne3A_823 = arith.constant 0 : i32
      %ne3A_824 = arith.cmpi ne, %squeeze3A_806, %ne3A_823 : i32
      %jit3A_825 = arith.constant 1.000000e+00 : f32
      %jit3A_826 = arith.constant 0.000000e+00 : f32
      %select_n3A_827 = arith.select %ne3A_824, %jit3A_825, %jit3A_826 : f32
      %get3A_828 = arith.constant 0 : index
      %get3A_829 = tpu.vector_load %arg8[%get3A_828] {strides = array<i32>} : memref<16xf32, #tpu.memory_space<vmem>>, vector<16xf32>,
      %get3A_830 = vector.shape_cast %get3A_829 : vector<16xf32> to vector<16xf32>
      %mul3A_831 = vector.broadcast %select_n3A_827 : f32 to vector<16xf32>
      %mul3A_832 = arith.mulf %select_n3A_822, %mul3A_831 : vector<16xf32>
      %add3A_833 = arith.addf %get3A_830, %mul3A_832 : vector<16xf32>
      %swap3A_834 = arith.constant 0 : index
      %swap3A_835 = tpu.vector_load %arg8[%swap3A_834] {strides = array<i32>} : memref<16xf32, #tpu.memory_space<vmem>>, vector<16xf32>,
      %swap3A_836 = vector.shape_cast %swap3A_835 : vector<16xf32> to vector<16xf32>
      %swap3A_837 = vector.shape_cast %add3A_833 : vector<16xf32> to vector<16xf32>
      tpu.vector_store %arg8[%swap3A_834], %swap3A_837 {strides = array<i32>} : memref<16xf32, #tpu.memory_space<vmem>>, vector<16xf32>,
      %add3A_838 = arith.constant 4 : i32
      %add3A_839 = arith.addi %add3A_770, %add3A_838 : i32
      %lt3A_840 = arith.constant 64 : i32
      %lt3A_841 = arith.cmpi slt, %add3A_839, %lt3A_840 : i32
      %convert_element_type3A_842 = arith.extui %lt3A_841 : i1 to i32
      %cond3A_843 = arith.constant 0 : i32
      %cond3A_844 = arith.cmpi ne, %convert_element_type3A_842, %cond3A_843 : i32
      scf.if %cond3A_844 {
        %add3A_1301 = arith.addi %mul3A_2, %add3A_770 : i32
        %add3A_1302 = arith.constant 4 : i32
        %add3A_1303 = arith.addi %add3A_1301, %add3A_1302 : i32
        %dma_start3A_1304 = arith.constant 0 : i32
        %dma_start3A_1305 = tpu.memref_slice %arg2[%add3A_1303, %dma_start3A_1304] : memref<2048x32000xf32, #tpu.memory_space<hbm>> -> memref<1x32000xf32, #tpu.memory_space<hbm>>
        %dma_start3A_1306 = arith.constant 0 : i32
        %dma_start3A_1307 = tpu.memref_slice %arg2[%add3A_1303, %dma_start3A_1306] : memref<2048x32000xf32, #tpu.memory_space<hbm>> -> memref<1x32000xf32, #tpu.memory_space<hbm>>
        tpu.enqueue_dma source(%dma_start3A_1307 : memref<1x32000xf32, #tpu.memory_space<hbm>>) target(%arg12 : memref<1x32000xf32, #tpu.memory_space<vmem>>) target_semaphore(%arg16 : memref<!tpu.dma_semaphore, #tpu.memory_space<semaphore_mem>>)
      } else {
      }
      %add3A_845 = arith.constant 10 : i32
      %add3A_846 = arith.addi %mul3A_90, %add3A_845 : i32
      %add3A_847 = arith.addi %mul3A_2, %add3A_846 : i32
      %dma_wait3A_848 = arith.constant 0 : i32
      %dma_wait3A_849 = tpu.memref_slice %arg2[%add3A_847, %dma_wait3A_848] : memref<2048x32000xf32, #tpu.memory_space<hbm>> -> memref<1x32000xf32, #tpu.memory_space<hbm>>
      %dma_wait3A_850 = arith.constant 0 : i32
      %dma_wait3A_851 = tpu.memref_slice %arg2[%add3A_847, %dma_wait3A_850] : memref<2048x32000xf32, #tpu.memory_space<hbm>> -> memref<1x32000xf32, #tpu.memory_space<hbm>>
      tpu.wait_dma2 semaphore(%arg17 : memref<!tpu.dma_semaphore, #tpu.memory_space<semaphore_mem>>) src(%dma_wait3A_851 : memref<1x32000xf32, #tpu.memory_space<hbm>>) dst(%arg13 : memref<1x32000xf32, #tpu.memory_space<vmem>>)
      %broadcast_in_dim3A_852 = arith.constant 0.000000e+00 : f32
      %broadcast_in_dim3A_853 = vector.broadcast %broadcast_in_dim3A_852 : f32 to vector<16xf32>
      %scan3A_854 = arith.constant 0 : i32
      %scan3A_855 = arith.constant 125 : i32
      %scan3A_856 = arith.addi %scan3A_854, %scan3A_855 : i32
      %scan3A_857 = arith.constant 1 : i32
      %scan3A_858:16 = scf.for %scan3A_1301 = %scan3A_854 to %scan3A_856 step %scan3A_857 iter_args(%scan3A_1302 = %broadcast_in_dim3A_853, %scan3A_1303 = %broadcast_in_dim3A_853, %scan3A_1304 = %broadcast_in_dim3A_853, %scan3A_1305 = %broadcast_in_dim3A_853, %scan3A_1306 = %broadcast_in_dim3A_853, %scan3A_1307 = %broadcast_in_dim3A_853, %scan3A_1308 = %broadcast_in_dim3A_853, %scan3A_1309 = %broadcast_in_dim3A_853, %scan3A_1310 = %broadcast_in_dim3A_853, %scan3A_1311 = %broadcast_in_dim3A_853, %scan3A_1312 = %broadcast_in_dim3A_853, %scan3A_1313 = %broadcast_in_dim3A_853, %scan3A_1314 = %broadcast_in_dim3A_853, %scan3A_1315 = %broadcast_in_dim3A_853, %scan3A_1316 = %broadcast_in_dim3A_853, %scan3A_1317 = %broadcast_in_dim3A_853) -> (vector<16xf32>, vector<16xf32>, vector<16xf32>, vector<16xf32>, vector<16xf32>, vector<16xf32>, vector<16xf32>, vector<16xf32>, vector<16xf32>, vector<16xf32>, vector<16xf32>, vector<16xf32>, vector<16xf32>, vector<16xf32>, vector<16xf32>, vector<16xf32>)  : i32 {
        %mul3A_1318 = arith.constant 256 : i32
        %mul3A_1319 = arith.muli %scan3A_1301, %mul3A_1318 : i32
        %add3A_1320 = arith.constant 0 : i32
        %add3A_1321 = arith.addi %mul3A_1319, %add3A_1320 : i32
        %get3A_1322 = arith.constant 0 : i32
        %get3A_1323 = arith.index_cast %get3A_1322 : i32 to index
        %get3A_1324 = arith.index_cast %add3A_1321 : i32 to index
        %get3A_1325 = tpu.vector_load %arg13[%get3A_1323, %get3A_1324] {strides = array<i32>} : memref<1x32000xf32, #tpu.memory_space<vmem>>, vector<1x16xf32>,
        %get3A_1326 = vector.shape_cast %get3A_1325 : vector<1x16xf32> to vector<16xf32>
        %add3A_1327 = arith.addf %scan3A_1302, %get3A_1326 : vector<16xf32>
        %add3A_1328 = arith.constant 16 : i32
        %add3A_1329 = arith.addi %mul3A_1319, %add3A_1328 : i32
        %get3A_1330 = arith.constant 0 : i32
        %get3A_1331 = arith.index_cast %get3A_1330 : i32 to index
        %get3A_1332 = arith.index_cast %add3A_1329 : i32 to index
        %get3A_1333 = tpu.vector_load %arg13[%get3A_1331, %get3A_1332] {strides = array<i32>} : memref<1x32000xf32, #tpu.memory_space<vmem>>, vector<1x16xf32>,
        %get3A_1334 = vector.shape_cast %get3A_1333 : vector<1x16xf32> to vector<16xf32>
        %add3A_1335 = arith.addf %scan3A_1303, %get3A_1334 : vector<16xf32>
        %add3A_1336 = arith.constant 32 : i32
        %add3A_1337 = arith.addi %mul3A_1319, %add3A_1336 : i32
        %get3A_1338 = arith.constant 0 : i32
        %get3A_1339 = arith.index_cast %get3A_1338 : i32 to index
        %get3A_1340 = arith.index_cast %add3A_1337 : i32 to index
        %get3A_1341 = tpu.vector_load %arg13[%get3A_1339, %get3A_1340] {strides = array<i32>} : memref<1x32000xf32, #tpu.memory_space<vmem>>, vector<1x16xf32>,
        %get3A_1342 = vector.shape_cast %get3A_1341 : vector<1x16xf32> to vector<16xf32>
        %add3A_1343 = arith.addf %scan3A_1304, %get3A_1342 : vector<16xf32>
        %add3A_1344 = arith.constant 48 : i32
        %add3A_1345 = arith.addi %mul3A_1319, %add3A_1344 : i32
        %get3A_1346 = arith.constant 0 : i32
        %get3A_1347 = arith.index_cast %get3A_1346 : i32 to index
        %get3A_1348 = arith.index_cast %add3A_1345 : i32 to index
        %get3A_1349 = tpu.vector_load %arg13[%get3A_1347, %get3A_1348] {strides = array<i32>} : memref<1x32000xf32, #tpu.memory_space<vmem>>, vector<1x16xf32>,
        %get3A_1350 = vector.shape_cast %get3A_1349 : vector<1x16xf32> to vector<16xf32>
        %add3A_1351 = arith.addf %scan3A_1305, %get3A_1350 : vector<16xf32>
        %add3A_1352 = arith.constant 64 : i32
        %add3A_1353 = arith.addi %mul3A_1319, %add3A_1352 : i32
        %get3A_1354 = arith.constant 0 : i32
        %get3A_1355 = arith.index_cast %get3A_1354 : i32 to index
        %get3A_1356 = arith.index_cast %add3A_1353 : i32 to index
        %get3A_1357 = tpu.vector_load %arg13[%get3A_1355, %get3A_1356] {strides = array<i32>} : memref<1x32000xf32, #tpu.memory_space<vmem>>, vector<1x16xf32>,
        %get3A_1358 = vector.shape_cast %get3A_1357 : vector<1x16xf32> to vector<16xf32>
        %add3A_1359 = arith.addf %scan3A_1306, %get3A_1358 : vector<16xf32>
        %add3A_1360 = arith.constant 80 : i32
        %add3A_1361 = arith.addi %mul3A_1319, %add3A_1360 : i32
        %get3A_1362 = arith.constant 0 : i32
        %get3A_1363 = arith.index_cast %get3A_1362 : i32 to index
        %get3A_1364 = arith.index_cast %add3A_1361 : i32 to index
        %get3A_1365 = tpu.vector_load %arg13[%get3A_1363, %get3A_1364] {strides = array<i32>} : memref<1x32000xf32, #tpu.memory_space<vmem>>, vector<1x16xf32>,
        %get3A_1366 = vector.shape_cast %get3A_1365 : vector<1x16xf32> to vector<16xf32>
        %add3A_1367 = arith.addf %scan3A_1307, %get3A_1366 : vector<16xf32>
        %add3A_1368 = arith.constant 96 : i32
        %add3A_1369 = arith.addi %mul3A_1319, %add3A_1368 : i32
        %get3A_1370 = arith.constant 0 : i32
        %get3A_1371 = arith.index_cast %get3A_1370 : i32 to index
        %get3A_1372 = arith.index_cast %add3A_1369 : i32 to index
        %get3A_1373 = tpu.vector_load %arg13[%get3A_1371, %get3A_1372] {strides = array<i32>} : memref<1x32000xf32, #tpu.memory_space<vmem>>, vector<1x16xf32>,
        %get3A_1374 = vector.shape_cast %get3A_1373 : vector<1x16xf32> to vector<16xf32>
        %add3A_1375 = arith.addf %scan3A_1308, %get3A_1374 : vector<16xf32>
        %add3A_1376 = arith.constant 112 : i32
        %add3A_1377 = arith.addi %mul3A_1319, %add3A_1376 : i32
        %get3A_1378 = arith.constant 0 : i32
        %get3A_1379 = arith.index_cast %get3A_1378 : i32 to index
        %get3A_1380 = arith.index_cast %add3A_1377 : i32 to index
        %get3A_1381 = tpu.vector_load %arg13[%get3A_1379, %get3A_1380] {strides = array<i32>} : memref<1x32000xf32, #tpu.memory_space<vmem>>, vector<1x16xf32>,
        %get3A_1382 = vector.shape_cast %get3A_1381 : vector<1x16xf32> to vector<16xf32>
        %add3A_1383 = arith.addf %scan3A_1309, %get3A_1382 : vector<16xf32>
        %add3A_1384 = arith.constant 128 : i32
        %add3A_1385 = arith.addi %mul3A_1319, %add3A_1384 : i32
        %get3A_1386 = arith.constant 0 : i32
        %get3A_1387 = arith.index_cast %get3A_1386 : i32 to index
        %get3A_1388 = arith.index_cast %add3A_1385 : i32 to index
        %get3A_1389 = tpu.vector_load %arg13[%get3A_1387, %get3A_1388] {strides = array<i32>} : memref<1x32000xf32, #tpu.memory_space<vmem>>, vector<1x16xf32>,
        %get3A_1390 = vector.shape_cast %get3A_1389 : vector<1x16xf32> to vector<16xf32>
        %add3A_1391 = arith.addf %scan3A_1310, %get3A_1390 : vector<16xf32>
        %add3A_1392 = arith.constant 144 : i32
        %add3A_1393 = arith.addi %mul3A_1319, %add3A_1392 : i32
        %get3A_1394 = arith.constant 0 : i32
        %get3A_1395 = arith.index_cast %get3A_1394 : i32 to index
        %get3A_1396 = arith.index_cast %add3A_1393 : i32 to index
        %get3A_1397 = tpu.vector_load %arg13[%get3A_1395, %get3A_1396] {strides = array<i32>} : memref<1x32000xf32, #tpu.memory_space<vmem>>, vector<1x16xf32>,
        %get3A_1398 = vector.shape_cast %get3A_1397 : vector<1x16xf32> to vector<16xf32>
        %add3A_1399 = arith.addf %scan3A_1311, %get3A_1398 : vector<16xf32>
        %add3A_1400 = arith.constant 160 : i32
        %add3A_1401 = arith.addi %mul3A_1319, %add3A_1400 : i32
        %get3A_1402 = arith.constant 0 : i32
        %get3A_1403 = arith.index_cast %get3A_1402 : i32 to index
        %get3A_1404 = arith.index_cast %add3A_1401 : i32 to index
        %get3A_1405 = tpu.vector_load %arg13[%get3A_1403, %get3A_1404] {strides = array<i32>} : memref<1x32000xf32, #tpu.memory_space<vmem>>, vector<1x16xf32>,
        %get3A_1406 = vector.shape_cast %get3A_1405 : vector<1x16xf32> to vector<16xf32>
        %add3A_1407 = arith.addf %scan3A_1312, %get3A_1406 : vector<16xf32>
        %add3A_1408 = arith.constant 176 : i32
        %add3A_1409 = arith.addi %mul3A_1319, %add3A_1408 : i32
        %get3A_1410 = arith.constant 0 : i32
        %get3A_1411 = arith.index_cast %get3A_1410 : i32 to index
        %get3A_1412 = arith.index_cast %add3A_1409 : i32 to index
        %get3A_1413 = tpu.vector_load %arg13[%get3A_1411, %get3A_1412] {strides = array<i32>} : memref<1x32000xf32, #tpu.memory_space<vmem>>, vector<1x16xf32>,
        %get3A_1414 = vector.shape_cast %get3A_1413 : vector<1x16xf32> to vector<16xf32>
        %add3A_1415 = arith.addf %scan3A_1313, %get3A_1414 : vector<16xf32>
        %add3A_1416 = arith.constant 192 : i32
        %add3A_1417 = arith.addi %mul3A_1319, %add3A_1416 : i32
        %get3A_1418 = arith.constant 0 : i32
        %get3A_1419 = arith.index_cast %get3A_1418 : i32 to index
        %get3A_1420 = arith.index_cast %add3A_1417 : i32 to index
        %get3A_1421 = tpu.vector_load %arg13[%get3A_1419, %get3A_1420] {strides = array<i32>} : memref<1x32000xf32, #tpu.memory_space<vmem>>, vector<1x16xf32>,
        %get3A_1422 = vector.shape_cast %get3A_1421 : vector<1x16xf32> to vector<16xf32>
        %add3A_1423 = arith.addf %scan3A_1314, %get3A_1422 : vector<16xf32>
        %add3A_1424 = arith.constant 208 : i32
        %add3A_1425 = arith.addi %mul3A_1319, %add3A_1424 : i32
        %get3A_1426 = arith.constant 0 : i32
        %get3A_1427 = arith.index_cast %get3A_1426 : i32 to index
        %get3A_1428 = arith.index_cast %add3A_1425 : i32 to index
        %get3A_1429 = tpu.vector_load %arg13[%get3A_1427, %get3A_1428] {strides = array<i32>} : memref<1x32000xf32, #tpu.memory_space<vmem>>, vector<1x16xf32>,
        %get3A_1430 = vector.shape_cast %get3A_1429 : vector<1x16xf32> to vector<16xf32>
        %add3A_1431 = arith.addf %scan3A_1315, %get3A_1430 : vector<16xf32>
        %add3A_1432 = arith.constant 224 : i32
        %add3A_1433 = arith.addi %mul3A_1319, %add3A_1432 : i32
        %get3A_1434 = arith.constant 0 : i32
        %get3A_1435 = arith.index_cast %get3A_1434 : i32 to index
        %get3A_1436 = arith.index_cast %add3A_1433 : i32 to index
        %get3A_1437 = tpu.vector_load %arg13[%get3A_1435, %get3A_1436] {strides = array<i32>} : memref<1x32000xf32, #tpu.memory_space<vmem>>, vector<1x16xf32>,
        %get3A_1438 = vector.shape_cast %get3A_1437 : vector<1x16xf32> to vector<16xf32>
        %add3A_1439 = arith.addf %scan3A_1316, %get3A_1438 : vector<16xf32>
        %add3A_1440 = arith.constant 240 : i32
        %add3A_1441 = arith.addi %mul3A_1319, %add3A_1440 : i32
        %get3A_1442 = arith.constant 0 : i32
        %get3A_1443 = arith.index_cast %get3A_1442 : i32 to index
        %get3A_1444 = arith.index_cast %add3A_1441 : i32 to index
        %get3A_1445 = tpu.vector_load %arg13[%get3A_1443, %get3A_1444] {strides = array<i32>} : memref<1x32000xf32, #tpu.memory_space<vmem>>, vector<1x16xf32>,
        %get3A_1446 = vector.shape_cast %get3A_1445 : vector<1x16xf32> to vector<16xf32>
        %add3A_1447 = arith.addf %scan3A_1317, %get3A_1446 : vector<16xf32>
        scf.yield %add3A_1327, %add3A_1335, %add3A_1343, %add3A_1351, %add3A_1359, %add3A_1367, %add3A_1375, %add3A_1383, %add3A_1391, %add3A_1399, %add3A_1407, %add3A_1415, %add3A_1423, %add3A_1431, %add3A_1439, %add3A_1447 : vector<16xf32>, vector<16xf32>, vector<16xf32>, vector<16xf32>, vector<16xf32>, vector<16xf32>, vector<16xf32>, vector<16xf32>, vector<16xf32>, vector<16xf32>, vector<16xf32>, vector<16xf32>, vector<16xf32>, vector<16xf32>, vector<16xf32>, vector<16xf32>
      }
      %scan3A_859 = arith.constant 125 : i32
      %add3A_860 = arith.addf %scan3A_858#0, %scan3A_858#1 : vector<16xf32>
      %add3A_861 = arith.addf %add3A_860, %scan3A_858#2 : vector<16xf32>
      %add3A_862 = arith.addf %add3A_861, %scan3A_858#3 : vector<16xf32>
      %add3A_863 = arith.addf %add3A_862, %scan3A_858#4 : vector<16xf32>
      %add3A_864 = arith.addf %add3A_863, %scan3A_858#5 : vector<16xf32>
      %add3A_865 = arith.addf %add3A_864, %scan3A_858#6 : vector<16xf32>
      %add3A_866 = arith.addf %add3A_865, %scan3A_858#7 : vector<16xf32>
      %add3A_867 = arith.addf %add3A_866, %scan3A_858#8 : vector<16xf32>
      %add3A_868 = arith.addf %add3A_867, %scan3A_858#9 : vector<16xf32>
      %add3A_869 = arith.addf %add3A_868, %scan3A_858#10 : vector<16xf32>
      %add3A_870 = arith.addf %add3A_869, %scan3A_858#11 : vector<16xf32>
      %add3A_871 = arith.addf %add3A_870, %scan3A_858#12 : vector<16xf32>
      %add3A_872 = arith.addf %add3A_871, %scan3A_858#13 : vector<16xf32>
      %add3A_873 = arith.addf %add3A_872, %scan3A_858#14 : vector<16xf32>
      %add3A_874 = arith.addf %add3A_873, %scan3A_858#15 : vector<16xf32>
      %mul3A_875 = arith.constant 16 : i32
      %mul3A_876 = arith.muli %add3A_846, %mul3A_875 : i32
      %swap3A_877 = arith.index_cast %mul3A_876 : i32 to index
      %swap3A_878 = tpu.vector_load %arg10[%swap3A_877] {strides = array<i32>} : memref<1024xf32, #tpu.memory_space<vmem>>, vector<16xf32>,
      %swap3A_879 = vector.shape_cast %swap3A_878 : vector<16xf32> to vector<16xf32>
      %swap3A_880 = vector.shape_cast %add3A_874 : vector<16xf32> to vector<16xf32>
      tpu.vector_store %arg10[%swap3A_877], %swap3A_880 {strides = array<i32>} : memref<1024xf32, #tpu.memory_space<vmem>>, vector<16xf32>,
      %slice3A_881 = vector.extract_strided_slice %get3A_93 {offsets = [10], sizes = [1], strides = [1]} : vector<16xi32> to vector<1xi32>
      %squeeze3A_882 = vector.extract %slice3A_881[0] : i32 from vector<1xi32>
      %shift_right_arithmetic3A_883 = arith.constant 4 : i32
      %shift_right_arithmetic3A_884 = arith.shrsi %squeeze3A_882, %shift_right_arithmetic3A_883 : i32
      %mul3A_885 = arith.constant 16 : i32
      %mul3A_886 = arith.muli %shift_right_arithmetic3A_884, %mul3A_885 : i32
      %get3A_887 = arith.constant 0 : i32
      %get3A_888 = arith.index_cast %get3A_887 : i32 to index
      %get3A_889 = arith.index_cast %mul3A_886 : i32 to index
      %get3A_890 = tpu.vector_load %arg13[%get3A_888, %get3A_889] {strides = array<i32>} : memref<1x32000xf32, #tpu.memory_space<vmem>>, vector<1x16xf32>,
      %get3A_891 = vector.shape_cast %get3A_890 : vector<1x16xf32> to vector<16xf32>
      %and3A_892 = arith.constant 15 : i32
      %and3A_893 = arith.andi %squeeze3A_882, %and3A_892 : i32
      %eq3A_894 = vector.broadcast %and3A_893 : i32 to vector<16xi32>
      %eq3A_895 = arith.cmpi eq, %iota3A, %eq3A_894 : vector<16xi32>
      %jit3A_896 = arith.constant 0.000000e+00 : f32
      %broadcast_in_dim3A_897 = vector.broadcast %jit3A_896 : f32 to vector<16xf32>
      %select_n3A_898 = arith.select %eq3A_895, %get3A_891, %broadcast_in_dim3A_897 : vector<16xi1>, vector<16xf32>
      %ne3A_899 = arith.constant 0 : i32
      %ne3A_900 = arith.cmpi ne, %squeeze3A_882, %ne3A_899 : i32
      %jit3A_901 = arith.constant 1.000000e+00 : f32
      %jit3A_902 = arith.constant 0.000000e+00 : f32
      %select_n3A_903 = arith.select %ne3A_900, %jit3A_901, %jit3A_902 : f32
      %get3A_904 = arith.constant 0 : index
      %get3A_905 = tpu.vector_load %arg8[%get3A_904] {strides = array<i32>} : memref<16xf32, #tpu.memory_space<vmem>>, vector<16xf32>,
      %get3A_906 = vector.shape_cast %get3A_905 : vector<16xf32> to vector<16xf32>
      %mul3A_907 = vector.broadcast %select_n3A_903 : f32 to vector<16xf32>
      %mul3A_908 = arith.mulf %select_n3A_898, %mul3A_907 : vector<16xf32>
      %add3A_909 = arith.addf %get3A_906, %mul3A_908 : vector<16xf32>
      %swap3A_910 = arith.constant 0 : index
      %swap3A_911 = tpu.vector_load %arg8[%swap3A_910] {strides = array<i32>} : memref<16xf32, #tpu.memory_space<vmem>>, vector<16xf32>,
      %swap3A_912 = vector.shape_cast %swap3A_911 : vector<16xf32> to vector<16xf32>
      %swap3A_913 = vector.shape_cast %add3A_909 : vector<16xf32> to vector<16xf32>
      tpu.vector_store %arg8[%swap3A_910], %swap3A_913 {strides = array<i32>} : memref<16xf32, #tpu.memory_space<vmem>>, vector<16xf32>,
      %add3A_914 = arith.constant 4 : i32
      %add3A_915 = arith.addi %add3A_846, %add3A_914 : i32
      %lt3A_916 = arith.constant 64 : i32
      %lt3A_917 = arith.cmpi slt, %add3A_915, %lt3A_916 : i32
      %convert_element_type3A_918 = arith.extui %lt3A_917 : i1 to i32
      %cond3A_919 = arith.constant 0 : i32
      %cond3A_920 = arith.cmpi ne, %convert_element_type3A_918, %cond3A_919 : i32
      scf.if %cond3A_920 {
        %add3A_1301 = arith.addi %mul3A_2, %add3A_846 : i32
        %add3A_1302 = arith.constant 4 : i32
        %add3A_1303 = arith.addi %add3A_1301, %add3A_1302 : i32
        %dma_start3A_1304 = arith.constant 0 : i32
        %dma_start3A_1305 = tpu.memref_slice %arg2[%add3A_1303, %dma_start3A_1304] : memref<2048x32000xf32, #tpu.memory_space<hbm>> -> memref<1x32000xf32, #tpu.memory_space<hbm>>
        %dma_start3A_1306 = arith.constant 0 : i32
        %dma_start3A_1307 = tpu.memref_slice %arg2[%add3A_1303, %dma_start3A_1306] : memref<2048x32000xf32, #tpu.memory_space<hbm>> -> memref<1x32000xf32, #tpu.memory_space<hbm>>
        tpu.enqueue_dma source(%dma_start3A_1307 : memref<1x32000xf32, #tpu.memory_space<hbm>>) target(%arg13 : memref<1x32000xf32, #tpu.memory_space<vmem>>) target_semaphore(%arg17 : memref<!tpu.dma_semaphore, #tpu.memory_space<semaphore_mem>>)
      } else {
      }
      %add3A_921 = arith.constant 11 : i32
      %add3A_922 = arith.addi %mul3A_90, %add3A_921 : i32
      %add3A_923 = arith.addi %mul3A_2, %add3A_922 : i32
      %dma_wait3A_924 = arith.constant 0 : i32
      %dma_wait3A_925 = tpu.memref_slice %arg2[%add3A_923, %dma_wait3A_924] : memref<2048x32000xf32, #tpu.memory_space<hbm>> -> memref<1x32000xf32, #tpu.memory_space<hbm>>
      %dma_wait3A_926 = arith.constant 0 : i32
      %dma_wait3A_927 = tpu.memref_slice %arg2[%add3A_923, %dma_wait3A_926] : memref<2048x32000xf32, #tpu.memory_space<hbm>> -> memref<1x32000xf32, #tpu.memory_space<hbm>>
      tpu.wait_dma2 semaphore(%arg18 : memref<!tpu.dma_semaphore, #tpu.memory_space<semaphore_mem>>) src(%dma_wait3A_927 : memref<1x32000xf32, #tpu.memory_space<hbm>>) dst(%arg14 : memref<1x32000xf32, #tpu.memory_space<vmem>>)
      %broadcast_in_dim3A_928 = arith.constant 0.000000e+00 : f32
      %broadcast_in_dim3A_929 = vector.broadcast %broadcast_in_dim3A_928 : f32 to vector<16xf32>
      %scan3A_930 = arith.constant 0 : i32
      %scan3A_931 = arith.constant 125 : i32
      %scan3A_932 = arith.addi %scan3A_930, %scan3A_931 : i32
      %scan3A_933 = arith.constant 1 : i32
      %scan3A_934:16 = scf.for %scan3A_1301 = %scan3A_930 to %scan3A_932 step %scan3A_933 iter_args(%scan3A_1302 = %broadcast_in_dim3A_929, %scan3A_1303 = %broadcast_in_dim3A_929, %scan3A_1304 = %broadcast_in_dim3A_929, %scan3A_1305 = %broadcast_in_dim3A_929, %scan3A_1306 = %broadcast_in_dim3A_929, %scan3A_1307 = %broadcast_in_dim3A_929, %scan3A_1308 = %broadcast_in_dim3A_929, %scan3A_1309 = %broadcast_in_dim3A_929, %scan3A_1310 = %broadcast_in_dim3A_929, %scan3A_1311 = %broadcast_in_dim3A_929, %scan3A_1312 = %broadcast_in_dim3A_929, %scan3A_1313 = %broadcast_in_dim3A_929, %scan3A_1314 = %broadcast_in_dim3A_929, %scan3A_1315 = %broadcast_in_dim3A_929, %scan3A_1316 = %broadcast_in_dim3A_929, %scan3A_1317 = %broadcast_in_dim3A_929) -> (vector<16xf32>, vector<16xf32>, vector<16xf32>, vector<16xf32>, vector<16xf32>, vector<16xf32>, vector<16xf32>, vector<16xf32>, vector<16xf32>, vector<16xf32>, vector<16xf32>, vector<16xf32>, vector<16xf32>, vector<16xf32>, vector<16xf32>, vector<16xf32>)  : i32 {
        %mul3A_1318 = arith.constant 256 : i32
        %mul3A_1319 = arith.muli %scan3A_1301, %mul3A_1318 : i32
        %add3A_1320 = arith.constant 0 : i32
        %add3A_1321 = arith.addi %mul3A_1319, %add3A_1320 : i32
        %get3A_1322 = arith.constant 0 : i32
        %get3A_1323 = arith.index_cast %get3A_1322 : i32 to index
        %get3A_1324 = arith.index_cast %add3A_1321 : i32 to index
        %get3A_1325 = tpu.vector_load %arg14[%get3A_1323, %get3A_1324] {strides = array<i32>} : memref<1x32000xf32, #tpu.memory_space<vmem>>, vector<1x16xf32>,
        %get3A_1326 = vector.shape_cast %get3A_1325 : vector<1x16xf32> to vector<16xf32>
        %add3A_1327 = arith.addf %scan3A_1302, %get3A_1326 : vector<16xf32>
        %add3A_1328 = arith.constant 16 : i32
        %add3A_1329 = arith.addi %mul3A_1319, %add3A_1328 : i32
        %get3A_1330 = arith.constant 0 : i32
        %get3A_1331 = arith.index_cast %get3A_1330 : i32 to index
        %get3A_1332 = arith.index_cast %add3A_1329 : i32 to index
        %get3A_1333 = tpu.vector_load %arg14[%get3A_1331, %get3A_1332] {strides = array<i32>} : memref<1x32000xf32, #tpu.memory_space<vmem>>, vector<1x16xf32>,
        %get3A_1334 = vector.shape_cast %get3A_1333 : vector<1x16xf32> to vector<16xf32>
        %add3A_1335 = arith.addf %scan3A_1303, %get3A_1334 : vector<16xf32>
        %add3A_1336 = arith.constant 32 : i32
        %add3A_1337 = arith.addi %mul3A_1319, %add3A_1336 : i32
        %get3A_1338 = arith.constant 0 : i32
        %get3A_1339 = arith.index_cast %get3A_1338 : i32 to index
        %get3A_1340 = arith.index_cast %add3A_1337 : i32 to index
        %get3A_1341 = tpu.vector_load %arg14[%get3A_1339, %get3A_1340] {strides = array<i32>} : memref<1x32000xf32, #tpu.memory_space<vmem>>, vector<1x16xf32>,
        %get3A_1342 = vector.shape_cast %get3A_1341 : vector<1x16xf32> to vector<16xf32>
        %add3A_1343 = arith.addf %scan3A_1304, %get3A_1342 : vector<16xf32>
        %add3A_1344 = arith.constant 48 : i32
        %add3A_1345 = arith.addi %mul3A_1319, %add3A_1344 : i32
        %get3A_1346 = arith.constant 0 : i32
        %get3A_1347 = arith.index_cast %get3A_1346 : i32 to index
        %get3A_1348 = arith.index_cast %add3A_1345 : i32 to index
        %get3A_1349 = tpu.vector_load %arg14[%get3A_1347, %get3A_1348] {strides = array<i32>} : memref<1x32000xf32, #tpu.memory_space<vmem>>, vector<1x16xf32>,
        %get3A_1350 = vector.shape_cast %get3A_1349 : vector<1x16xf32> to vector<16xf32>
        %add3A_1351 = arith.addf %scan3A_1305, %get3A_1350 : vector<16xf32>
        %add3A_1352 = arith.constant 64 : i32
        %add3A_1353 = arith.addi %mul3A_1319, %add3A_1352 : i32
        %get3A_1354 = arith.constant 0 : i32
        %get3A_1355 = arith.index_cast %get3A_1354 : i32 to index
        %get3A_1356 = arith.index_cast %add3A_1353 : i32 to index
        %get3A_1357 = tpu.vector_load %arg14[%get3A_1355, %get3A_1356] {strides = array<i32>} : memref<1x32000xf32, #tpu.memory_space<vmem>>, vector<1x16xf32>,
        %get3A_1358 = vector.shape_cast %get3A_1357 : vector<1x16xf32> to vector<16xf32>
        %add3A_1359 = arith.addf %scan3A_1306, %get3A_1358 : vector<16xf32>
        %add3A_1360 = arith.constant 80 : i32
        %add3A_1361 = arith.addi %mul3A_1319, %add3A_1360 : i32
        %get3A_1362 = arith.constant 0 : i32
        %get3A_1363 = arith.index_cast %get3A_1362 : i32 to index
        %get3A_1364 = arith.index_cast %add3A_1361 : i32 to index
        %get3A_1365 = tpu.vector_load %arg14[%get3A_1363, %get3A_1364] {strides = array<i32>} : memref<1x32000xf32, #tpu.memory_space<vmem>>, vector<1x16xf32>,
        %get3A_1366 = vector.shape_cast %get3A_1365 : vector<1x16xf32> to vector<16xf32>
        %add3A_1367 = arith.addf %scan3A_1307, %get3A_1366 : vector<16xf32>
        %add3A_1368 = arith.constant 96 : i32
        %add3A_1369 = arith.addi %mul3A_1319, %add3A_1368 : i32
        %get3A_1370 = arith.constant 0 : i32
        %get3A_1371 = arith.index_cast %get3A_1370 : i32 to index
        %get3A_1372 = arith.index_cast %add3A_1369 : i32 to index
        %get3A_1373 = tpu.vector_load %arg14[%get3A_1371, %get3A_1372] {strides = array<i32>} : memref<1x32000xf32, #tpu.memory_space<vmem>>, vector<1x16xf32>,
        %get3A_1374 = vector.shape_cast %get3A_1373 : vector<1x16xf32> to vector<16xf32>
        %add3A_1375 = arith.addf %scan3A_1308, %get3A_1374 : vector<16xf32>
        %add3A_1376 = arith.constant 112 : i32
        %add3A_1377 = arith.addi %mul3A_1319, %add3A_1376 : i32
        %get3A_1378 = arith.constant 0 : i32
        %get3A_1379 = arith.index_cast %get3A_1378 : i32 to index
        %get3A_1380 = arith.index_cast %add3A_1377 : i32 to index
        %get3A_1381 = tpu.vector_load %arg14[%get3A_1379, %get3A_1380] {strides = array<i32>} : memref<1x32000xf32, #tpu.memory_space<vmem>>, vector<1x16xf32>,
        %get3A_1382 = vector.shape_cast %get3A_1381 : vector<1x16xf32> to vector<16xf32>
        %add3A_1383 = arith.addf %scan3A_1309, %get3A_1382 : vector<16xf32>
        %add3A_1384 = arith.constant 128 : i32
        %add3A_1385 = arith.addi %mul3A_1319, %add3A_1384 : i32
        %get3A_1386 = arith.constant 0 : i32
        %get3A_1387 = arith.index_cast %get3A_1386 : i32 to index
        %get3A_1388 = arith.index_cast %add3A_1385 : i32 to index
        %get3A_1389 = tpu.vector_load %arg14[%get3A_1387, %get3A_1388] {strides = array<i32>} : memref<1x32000xf32, #tpu.memory_space<vmem>>, vector<1x16xf32>,
        %get3A_1390 = vector.shape_cast %get3A_1389 : vector<1x16xf32> to vector<16xf32>
        %add3A_1391 = arith.addf %scan3A_1310, %get3A_1390 : vector<16xf32>
        %add3A_1392 = arith.constant 144 : i32
        %add3A_1393 = arith.addi %mul3A_1319, %add3A_1392 : i32
        %get3A_1394 = arith.constant 0 : i32
        %get3A_1395 = arith.index_cast %get3A_1394 : i32 to index
        %get3A_1396 = arith.index_cast %add3A_1393 : i32 to index
        %get3A_1397 = tpu.vector_load %arg14[%get3A_1395, %get3A_1396] {strides = array<i32>} : memref<1x32000xf32, #tpu.memory_space<vmem>>, vector<1x16xf32>,
        %get3A_1398 = vector.shape_cast %get3A_1397 : vector<1x16xf32> to vector<16xf32>
        %add3A_1399 = arith.addf %scan3A_1311, %get3A_1398 : vector<16xf32>
        %add3A_1400 = arith.constant 160 : i32
        %add3A_1401 = arith.addi %mul3A_1319, %add3A_1400 : i32
        %get3A_1402 = arith.constant 0 : i32
        %get3A_1403 = arith.index_cast %get3A_1402 : i32 to index
        %get3A_1404 = arith.index_cast %add3A_1401 : i32 to index
        %get3A_1405 = tpu.vector_load %arg14[%get3A_1403, %get3A_1404] {strides = array<i32>} : memref<1x32000xf32, #tpu.memory_space<vmem>>, vector<1x16xf32>,
        %get3A_1406 = vector.shape_cast %get3A_1405 : vector<1x16xf32> to vector<16xf32>
        %add3A_1407 = arith.addf %scan3A_1312, %get3A_1406 : vector<16xf32>
        %add3A_1408 = arith.constant 176 : i32
        %add3A_1409 = arith.addi %mul3A_1319, %add3A_1408 : i32
        %get3A_1410 = arith.constant 0 : i32
        %get3A_1411 = arith.index_cast %get3A_1410 : i32 to index
        %get3A_1412 = arith.index_cast %add3A_1409 : i32 to index
        %get3A_1413 = tpu.vector_load %arg14[%get3A_1411, %get3A_1412] {strides = array<i32>} : memref<1x32000xf32, #tpu.memory_space<vmem>>, vector<1x16xf32>,
        %get3A_1414 = vector.shape_cast %get3A_1413 : vector<1x16xf32> to vector<16xf32>
        %add3A_1415 = arith.addf %scan3A_1313, %get3A_1414 : vector<16xf32>
        %add3A_1416 = arith.constant 192 : i32
        %add3A_1417 = arith.addi %mul3A_1319, %add3A_1416 : i32
        %get3A_1418 = arith.constant 0 : i32
        %get3A_1419 = arith.index_cast %get3A_1418 : i32 to index
        %get3A_1420 = arith.index_cast %add3A_1417 : i32 to index
        %get3A_1421 = tpu.vector_load %arg14[%get3A_1419, %get3A_1420] {strides = array<i32>} : memref<1x32000xf32, #tpu.memory_space<vmem>>, vector<1x16xf32>,
        %get3A_1422 = vector.shape_cast %get3A_1421 : vector<1x16xf32> to vector<16xf32>
        %add3A_1423 = arith.addf %scan3A_1314, %get3A_1422 : vector<16xf32>
        %add3A_1424 = arith.constant 208 : i32
        %add3A_1425 = arith.addi %mul3A_1319, %add3A_1424 : i32
        %get3A_1426 = arith.constant 0 : i32
        %get3A_1427 = arith.index_cast %get3A_1426 : i32 to index
        %get3A_1428 = arith.index_cast %add3A_1425 : i32 to index
        %get3A_1429 = tpu.vector_load %arg14[%get3A_1427, %get3A_1428] {strides = array<i32>} : memref<1x32000xf32, #tpu.memory_space<vmem>>, vector<1x16xf32>,
        %get3A_1430 = vector.shape_cast %get3A_1429 : vector<1x16xf32> to vector<16xf32>
        %add3A_1431 = arith.addf %scan3A_1315, %get3A_1430 : vector<16xf32>
        %add3A_1432 = arith.constant 224 : i32
        %add3A_1433 = arith.addi %mul3A_1319, %add3A_1432 : i32
        %get3A_1434 = arith.constant 0 : i32
        %get3A_1435 = arith.index_cast %get3A_1434 : i32 to index
        %get3A_1436 = arith.index_cast %add3A_1433 : i32 to index
        %get3A_1437 = tpu.vector_load %arg14[%get3A_1435, %get3A_1436] {strides = array<i32>} : memref<1x32000xf32, #tpu.memory_space<vmem>>, vector<1x16xf32>,
        %get3A_1438 = vector.shape_cast %get3A_1437 : vector<1x16xf32> to vector<16xf32>
        %add3A_1439 = arith.addf %scan3A_1316, %get3A_1438 : vector<16xf32>
        %add3A_1440 = arith.constant 240 : i32
        %add3A_1441 = arith.addi %mul3A_1319, %add3A_1440 : i32
        %get3A_1442 = arith.constant 0 : i32
        %get3A_1443 = arith.index_cast %get3A_1442 : i32 to index
        %get3A_1444 = arith.index_cast %add3A_1441 : i32 to index
        %get3A_1445 = tpu.vector_load %arg14[%get3A_1443, %get3A_1444] {strides = array<i32>} : memref<1x32000xf32, #tpu.memory_space<vmem>>, vector<1x16xf32>,
        %get3A_1446 = vector.shape_cast %get3A_1445 : vector<1x16xf32> to vector<16xf32>
        %add3A_1447 = arith.addf %scan3A_1317, %get3A_1446 : vector<16xf32>
        scf.yield %add3A_1327, %add3A_1335, %add3A_1343, %add3A_1351, %add3A_1359, %add3A_1367, %add3A_1375, %add3A_1383, %add3A_1391, %add3A_1399, %add3A_1407, %add3A_1415, %add3A_1423, %add3A_1431, %add3A_1439, %add3A_1447 : vector<16xf32>, vector<16xf32>, vector<16xf32>, vector<16xf32>, vector<16xf32>, vector<16xf32>, vector<16xf32>, vector<16xf32>, vector<16xf32>, vector<16xf32>, vector<16xf32>, vector<16xf32>, vector<16xf32>, vector<16xf32>, vector<16xf32>, vector<16xf32>
      }
      %scan3A_935 = arith.constant 125 : i32
      %add3A_936 = arith.addf %scan3A_934#0, %scan3A_934#1 : vector<16xf32>
      %add3A_937 = arith.addf %add3A_936, %scan3A_934#2 : vector<16xf32>
      %add3A_938 = arith.addf %add3A_937, %scan3A_934#3 : vector<16xf32>
      %add3A_939 = arith.addf %add3A_938, %scan3A_934#4 : vector<16xf32>
      %add3A_940 = arith.addf %add3A_939, %scan3A_934#5 : vector<16xf32>
      %add3A_941 = arith.addf %add3A_940, %scan3A_934#6 : vector<16xf32>
      %add3A_942 = arith.addf %add3A_941, %scan3A_934#7 : vector<16xf32>
      %add3A_943 = arith.addf %add3A_942, %scan3A_934#8 : vector<16xf32>
      %add3A_944 = arith.addf %add3A_943, %scan3A_934#9 : vector<16xf32>
      %add3A_945 = arith.addf %add3A_944, %scan3A_934#10 : vector<16xf32>
      %add3A_946 = arith.addf %add3A_945, %scan3A_934#11 : vector<16xf32>
      %add3A_947 = arith.addf %add3A_946, %scan3A_934#12 : vector<16xf32>
      %add3A_948 = arith.addf %add3A_947, %scan3A_934#13 : vector<16xf32>
      %add3A_949 = arith.addf %add3A_948, %scan3A_934#14 : vector<16xf32>
      %add3A_950 = arith.addf %add3A_949, %scan3A_934#15 : vector<16xf32>
      %mul3A_951 = arith.constant 16 : i32
      %mul3A_952 = arith.muli %add3A_922, %mul3A_951 : i32
      %swap3A_953 = arith.index_cast %mul3A_952 : i32 to index
      %swap3A_954 = tpu.vector_load %arg10[%swap3A_953] {strides = array<i32>} : memref<1024xf32, #tpu.memory_space<vmem>>, vector<16xf32>,
      %swap3A_955 = vector.shape_cast %swap3A_954 : vector<16xf32> to vector<16xf32>
      %swap3A_956 = vector.shape_cast %add3A_950 : vector<16xf32> to vector<16xf32>
      tpu.vector_store %arg10[%swap3A_953], %swap3A_956 {strides = array<i32>} : memref<1024xf32, #tpu.memory_space<vmem>>, vector<16xf32>,
      %slice3A_957 = vector.extract_strided_slice %get3A_93 {offsets = [11], sizes = [1], strides = [1]} : vector<16xi32> to vector<1xi32>
      %squeeze3A_958 = vector.extract %slice3A_957[0] : i32 from vector<1xi32>
      %shift_right_arithmetic3A_959 = arith.constant 4 : i32
      %shift_right_arithmetic3A_960 = arith.shrsi %squeeze3A_958, %shift_right_arithmetic3A_959 : i32
      %mul3A_961 = arith.constant 16 : i32
      %mul3A_962 = arith.muli %shift_right_arithmetic3A_960, %mul3A_961 : i32
      %get3A_963 = arith.constant 0 : i32
      %get3A_964 = arith.index_cast %get3A_963 : i32 to index
      %get3A_965 = arith.index_cast %mul3A_962 : i32 to index
      %get3A_966 = tpu.vector_load %arg14[%get3A_964, %get3A_965] {strides = array<i32>} : memref<1x32000xf32, #tpu.memory_space<vmem>>, vector<1x16xf32>,
      %get3A_967 = vector.shape_cast %get3A_966 : vector<1x16xf32> to vector<16xf32>
      %and3A_968 = arith.constant 15 : i32
      %and3A_969 = arith.andi %squeeze3A_958, %and3A_968 : i32
      %eq3A_970 = vector.broadcast %and3A_969 : i32 to vector<16xi32>
      %eq3A_971 = arith.cmpi eq, %iota3A, %eq3A_970 : vector<16xi32>
      %jit3A_972 = arith.constant 0.000000e+00 : f32
      %broadcast_in_dim3A_973 = vector.broadcast %jit3A_972 : f32 to vector<16xf32>
      %select_n3A_974 = arith.select %eq3A_971, %get3A_967, %broadcast_in_dim3A_973 : vector<16xi1>, vector<16xf32>
      %ne3A_975 = arith.constant 0 : i32
      %ne3A_976 = arith.cmpi ne, %squeeze3A_958, %ne3A_975 : i32
      %jit3A_977 = arith.constant 1.000000e+00 : f32
      %jit3A_978 = arith.constant 0.000000e+00 : f32
      %select_n3A_979 = arith.select %ne3A_976, %jit3A_977, %jit3A_978 : f32
      %get3A_980 = arith.constant 0 : index
      %get3A_981 = tpu.vector_load %arg8[%get3A_980] {strides = array<i32>} : memref<16xf32, #tpu.memory_space<vmem>>, vector<16xf32>,
      %get3A_982 = vector.shape_cast %get3A_981 : vector<16xf32> to vector<16xf32>
      %mul3A_983 = vector.broadcast %select_n3A_979 : f32 to vector<16xf32>
      %mul3A_984 = arith.mulf %select_n3A_974, %mul3A_983 : vector<16xf32>
      %add3A_985 = arith.addf %get3A_982, %mul3A_984 : vector<16xf32>
      %swap3A_986 = arith.constant 0 : index
      %swap3A_987 = tpu.vector_load %arg8[%swap3A_986] {strides = array<i32>} : memref<16xf32, #tpu.memory_space<vmem>>, vector<16xf32>,
      %swap3A_988 = vector.shape_cast %swap3A_987 : vector<16xf32> to vector<16xf32>
      %swap3A_989 = vector.shape_cast %add3A_985 : vector<16xf32> to vector<16xf32>
      tpu.vector_store %arg8[%swap3A_986], %swap3A_989 {strides = array<i32>} : memref<16xf32, #tpu.memory_space<vmem>>, vector<16xf32>,
      %add3A_990 = arith.constant 4 : i32
      %add3A_991 = arith.addi %add3A_922, %add3A_990 : i32
      %lt3A_992 = arith.constant 64 : i32
      %lt3A_993 = arith.cmpi slt, %add3A_991, %lt3A_992 : i32
      %convert_element_type3A_994 = arith.extui %lt3A_993 : i1 to i32
      %cond3A_995 = arith.constant 0 : i32
      %cond3A_996 = arith.cmpi ne, %convert_element_type3A_994, %cond3A_995 : i32
      scf.if %cond3A_996 {
        %add3A_1301 = arith.addi %mul3A_2, %add3A_922 : i32
        %add3A_1302 = arith.constant 4 : i32
        %add3A_1303 = arith.addi %add3A_1301, %add3A_1302 : i32
        %dma_start3A_1304 = arith.constant 0 : i32
        %dma_start3A_1305 = tpu.memref_slice %arg2[%add3A_1303, %dma_start3A_1304] : memref<2048x32000xf32, #tpu.memory_space<hbm>> -> memref<1x32000xf32, #tpu.memory_space<hbm>>
        %dma_start3A_1306 = arith.constant 0 : i32
        %dma_start3A_1307 = tpu.memref_slice %arg2[%add3A_1303, %dma_start3A_1306] : memref<2048x32000xf32, #tpu.memory_space<hbm>> -> memref<1x32000xf32, #tpu.memory_space<hbm>>
        tpu.enqueue_dma source(%dma_start3A_1307 : memref<1x32000xf32, #tpu.memory_space<hbm>>) target(%arg14 : memref<1x32000xf32, #tpu.memory_space<vmem>>) target_semaphore(%arg18 : memref<!tpu.dma_semaphore, #tpu.memory_space<semaphore_mem>>)
      } else {
      }
      %add3A_997 = arith.constant 12 : i32
      %add3A_998 = arith.addi %mul3A_90, %add3A_997 : i32
      %add3A_999 = arith.addi %mul3A_2, %add3A_998 : i32
      %dma_wait3A_1000 = arith.constant 0 : i32
      %dma_wait3A_1001 = tpu.memref_slice %arg2[%add3A_999, %dma_wait3A_1000] : memref<2048x32000xf32, #tpu.memory_space<hbm>> -> memref<1x32000xf32, #tpu.memory_space<hbm>>
      %dma_wait3A_1002 = arith.constant 0 : i32
      %dma_wait3A_1003 = tpu.memref_slice %arg2[%add3A_999, %dma_wait3A_1002] : memref<2048x32000xf32, #tpu.memory_space<hbm>> -> memref<1x32000xf32, #tpu.memory_space<hbm>>
      tpu.wait_dma2 semaphore(%arg15 : memref<!tpu.dma_semaphore, #tpu.memory_space<semaphore_mem>>) src(%dma_wait3A_1003 : memref<1x32000xf32, #tpu.memory_space<hbm>>) dst(%arg11 : memref<1x32000xf32, #tpu.memory_space<vmem>>)
      %broadcast_in_dim3A_1004 = arith.constant 0.000000e+00 : f32
      %broadcast_in_dim3A_1005 = vector.broadcast %broadcast_in_dim3A_1004 : f32 to vector<16xf32>
      %scan3A_1006 = arith.constant 0 : i32
      %scan3A_1007 = arith.constant 125 : i32
      %scan3A_1008 = arith.addi %scan3A_1006, %scan3A_1007 : i32
      %scan3A_1009 = arith.constant 1 : i32
      %scan3A_1010:16 = scf.for %scan3A_1301 = %scan3A_1006 to %scan3A_1008 step %scan3A_1009 iter_args(%scan3A_1302 = %broadcast_in_dim3A_1005, %scan3A_1303 = %broadcast_in_dim3A_1005, %scan3A_1304 = %broadcast_in_dim3A_1005, %scan3A_1305 = %broadcast_in_dim3A_1005, %scan3A_1306 = %broadcast_in_dim3A_1005, %scan3A_1307 = %broadcast_in_dim3A_1005, %scan3A_1308 = %broadcast_in_dim3A_1005, %scan3A_1309 = %broadcast_in_dim3A_1005, %scan3A_1310 = %broadcast_in_dim3A_1005, %scan3A_1311 = %broadcast_in_dim3A_1005, %scan3A_1312 = %broadcast_in_dim3A_1005, %scan3A_1313 = %broadcast_in_dim3A_1005, %scan3A_1314 = %broadcast_in_dim3A_1005, %scan3A_1315 = %broadcast_in_dim3A_1005, %scan3A_1316 = %broadcast_in_dim3A_1005, %scan3A_1317 = %broadcast_in_dim3A_1005) -> (vector<16xf32>, vector<16xf32>, vector<16xf32>, vector<16xf32>, vector<16xf32>, vector<16xf32>, vector<16xf32>, vector<16xf32>, vector<16xf32>, vector<16xf32>, vector<16xf32>, vector<16xf32>, vector<16xf32>, vector<16xf32>, vector<16xf32>, vector<16xf32>)  : i32 {
        %mul3A_1318 = arith.constant 256 : i32
        %mul3A_1319 = arith.muli %scan3A_1301, %mul3A_1318 : i32
        %add3A_1320 = arith.constant 0 : i32
        %add3A_1321 = arith.addi %mul3A_1319, %add3A_1320 : i32
        %get3A_1322 = arith.constant 0 : i32
        %get3A_1323 = arith.index_cast %get3A_1322 : i32 to index
        %get3A_1324 = arith.index_cast %add3A_1321 : i32 to index
        %get3A_1325 = tpu.vector_load %arg11[%get3A_1323, %get3A_1324] {strides = array<i32>} : memref<1x32000xf32, #tpu.memory_space<vmem>>, vector<1x16xf32>,
        %get3A_1326 = vector.shape_cast %get3A_1325 : vector<1x16xf32> to vector<16xf32>
        %add3A_1327 = arith.addf %scan3A_1302, %get3A_1326 : vector<16xf32>
        %add3A_1328 = arith.constant 16 : i32
        %add3A_1329 = arith.addi %mul3A_1319, %add3A_1328 : i32
        %get3A_1330 = arith.constant 0 : i32
        %get3A_1331 = arith.index_cast %get3A_1330 : i32 to index
        %get3A_1332 = arith.index_cast %add3A_1329 : i32 to index
        %get3A_1333 = tpu.vector_load %arg11[%get3A_1331, %get3A_1332] {strides = array<i32>} : memref<1x32000xf32, #tpu.memory_space<vmem>>, vector<1x16xf32>,
        %get3A_1334 = vector.shape_cast %get3A_1333 : vector<1x16xf32> to vector<16xf32>
        %add3A_1335 = arith.addf %scan3A_1303, %get3A_1334 : vector<16xf32>
        %add3A_1336 = arith.constant 32 : i32
        %add3A_1337 = arith.addi %mul3A_1319, %add3A_1336 : i32
        %get3A_1338 = arith.constant 0 : i32
        %get3A_1339 = arith.index_cast %get3A_1338 : i32 to index
        %get3A_1340 = arith.index_cast %add3A_1337 : i32 to index
        %get3A_1341 = tpu.vector_load %arg11[%get3A_1339, %get3A_1340] {strides = array<i32>} : memref<1x32000xf32, #tpu.memory_space<vmem>>, vector<1x16xf32>,
        %get3A_1342 = vector.shape_cast %get3A_1341 : vector<1x16xf32> to vector<16xf32>
        %add3A_1343 = arith.addf %scan3A_1304, %get3A_1342 : vector<16xf32>
        %add3A_1344 = arith.constant 48 : i32
        %add3A_1345 = arith.addi %mul3A_1319, %add3A_1344 : i32
        %get3A_1346 = arith.constant 0 : i32
        %get3A_1347 = arith.index_cast %get3A_1346 : i32 to index
        %get3A_1348 = arith.index_cast %add3A_1345 : i32 to index
        %get3A_1349 = tpu.vector_load %arg11[%get3A_1347, %get3A_1348] {strides = array<i32>} : memref<1x32000xf32, #tpu.memory_space<vmem>>, vector<1x16xf32>,
        %get3A_1350 = vector.shape_cast %get3A_1349 : vector<1x16xf32> to vector<16xf32>
        %add3A_1351 = arith.addf %scan3A_1305, %get3A_1350 : vector<16xf32>
        %add3A_1352 = arith.constant 64 : i32
        %add3A_1353 = arith.addi %mul3A_1319, %add3A_1352 : i32
        %get3A_1354 = arith.constant 0 : i32
        %get3A_1355 = arith.index_cast %get3A_1354 : i32 to index
        %get3A_1356 = arith.index_cast %add3A_1353 : i32 to index
        %get3A_1357 = tpu.vector_load %arg11[%get3A_1355, %get3A_1356] {strides = array<i32>} : memref<1x32000xf32, #tpu.memory_space<vmem>>, vector<1x16xf32>,
        %get3A_1358 = vector.shape_cast %get3A_1357 : vector<1x16xf32> to vector<16xf32>
        %add3A_1359 = arith.addf %scan3A_1306, %get3A_1358 : vector<16xf32>
        %add3A_1360 = arith.constant 80 : i32
        %add3A_1361 = arith.addi %mul3A_1319, %add3A_1360 : i32
        %get3A_1362 = arith.constant 0 : i32
        %get3A_1363 = arith.index_cast %get3A_1362 : i32 to index
        %get3A_1364 = arith.index_cast %add3A_1361 : i32 to index
        %get3A_1365 = tpu.vector_load %arg11[%get3A_1363, %get3A_1364] {strides = array<i32>} : memref<1x32000xf32, #tpu.memory_space<vmem>>, vector<1x16xf32>,
        %get3A_1366 = vector.shape_cast %get3A_1365 : vector<1x16xf32> to vector<16xf32>
        %add3A_1367 = arith.addf %scan3A_1307, %get3A_1366 : vector<16xf32>
        %add3A_1368 = arith.constant 96 : i32
        %add3A_1369 = arith.addi %mul3A_1319, %add3A_1368 : i32
        %get3A_1370 = arith.constant 0 : i32
        %get3A_1371 = arith.index_cast %get3A_1370 : i32 to index
        %get3A_1372 = arith.index_cast %add3A_1369 : i32 to index
        %get3A_1373 = tpu.vector_load %arg11[%get3A_1371, %get3A_1372] {strides = array<i32>} : memref<1x32000xf32, #tpu.memory_space<vmem>>, vector<1x16xf32>,
        %get3A_1374 = vector.shape_cast %get3A_1373 : vector<1x16xf32> to vector<16xf32>
        %add3A_1375 = arith.addf %scan3A_1308, %get3A_1374 : vector<16xf32>
        %add3A_1376 = arith.constant 112 : i32
        %add3A_1377 = arith.addi %mul3A_1319, %add3A_1376 : i32
        %get3A_1378 = arith.constant 0 : i32
        %get3A_1379 = arith.index_cast %get3A_1378 : i32 to index
        %get3A_1380 = arith.index_cast %add3A_1377 : i32 to index
        %get3A_1381 = tpu.vector_load %arg11[%get3A_1379, %get3A_1380] {strides = array<i32>} : memref<1x32000xf32, #tpu.memory_space<vmem>>, vector<1x16xf32>,
        %get3A_1382 = vector.shape_cast %get3A_1381 : vector<1x16xf32> to vector<16xf32>
        %add3A_1383 = arith.addf %scan3A_1309, %get3A_1382 : vector<16xf32>
        %add3A_1384 = arith.constant 128 : i32
        %add3A_1385 = arith.addi %mul3A_1319, %add3A_1384 : i32
        %get3A_1386 = arith.constant 0 : i32
        %get3A_1387 = arith.index_cast %get3A_1386 : i32 to index
        %get3A_1388 = arith.index_cast %add3A_1385 : i32 to index
        %get3A_1389 = tpu.vector_load %arg11[%get3A_1387, %get3A_1388] {strides = array<i32>} : memref<1x32000xf32, #tpu.memory_space<vmem>>, vector<1x16xf32>,
        %get3A_1390 = vector.shape_cast %get3A_1389 : vector<1x16xf32> to vector<16xf32>
        %add3A_1391 = arith.addf %scan3A_1310, %get3A_1390 : vector<16xf32>
        %add3A_1392 = arith.constant 144 : i32
        %add3A_1393 = arith.addi %mul3A_1319, %add3A_1392 : i32
        %get3A_1394 = arith.constant 0 : i32
        %get3A_1395 = arith.index_cast %get3A_1394 : i32 to index
        %get3A_1396 = arith.index_cast %add3A_1393 : i32 to index
        %get3A_1397 = tpu.vector_load %arg11[%get3A_1395, %get3A_1396] {strides = array<i32>} : memref<1x32000xf32, #tpu.memory_space<vmem>>, vector<1x16xf32>,
        %get3A_1398 = vector.shape_cast %get3A_1397 : vector<1x16xf32> to vector<16xf32>
        %add3A_1399 = arith.addf %scan3A_1311, %get3A_1398 : vector<16xf32>
        %add3A_1400 = arith.constant 160 : i32
        %add3A_1401 = arith.addi %mul3A_1319, %add3A_1400 : i32
        %get3A_1402 = arith.constant 0 : i32
        %get3A_1403 = arith.index_cast %get3A_1402 : i32 to index
        %get3A_1404 = arith.index_cast %add3A_1401 : i32 to index
        %get3A_1405 = tpu.vector_load %arg11[%get3A_1403, %get3A_1404] {strides = array<i32>} : memref<1x32000xf32, #tpu.memory_space<vmem>>, vector<1x16xf32>,
        %get3A_1406 = vector.shape_cast %get3A_1405 : vector<1x16xf32> to vector<16xf32>
        %add3A_1407 = arith.addf %scan3A_1312, %get3A_1406 : vector<16xf32>
        %add3A_1408 = arith.constant 176 : i32
        %add3A_1409 = arith.addi %mul3A_1319, %add3A_1408 : i32
        %get3A_1410 = arith.constant 0 : i32
        %get3A_1411 = arith.index_cast %get3A_1410 : i32 to index
        %get3A_1412 = arith.index_cast %add3A_1409 : i32 to index
        %get3A_1413 = tpu.vector_load %arg11[%get3A_1411, %get3A_1412] {strides = array<i32>} : memref<1x32000xf32, #tpu.memory_space<vmem>>, vector<1x16xf32>,
        %get3A_1414 = vector.shape_cast %get3A_1413 : vector<1x16xf32> to vector<16xf32>
        %add3A_1415 = arith.addf %scan3A_1313, %get3A_1414 : vector<16xf32>
        %add3A_1416 = arith.constant 192 : i32
        %add3A_1417 = arith.addi %mul3A_1319, %add3A_1416 : i32
        %get3A_1418 = arith.constant 0 : i32
        %get3A_1419 = arith.index_cast %get3A_1418 : i32 to index
        %get3A_1420 = arith.index_cast %add3A_1417 : i32 to index
        %get3A_1421 = tpu.vector_load %arg11[%get3A_1419, %get3A_1420] {strides = array<i32>} : memref<1x32000xf32, #tpu.memory_space<vmem>>, vector<1x16xf32>,
        %get3A_1422 = vector.shape_cast %get3A_1421 : vector<1x16xf32> to vector<16xf32>
        %add3A_1423 = arith.addf %scan3A_1314, %get3A_1422 : vector<16xf32>
        %add3A_1424 = arith.constant 208 : i32
        %add3A_1425 = arith.addi %mul3A_1319, %add3A_1424 : i32
        %get3A_1426 = arith.constant 0 : i32
        %get3A_1427 = arith.index_cast %get3A_1426 : i32 to index
        %get3A_1428 = arith.index_cast %add3A_1425 : i32 to index
        %get3A_1429 = tpu.vector_load %arg11[%get3A_1427, %get3A_1428] {strides = array<i32>} : memref<1x32000xf32, #tpu.memory_space<vmem>>, vector<1x16xf32>,
        %get3A_1430 = vector.shape_cast %get3A_1429 : vector<1x16xf32> to vector<16xf32>
        %add3A_1431 = arith.addf %scan3A_1315, %get3A_1430 : vector<16xf32>
        %add3A_1432 = arith.constant 224 : i32
        %add3A_1433 = arith.addi %mul3A_1319, %add3A_1432 : i32
        %get3A_1434 = arith.constant 0 : i32
        %get3A_1435 = arith.index_cast %get3A_1434 : i32 to index
        %get3A_1436 = arith.index_cast %add3A_1433 : i32 to index
        %get3A_1437 = tpu.vector_load %arg11[%get3A_1435, %get3A_1436] {strides = array<i32>} : memref<1x32000xf32, #tpu.memory_space<vmem>>, vector<1x16xf32>,
        %get3A_1438 = vector.shape_cast %get3A_1437 : vector<1x16xf32> to vector<16xf32>
        %add3A_1439 = arith.addf %scan3A_1316, %get3A_1438 : vector<16xf32>
        %add3A_1440 = arith.constant 240 : i32
        %add3A_1441 = arith.addi %mul3A_1319, %add3A_1440 : i32
        %get3A_1442 = arith.constant 0 : i32
        %get3A_1443 = arith.index_cast %get3A_1442 : i32 to index
        %get3A_1444 = arith.index_cast %add3A_1441 : i32 to index
        %get3A_1445 = tpu.vector_load %arg11[%get3A_1443, %get3A_1444] {strides = array<i32>} : memref<1x32000xf32, #tpu.memory_space<vmem>>, vector<1x16xf32>,
        %get3A_1446 = vector.shape_cast %get3A_1445 : vector<1x16xf32> to vector<16xf32>
        %add3A_1447 = arith.addf %scan3A_1317, %get3A_1446 : vector<16xf32>
        scf.yield %add3A_1327, %add3A_1335, %add3A_1343, %add3A_1351, %add3A_1359, %add3A_1367, %add3A_1375, %add3A_1383, %add3A_1391, %add3A_1399, %add3A_1407, %add3A_1415, %add3A_1423, %add3A_1431, %add3A_1439, %add3A_1447 : vector<16xf32>, vector<16xf32>, vector<16xf32>, vector<16xf32>, vector<16xf32>, vector<16xf32>, vector<16xf32>, vector<16xf32>, vector<16xf32>, vector<16xf32>, vector<16xf32>, vector<16xf32>, vector<16xf32>, vector<16xf32>, vector<16xf32>, vector<16xf32>
      }
      %scan3A_1011 = arith.constant 125 : i32
      %add3A_1012 = arith.addf %scan3A_1010#0, %scan3A_1010#1 : vector<16xf32>
      %add3A_1013 = arith.addf %add3A_1012, %scan3A_1010#2 : vector<16xf32>
      %add3A_1014 = arith.addf %add3A_1013, %scan3A_1010#3 : vector<16xf32>
      %add3A_1015 = arith.addf %add3A_1014, %scan3A_1010#4 : vector<16xf32>
      %add3A_1016 = arith.addf %add3A_1015, %scan3A_1010#5 : vector<16xf32>
      %add3A_1017 = arith.addf %add3A_1016, %scan3A_1010#6 : vector<16xf32>
      %add3A_1018 = arith.addf %add3A_1017, %scan3A_1010#7 : vector<16xf32>
      %add3A_1019 = arith.addf %add3A_1018, %scan3A_1010#8 : vector<16xf32>
      %add3A_1020 = arith.addf %add3A_1019, %scan3A_1010#9 : vector<16xf32>
      %add3A_1021 = arith.addf %add3A_1020, %scan3A_1010#10 : vector<16xf32>
      %add3A_1022 = arith.addf %add3A_1021, %scan3A_1010#11 : vector<16xf32>
      %add3A_1023 = arith.addf %add3A_1022, %scan3A_1010#12 : vector<16xf32>
      %add3A_1024 = arith.addf %add3A_1023, %scan3A_1010#13 : vector<16xf32>
      %add3A_1025 = arith.addf %add3A_1024, %scan3A_1010#14 : vector<16xf32>
      %add3A_1026 = arith.addf %add3A_1025, %scan3A_1010#15 : vector<16xf32>
      %mul3A_1027 = arith.constant 16 : i32
      %mul3A_1028 = arith.muli %add3A_998, %mul3A_1027 : i32
      %swap3A_1029 = arith.index_cast %mul3A_1028 : i32 to index
      %swap3A_1030 = tpu.vector_load %arg10[%swap3A_1029] {strides = array<i32>} : memref<1024xf32, #tpu.memory_space<vmem>>, vector<16xf32>,
      %swap3A_1031 = vector.shape_cast %swap3A_1030 : vector<16xf32> to vector<16xf32>
      %swap3A_1032 = vector.shape_cast %add3A_1026 : vector<16xf32> to vector<16xf32>
      tpu.vector_store %arg10[%swap3A_1029], %swap3A_1032 {strides = array<i32>} : memref<1024xf32, #tpu.memory_space<vmem>>, vector<16xf32>,
      %slice3A_1033 = vector.extract_strided_slice %get3A_93 {offsets = [12], sizes = [1], strides = [1]} : vector<16xi32> to vector<1xi32>
      %squeeze3A_1034 = vector.extract %slice3A_1033[0] : i32 from vector<1xi32>
      %shift_right_arithmetic3A_1035 = arith.constant 4 : i32
      %shift_right_arithmetic3A_1036 = arith.shrsi %squeeze3A_1034, %shift_right_arithmetic3A_1035 : i32
      %mul3A_1037 = arith.constant 16 : i32
      %mul3A_1038 = arith.muli %shift_right_arithmetic3A_1036, %mul3A_1037 : i32
      %get3A_1039 = arith.constant 0 : i32
      %get3A_1040 = arith.index_cast %get3A_1039 : i32 to index
      %get3A_1041 = arith.index_cast %mul3A_1038 : i32 to index
      %get3A_1042 = tpu.vector_load %arg11[%get3A_1040, %get3A_1041] {strides = array<i32>} : memref<1x32000xf32, #tpu.memory_space<vmem>>, vector<1x16xf32>,
      %get3A_1043 = vector.shape_cast %get3A_1042 : vector<1x16xf32> to vector<16xf32>
      %and3A_1044 = arith.constant 15 : i32
      %and3A_1045 = arith.andi %squeeze3A_1034, %and3A_1044 : i32
      %eq3A_1046 = vector.broadcast %and3A_1045 : i32 to vector<16xi32>
      %eq3A_1047 = arith.cmpi eq, %iota3A, %eq3A_1046 : vector<16xi32>
      %jit3A_1048 = arith.constant 0.000000e+00 : f32
      %broadcast_in_dim3A_1049 = vector.broadcast %jit3A_1048 : f32 to vector<16xf32>
      %select_n3A_1050 = arith.select %eq3A_1047, %get3A_1043, %broadcast_in_dim3A_1049 : vector<16xi1>, vector<16xf32>
      %ne3A_1051 = arith.constant 0 : i32
      %ne3A_1052 = arith.cmpi ne, %squeeze3A_1034, %ne3A_1051 : i32
      %jit3A_1053 = arith.constant 1.000000e+00 : f32
      %jit3A_1054 = arith.constant 0.000000e+00 : f32
      %select_n3A_1055 = arith.select %ne3A_1052, %jit3A_1053, %jit3A_1054 : f32
      %get3A_1056 = arith.constant 0 : index
      %get3A_1057 = tpu.vector_load %arg8[%get3A_1056] {strides = array<i32>} : memref<16xf32, #tpu.memory_space<vmem>>, vector<16xf32>,
      %get3A_1058 = vector.shape_cast %get3A_1057 : vector<16xf32> to vector<16xf32>
      %mul3A_1059 = vector.broadcast %select_n3A_1055 : f32 to vector<16xf32>
      %mul3A_1060 = arith.mulf %select_n3A_1050, %mul3A_1059 : vector<16xf32>
      %add3A_1061 = arith.addf %get3A_1058, %mul3A_1060 : vector<16xf32>
      %swap3A_1062 = arith.constant 0 : index
      %swap3A_1063 = tpu.vector_load %arg8[%swap3A_1062] {strides = array<i32>} : memref<16xf32, #tpu.memory_space<vmem>>, vector<16xf32>,
      %swap3A_1064 = vector.shape_cast %swap3A_1063 : vector<16xf32> to vector<16xf32>
      %swap3A_1065 = vector.shape_cast %add3A_1061 : vector<16xf32> to vector<16xf32>
      tpu.vector_store %arg8[%swap3A_1062], %swap3A_1065 {strides = array<i32>} : memref<16xf32, #tpu.memory_space<vmem>>, vector<16xf32>,
      %add3A_1066 = arith.constant 4 : i32
      %add3A_1067 = arith.addi %add3A_998, %add3A_1066 : i32
      %lt3A_1068 = arith.constant 64 : i32
      %lt3A_1069 = arith.cmpi slt, %add3A_1067, %lt3A_1068 : i32
      %convert_element_type3A_1070 = arith.extui %lt3A_1069 : i1 to i32
      %cond3A_1071 = arith.constant 0 : i32
      %cond3A_1072 = arith.cmpi ne, %convert_element_type3A_1070, %cond3A_1071 : i32
      scf.if %cond3A_1072 {
        %add3A_1301 = arith.addi %mul3A_2, %add3A_998 : i32
        %add3A_1302 = arith.constant 4 : i32
        %add3A_1303 = arith.addi %add3A_1301, %add3A_1302 : i32
        %dma_start3A_1304 = arith.constant 0 : i32
        %dma_start3A_1305 = tpu.memref_slice %arg2[%add3A_1303, %dma_start3A_1304] : memref<2048x32000xf32, #tpu.memory_space<hbm>> -> memref<1x32000xf32, #tpu.memory_space<hbm>>
        %dma_start3A_1306 = arith.constant 0 : i32
        %dma_start3A_1307 = tpu.memref_slice %arg2[%add3A_1303, %dma_start3A_1306] : memref<2048x32000xf32, #tpu.memory_space<hbm>> -> memref<1x32000xf32, #tpu.memory_space<hbm>>
        tpu.enqueue_dma source(%dma_start3A_1307 : memref<1x32000xf32, #tpu.memory_space<hbm>>) target(%arg11 : memref<1x32000xf32, #tpu.memory_space<vmem>>) target_semaphore(%arg15 : memref<!tpu.dma_semaphore, #tpu.memory_space<semaphore_mem>>)
      } else {
      }
      %add3A_1073 = arith.constant 13 : i32
      %add3A_1074 = arith.addi %mul3A_90, %add3A_1073 : i32
      %add3A_1075 = arith.addi %mul3A_2, %add3A_1074 : i32
      %dma_wait3A_1076 = arith.constant 0 : i32
      %dma_wait3A_1077 = tpu.memref_slice %arg2[%add3A_1075, %dma_wait3A_1076] : memref<2048x32000xf32, #tpu.memory_space<hbm>> -> memref<1x32000xf32, #tpu.memory_space<hbm>>
      %dma_wait3A_1078 = arith.constant 0 : i32
      %dma_wait3A_1079 = tpu.memref_slice %arg2[%add3A_1075, %dma_wait3A_1078] : memref<2048x32000xf32, #tpu.memory_space<hbm>> -> memref<1x32000xf32, #tpu.memory_space<hbm>>
      tpu.wait_dma2 semaphore(%arg16 : memref<!tpu.dma_semaphore, #tpu.memory_space<semaphore_mem>>) src(%dma_wait3A_1079 : memref<1x32000xf32, #tpu.memory_space<hbm>>) dst(%arg12 : memref<1x32000xf32, #tpu.memory_space<vmem>>)
      %broadcast_in_dim3A_1080 = arith.constant 0.000000e+00 : f32
      %broadcast_in_dim3A_1081 = vector.broadcast %broadcast_in_dim3A_1080 : f32 to vector<16xf32>
      %scan3A_1082 = arith.constant 0 : i32
      %scan3A_1083 = arith.constant 125 : i32
      %scan3A_1084 = arith.addi %scan3A_1082, %scan3A_1083 : i32
      %scan3A_1085 = arith.constant 1 : i32
      %scan3A_1086:16 = scf.for %scan3A_1301 = %scan3A_1082 to %scan3A_1084 step %scan3A_1085 iter_args(%scan3A_1302 = %broadcast_in_dim3A_1081, %scan3A_1303 = %broadcast_in_dim3A_1081, %scan3A_1304 = %broadcast_in_dim3A_1081, %scan3A_1305 = %broadcast_in_dim3A_1081, %scan3A_1306 = %broadcast_in_dim3A_1081, %scan3A_1307 = %broadcast_in_dim3A_1081, %scan3A_1308 = %broadcast_in_dim3A_1081, %scan3A_1309 = %broadcast_in_dim3A_1081, %scan3A_1310 = %broadcast_in_dim3A_1081, %scan3A_1311 = %broadcast_in_dim3A_1081, %scan3A_1312 = %broadcast_in_dim3A_1081, %scan3A_1313 = %broadcast_in_dim3A_1081, %scan3A_1314 = %broadcast_in_dim3A_1081, %scan3A_1315 = %broadcast_in_dim3A_1081, %scan3A_1316 = %broadcast_in_dim3A_1081, %scan3A_1317 = %broadcast_in_dim3A_1081) -> (vector<16xf32>, vector<16xf32>, vector<16xf32>, vector<16xf32>, vector<16xf32>, vector<16xf32>, vector<16xf32>, vector<16xf32>, vector<16xf32>, vector<16xf32>, vector<16xf32>, vector<16xf32>, vector<16xf32>, vector<16xf32>, vector<16xf32>, vector<16xf32>)  : i32 {
        %mul3A_1318 = arith.constant 256 : i32
        %mul3A_1319 = arith.muli %scan3A_1301, %mul3A_1318 : i32
        %add3A_1320 = arith.constant 0 : i32
        %add3A_1321 = arith.addi %mul3A_1319, %add3A_1320 : i32
        %get3A_1322 = arith.constant 0 : i32
        %get3A_1323 = arith.index_cast %get3A_1322 : i32 to index
        %get3A_1324 = arith.index_cast %add3A_1321 : i32 to index
        %get3A_1325 = tpu.vector_load %arg12[%get3A_1323, %get3A_1324] {strides = array<i32>} : memref<1x32000xf32, #tpu.memory_space<vmem>>, vector<1x16xf32>,
        %get3A_1326 = vector.shape_cast %get3A_1325 : vector<1x16xf32> to vector<16xf32>
        %add3A_1327 = arith.addf %scan3A_1302, %get3A_1326 : vector<16xf32>
        %add3A_1328 = arith.constant 16 : i32
        %add3A_1329 = arith.addi %mul3A_1319, %add3A_1328 : i32
        %get3A_1330 = arith.constant 0 : i32
        %get3A_1331 = arith.index_cast %get3A_1330 : i32 to index
        %get3A_1332 = arith.index_cast %add3A_1329 : i32 to index
        %get3A_1333 = tpu.vector_load %arg12[%get3A_1331, %get3A_1332] {strides = array<i32>} : memref<1x32000xf32, #tpu.memory_space<vmem>>, vector<1x16xf32>,
        %get3A_1334 = vector.shape_cast %get3A_1333 : vector<1x16xf32> to vector<16xf32>
        %add3A_1335 = arith.addf %scan3A_1303, %get3A_1334 : vector<16xf32>
        %add3A_1336 = arith.constant 32 : i32
        %add3A_1337 = arith.addi %mul3A_1319, %add3A_1336 : i32
        %get3A_1338 = arith.constant 0 : i32
        %get3A_1339 = arith.index_cast %get3A_1338 : i32 to index
        %get3A_1340 = arith.index_cast %add3A_1337 : i32 to index
        %get3A_1341 = tpu.vector_load %arg12[%get3A_1339, %get3A_1340] {strides = array<i32>} : memref<1x32000xf32, #tpu.memory_space<vmem>>, vector<1x16xf32>,
        %get3A_1342 = vector.shape_cast %get3A_1341 : vector<1x16xf32> to vector<16xf32>
        %add3A_1343 = arith.addf %scan3A_1304, %get3A_1342 : vector<16xf32>
        %add3A_1344 = arith.constant 48 : i32
        %add3A_1345 = arith.addi %mul3A_1319, %add3A_1344 : i32
        %get3A_1346 = arith.constant 0 : i32
        %get3A_1347 = arith.index_cast %get3A_1346 : i32 to index
        %get3A_1348 = arith.index_cast %add3A_1345 : i32 to index
        %get3A_1349 = tpu.vector_load %arg12[%get3A_1347, %get3A_1348] {strides = array<i32>} : memref<1x32000xf32, #tpu.memory_space<vmem>>, vector<1x16xf32>,
        %get3A_1350 = vector.shape_cast %get3A_1349 : vector<1x16xf32> to vector<16xf32>
        %add3A_1351 = arith.addf %scan3A_1305, %get3A_1350 : vector<16xf32>
        %add3A_1352 = arith.constant 64 : i32
        %add3A_1353 = arith.addi %mul3A_1319, %add3A_1352 : i32
        %get3A_1354 = arith.constant 0 : i32
        %get3A_1355 = arith.index_cast %get3A_1354 : i32 to index
        %get3A_1356 = arith.index_cast %add3A_1353 : i32 to index
        %get3A_1357 = tpu.vector_load %arg12[%get3A_1355, %get3A_1356] {strides = array<i32>} : memref<1x32000xf32, #tpu.memory_space<vmem>>, vector<1x16xf32>,
        %get3A_1358 = vector.shape_cast %get3A_1357 : vector<1x16xf32> to vector<16xf32>
        %add3A_1359 = arith.addf %scan3A_1306, %get3A_1358 : vector<16xf32>
        %add3A_1360 = arith.constant 80 : i32
        %add3A_1361 = arith.addi %mul3A_1319, %add3A_1360 : i32
        %get3A_1362 = arith.constant 0 : i32
        %get3A_1363 = arith.index_cast %get3A_1362 : i32 to index
        %get3A_1364 = arith.index_cast %add3A_1361 : i32 to index
        %get3A_1365 = tpu.vector_load %arg12[%get3A_1363, %get3A_1364] {strides = array<i32>} : memref<1x32000xf32, #tpu.memory_space<vmem>>, vector<1x16xf32>,
        %get3A_1366 = vector.shape_cast %get3A_1365 : vector<1x16xf32> to vector<16xf32>
        %add3A_1367 = arith.addf %scan3A_1307, %get3A_1366 : vector<16xf32>
        %add3A_1368 = arith.constant 96 : i32
        %add3A_1369 = arith.addi %mul3A_1319, %add3A_1368 : i32
        %get3A_1370 = arith.constant 0 : i32
        %get3A_1371 = arith.index_cast %get3A_1370 : i32 to index
        %get3A_1372 = arith.index_cast %add3A_1369 : i32 to index
        %get3A_1373 = tpu.vector_load %arg12[%get3A_1371, %get3A_1372] {strides = array<i32>} : memref<1x32000xf32, #tpu.memory_space<vmem>>, vector<1x16xf32>,
        %get3A_1374 = vector.shape_cast %get3A_1373 : vector<1x16xf32> to vector<16xf32>
        %add3A_1375 = arith.addf %scan3A_1308, %get3A_1374 : vector<16xf32>
        %add3A_1376 = arith.constant 112 : i32
        %add3A_1377 = arith.addi %mul3A_1319, %add3A_1376 : i32
        %get3A_1378 = arith.constant 0 : i32
        %get3A_1379 = arith.index_cast %get3A_1378 : i32 to index
        %get3A_1380 = arith.index_cast %add3A_1377 : i32 to index
        %get3A_1381 = tpu.vector_load %arg12[%get3A_1379, %get3A_1380] {strides = array<i32>} : memref<1x32000xf32, #tpu.memory_space<vmem>>, vector<1x16xf32>,
        %get3A_1382 = vector.shape_cast %get3A_1381 : vector<1x16xf32> to vector<16xf32>
        %add3A_1383 = arith.addf %scan3A_1309, %get3A_1382 : vector<16xf32>
        %add3A_1384 = arith.constant 128 : i32
        %add3A_1385 = arith.addi %mul3A_1319, %add3A_1384 : i32
        %get3A_1386 = arith.constant 0 : i32
        %get3A_1387 = arith.index_cast %get3A_1386 : i32 to index
        %get3A_1388 = arith.index_cast %add3A_1385 : i32 to index
        %get3A_1389 = tpu.vector_load %arg12[%get3A_1387, %get3A_1388] {strides = array<i32>} : memref<1x32000xf32, #tpu.memory_space<vmem>>, vector<1x16xf32>,
        %get3A_1390 = vector.shape_cast %get3A_1389 : vector<1x16xf32> to vector<16xf32>
        %add3A_1391 = arith.addf %scan3A_1310, %get3A_1390 : vector<16xf32>
        %add3A_1392 = arith.constant 144 : i32
        %add3A_1393 = arith.addi %mul3A_1319, %add3A_1392 : i32
        %get3A_1394 = arith.constant 0 : i32
        %get3A_1395 = arith.index_cast %get3A_1394 : i32 to index
        %get3A_1396 = arith.index_cast %add3A_1393 : i32 to index
        %get3A_1397 = tpu.vector_load %arg12[%get3A_1395, %get3A_1396] {strides = array<i32>} : memref<1x32000xf32, #tpu.memory_space<vmem>>, vector<1x16xf32>,
        %get3A_1398 = vector.shape_cast %get3A_1397 : vector<1x16xf32> to vector<16xf32>
        %add3A_1399 = arith.addf %scan3A_1311, %get3A_1398 : vector<16xf32>
        %add3A_1400 = arith.constant 160 : i32
        %add3A_1401 = arith.addi %mul3A_1319, %add3A_1400 : i32
        %get3A_1402 = arith.constant 0 : i32
        %get3A_1403 = arith.index_cast %get3A_1402 : i32 to index
        %get3A_1404 = arith.index_cast %add3A_1401 : i32 to index
        %get3A_1405 = tpu.vector_load %arg12[%get3A_1403, %get3A_1404] {strides = array<i32>} : memref<1x32000xf32, #tpu.memory_space<vmem>>, vector<1x16xf32>,
        %get3A_1406 = vector.shape_cast %get3A_1405 : vector<1x16xf32> to vector<16xf32>
        %add3A_1407 = arith.addf %scan3A_1312, %get3A_1406 : vector<16xf32>
        %add3A_1408 = arith.constant 176 : i32
        %add3A_1409 = arith.addi %mul3A_1319, %add3A_1408 : i32
        %get3A_1410 = arith.constant 0 : i32
        %get3A_1411 = arith.index_cast %get3A_1410 : i32 to index
        %get3A_1412 = arith.index_cast %add3A_1409 : i32 to index
        %get3A_1413 = tpu.vector_load %arg12[%get3A_1411, %get3A_1412] {strides = array<i32>} : memref<1x32000xf32, #tpu.memory_space<vmem>>, vector<1x16xf32>,
        %get3A_1414 = vector.shape_cast %get3A_1413 : vector<1x16xf32> to vector<16xf32>
        %add3A_1415 = arith.addf %scan3A_1313, %get3A_1414 : vector<16xf32>
        %add3A_1416 = arith.constant 192 : i32
        %add3A_1417 = arith.addi %mul3A_1319, %add3A_1416 : i32
        %get3A_1418 = arith.constant 0 : i32
        %get3A_1419 = arith.index_cast %get3A_1418 : i32 to index
        %get3A_1420 = arith.index_cast %add3A_1417 : i32 to index
        %get3A_1421 = tpu.vector_load %arg12[%get3A_1419, %get3A_1420] {strides = array<i32>} : memref<1x32000xf32, #tpu.memory_space<vmem>>, vector<1x16xf32>,
        %get3A_1422 = vector.shape_cast %get3A_1421 : vector<1x16xf32> to vector<16xf32>
        %add3A_1423 = arith.addf %scan3A_1314, %get3A_1422 : vector<16xf32>
        %add3A_1424 = arith.constant 208 : i32
        %add3A_1425 = arith.addi %mul3A_1319, %add3A_1424 : i32
        %get3A_1426 = arith.constant 0 : i32
        %get3A_1427 = arith.index_cast %get3A_1426 : i32 to index
        %get3A_1428 = arith.index_cast %add3A_1425 : i32 to index
        %get3A_1429 = tpu.vector_load %arg12[%get3A_1427, %get3A_1428] {strides = array<i32>} : memref<1x32000xf32, #tpu.memory_space<vmem>>, vector<1x16xf32>,
        %get3A_1430 = vector.shape_cast %get3A_1429 : vector<1x16xf32> to vector<16xf32>
        %add3A_1431 = arith.addf %scan3A_1315, %get3A_1430 : vector<16xf32>
        %add3A_1432 = arith.constant 224 : i32
        %add3A_1433 = arith.addi %mul3A_1319, %add3A_1432 : i32
        %get3A_1434 = arith.constant 0 : i32
        %get3A_1435 = arith.index_cast %get3A_1434 : i32 to index
        %get3A_1436 = arith.index_cast %add3A_1433 : i32 to index
        %get3A_1437 = tpu.vector_load %arg12[%get3A_1435, %get3A_1436] {strides = array<i32>} : memref<1x32000xf32, #tpu.memory_space<vmem>>, vector<1x16xf32>,
        %get3A_1438 = vector.shape_cast %get3A_1437 : vector<1x16xf32> to vector<16xf32>
        %add3A_1439 = arith.addf %scan3A_1316, %get3A_1438 : vector<16xf32>
        %add3A_1440 = arith.constant 240 : i32
        %add3A_1441 = arith.addi %mul3A_1319, %add3A_1440 : i32
        %get3A_1442 = arith.constant 0 : i32
        %get3A_1443 = arith.index_cast %get3A_1442 : i32 to index
        %get3A_1444 = arith.index_cast %add3A_1441 : i32 to index
        %get3A_1445 = tpu.vector_load %arg12[%get3A_1443, %get3A_1444] {strides = array<i32>} : memref<1x32000xf32, #tpu.memory_space<vmem>>, vector<1x16xf32>,
        %get3A_1446 = vector.shape_cast %get3A_1445 : vector<1x16xf32> to vector<16xf32>
        %add3A_1447 = arith.addf %scan3A_1317, %get3A_1446 : vector<16xf32>
        scf.yield %add3A_1327, %add3A_1335, %add3A_1343, %add3A_1351, %add3A_1359, %add3A_1367, %add3A_1375, %add3A_1383, %add3A_1391, %add3A_1399, %add3A_1407, %add3A_1415, %add3A_1423, %add3A_1431, %add3A_1439, %add3A_1447 : vector<16xf32>, vector<16xf32>, vector<16xf32>, vector<16xf32>, vector<16xf32>, vector<16xf32>, vector<16xf32>, vector<16xf32>, vector<16xf32>, vector<16xf32>, vector<16xf32>, vector<16xf32>, vector<16xf32>, vector<16xf32>, vector<16xf32>, vector<16xf32>
      }
      %scan3A_1087 = arith.constant 125 : i32
      %add3A_1088 = arith.addf %scan3A_1086#0, %scan3A_1086#1 : vector<16xf32>
      %add3A_1089 = arith.addf %add3A_1088, %scan3A_1086#2 : vector<16xf32>
      %add3A_1090 = arith.addf %add3A_1089, %scan3A_1086#3 : vector<16xf32>
      %add3A_1091 = arith.addf %add3A_1090, %scan3A_1086#4 : vector<16xf32>
      %add3A_1092 = arith.addf %add3A_1091, %scan3A_1086#5 : vector<16xf32>
      %add3A_1093 = arith.addf %add3A_1092, %scan3A_1086#6 : vector<16xf32>
      %add3A_1094 = arith.addf %add3A_1093, %scan3A_1086#7 : vector<16xf32>
      %add3A_1095 = arith.addf %add3A_1094, %scan3A_1086#8 : vector<16xf32>
      %add3A_1096 = arith.addf %add3A_1095, %scan3A_1086#9 : vector<16xf32>
      %add3A_1097 = arith.addf %add3A_1096, %scan3A_1086#10 : vector<16xf32>
      %add3A_1098 = arith.addf %add3A_1097, %scan3A_1086#11 : vector<16xf32>
      %add3A_1099 = arith.addf %add3A_1098, %scan3A_1086#12 : vector<16xf32>
      %add3A_1100 = arith.addf %add3A_1099, %scan3A_1086#13 : vector<16xf32>
      %add3A_1101 = arith.addf %add3A_1100, %scan3A_1086#14 : vector<16xf32>
      %add3A_1102 = arith.addf %add3A_1101, %scan3A_1086#15 : vector<16xf32>
      %mul3A_1103 = arith.constant 16 : i32
      %mul3A_1104 = arith.muli %add3A_1074, %mul3A_1103 : i32
      %swap3A_1105 = arith.index_cast %mul3A_1104 : i32 to index
      %swap3A_1106 = tpu.vector_load %arg10[%swap3A_1105] {strides = array<i32>} : memref<1024xf32, #tpu.memory_space<vmem>>, vector<16xf32>,
      %swap3A_1107 = vector.shape_cast %swap3A_1106 : vector<16xf32> to vector<16xf32>
      %swap3A_1108 = vector.shape_cast %add3A_1102 : vector<16xf32> to vector<16xf32>
      tpu.vector_store %arg10[%swap3A_1105], %swap3A_1108 {strides = array<i32>} : memref<1024xf32, #tpu.memory_space<vmem>>, vector<16xf32>,
      %slice3A_1109 = vector.extract_strided_slice %get3A_93 {offsets = [13], sizes = [1], strides = [1]} : vector<16xi32> to vector<1xi32>
      %squeeze3A_1110 = vector.extract %slice3A_1109[0] : i32 from vector<1xi32>
      %shift_right_arithmetic3A_1111 = arith.constant 4 : i32
      %shift_right_arithmetic3A_1112 = arith.shrsi %squeeze3A_1110, %shift_right_arithmetic3A_1111 : i32
      %mul3A_1113 = arith.constant 16 : i32
      %mul3A_1114 = arith.muli %shift_right_arithmetic3A_1112, %mul3A_1113 : i32
      %get3A_1115 = arith.constant 0 : i32
      %get3A_1116 = arith.index_cast %get3A_1115 : i32 to index
      %get3A_1117 = arith.index_cast %mul3A_1114 : i32 to index
      %get3A_1118 = tpu.vector_load %arg12[%get3A_1116, %get3A_1117] {strides = array<i32>} : memref<1x32000xf32, #tpu.memory_space<vmem>>, vector<1x16xf32>,
      %get3A_1119 = vector.shape_cast %get3A_1118 : vector<1x16xf32> to vector<16xf32>
      %and3A_1120 = arith.constant 15 : i32
      %and3A_1121 = arith.andi %squeeze3A_1110, %and3A_1120 : i32
      %eq3A_1122 = vector.broadcast %and3A_1121 : i32 to vector<16xi32>
      %eq3A_1123 = arith.cmpi eq, %iota3A, %eq3A_1122 : vector<16xi32>
      %jit3A_1124 = arith.constant 0.000000e+00 : f32
      %broadcast_in_dim3A_1125 = vector.broadcast %jit3A_1124 : f32 to vector<16xf32>
      %select_n3A_1126 = arith.select %eq3A_1123, %get3A_1119, %broadcast_in_dim3A_1125 : vector<16xi1>, vector<16xf32>
      %ne3A_1127 = arith.constant 0 : i32
      %ne3A_1128 = arith.cmpi ne, %squeeze3A_1110, %ne3A_1127 : i32
      %jit3A_1129 = arith.constant 1.000000e+00 : f32
      %jit3A_1130 = arith.constant 0.000000e+00 : f32
      %select_n3A_1131 = arith.select %ne3A_1128, %jit3A_1129, %jit3A_1130 : f32
      %get3A_1132 = arith.constant 0 : index
      %get3A_1133 = tpu.vector_load %arg8[%get3A_1132] {strides = array<i32>} : memref<16xf32, #tpu.memory_space<vmem>>, vector<16xf32>,
      %get3A_1134 = vector.shape_cast %get3A_1133 : vector<16xf32> to vector<16xf32>
      %mul3A_1135 = vector.broadcast %select_n3A_1131 : f32 to vector<16xf32>
      %mul3A_1136 = arith.mulf %select_n3A_1126, %mul3A_1135 : vector<16xf32>
      %add3A_1137 = arith.addf %get3A_1134, %mul3A_1136 : vector<16xf32>
      %swap3A_1138 = arith.constant 0 : index
      %swap3A_1139 = tpu.vector_load %arg8[%swap3A_1138] {strides = array<i32>} : memref<16xf32, #tpu.memory_space<vmem>>, vector<16xf32>,
      %swap3A_1140 = vector.shape_cast %swap3A_1139 : vector<16xf32> to vector<16xf32>
      %swap3A_1141 = vector.shape_cast %add3A_1137 : vector<16xf32> to vector<16xf32>
      tpu.vector_store %arg8[%swap3A_1138], %swap3A_1141 {strides = array<i32>} : memref<16xf32, #tpu.memory_space<vmem>>, vector<16xf32>,
      %add3A_1142 = arith.constant 4 : i32
      %add3A_1143 = arith.addi %add3A_1074, %add3A_1142 : i32
      %lt3A_1144 = arith.constant 64 : i32
      %lt3A_1145 = arith.cmpi slt, %add3A_1143, %lt3A_1144 : i32
      %convert_element_type3A_1146 = arith.extui %lt3A_1145 : i1 to i32
      %cond3A_1147 = arith.constant 0 : i32
      %cond3A_1148 = arith.cmpi ne, %convert_element_type3A_1146, %cond3A_1147 : i32
      scf.if %cond3A_1148 {
        %add3A_1301 = arith.addi %mul3A_2, %add3A_1074 : i32
        %add3A_1302 = arith.constant 4 : i32
        %add3A_1303 = arith.addi %add3A_1301, %add3A_1302 : i32
        %dma_start3A_1304 = arith.constant 0 : i32
        %dma_start3A_1305 = tpu.memref_slice %arg2[%add3A_1303, %dma_start3A_1304] : memref<2048x32000xf32, #tpu.memory_space<hbm>> -> memref<1x32000xf32, #tpu.memory_space<hbm>>
        %dma_start3A_1306 = arith.constant 0 : i32
        %dma_start3A_1307 = tpu.memref_slice %arg2[%add3A_1303, %dma_start3A_1306] : memref<2048x32000xf32, #tpu.memory_space<hbm>> -> memref<1x32000xf32, #tpu.memory_space<hbm>>
        tpu.enqueue_dma source(%dma_start3A_1307 : memref<1x32000xf32, #tpu.memory_space<hbm>>) target(%arg12 : memref<1x32000xf32, #tpu.memory_space<vmem>>) target_semaphore(%arg16 : memref<!tpu.dma_semaphore, #tpu.memory_space<semaphore_mem>>)
      } else {
      }
      %add3A_1149 = arith.constant 14 : i32
      %add3A_1150 = arith.addi %mul3A_90, %add3A_1149 : i32
      %add3A_1151 = arith.addi %mul3A_2, %add3A_1150 : i32
      %dma_wait3A_1152 = arith.constant 0 : i32
      %dma_wait3A_1153 = tpu.memref_slice %arg2[%add3A_1151, %dma_wait3A_1152] : memref<2048x32000xf32, #tpu.memory_space<hbm>> -> memref<1x32000xf32, #tpu.memory_space<hbm>>
      %dma_wait3A_1154 = arith.constant 0 : i32
      %dma_wait3A_1155 = tpu.memref_slice %arg2[%add3A_1151, %dma_wait3A_1154] : memref<2048x32000xf32, #tpu.memory_space<hbm>> -> memref<1x32000xf32, #tpu.memory_space<hbm>>
      tpu.wait_dma2 semaphore(%arg17 : memref<!tpu.dma_semaphore, #tpu.memory_space<semaphore_mem>>) src(%dma_wait3A_1155 : memref<1x32000xf32, #tpu.memory_space<hbm>>) dst(%arg13 : memref<1x32000xf32, #tpu.memory_space<vmem>>)
      %broadcast_in_dim3A_1156 = arith.constant 0.000000e+00 : f32
      %broadcast_in_dim3A_1157 = vector.broadcast %broadcast_in_dim3A_1156 : f32 to vector<16xf32>
      %scan3A_1158 = arith.constant 0 : i32
      %scan3A_1159 = arith.constant 125 : i32
      %scan3A_1160 = arith.addi %scan3A_1158, %scan3A_1159 : i32
      %scan3A_1161 = arith.constant 1 : i32
      %scan3A_1162:16 = scf.for %scan3A_1301 = %scan3A_1158 to %scan3A_1160 step %scan3A_1161 iter_args(%scan3A_1302 = %broadcast_in_dim3A_1157, %scan3A_1303 = %broadcast_in_dim3A_1157, %scan3A_1304 = %broadcast_in_dim3A_1157, %scan3A_1305 = %broadcast_in_dim3A_1157, %scan3A_1306 = %broadcast_in_dim3A_1157, %scan3A_1307 = %broadcast_in_dim3A_1157, %scan3A_1308 = %broadcast_in_dim3A_1157, %scan3A_1309 = %broadcast_in_dim3A_1157, %scan3A_1310 = %broadcast_in_dim3A_1157, %scan3A_1311 = %broadcast_in_dim3A_1157, %scan3A_1312 = %broadcast_in_dim3A_1157, %scan3A_1313 = %broadcast_in_dim3A_1157, %scan3A_1314 = %broadcast_in_dim3A_1157, %scan3A_1315 = %broadcast_in_dim3A_1157, %scan3A_1316 = %broadcast_in_dim3A_1157, %scan3A_1317 = %broadcast_in_dim3A_1157) -> (vector<16xf32>, vector<16xf32>, vector<16xf32>, vector<16xf32>, vector<16xf32>, vector<16xf32>, vector<16xf32>, vector<16xf32>, vector<16xf32>, vector<16xf32>, vector<16xf32>, vector<16xf32>, vector<16xf32>, vector<16xf32>, vector<16xf32>, vector<16xf32>)  : i32 {
        %mul3A_1318 = arith.constant 256 : i32
        %mul3A_1319 = arith.muli %scan3A_1301, %mul3A_1318 : i32
        %add3A_1320 = arith.constant 0 : i32
        %add3A_1321 = arith.addi %mul3A_1319, %add3A_1320 : i32
        %get3A_1322 = arith.constant 0 : i32
        %get3A_1323 = arith.index_cast %get3A_1322 : i32 to index
        %get3A_1324 = arith.index_cast %add3A_1321 : i32 to index
        %get3A_1325 = tpu.vector_load %arg13[%get3A_1323, %get3A_1324] {strides = array<i32>} : memref<1x32000xf32, #tpu.memory_space<vmem>>, vector<1x16xf32>,
        %get3A_1326 = vector.shape_cast %get3A_1325 : vector<1x16xf32> to vector<16xf32>
        %add3A_1327 = arith.addf %scan3A_1302, %get3A_1326 : vector<16xf32>
        %add3A_1328 = arith.constant 16 : i32
        %add3A_1329 = arith.addi %mul3A_1319, %add3A_1328 : i32
        %get3A_1330 = arith.constant 0 : i32
        %get3A_1331 = arith.index_cast %get3A_1330 : i32 to index
        %get3A_1332 = arith.index_cast %add3A_1329 : i32 to index
        %get3A_1333 = tpu.vector_load %arg13[%get3A_1331, %get3A_1332] {strides = array<i32>} : memref<1x32000xf32, #tpu.memory_space<vmem>>, vector<1x16xf32>,
        %get3A_1334 = vector.shape_cast %get3A_1333 : vector<1x16xf32> to vector<16xf32>
        %add3A_1335 = arith.addf %scan3A_1303, %get3A_1334 : vector<16xf32>
        %add3A_1336 = arith.constant 32 : i32
        %add3A_1337 = arith.addi %mul3A_1319, %add3A_1336 : i32
        %get3A_1338 = arith.constant 0 : i32
        %get3A_1339 = arith.index_cast %get3A_1338 : i32 to index
        %get3A_1340 = arith.index_cast %add3A_1337 : i32 to index
        %get3A_1341 = tpu.vector_load %arg13[%get3A_1339, %get3A_1340] {strides = array<i32>} : memref<1x32000xf32, #tpu.memory_space<vmem>>, vector<1x16xf32>,
        %get3A_1342 = vector.shape_cast %get3A_1341 : vector<1x16xf32> to vector<16xf32>
        %add3A_1343 = arith.addf %scan3A_1304, %get3A_1342 : vector<16xf32>
        %add3A_1344 = arith.constant 48 : i32
        %add3A_1345 = arith.addi %mul3A_1319, %add3A_1344 : i32
        %get3A_1346 = arith.constant 0 : i32
        %get3A_1347 = arith.index_cast %get3A_1346 : i32 to index
        %get3A_1348 = arith.index_cast %add3A_1345 : i32 to index
        %get3A_1349 = tpu.vector_load %arg13[%get3A_1347, %get3A_1348] {strides = array<i32>} : memref<1x32000xf32, #tpu.memory_space<vmem>>, vector<1x16xf32>,
        %get3A_1350 = vector.shape_cast %get3A_1349 : vector<1x16xf32> to vector<16xf32>
        %add3A_1351 = arith.addf %scan3A_1305, %get3A_1350 : vector<16xf32>
        %add3A_1352 = arith.constant 64 : i32
        %add3A_1353 = arith.addi %mul3A_1319, %add3A_1352 : i32
        %get3A_1354 = arith.constant 0 : i32
        %get3A_1355 = arith.index_cast %get3A_1354 : i32 to index
        %get3A_1356 = arith.index_cast %add3A_1353 : i32 to index
        %get3A_1357 = tpu.vector_load %arg13[%get3A_1355, %get3A_1356] {strides = array<i32>} : memref<1x32000xf32, #tpu.memory_space<vmem>>, vector<1x16xf32>,
        %get3A_1358 = vector.shape_cast %get3A_1357 : vector<1x16xf32> to vector<16xf32>
        %add3A_1359 = arith.addf %scan3A_1306, %get3A_1358 : vector<16xf32>
        %add3A_1360 = arith.constant 80 : i32
        %add3A_1361 = arith.addi %mul3A_1319, %add3A_1360 : i32
        %get3A_1362 = arith.constant 0 : i32
        %get3A_1363 = arith.index_cast %get3A_1362 : i32 to index
        %get3A_1364 = arith.index_cast %add3A_1361 : i32 to index
        %get3A_1365 = tpu.vector_load %arg13[%get3A_1363, %get3A_1364] {strides = array<i32>} : memref<1x32000xf32, #tpu.memory_space<vmem>>, vector<1x16xf32>,
        %get3A_1366 = vector.shape_cast %get3A_1365 : vector<1x16xf32> to vector<16xf32>
        %add3A_1367 = arith.addf %scan3A_1307, %get3A_1366 : vector<16xf32>
        %add3A_1368 = arith.constant 96 : i32
        %add3A_1369 = arith.addi %mul3A_1319, %add3A_1368 : i32
        %get3A_1370 = arith.constant 0 : i32
        %get3A_1371 = arith.index_cast %get3A_1370 : i32 to index
        %get3A_1372 = arith.index_cast %add3A_1369 : i32 to index
        %get3A_1373 = tpu.vector_load %arg13[%get3A_1371, %get3A_1372] {strides = array<i32>} : memref<1x32000xf32, #tpu.memory_space<vmem>>, vector<1x16xf32>,
        %get3A_1374 = vector.shape_cast %get3A_1373 : vector<1x16xf32> to vector<16xf32>
        %add3A_1375 = arith.addf %scan3A_1308, %get3A_1374 : vector<16xf32>
        %add3A_1376 = arith.constant 112 : i32
        %add3A_1377 = arith.addi %mul3A_1319, %add3A_1376 : i32
        %get3A_1378 = arith.constant 0 : i32
        %get3A_1379 = arith.index_cast %get3A_1378 : i32 to index
        %get3A_1380 = arith.index_cast %add3A_1377 : i32 to index
        %get3A_1381 = tpu.vector_load %arg13[%get3A_1379, %get3A_1380] {strides = array<i32>} : memref<1x32000xf32, #tpu.memory_space<vmem>>, vector<1x16xf32>,
        %get3A_1382 = vector.shape_cast %get3A_1381 : vector<1x16xf32> to vector<16xf32>
        %add3A_1383 = arith.addf %scan3A_1309, %get3A_1382 : vector<16xf32>
        %add3A_1384 = arith.constant 128 : i32
        %add3A_1385 = arith.addi %mul3A_1319, %add3A_1384 : i32
        %get3A_1386 = arith.constant 0 : i32
        %get3A_1387 = arith.index_cast %get3A_1386 : i32 to index
        %get3A_1388 = arith.index_cast %add3A_1385 : i32 to index
        %get3A_1389 = tpu.vector_load %arg13[%get3A_1387, %get3A_1388] {strides = array<i32>} : memref<1x32000xf32, #tpu.memory_space<vmem>>, vector<1x16xf32>,
        %get3A_1390 = vector.shape_cast %get3A_1389 : vector<1x16xf32> to vector<16xf32>
        %add3A_1391 = arith.addf %scan3A_1310, %get3A_1390 : vector<16xf32>
        %add3A_1392 = arith.constant 144 : i32
        %add3A_1393 = arith.addi %mul3A_1319, %add3A_1392 : i32
        %get3A_1394 = arith.constant 0 : i32
        %get3A_1395 = arith.index_cast %get3A_1394 : i32 to index
        %get3A_1396 = arith.index_cast %add3A_1393 : i32 to index
        %get3A_1397 = tpu.vector_load %arg13[%get3A_1395, %get3A_1396] {strides = array<i32>} : memref<1x32000xf32, #tpu.memory_space<vmem>>, vector<1x16xf32>,
        %get3A_1398 = vector.shape_cast %get3A_1397 : vector<1x16xf32> to vector<16xf32>
        %add3A_1399 = arith.addf %scan3A_1311, %get3A_1398 : vector<16xf32>
        %add3A_1400 = arith.constant 160 : i32
        %add3A_1401 = arith.addi %mul3A_1319, %add3A_1400 : i32
        %get3A_1402 = arith.constant 0 : i32
        %get3A_1403 = arith.index_cast %get3A_1402 : i32 to index
        %get3A_1404 = arith.index_cast %add3A_1401 : i32 to index
        %get3A_1405 = tpu.vector_load %arg13[%get3A_1403, %get3A_1404] {strides = array<i32>} : memref<1x32000xf32, #tpu.memory_space<vmem>>, vector<1x16xf32>,
        %get3A_1406 = vector.shape_cast %get3A_1405 : vector<1x16xf32> to vector<16xf32>
        %add3A_1407 = arith.addf %scan3A_1312, %get3A_1406 : vector<16xf32>
        %add3A_1408 = arith.constant 176 : i32
        %add3A_1409 = arith.addi %mul3A_1319, %add3A_1408 : i32
        %get3A_1410 = arith.constant 0 : i32
        %get3A_1411 = arith.index_cast %get3A_1410 : i32 to index
        %get3A_1412 = arith.index_cast %add3A_1409 : i32 to index
        %get3A_1413 = tpu.vector_load %arg13[%get3A_1411, %get3A_1412] {strides = array<i32>} : memref<1x32000xf32, #tpu.memory_space<vmem>>, vector<1x16xf32>,
        %get3A_1414 = vector.shape_cast %get3A_1413 : vector<1x16xf32> to vector<16xf32>
        %add3A_1415 = arith.addf %scan3A_1313, %get3A_1414 : vector<16xf32>
        %add3A_1416 = arith.constant 192 : i32
        %add3A_1417 = arith.addi %mul3A_1319, %add3A_1416 : i32
        %get3A_1418 = arith.constant 0 : i32
        %get3A_1419 = arith.index_cast %get3A_1418 : i32 to index
        %get3A_1420 = arith.index_cast %add3A_1417 : i32 to index
        %get3A_1421 = tpu.vector_load %arg13[%get3A_1419, %get3A_1420] {strides = array<i32>} : memref<1x32000xf32, #tpu.memory_space<vmem>>, vector<1x16xf32>,
        %get3A_1422 = vector.shape_cast %get3A_1421 : vector<1x16xf32> to vector<16xf32>
        %add3A_1423 = arith.addf %scan3A_1314, %get3A_1422 : vector<16xf32>
        %add3A_1424 = arith.constant 208 : i32
        %add3A_1425 = arith.addi %mul3A_1319, %add3A_1424 : i32
        %get3A_1426 = arith.constant 0 : i32
        %get3A_1427 = arith.index_cast %get3A_1426 : i32 to index
        %get3A_1428 = arith.index_cast %add3A_1425 : i32 to index
        %get3A_1429 = tpu.vector_load %arg13[%get3A_1427, %get3A_1428] {strides = array<i32>} : memref<1x32000xf32, #tpu.memory_space<vmem>>, vector<1x16xf32>,
        %get3A_1430 = vector.shape_cast %get3A_1429 : vector<1x16xf32> to vector<16xf32>
        %add3A_1431 = arith.addf %scan3A_1315, %get3A_1430 : vector<16xf32>
        %add3A_1432 = arith.constant 224 : i32
        %add3A_1433 = arith.addi %mul3A_1319, %add3A_1432 : i32
        %get3A_1434 = arith.constant 0 : i32
        %get3A_1435 = arith.index_cast %get3A_1434 : i32 to index
        %get3A_1436 = arith.index_cast %add3A_1433 : i32 to index
        %get3A_1437 = tpu.vector_load %arg13[%get3A_1435, %get3A_1436] {strides = array<i32>} : memref<1x32000xf32, #tpu.memory_space<vmem>>, vector<1x16xf32>,
        %get3A_1438 = vector.shape_cast %get3A_1437 : vector<1x16xf32> to vector<16xf32>
        %add3A_1439 = arith.addf %scan3A_1316, %get3A_1438 : vector<16xf32>
        %add3A_1440 = arith.constant 240 : i32
        %add3A_1441 = arith.addi %mul3A_1319, %add3A_1440 : i32
        %get3A_1442 = arith.constant 0 : i32
        %get3A_1443 = arith.index_cast %get3A_1442 : i32 to index
        %get3A_1444 = arith.index_cast %add3A_1441 : i32 to index
        %get3A_1445 = tpu.vector_load %arg13[%get3A_1443, %get3A_1444] {strides = array<i32>} : memref<1x32000xf32, #tpu.memory_space<vmem>>, vector<1x16xf32>,
        %get3A_1446 = vector.shape_cast %get3A_1445 : vector<1x16xf32> to vector<16xf32>
        %add3A_1447 = arith.addf %scan3A_1317, %get3A_1446 : vector<16xf32>
        scf.yield %add3A_1327, %add3A_1335, %add3A_1343, %add3A_1351, %add3A_1359, %add3A_1367, %add3A_1375, %add3A_1383, %add3A_1391, %add3A_1399, %add3A_1407, %add3A_1415, %add3A_1423, %add3A_1431, %add3A_1439, %add3A_1447 : vector<16xf32>, vector<16xf32>, vector<16xf32>, vector<16xf32>, vector<16xf32>, vector<16xf32>, vector<16xf32>, vector<16xf32>, vector<16xf32>, vector<16xf32>, vector<16xf32>, vector<16xf32>, vector<16xf32>, vector<16xf32>, vector<16xf32>, vector<16xf32>
      }
      %scan3A_1163 = arith.constant 125 : i32
      %add3A_1164 = arith.addf %scan3A_1162#0, %scan3A_1162#1 : vector<16xf32>
      %add3A_1165 = arith.addf %add3A_1164, %scan3A_1162#2 : vector<16xf32>
      %add3A_1166 = arith.addf %add3A_1165, %scan3A_1162#3 : vector<16xf32>
      %add3A_1167 = arith.addf %add3A_1166, %scan3A_1162#4 : vector<16xf32>
      %add3A_1168 = arith.addf %add3A_1167, %scan3A_1162#5 : vector<16xf32>
      %add3A_1169 = arith.addf %add3A_1168, %scan3A_1162#6 : vector<16xf32>
      %add3A_1170 = arith.addf %add3A_1169, %scan3A_1162#7 : vector<16xf32>
      %add3A_1171 = arith.addf %add3A_1170, %scan3A_1162#8 : vector<16xf32>
      %add3A_1172 = arith.addf %add3A_1171, %scan3A_1162#9 : vector<16xf32>
      %add3A_1173 = arith.addf %add3A_1172, %scan3A_1162#10 : vector<16xf32>
      %add3A_1174 = arith.addf %add3A_1173, %scan3A_1162#11 : vector<16xf32>
      %add3A_1175 = arith.addf %add3A_1174, %scan3A_1162#12 : vector<16xf32>
      %add3A_1176 = arith.addf %add3A_1175, %scan3A_1162#13 : vector<16xf32>
      %add3A_1177 = arith.addf %add3A_1176, %scan3A_1162#14 : vector<16xf32>
      %add3A_1178 = arith.addf %add3A_1177, %scan3A_1162#15 : vector<16xf32>
      %mul3A_1179 = arith.constant 16 : i32
      %mul3A_1180 = arith.muli %add3A_1150, %mul3A_1179 : i32
      %swap3A_1181 = arith.index_cast %mul3A_1180 : i32 to index
      %swap3A_1182 = tpu.vector_load %arg10[%swap3A_1181] {strides = array<i32>} : memref<1024xf32, #tpu.memory_space<vmem>>, vector<16xf32>,
      %swap3A_1183 = vector.shape_cast %swap3A_1182 : vector<16xf32> to vector<16xf32>
      %swap3A_1184 = vector.shape_cast %add3A_1178 : vector<16xf32> to vector<16xf32>
      tpu.vector_store %arg10[%swap3A_1181], %swap3A_1184 {strides = array<i32>} : memref<1024xf32, #tpu.memory_space<vmem>>, vector<16xf32>,
      %slice3A_1185 = vector.extract_strided_slice %get3A_93 {offsets = [14], sizes = [1], strides = [1]} : vector<16xi32> to vector<1xi32>
      %squeeze3A_1186 = vector.extract %slice3A_1185[0] : i32 from vector<1xi32>
      %shift_right_arithmetic3A_1187 = arith.constant 4 : i32
      %shift_right_arithmetic3A_1188 = arith.shrsi %squeeze3A_1186, %shift_right_arithmetic3A_1187 : i32
      %mul3A_1189 = arith.constant 16 : i32
      %mul3A_1190 = arith.muli %shift_right_arithmetic3A_1188, %mul3A_1189 : i32
      %get3A_1191 = arith.constant 0 : i32
      %get3A_1192 = arith.index_cast %get3A_1191 : i32 to index
      %get3A_1193 = arith.index_cast %mul3A_1190 : i32 to index
      %get3A_1194 = tpu.vector_load %arg13[%get3A_1192, %get3A_1193] {strides = array<i32>} : memref<1x32000xf32, #tpu.memory_space<vmem>>, vector<1x16xf32>,
      %get3A_1195 = vector.shape_cast %get3A_1194 : vector<1x16xf32> to vector<16xf32>
      %and3A_1196 = arith.constant 15 : i32
      %and3A_1197 = arith.andi %squeeze3A_1186, %and3A_1196 : i32
      %eq3A_1198 = vector.broadcast %and3A_1197 : i32 to vector<16xi32>
      %eq3A_1199 = arith.cmpi eq, %iota3A, %eq3A_1198 : vector<16xi32>
      %jit3A_1200 = arith.constant 0.000000e+00 : f32
      %broadcast_in_dim3A_1201 = vector.broadcast %jit3A_1200 : f32 to vector<16xf32>
      %select_n3A_1202 = arith.select %eq3A_1199, %get3A_1195, %broadcast_in_dim3A_1201 : vector<16xi1>, vector<16xf32>
      %ne3A_1203 = arith.constant 0 : i32
      %ne3A_1204 = arith.cmpi ne, %squeeze3A_1186, %ne3A_1203 : i32
      %jit3A_1205 = arith.constant 1.000000e+00 : f32
      %jit3A_1206 = arith.constant 0.000000e+00 : f32
      %select_n3A_1207 = arith.select %ne3A_1204, %jit3A_1205, %jit3A_1206 : f32
      %get3A_1208 = arith.constant 0 : index
      %get3A_1209 = tpu.vector_load %arg8[%get3A_1208] {strides = array<i32>} : memref<16xf32, #tpu.memory_space<vmem>>, vector<16xf32>,
      %get3A_1210 = vector.shape_cast %get3A_1209 : vector<16xf32> to vector<16xf32>
      %mul3A_1211 = vector.broadcast %select_n3A_1207 : f32 to vector<16xf32>
      %mul3A_1212 = arith.mulf %select_n3A_1202, %mul3A_1211 : vector<16xf32>
      %add3A_1213 = arith.addf %get3A_1210, %mul3A_1212 : vector<16xf32>
      %swap3A_1214 = arith.constant 0 : index
      %swap3A_1215 = tpu.vector_load %arg8[%swap3A_1214] {strides = array<i32>} : memref<16xf32, #tpu.memory_space<vmem>>, vector<16xf32>,
      %swap3A_1216 = vector.shape_cast %swap3A_1215 : vector<16xf32> to vector<16xf32>
      %swap3A_1217 = vector.shape_cast %add3A_1213 : vector<16xf32> to vector<16xf32>
      tpu.vector_store %arg8[%swap3A_1214], %swap3A_1217 {strides = array<i32>} : memref<16xf32, #tpu.memory_space<vmem>>, vector<16xf32>,
      %add3A_1218 = arith.constant 4 : i32
      %add3A_1219 = arith.addi %add3A_1150, %add3A_1218 : i32
      %lt3A_1220 = arith.constant 64 : i32
      %lt3A_1221 = arith.cmpi slt, %add3A_1219, %lt3A_1220 : i32
      %convert_element_type3A_1222 = arith.extui %lt3A_1221 : i1 to i32
      %cond3A_1223 = arith.constant 0 : i32
      %cond3A_1224 = arith.cmpi ne, %convert_element_type3A_1222, %cond3A_1223 : i32
      scf.if %cond3A_1224 {
        %add3A_1301 = arith.addi %mul3A_2, %add3A_1150 : i32
        %add3A_1302 = arith.constant 4 : i32
        %add3A_1303 = arith.addi %add3A_1301, %add3A_1302 : i32
        %dma_start3A_1304 = arith.constant 0 : i32
        %dma_start3A_1305 = tpu.memref_slice %arg2[%add3A_1303, %dma_start3A_1304] : memref<2048x32000xf32, #tpu.memory_space<hbm>> -> memref<1x32000xf32, #tpu.memory_space<hbm>>
        %dma_start3A_1306 = arith.constant 0 : i32
        %dma_start3A_1307 = tpu.memref_slice %arg2[%add3A_1303, %dma_start3A_1306] : memref<2048x32000xf32, #tpu.memory_space<hbm>> -> memref<1x32000xf32, #tpu.memory_space<hbm>>
        tpu.enqueue_dma source(%dma_start3A_1307 : memref<1x32000xf32, #tpu.memory_space<hbm>>) target(%arg13 : memref<1x32000xf32, #tpu.memory_space<vmem>>) target_semaphore(%arg17 : memref<!tpu.dma_semaphore, #tpu.memory_space<semaphore_mem>>)
      } else {
      }
      %add3A_1225 = arith.constant 15 : i32
      %add3A_1226 = arith.addi %mul3A_90, %add3A_1225 : i32
      %add3A_1227 = arith.addi %mul3A_2, %add3A_1226 : i32
      %dma_wait3A_1228 = arith.constant 0 : i32
      %dma_wait3A_1229 = tpu.memref_slice %arg2[%add3A_1227, %dma_wait3A_1228] : memref<2048x32000xf32, #tpu.memory_space<hbm>> -> memref<1x32000xf32, #tpu.memory_space<hbm>>
      %dma_wait3A_1230 = arith.constant 0 : i32
      %dma_wait3A_1231 = tpu.memref_slice %arg2[%add3A_1227, %dma_wait3A_1230] : memref<2048x32000xf32, #tpu.memory_space<hbm>> -> memref<1x32000xf32, #tpu.memory_space<hbm>>
      tpu.wait_dma2 semaphore(%arg18 : memref<!tpu.dma_semaphore, #tpu.memory_space<semaphore_mem>>) src(%dma_wait3A_1231 : memref<1x32000xf32, #tpu.memory_space<hbm>>) dst(%arg14 : memref<1x32000xf32, #tpu.memory_space<vmem>>)
      %broadcast_in_dim3A_1232 = arith.constant 0.000000e+00 : f32
      %broadcast_in_dim3A_1233 = vector.broadcast %broadcast_in_dim3A_1232 : f32 to vector<16xf32>
      %scan3A_1234 = arith.constant 0 : i32
      %scan3A_1235 = arith.constant 125 : i32
      %scan3A_1236 = arith.addi %scan3A_1234, %scan3A_1235 : i32
      %scan3A_1237 = arith.constant 1 : i32
      %scan3A_1238:16 = scf.for %scan3A_1301 = %scan3A_1234 to %scan3A_1236 step %scan3A_1237 iter_args(%scan3A_1302 = %broadcast_in_dim3A_1233, %scan3A_1303 = %broadcast_in_dim3A_1233, %scan3A_1304 = %broadcast_in_dim3A_1233, %scan3A_1305 = %broadcast_in_dim3A_1233, %scan3A_1306 = %broadcast_in_dim3A_1233, %scan3A_1307 = %broadcast_in_dim3A_1233, %scan3A_1308 = %broadcast_in_dim3A_1233, %scan3A_1309 = %broadcast_in_dim3A_1233, %scan3A_1310 = %broadcast_in_dim3A_1233, %scan3A_1311 = %broadcast_in_dim3A_1233, %scan3A_1312 = %broadcast_in_dim3A_1233, %scan3A_1313 = %broadcast_in_dim3A_1233, %scan3A_1314 = %broadcast_in_dim3A_1233, %scan3A_1315 = %broadcast_in_dim3A_1233, %scan3A_1316 = %broadcast_in_dim3A_1233, %scan3A_1317 = %broadcast_in_dim3A_1233) -> (vector<16xf32>, vector<16xf32>, vector<16xf32>, vector<16xf32>, vector<16xf32>, vector<16xf32>, vector<16xf32>, vector<16xf32>, vector<16xf32>, vector<16xf32>, vector<16xf32>, vector<16xf32>, vector<16xf32>, vector<16xf32>, vector<16xf32>, vector<16xf32>)  : i32 {
        %mul3A_1318 = arith.constant 256 : i32
        %mul3A_1319 = arith.muli %scan3A_1301, %mul3A_1318 : i32
        %add3A_1320 = arith.constant 0 : i32
        %add3A_1321 = arith.addi %mul3A_1319, %add3A_1320 : i32
        %get3A_1322 = arith.constant 0 : i32
        %get3A_1323 = arith.index_cast %get3A_1322 : i32 to index
        %get3A_1324 = arith.index_cast %add3A_1321 : i32 to index
        %get3A_1325 = tpu.vector_load %arg14[%get3A_1323, %get3A_1324] {strides = array<i32>} : memref<1x32000xf32, #tpu.memory_space<vmem>>, vector<1x16xf32>,
        %get3A_1326 = vector.shape_cast %get3A_1325 : vector<1x16xf32> to vector<16xf32>
        %add3A_1327 = arith.addf %scan3A_1302, %get3A_1326 : vector<16xf32>
        %add3A_1328 = arith.constant 16 : i32
        %add3A_1329 = arith.addi %mul3A_1319, %add3A_1328 : i32
        %get3A_1330 = arith.constant 0 : i32
        %get3A_1331 = arith.index_cast %get3A_1330 : i32 to index
        %get3A_1332 = arith.index_cast %add3A_1329 : i32 to index
        %get3A_1333 = tpu.vector_load %arg14[%get3A_1331, %get3A_1332] {strides = array<i32>} : memref<1x32000xf32, #tpu.memory_space<vmem>>, vector<1x16xf32>,
        %get3A_1334 = vector.shape_cast %get3A_1333 : vector<1x16xf32> to vector<16xf32>
        %add3A_1335 = arith.addf %scan3A_1303, %get3A_1334 : vector<16xf32>
        %add3A_1336 = arith.constant 32 : i32
        %add3A_1337 = arith.addi %mul3A_1319, %add3A_1336 : i32
        %get3A_1338 = arith.constant 0 : i32
        %get3A_1339 = arith.index_cast %get3A_1338 : i32 to index
        %get3A_1340 = arith.index_cast %add3A_1337 : i32 to index
        %get3A_1341 = tpu.vector_load %arg14[%get3A_1339, %get3A_1340] {strides = array<i32>} : memref<1x32000xf32, #tpu.memory_space<vmem>>, vector<1x16xf32>,
        %get3A_1342 = vector.shape_cast %get3A_1341 : vector<1x16xf32> to vector<16xf32>
        %add3A_1343 = arith.addf %scan3A_1304, %get3A_1342 : vector<16xf32>
        %add3A_1344 = arith.constant 48 : i32
        %add3A_1345 = arith.addi %mul3A_1319, %add3A_1344 : i32
        %get3A_1346 = arith.constant 0 : i32
        %get3A_1347 = arith.index_cast %get3A_1346 : i32 to index
        %get3A_1348 = arith.index_cast %add3A_1345 : i32 to index
        %get3A_1349 = tpu.vector_load %arg14[%get3A_1347, %get3A_1348] {strides = array<i32>} : memref<1x32000xf32, #tpu.memory_space<vmem>>, vector<1x16xf32>,
        %get3A_1350 = vector.shape_cast %get3A_1349 : vector<1x16xf32> to vector<16xf32>
        %add3A_1351 = arith.addf %scan3A_1305, %get3A_1350 : vector<16xf32>
        %add3A_1352 = arith.constant 64 : i32
        %add3A_1353 = arith.addi %mul3A_1319, %add3A_1352 : i32
        %get3A_1354 = arith.constant 0 : i32
        %get3A_1355 = arith.index_cast %get3A_1354 : i32 to index
        %get3A_1356 = arith.index_cast %add3A_1353 : i32 to index
        %get3A_1357 = tpu.vector_load %arg14[%get3A_1355, %get3A_1356] {strides = array<i32>} : memref<1x32000xf32, #tpu.memory_space<vmem>>, vector<1x16xf32>,
        %get3A_1358 = vector.shape_cast %get3A_1357 : vector<1x16xf32> to vector<16xf32>
        %add3A_1359 = arith.addf %scan3A_1306, %get3A_1358 : vector<16xf32>
        %add3A_1360 = arith.constant 80 : i32
        %add3A_1361 = arith.addi %mul3A_1319, %add3A_1360 : i32
        %get3A_1362 = arith.constant 0 : i32
        %get3A_1363 = arith.index_cast %get3A_1362 : i32 to index
        %get3A_1364 = arith.index_cast %add3A_1361 : i32 to index
        %get3A_1365 = tpu.vector_load %arg14[%get3A_1363, %get3A_1364] {strides = array<i32>} : memref<1x32000xf32, #tpu.memory_space<vmem>>, vector<1x16xf32>,
        %get3A_1366 = vector.shape_cast %get3A_1365 : vector<1x16xf32> to vector<16xf32>
        %add3A_1367 = arith.addf %scan3A_1307, %get3A_1366 : vector<16xf32>
        %add3A_1368 = arith.constant 96 : i32
        %add3A_1369 = arith.addi %mul3A_1319, %add3A_1368 : i32
        %get3A_1370 = arith.constant 0 : i32
        %get3A_1371 = arith.index_cast %get3A_1370 : i32 to index
        %get3A_1372 = arith.index_cast %add3A_1369 : i32 to index
        %get3A_1373 = tpu.vector_load %arg14[%get3A_1371, %get3A_1372] {strides = array<i32>} : memref<1x32000xf32, #tpu.memory_space<vmem>>, vector<1x16xf32>,
        %get3A_1374 = vector.shape_cast %get3A_1373 : vector<1x16xf32> to vector<16xf32>
        %add3A_1375 = arith.addf %scan3A_1308, %get3A_1374 : vector<16xf32>
        %add3A_1376 = arith.constant 112 : i32
        %add3A_1377 = arith.addi %mul3A_1319, %add3A_1376 : i32
        %get3A_1378 = arith.constant 0 : i32
        %get3A_1379 = arith.index_cast %get3A_1378 : i32 to index
        %get3A_1380 = arith.index_cast %add3A_1377 : i32 to index
        %get3A_1381 = tpu.vector_load %arg14[%get3A_1379, %get3A_1380] {strides = array<i32>} : memref<1x32000xf32, #tpu.memory_space<vmem>>, vector<1x16xf32>,
        %get3A_1382 = vector.shape_cast %get3A_1381 : vector<1x16xf32> to vector<16xf32>
        %add3A_1383 = arith.addf %scan3A_1309, %get3A_1382 : vector<16xf32>
        %add3A_1384 = arith.constant 128 : i32
        %add3A_1385 = arith.addi %mul3A_1319, %add3A_1384 : i32
        %get3A_1386 = arith.constant 0 : i32
        %get3A_1387 = arith.index_cast %get3A_1386 : i32 to index
        %get3A_1388 = arith.index_cast %add3A_1385 : i32 to index
        %get3A_1389 = tpu.vector_load %arg14[%get3A_1387, %get3A_1388] {strides = array<i32>} : memref<1x32000xf32, #tpu.memory_space<vmem>>, vector<1x16xf32>,
        %get3A_1390 = vector.shape_cast %get3A_1389 : vector<1x16xf32> to vector<16xf32>
        %add3A_1391 = arith.addf %scan3A_1310, %get3A_1390 : vector<16xf32>
        %add3A_1392 = arith.constant 144 : i32
        %add3A_1393 = arith.addi %mul3A_1319, %add3A_1392 : i32
        %get3A_1394 = arith.constant 0 : i32
        %get3A_1395 = arith.index_cast %get3A_1394 : i32 to index
        %get3A_1396 = arith.index_cast %add3A_1393 : i32 to index
        %get3A_1397 = tpu.vector_load %arg14[%get3A_1395, %get3A_1396] {strides = array<i32>} : memref<1x32000xf32, #tpu.memory_space<vmem>>, vector<1x16xf32>,
        %get3A_1398 = vector.shape_cast %get3A_1397 : vector<1x16xf32> to vector<16xf32>
        %add3A_1399 = arith.addf %scan3A_1311, %get3A_1398 : vector<16xf32>
        %add3A_1400 = arith.constant 160 : i32
        %add3A_1401 = arith.addi %mul3A_1319, %add3A_1400 : i32
        %get3A_1402 = arith.constant 0 : i32
        %get3A_1403 = arith.index_cast %get3A_1402 : i32 to index
        %get3A_1404 = arith.index_cast %add3A_1401 : i32 to index
        %get3A_1405 = tpu.vector_load %arg14[%get3A_1403, %get3A_1404] {strides = array<i32>} : memref<1x32000xf32, #tpu.memory_space<vmem>>, vector<1x16xf32>,
        %get3A_1406 = vector.shape_cast %get3A_1405 : vector<1x16xf32> to vector<16xf32>
        %add3A_1407 = arith.addf %scan3A_1312, %get3A_1406 : vector<16xf32>
        %add3A_1408 = arith.constant 176 : i32
        %add3A_1409 = arith.addi %mul3A_1319, %add3A_1408 : i32
        %get3A_1410 = arith.constant 0 : i32
        %get3A_1411 = arith.index_cast %get3A_1410 : i32 to index
        %get3A_1412 = arith.index_cast %add3A_1409 : i32 to index
        %get3A_1413 = tpu.vector_load %arg14[%get3A_1411, %get3A_1412] {strides = array<i32>} : memref<1x32000xf32, #tpu.memory_space<vmem>>, vector<1x16xf32>,
        %get3A_1414 = vector.shape_cast %get3A_1413 : vector<1x16xf32> to vector<16xf32>
        %add3A_1415 = arith.addf %scan3A_1313, %get3A_1414 : vector<16xf32>
        %add3A_1416 = arith.constant 192 : i32
        %add3A_1417 = arith.addi %mul3A_1319, %add3A_1416 : i32
        %get3A_1418 = arith.constant 0 : i32
        %get3A_1419 = arith.index_cast %get3A_1418 : i32 to index
        %get3A_1420 = arith.index_cast %add3A_1417 : i32 to index
        %get3A_1421 = tpu.vector_load %arg14[%get3A_1419, %get3A_1420] {strides = array<i32>} : memref<1x32000xf32, #tpu.memory_space<vmem>>, vector<1x16xf32>,
        %get3A_1422 = vector.shape_cast %get3A_1421 : vector<1x16xf32> to vector<16xf32>
        %add3A_1423 = arith.addf %scan3A_1314, %get3A_1422 : vector<16xf32>
        %add3A_1424 = arith.constant 208 : i32
        %add3A_1425 = arith.addi %mul3A_1319, %add3A_1424 : i32
        %get3A_1426 = arith.constant 0 : i32
        %get3A_1427 = arith.index_cast %get3A_1426 : i32 to index
        %get3A_1428 = arith.index_cast %add3A_1425 : i32 to index
        %get3A_1429 = tpu.vector_load %arg14[%get3A_1427, %get3A_1428] {strides = array<i32>} : memref<1x32000xf32, #tpu.memory_space<vmem>>, vector<1x16xf32>,
        %get3A_1430 = vector.shape_cast %get3A_1429 : vector<1x16xf32> to vector<16xf32>
        %add3A_1431 = arith.addf %scan3A_1315, %get3A_1430 : vector<16xf32>
        %add3A_1432 = arith.constant 224 : i32
        %add3A_1433 = arith.addi %mul3A_1319, %add3A_1432 : i32
        %get3A_1434 = arith.constant 0 : i32
        %get3A_1435 = arith.index_cast %get3A_1434 : i32 to index
        %get3A_1436 = arith.index_cast %add3A_1433 : i32 to index
        %get3A_1437 = tpu.vector_load %arg14[%get3A_1435, %get3A_1436] {strides = array<i32>} : memref<1x32000xf32, #tpu.memory_space<vmem>>, vector<1x16xf32>,
        %get3A_1438 = vector.shape_cast %get3A_1437 : vector<1x16xf32> to vector<16xf32>
        %add3A_1439 = arith.addf %scan3A_1316, %get3A_1438 : vector<16xf32>
        %add3A_1440 = arith.constant 240 : i32
        %add3A_1441 = arith.addi %mul3A_1319, %add3A_1440 : i32
        %get3A_1442 = arith.constant 0 : i32
        %get3A_1443 = arith.index_cast %get3A_1442 : i32 to index
        %get3A_1444 = arith.index_cast %add3A_1441 : i32 to index
        %get3A_1445 = tpu.vector_load %arg14[%get3A_1443, %get3A_1444] {strides = array<i32>} : memref<1x32000xf32, #tpu.memory_space<vmem>>, vector<1x16xf32>,
        %get3A_1446 = vector.shape_cast %get3A_1445 : vector<1x16xf32> to vector<16xf32>
        %add3A_1447 = arith.addf %scan3A_1317, %get3A_1446 : vector<16xf32>
        scf.yield %add3A_1327, %add3A_1335, %add3A_1343, %add3A_1351, %add3A_1359, %add3A_1367, %add3A_1375, %add3A_1383, %add3A_1391, %add3A_1399, %add3A_1407, %add3A_1415, %add3A_1423, %add3A_1431, %add3A_1439, %add3A_1447 : vector<16xf32>, vector<16xf32>, vector<16xf32>, vector<16xf32>, vector<16xf32>, vector<16xf32>, vector<16xf32>, vector<16xf32>, vector<16xf32>, vector<16xf32>, vector<16xf32>, vector<16xf32>, vector<16xf32>, vector<16xf32>, vector<16xf32>, vector<16xf32>
      }
      %scan3A_1239 = arith.constant 125 : i32
      %add3A_1240 = arith.addf %scan3A_1238#0, %scan3A_1238#1 : vector<16xf32>
      %add3A_1241 = arith.addf %add3A_1240, %scan3A_1238#2 : vector<16xf32>
      %add3A_1242 = arith.addf %add3A_1241, %scan3A_1238#3 : vector<16xf32>
      %add3A_1243 = arith.addf %add3A_1242, %scan3A_1238#4 : vector<16xf32>
      %add3A_1244 = arith.addf %add3A_1243, %scan3A_1238#5 : vector<16xf32>
      %add3A_1245 = arith.addf %add3A_1244, %scan3A_1238#6 : vector<16xf32>
      %add3A_1246 = arith.addf %add3A_1245, %scan3A_1238#7 : vector<16xf32>
      %add3A_1247 = arith.addf %add3A_1246, %scan3A_1238#8 : vector<16xf32>
      %add3A_1248 = arith.addf %add3A_1247, %scan3A_1238#9 : vector<16xf32>
      %add3A_1249 = arith.addf %add3A_1248, %scan3A_1238#10 : vector<16xf32>
      %add3A_1250 = arith.addf %add3A_1249, %scan3A_1238#11 : vector<16xf32>
      %add3A_1251 = arith.addf %add3A_1250, %scan3A_1238#12 : vector<16xf32>
      %add3A_1252 = arith.addf %add3A_1251, %scan3A_1238#13 : vector<16xf32>
      %add3A_1253 = arith.addf %add3A_1252, %scan3A_1238#14 : vector<16xf32>
      %add3A_1254 = arith.addf %add3A_1253, %scan3A_1238#15 : vector<16xf32>
      %mul3A_1255 = arith.constant 16 : i32
      %mul3A_1256 = arith.muli %add3A_1226, %mul3A_1255 : i32
      %swap3A_1257 = arith.index_cast %mul3A_1256 : i32 to index
      %swap3A_1258 = tpu.vector_load %arg10[%swap3A_1257] {strides = array<i32>} : memref<1024xf32, #tpu.memory_space<vmem>>, vector<16xf32>,
      %swap3A_1259 = vector.shape_cast %swap3A_1258 : vector<16xf32> to vector<16xf32>
      %swap3A_1260 = vector.shape_cast %add3A_1254 : vector<16xf32> to vector<16xf32>
      tpu.vector_store %arg10[%swap3A_1257], %swap3A_1260 {strides = array<i32>} : memref<1024xf32, #tpu.memory_space<vmem>>, vector<16xf32>,
      %slice3A_1261 = vector.extract_strided_slice %get3A_93 {offsets = [15], sizes = [1], strides = [1]} : vector<16xi32> to vector<1xi32>
      %squeeze3A_1262 = vector.extract %slice3A_1261[0] : i32 from vector<1xi32>
      %shift_right_arithmetic3A_1263 = arith.constant 4 : i32
      %shift_right_arithmetic3A_1264 = arith.shrsi %squeeze3A_1262, %shift_right_arithmetic3A_1263 : i32
      %mul3A_1265 = arith.constant 16 : i32
      %mul3A_1266 = arith.muli %shift_right_arithmetic3A_1264, %mul3A_1265 : i32
      %get3A_1267 = arith.constant 0 : i32
      %get3A_1268 = arith.index_cast %get3A_1267 : i32 to index
      %get3A_1269 = arith.index_cast %mul3A_1266 : i32 to index
      %get3A_1270 = tpu.vector_load %arg14[%get3A_1268, %get3A_1269] {strides = array<i32>} : memref<1x32000xf32, #tpu.memory_space<vmem>>, vector<1x16xf32>,
      %get3A_1271 = vector.shape_cast %get3A_1270 : vector<1x16xf32> to vector<16xf32>
      %and3A_1272 = arith.constant 15 : i32
      %and3A_1273 = arith.andi %squeeze3A_1262, %and3A_1272 : i32
      %eq3A_1274 = vector.broadcast %and3A_1273 : i32 to vector<16xi32>
      %eq3A_1275 = arith.cmpi eq, %iota3A, %eq3A_1274 : vector<16xi32>
      %jit3A_1276 = arith.constant 0.000000e+00 : f32
      %broadcast_in_dim3A_1277 = vector.broadcast %jit3A_1276 : f32 to vector<16xf32>
      %select_n3A_1278 = arith.select %eq3A_1275, %get3A_1271, %broadcast_in_dim3A_1277 : vector<16xi1>, vector<16xf32>
      %ne3A_1279 = arith.constant 0 : i32
      %ne3A_1280 = arith.cmpi ne, %squeeze3A_1262, %ne3A_1279 : i32
      %jit3A_1281 = arith.constant 1.000000e+00 : f32
      %jit3A_1282 = arith.constant 0.000000e+00 : f32
      %select_n3A_1283 = arith.select %ne3A_1280, %jit3A_1281, %jit3A_1282 : f32
      %get3A_1284 = arith.constant 0 : index
      %get3A_1285 = tpu.vector_load %arg8[%get3A_1284] {strides = array<i32>} : memref<16xf32, #tpu.memory_space<vmem>>, vector<16xf32>,
      %get3A_1286 = vector.shape_cast %get3A_1285 : vector<16xf32> to vector<16xf32>
      %mul3A_1287 = vector.broadcast %select_n3A_1283 : f32 to vector<16xf32>
      %mul3A_1288 = arith.mulf %select_n3A_1278, %mul3A_1287 : vector<16xf32>
      %add3A_1289 = arith.addf %get3A_1286, %mul3A_1288 : vector<16xf32>
      %swap3A_1290 = arith.constant 0 : index
      %swap3A_1291 = tpu.vector_load %arg8[%swap3A_1290] {strides = array<i32>} : memref<16xf32, #tpu.memory_space<vmem>>, vector<16xf32>,
      %swap3A_1292 = vector.shape_cast %swap3A_1291 : vector<16xf32> to vector<16xf32>
      %swap3A_1293 = vector.shape_cast %add3A_1289 : vector<16xf32> to vector<16xf32>
      tpu.vector_store %arg8[%swap3A_1290], %swap3A_1293 {strides = array<i32>} : memref<16xf32, #tpu.memory_space<vmem>>, vector<16xf32>,
      %add3A_1294 = arith.constant 4 : i32
      %add3A_1295 = arith.addi %add3A_1226, %add3A_1294 : i32
      %lt3A_1296 = arith.constant 64 : i32
      %lt3A_1297 = arith.cmpi slt, %add3A_1295, %lt3A_1296 : i32
      %convert_element_type3A_1298 = arith.extui %lt3A_1297 : i1 to i32
      %cond3A_1299 = arith.constant 0 : i32
      %cond3A_1300 = arith.cmpi ne, %convert_element_type3A_1298, %cond3A_1299 : i32
      scf.if %cond3A_1300 {
        %add3A_1301 = arith.addi %mul3A_2, %add3A_1226 : i32
        %add3A_1302 = arith.constant 4 : i32
        %add3A_1303 = arith.addi %add3A_1301, %add3A_1302 : i32
        %dma_start3A_1304 = arith.constant 0 : i32
        %dma_start3A_1305 = tpu.memref_slice %arg2[%add3A_1303, %dma_start3A_1304] : memref<2048x32000xf32, #tpu.memory_space<hbm>> -> memref<1x32000xf32, #tpu.memory_space<hbm>>
        %dma_start3A_1306 = arith.constant 0 : i32
        %dma_start3A_1307 = tpu.memref_slice %arg2[%add3A_1303, %dma_start3A_1306] : memref<2048x32000xf32, #tpu.memory_space<hbm>> -> memref<1x32000xf32, #tpu.memory_space<hbm>>
        tpu.enqueue_dma source(%dma_start3A_1307 : memref<1x32000xf32, #tpu.memory_space<hbm>>) target(%arg14 : memref<1x32000xf32, #tpu.memory_space<vmem>>) target_semaphore(%arg18 : memref<!tpu.dma_semaphore, #tpu.memory_space<semaphore_mem>>)
      } else {
      }
    }
    %scan3A_33 = arith.constant 4 : i32
    %broadcast_in_dim3A_34 = arith.constant 0 : i32
    %broadcast_in_dim3A_35 = vector.broadcast %broadcast_in_dim3A_34 : i32 to vector<16xi32>
    %get3A = arith.constant 0 : index
    %get3A_36 = tpu.vector_load %arg7[%get3A] {strides = array<i32>} : memref<64xi32, #tpu.memory_space<vmem>>, vector<16xi32>,
    %get3A_37 = vector.shape_cast %get3A_36 : vector<16xi32> to vector<16xi32>
    %ne3A = arith.constant 0 : i32
    %ne3A_38 = vector.broadcast %ne3A : i32 to vector<16xi32>
    %ne3A_39 = arith.cmpi ne, %get3A_37, %ne3A_38 : vector<16xi32>
    %jit3A = arith.constant 1 : i32
    %jit3A_40 = arith.constant 0 : i32
    %broadcast_in_dim3A_41 = vector.broadcast %jit3A : i32 to vector<16xi32>
    %broadcast_in_dim3A_42 = vector.broadcast %jit3A_40 : i32 to vector<16xi32>
    %select_n3A = arith.select %ne3A_39, %broadcast_in_dim3A_41, %broadcast_in_dim3A_42 : vector<16xi1>, vector<16xi32>
    %add3A_43 = arith.addi %broadcast_in_dim3A_35, %select_n3A : vector<16xi32>
    %get3A_44 = arith.constant 16 : index
    %get3A_45 = tpu.vector_load %arg7[%get3A_44] {strides = array<i32>} : memref<64xi32, #tpu.memory_space<vmem>>, vector<16xi32>,
    %get3A_46 = vector.shape_cast %get3A_45 : vector<16xi32> to vector<16xi32>
    %ne3A_47 = arith.constant 0 : i32
    %ne3A_48 = vector.broadcast %ne3A_47 : i32 to vector<16xi32>
    %ne3A_49 = arith.cmpi ne, %get3A_46, %ne3A_48 : vector<16xi32>
    %jit3A_50 = arith.constant 1 : i32
    %jit3A_51 = arith.constant 0 : i32
    %broadcast_in_dim3A_52 = vector.broadcast %jit3A_50 : i32 to vector<16xi32>
    %broadcast_in_dim3A_53 = vector.broadcast %jit3A_51 : i32 to vector<16xi32>
    %select_n3A_54 = arith.select %ne3A_49, %broadcast_in_dim3A_52, %broadcast_in_dim3A_53 : vector<16xi1>, vector<16xi32>
    %add3A_55 = arith.addi %add3A_43, %select_n3A_54 : vector<16xi32>
    %get3A_56 = arith.constant 32 : index
    %get3A_57 = tpu.vector_load %arg7[%get3A_56] {strides = array<i32>} : memref<64xi32, #tpu.memory_space<vmem>>, vector<16xi32>,
    %get3A_58 = vector.shape_cast %get3A_57 : vector<16xi32> to vector<16xi32>
    %ne3A_59 = arith.constant 0 : i32
    %ne3A_60 = vector.broadcast %ne3A_59 : i32 to vector<16xi32>
    %ne3A_61 = arith.cmpi ne, %get3A_58, %ne3A_60 : vector<16xi32>
    %jit3A_62 = arith.constant 1 : i32
    %jit3A_63 = arith.constant 0 : i32
    %broadcast_in_dim3A_64 = vector.broadcast %jit3A_62 : i32 to vector<16xi32>
    %broadcast_in_dim3A_65 = vector.broadcast %jit3A_63 : i32 to vector<16xi32>
    %select_n3A_66 = arith.select %ne3A_61, %broadcast_in_dim3A_64, %broadcast_in_dim3A_65 : vector<16xi1>, vector<16xi32>
    %add3A_67 = arith.addi %add3A_55, %select_n3A_66 : vector<16xi32>
    %get3A_68 = arith.constant 48 : index
    %get3A_69 = tpu.vector_load %arg7[%get3A_68] {strides = array<i32>} : memref<64xi32, #tpu.memory_space<vmem>>, vector<16xi32>,
    %get3A_70 = vector.shape_cast %get3A_69 : vector<16xi32> to vector<16xi32>
    %ne3A_71 = arith.constant 0 : i32
    %ne3A_72 = vector.broadcast %ne3A_71 : i32 to vector<16xi32>
    %ne3A_73 = arith.cmpi ne, %get3A_70, %ne3A_72 : vector<16xi32>
    %jit3A_74 = arith.constant 1 : i32
    %jit3A_75 = arith.constant 0 : i32
    %broadcast_in_dim3A_76 = vector.broadcast %jit3A_74 : i32 to vector<16xi32>
    %broadcast_in_dim3A_77 = vector.broadcast %jit3A_75 : i32 to vector<16xi32>
    %select_n3A_78 = arith.select %ne3A_73, %broadcast_in_dim3A_76, %broadcast_in_dim3A_77 : vector<16xi1>, vector<16xi32>
    %add3A_79 = arith.addi %add3A_67, %select_n3A_78 : vector<16xi32>
    %swap3A_80 = arith.constant 0 : index
    %swap3A_81 = tpu.vector_load %arg9[%swap3A_80] {strides = array<i32>} : memref<16xi32, #tpu.memory_space<vmem>>, vector<16xi32>,
    %swap3A_82 = vector.shape_cast %swap3A_81 : vector<16xi32> to vector<16xi32>
    %swap3A_83 = vector.shape_cast %add3A_79 : vector<16xi32> to vector<16xi32>
    tpu.vector_store %arg9[%swap3A_80], %swap3A_83 {strides = array<i32>} : memref<16xi32, #tpu.memory_space<vmem>>, vector<16xi32>,
    "tpu.region"() ({
      %run_scoped3A = tpu.sem_alloc : memref<!tpu.dma_semaphore, #tpu.memory_space<semaphore_mem>>
      %dma_start3A_84 = arith.constant 0 : i32
      %dma_start3A_85 = tpu.memref_slice %arg4[%add3A, %dma_start3A_84] : memref<32x16xf32, #tpu.memory_space<hbm>> -> memref<1x16xf32, #tpu.memory_space<hbm>>
      %dma_start3A_86 = tpu.memref_squeeze %dma_start3A_85 : memref<1x16xf32, #tpu.memory_space<hbm>> -> memref<16xf32, #tpu.memory_space<hbm>>
      %dma_start3A_87 = arith.constant 0 : i32
      %dma_start3A_88 = tpu.memref_slice %arg4[%add3A, %dma_start3A_87] : memref<32x16xf32, #tpu.memory_space<hbm>> -> memref<1x16xf32, #tpu.memory_space<hbm>>
      %dma_start3A_89 = tpu.memref_squeeze %dma_start3A_88 : memref<1x16xf32, #tpu.memory_space<hbm>> -> memref<16xf32, #tpu.memory_space<hbm>>
      tpu.enqueue_dma source(%arg8 : memref<16xf32, #tpu.memory_space<vmem>>) target(%dma_start3A_89 : memref<16xf32, #tpu.memory_space<hbm>>) target_semaphore(%run_scoped3A : memref<!tpu.dma_semaphore, #tpu.memory_space<semaphore_mem>>)
      %dma_wait3A = arith.constant 0 : i32
      %dma_wait3A_90 = tpu.memref_slice %arg4[%add3A, %dma_wait3A] : memref<32x16xf32, #tpu.memory_space<hbm>> -> memref<1x16xf32, #tpu.memory_space<hbm>>
      %dma_wait3A_91 = tpu.memref_squeeze %dma_wait3A_90 : memref<1x16xf32, #tpu.memory_space<hbm>> -> memref<16xf32, #tpu.memory_space<hbm>>
      %dma_wait3A_92 = arith.constant 0 : i32
      %dma_wait3A_93 = tpu.memref_slice %arg4[%add3A, %dma_wait3A_92] : memref<32x16xf32, #tpu.memory_space<hbm>> -> memref<1x16xf32, #tpu.memory_space<hbm>>
      %dma_wait3A_94 = tpu.memref_squeeze %dma_wait3A_93 : memref<1x16xf32, #tpu.memory_space<hbm>> -> memref<16xf32, #tpu.memory_space<hbm>>
      tpu.wait_dma2 semaphore(%run_scoped3A : memref<!tpu.dma_semaphore, #tpu.memory_space<semaphore_mem>>) src(%arg8 : memref<16xf32, #tpu.memory_space<vmem>>) dst(%dma_wait3A_94 : memref<16xf32, #tpu.memory_space<hbm>>)
      tpu.yield
    }) : () -> ()
    "tpu.region"() ({
      %run_scoped3A = tpu.sem_alloc : memref<!tpu.dma_semaphore, #tpu.memory_space<semaphore_mem>>
      %dma_start3A_84 = arith.constant 0 : i32
      %dma_start3A_85 = tpu.memref_slice %arg5[%add3A, %dma_start3A_84] : memref<32x16xi32, #tpu.memory_space<hbm>> -> memref<1x16xi32, #tpu.memory_space<hbm>>
      %dma_start3A_86 = tpu.memref_squeeze %dma_start3A_85 : memref<1x16xi32, #tpu.memory_space<hbm>> -> memref<16xi32, #tpu.memory_space<hbm>>
      %dma_start3A_87 = arith.constant 0 : i32
      %dma_start3A_88 = tpu.memref_slice %arg5[%add3A, %dma_start3A_87] : memref<32x16xi32, #tpu.memory_space<hbm>> -> memref<1x16xi32, #tpu.memory_space<hbm>>
      %dma_start3A_89 = tpu.memref_squeeze %dma_start3A_88 : memref<1x16xi32, #tpu.memory_space<hbm>> -> memref<16xi32, #tpu.memory_space<hbm>>
      tpu.enqueue_dma source(%arg9 : memref<16xi32, #tpu.memory_space<vmem>>) target(%dma_start3A_89 : memref<16xi32, #tpu.memory_space<hbm>>) target_semaphore(%run_scoped3A : memref<!tpu.dma_semaphore, #tpu.memory_space<semaphore_mem>>)
      %dma_wait3A = arith.constant 0 : i32
      %dma_wait3A_90 = tpu.memref_slice %arg5[%add3A, %dma_wait3A] : memref<32x16xi32, #tpu.memory_space<hbm>> -> memref<1x16xi32, #tpu.memory_space<hbm>>
      %dma_wait3A_91 = tpu.memref_squeeze %dma_wait3A_90 : memref<1x16xi32, #tpu.memory_space<hbm>> -> memref<16xi32, #tpu.memory_space<hbm>>
      %dma_wait3A_92 = arith.constant 0 : i32
      %dma_wait3A_93 = tpu.memref_slice %arg5[%add3A, %dma_wait3A_92] : memref<32x16xi32, #tpu.memory_space<hbm>> -> memref<1x16xi32, #tpu.memory_space<hbm>>
      %dma_wait3A_94 = tpu.memref_squeeze %dma_wait3A_93 : memref<1x16xi32, #tpu.memory_space<hbm>> -> memref<16xi32, #tpu.memory_space<hbm>>
      tpu.wait_dma2 semaphore(%run_scoped3A : memref<!tpu.dma_semaphore, #tpu.memory_space<semaphore_mem>>) src(%arg9 : memref<16xi32, #tpu.memory_space<vmem>>) dst(%dma_wait3A_94 : memref<16xi32, #tpu.memory_space<hbm>>)
      tpu.yield
    }) : () -> ()
    "tpu.region"() ({
      %run_scoped3A = tpu.sem_alloc : memref<!tpu.dma_semaphore, #tpu.memory_space<semaphore_mem>>
      %dma_start3A_84 = arith.constant 0 : i32
      %dma_start3A_85 = tpu.memref_slice %arg6[%add3A, %dma_start3A_84] : memref<32x1024xf32, #tpu.memory_space<hbm>> -> memref<1x1024xf32, #tpu.memory_space<hbm>>
      %dma_start3A_86 = tpu.memref_squeeze %dma_start3A_85 : memref<1x1024xf32, #tpu.memory_space<hbm>> -> memref<1024xf32, #tpu.memory_space<hbm>>
      %dma_start3A_87 = arith.constant 0 : i32
      %dma_start3A_88 = tpu.memref_slice %arg6[%add3A, %dma_start3A_87] : memref<32x1024xf32, #tpu.memory_space<hbm>> -> memref<1x1024xf32, #tpu.memory_space<hbm>>
      %dma_start3A_89 = tpu.memref_squeeze %dma_start3A_88 : memref<1x1024xf32, #tpu.memory_space<hbm>> -> memref<1024xf32, #tpu.memory_space<hbm>>
      tpu.enqueue_dma source(%arg10 : memref<1024xf32, #tpu.memory_space<vmem>>) target(%dma_start3A_89 : memref<1024xf32, #tpu.memory_space<hbm>>) target_semaphore(%run_scoped3A : memref<!tpu.dma_semaphore, #tpu.memory_space<semaphore_mem>>)
      %dma_wait3A = arith.constant 0 : i32
      %dma_wait3A_90 = tpu.memref_slice %arg6[%add3A, %dma_wait3A] : memref<32x1024xf32, #tpu.memory_space<hbm>> -> memref<1x1024xf32, #tpu.memory_space<hbm>>
      %dma_wait3A_91 = tpu.memref_squeeze %dma_wait3A_90 : memref<1x1024xf32, #tpu.memory_space<hbm>> -> memref<1024xf32, #tpu.memory_space<hbm>>
      %dma_wait3A_92 = arith.constant 0 : i32
      %dma_wait3A_93 = tpu.memref_slice %arg6[%add3A, %dma_wait3A_92] : memref<32x1024xf32, #tpu.memory_space<hbm>> -> memref<1x1024xf32, #tpu.memory_space<hbm>>
      %dma_wait3A_94 = tpu.memref_squeeze %dma_wait3A_93 : memref<1x1024xf32, #tpu.memory_space<hbm>> -> memref<1024xf32, #tpu.memory_space<hbm>>
      tpu.wait_dma2 semaphore(%run_scoped3A : memref<!tpu.dma_semaphore, #tpu.memory_space<semaphore_mem>>) src(%arg10 : memref<1024xf32, #tpu.memory_space<vmem>>) dst(%dma_wait3A_94 : memref<1024xf32, #tpu.memory_space<hbm>>)
      tpu.yield
    }) : () -> ()
    return
  }
}

module attributes {stable_mosaic.version = 14 : i64} {
  func.func @_comb_body(%arg0: memref<32x16xf32, #tpu.memory_space<vmem>>, %arg1: memref<32x16xi32, #tpu.memory_space<vmem>>, %arg2: memref<32x1024xf32, #tpu.memory_space<vmem>>, %arg3: memref<32x1024xi32, #tpu.memory_space<vmem>>, %arg4: memref<1x1xf32, #tpu.memory_space<smem>>) attributes {dimension_semantics = [], scalar_prefetch = 0 : i64, scratch_operands = 0 : i64, tpu.core_type = #tpu.core_type<tc>} {
    %get3A = arith.constant 0 : index
    %get3A_0 = arith.constant 0 : index
    %get3A_1 = vector.load %arg0[%get3A, %get3A_0] : memref<32x16xf32, #tpu.memory_space<vmem>>, vector<32x16xf32>
    %reduce_sum3A = vector.shape_cast %get3A_1 : vector<32x16xf32> to vector<1x32x16xf32>
    %reduce_sum3A_2 = arith.constant dense<0.000000e+00> : vector<1xf32>
    %reduce_sum3A_3 = vector.multi_reduction <add>, %reduce_sum3A, %reduce_sum3A_2 [1, 2] : vector<1x32x16xf32> to vector<1xf32>
    %reduce_sum3A_4 = vector.shape_cast %reduce_sum3A_3 : vector<1xf32> to vector<1x1x1xf32>
    %reduce_sum3A_5 = vector.extract %reduce_sum3A_4[0, 0, 0] : f32 from vector<1x1x1xf32>
    %get3A_6 = arith.constant 0 : index
    %get3A_7 = arith.constant 0 : index
    %get3A_8 = vector.load %arg1[%get3A_6, %get3A_7] : memref<32x16xi32, #tpu.memory_space<vmem>>, vector<32x16xi32>
    %reduce_sum3A_9 = vector.shape_cast %get3A_8 : vector<32x16xi32> to vector<1x32x16xi32>
    %reduce_sum3A_10 = arith.constant dense<0> : vector<1xi32>
    %reduce_sum3A_11 = vector.multi_reduction <add>, %reduce_sum3A_9, %reduce_sum3A_10 [1, 2] : vector<1x32x16xi32> to vector<1xi32>
    %reduce_sum3A_12 = vector.shape_cast %reduce_sum3A_11 : vector<1xi32> to vector<1x1x1xi32>
    %reduce_sum3A_13 = vector.extract %reduce_sum3A_12[0, 0, 0] : i32 from vector<1x1x1xi32>
    %convert_element_type3A = arith.sitofp %reduce_sum3A_13 : i32 to f32
    %get3A_14 = arith.constant 0 : index
    %get3A_15 = arith.constant 0 : index
    %get3A_16 = vector.load %arg3[%get3A_14, %get3A_15] : memref<32x1024xi32, #tpu.memory_space<vmem>>, vector<32x1024xi32>
    %ne3A = arith.constant 0 : i32
    %ne3A_17 = vector.broadcast %ne3A : i32 to vector<32x1024xi32>
    %ne3A_18 = arith.cmpi ne, %get3A_16, %ne3A_17 : vector<32x1024xi32>
    %convert_element_type3A_19 = arith.extui %ne3A_18 : vector<32x1024xi1> to vector<32x1024xi32>
    %convert_element_type3A_20 = arith.sitofp %convert_element_type3A_19 : vector<32x1024xi32> to vector<32x1024xf32>
    %get3A_21 = arith.constant 0 : index
    %get3A_22 = arith.constant 0 : index
    %get3A_23 = vector.load %arg2[%get3A_21, %get3A_22] : memref<32x1024xf32, #tpu.memory_space<vmem>>, vector<32x1024xf32>
    %mul3A = arith.mulf %get3A_23, %convert_element_type3A_20 : vector<32x1024xf32>
    %reduce_sum3A_24 = vector.shape_cast %mul3A : vector<32x1024xf32> to vector<1x32x1024xf32>
    %reduce_sum3A_25 = arith.constant dense<0.000000e+00> : vector<1xf32>
    %reduce_sum3A_26 = vector.multi_reduction <add>, %reduce_sum3A_24, %reduce_sum3A_25 [1, 2] : vector<1x32x1024xf32> to vector<1xf32>
    %reduce_sum3A_27 = vector.shape_cast %reduce_sum3A_26 : vector<1xf32> to vector<1x1x1xf32>
    %reduce_sum3A_28 = vector.extract %reduce_sum3A_27[0, 0, 0] : f32 from vector<1x1x1xf32>
    %mul3A_29 = arith.constant -1.36242902 : f32
    %mul3A_30 = arith.mulf %convert_element_type3A, %mul3A_29 : f32
    %mul3A_31 = arith.constant 3.12509769E-6 : f32
    %mul3A_32 = arith.mulf %mul3A_31, %reduce_sum3A_28 : f32
    %sub3A = arith.subf %mul3A_30, %mul3A_32 : f32
    %mul3A_33 = arith.constant 0.899996876 : f32
    %mul3A_34 = arith.mulf %mul3A_33, %reduce_sum3A_5 : f32
    %sub3A_35 = arith.subf %sub3A, %mul3A_34 : f32
    %div3A = arith.divf %sub3A_35, %convert_element_type3A : f32
    %swap3A = arith.constant 0 : index
    %swap3A_36 = arith.constant 0 : index
    %swap3A_37 = memref.load %arg4[%swap3A, %swap3A_36] : memref<1x1xf32, #tpu.memory_space<smem>>
    memref.store %div3A, %arg4[%swap3A, %swap3A_36] : memref<1x1xf32, #tpu.memory_space<smem>>
    return
  }
}

</mosaic_0001>

<sc_bundles>
// kernel: kernel.4.cloned.1.call-start
scs
__scs_entry_jumppad:
0x0: {  	(pc) =	sbr.rel $0x88, $3  }
0x1: {  	(tag) =	ssettag $0x0;
	lr =	simm.s32 $0x1  }
0x2: {  	[smem:$0x3F9F] =	sst lr;
	_ =	strace $0xD0000000  }
0x3: {  	_ = 	snop  }
0x4: {  	_ = 	snop  }
0x5: {  	_ = 	snop  }
0x6: {  	_ = 	snop  }
0x7: {  	_ = 	snop  }
__scs_overlays_trampoline_lowered:
0x8: {  	[smem:$0x3FAE] =	sst s0  }
0x9: {  	[smem:$0x3FAF] =	sst s1  }
0xa: {  	[smem:$0x3FB0] =	sst s2  }
0xb: {  	[smem:$0x3FB1] =	sst s3  }
0xc: {  	[smem:$0x3FB2] =	sst s4  }
0xd: {  	[smem:$0x3FB3] =	sst s5  }
0xe: {  	[smem:$0x3FB4] =	sst s6  }
0xf: {  	[smem:$0x3FB5] =	sst s7  }
0x10: {  	[smem:$0x3FB6] =	sst s8  }
0x11: {  	[smem:$0x3FB7] =	sst s9;
	s0 =	simm.s32 @!p0 $0x0  }
0x12: {  	s1 =	sld [smem:$0x3F9D];
	s0 =	simm.s32 @p0 $0x1  }
0x13: {  	[smem:$0x3FB8] =	sst s0;
	s0 =	simm.s32 @!p1 $0x0  }
0x14: {  	s2 =	sld [smem:$0x3F9C];
	s0 =	simm.s32 @p1 $0x1  }
0x15: {  	[smem:$0x3FB9] =	sst s0;
	s0 =	simm.s32 @!p2 $0x0  }
0x16: {  	s3 =	sld [smem:$0x3FDB];
	s0 =	simm.s32 @p2 $0x1  }
0x17: {  	s4 =	simm.s32 $0x1BF5;
	[smem:$0x3FBB] =	sst s0  }
0x18: {  	s0 =	sld [smem:$0x3F9E];
	_ =	swait.ge [sflag:s4], $0x0  }
0x19: {  	s7 =	sld [smem:$0x3F9F]  }
0x1a: {  	s8 =	sadd.s32 $0xFFFFE003, lr  }
0x1b: {  	s9 =	sadd.s32 $0xFFFFFEF7, lr;
	s5 =	simm.s32 $0xFFFFFFFF;
	p2 =	slt.u32 s8, $0xFFFFF086  }
0x1c: {  	p1 =	slt.u32 s9, $0xF7A;
	s5 =	simm.s32 @!p2 $0x0  }
0x1d: {  	s5 =	simm.s32 @p1 $0x1;
	p0 =	seq.s32 s7, s2  }
0x1e: {  	s7 =	smul.u32 @!p0 $0xF7A, s2;
	p2 =	seq.s32 @!p0 s5, $0x0  }
0x1f: {  	s9 =	smul.u32 $0xF7A, s1;
	s8 =	simm.s32 @!p0 $0x1BF5;
	p2 =	por !p2, p0  }
0x20: {  	[sflag:s8] =	ssyncset.s32 @!p0 $0xFFFFF086;
	s6 =	sadd.s32 @!p0 s3, s7;
	s7 =	simm.s32 @!p0 $0x108  }
0x21: {  	s3 =	sadd.s32 s3, s9;
	s6 =	sadd.s32 @!p0 $0x88, s6;
	s7 =	simm.s32 @p2 $0x1082  }
0x22: {  	[simem:s7], [sflag:s8] =	dma.local @!p0 [hbm:s6], $0xF7A  }
0x23: {  	s9 =	sor.u32 $0xD0000000, s2;
	s6 =	simm.s32 $0x108;
	_ =	swait.ge @!p0 [sflag:s8], $0x0  }
0x24: {  	s3 =	sadd.s32 $0x88, s3;
	s6 =	simm.s32 @!p1 $0x1082;
	[sflag:s4] =	ssyncset.s32 $0xFFFFF086  }
0x25: {  	[simem:s6], [sflag:s4] =	dma.local [hbm:s3], $0xF7A  }
0x26: {  	[smem:$0x3F9F] =	sst s1;
	(tag) =	ssettag s2;
	_ =	strace s9  }
0x27: {  	s1 =	sld [smem:$0x3FAF]  }
0x28: {  	s2 =	sld [smem:$0x3FB0]  }
0x29: {  	s4 =	sld [smem:$0x3FB2]  }
0x2a: {  	p0 =	seq.s32 s5, $0x0;
	s5 =	sld [smem:$0x3FB3]  }
0x2b: {  	s6 =	sld [smem:$0x3FB4]  }
0x2c: {  	s7 =	sld [smem:$0x3FB5]  }
0x2d: {  	s3 =	simm.s32 $0x108;
	s8 =	sld [smem:$0x3FB6]  }
0x2e: {  	s3 =	simm.s32 @!p0 $0x1082;
	s9 =	sld [smem:$0x3FB7]  }
0x2f: {  	lr =	sadd.s32 s0, s3;
	s0 =	sld [smem:$0x3FAE]  }
0x30: {  	s3 =	sld [smem:$0x3FB1]  }
0x31: {  	[smem:$0x3FBA] =	sst s10  }
0x32: {  	s10 =	sld [smem:$0x3FB8];
	_ =	sdelay $0x3  }
0x33: {  	p0 =	seq.s32 s10, $0x1;
	s10 =	sld [smem:$0x3FBA];
	_ =	sdelay $0x3  }
0x34: {  	[smem:$0x3FBA] =	sst s10  }
0x35: {  	s10 =	sld [smem:$0x3FB9];
	_ =	sdelay $0x3  }
0x36: {  	p1 =	seq.s32 s10, $0x1;
	s10 =	sld [smem:$0x3FBA];
	_ =	sdelay $0x3  }
0x37: {  	[smem:$0x3FBA] =	sst s10  }
0x38: {  	s10 =	sld [smem:$0x3FBB]  }
0x39: {  	_ = 	snop;
	(pc) =	sbr.ind lr, $3  }
0x3a: {  	_ = 	snop  }
0x3b: {  	_ = 	snop  }
0x3c: {  	p2 =	seq.s32 s10, $0x1;
	s10 =	sld [smem:$0x3FBA]  }
0x3d: {  	_ =	shalt  }
0x3e: {  	_ =	shalt  }
0x3f: {  	_ =	shalt  }
0x40: {  	_ =	shalt  }
0x41: {  	_ =	shalt  }
0x42: {  	_ =	shalt  }
0x43: {  	_ =	shalt  }
0x44: {  	_ =	shalt  }
0x45: {  	_ =	shalt  }
0x46: {  	_ =	shalt  }
0x47: {  	_ =	shalt  }
0x48: {  	_ =	shalt  }
0x49: {  	_ =	shalt  }
0x4a: {  	_ =	shalt  }
0x4b: {  	_ =	shalt  }
0x4c: {  	_ =	shalt  }
0x4d: {  	_ =	shalt  }
0x4e: {  	_ =	shalt  }
0x4f: {  	_ =	shalt  }
0x50: {  	_ =	shalt  }
0x51: {  	_ =	shalt  }
0x52: {  	_ =	shalt  }
0x53: {  	_ =	shalt  }
0x54: {  	_ =	shalt  }
0x55: {  	_ =	shalt  }
0x56: {  	_ =	shalt  }
0x57: {  	_ =	shalt  }
0x58: {  	_ =	shalt  }
0x59: {  	_ =	shalt  }
0x5a: {  	_ =	shalt  }
0x5b: {  	_ =	shalt  }
0x5c: {  	_ =	shalt  }
0x5d: {  	_ =	shalt  }
0x5e: {  	_ =	shalt  }
0x5f: {  	_ =	shalt  }
0x60: {  	_ =	shalt  }
0x61: {  	_ =	shalt  }
0x62: {  	_ =	shalt  }
0x63: {  	_ =	shalt  }
0x64: {  	_ =	shalt  }
0x65: {  	_ =	shalt  }
0x66: {  	_ =	shalt  }
0x67: {  	_ =	shalt  }
0x68: {  	_ =	shalt  }
0x69: {  	_ =	shalt  }
0x6a: {  	_ =	shalt  }
0x6b: {  	_ =	shalt  }
0x6c: {  	_ =	shalt  }
0x6d: {  	_ =	shalt  }
0x6e: {  	_ =	shalt  }
0x6f: {  	_ =	shalt  }
0x70: {  	_ =	shalt  }
0x71: {  	_ =	shalt  }
0x72: {  	_ =	shalt  }
0x73: {  	_ =	shalt  }
0x74: {  	_ =	shalt  }
0x75: {  	_ =	shalt  }
0x76: {  	_ =	shalt  }
0x77: {  	_ =	shalt  }
0x78: {  	_ =	shalt  }
0x79: {  	_ =	shalt  }
0x7a: {  	_ =	shalt  }
0x7b: {  	_ =	shalt  }
0x7c: {  	_ =	shalt  }
0x7d: {  	_ =	shalt  }
0x7e: {  	_ =	shalt  }
0x7f: {  	_ =	shalt  }
0x80: {  	_ =	shalt  }
0x81: {  	_ =	shalt  }
0x82: {  	_ =	shalt  }
0x83: {  	_ =	shalt  }
0x84: {  	_ =	shalt  }
0x85: {  	_ =	shalt  }
0x86: {  	_ =	shalt  }
0x87: {  	_ =	shalt  }
.Lfunc_end0:
.L_simem_size_0:
called_computation_lowered:
.L_overlay_start_0:
0x88: {  	s2 =	sld [smem:$0x3FD9]  }
0x89: {  	s3 =	sld [smem:$0x3FFE];
	_ =	sdelay $0x1  }
0x8a: {  	s1 =	srdreg.scid  }
0x8b: {  	s0 =	sand.u32 $0x1, s1  }
0x8c: {  	s17 =	sshll.u32 s0, $0xA;
	s2 =	sadd.s32 s3, s2  }
0x8d: {  	s2 =	sadd.s32 s2, s17  }
0x8e: {  	[smem:$0x3FC6] =	sst s2  }
0x8f: {  	_ = 	snop  }
0x90: {  	s2 =	sld [smem:$0x3FC9]  }
0x91: {  	s18 =	sld [smem:$0x3FC8];
	(tm) =	ssettm $0x1  }
0x92: {  	s4 =	sld [smem:$0x3FFB];
	_ =	sdelay $0x3  }
0x93: {  	_ =	strace s4  }
0x94: {  	s4 =	sld [smem:$0x3FFC];
	_ =	sdelay $0x3  }
0x95: {  	_ =	strace s4  }
0x96: {  	s4 =	sld [smem:$0x3FFD];
	_ =	sdelay $0x3  }
0x97: {  	_ =	strace s4  }
0x98: {  	_ =	strace $0x8FFFFFFF  }
0x99: {  	s19 =	sld [smem:$0x3FDB];
	_ =	sdelay $0x1  }
0x9a: {  	s5 =	simm.s32 $_scs_section_size  }
0x9b: {  	s6 =	simm.s32 $_size__tile_overlayer_lowered;
	s7 =	simm.s32 $_tile_overlayer_lowered  }
0x9c: {  	s22 =	simm.s32 $0x1BFF;
	s21 =	sshll.u32 s7, $0x1;
	s4 =	sadd.s32 s5, s19  }
0x9d: {  	s8 =	simm.s32 $0x0;
	s20 =	sshll.u32 s6, $0x1;
	s6 =	sadd.s32 s21, s4  }
0x9e: {  	[timem:s8], [sflag:s22] =	dma.local [hbm:s6], s20  }
0x9f: {  	_ =	swait.ge [sflag:s22], s20  }
0xa0: {  	s5 =	ssub.s32 $0x0, s20;
	[sflag:s22] =	ssyncset.done $0x0  }
0xa1: {  	[sflag:s22] =	ssyncadd.s32 s5;
	_ =	sdelay $0x1  }
0xa2: {  	s23 =	simm.s32 $0x1B8B  }
0xa3: {  	_ =	swait.ge [sflag:s23], $0x1  }
0xa4: {  	[sflag:s23] =	ssyncset.done $0x0  }
0xa5: {  	s25 =	simm.s32 $0x1B8E;
	s24 =	sld [smem:$0x3FFE];
	[sflag:s23] =	ssyncadd.s32 $0xFFFFFFFF  }
0xa6: {  	s26 =	simm.s32 $execute0_lowered;
	[smem:$0x3FD2] =	sst s25  }
0xa7: {  	s6 =	sshll.u32 s26, $0x1;
	_ =	strace $0x80000046;
	[dreg:$0x1] =	wrdreg $0xFFFFFFFF  }
0xa8: {  	s28 =	simm.s32 $_size_execute0_lowered;
	s4 =	sadd.s32 s4, s6;
	[dreg:$0x0] =	wrdreg $0x0  }
0xa9: {  	s6 =	sshll.u32 s28, $0x1;
	[dreg:$0x2] =	wrdreg s4  }
0xaa: {  	[dreg:$0x3] =	wrdreg s6  }
0xab: {  	[dreg:$0x4] =	wrdreg $0xC0  }
0xac: {  	_ =	task [dreg:s8], $0x5FFFF  }
0xad: {  	[dreg:$0x1] =	wrdreg $0xFFFFFFFF  }
0xae: {  	[dreg:$0x0] =	wrdreg $0x60  }
0xaf: {  	[dreg:$0x2] =	wrdreg s2  }
0xb0: {  	[dreg:$0x3] =	wrdreg s18  }
0xb1: {  	[dreg:$0x4] =	wrdreg s24  }
0xb2: {  	[dreg:$0x5] =	wrdreg $0x9  }
0xb3: {  	_ =	task.clear_ibuf [dreg:s8], $0x6FFFF;
	_ =	strace $0x90000046  }
0xb4: {  	s29 =	simm.s32 $0x9;
	_ =	strace $0x80000048  }
0xb5: {  	_ =	swait.ge [sflag:s29], $0x1  }
0xb6: {  	[sflag:s29] =	ssyncadd.s32 $0xFFFFFFFF  }
0xb7: {  	_ =	strace $0x90000048  }
0xb8: {  	_ =	sfence  }
0xb9: {  	s30 =	sld [smem:$0x0];
	_ =	sdelay $0x2  }
0xba: {  	s31 =	sshll.u32 s1, $0xD;
	s1 =	sshrl.u32 s1, $0x2  }
0xbb: {  	s3 =	sand.u32 $0x4000, s31;
	s1 =	sadd.s32 s1, s30  }
0xbc: {  	s0 =	sor.u32 s3, s0;
	s1 =	sshll.u32 s1, $0x11  }
0xbd: {  	s0 =	sor.u32 s1, s0  }
0xbe: {  	s0 =	sadd.s32 $0x8F2B, s0  }
0xbf: {  	[sflag:s0] =	ssyncadd.remote.s32 $0x1  }
0xc0: {  	_ =	sfence.sel $0xFFFF  }
0xc1: {  	[dreg:$0x0] =	wrdreg $0xFFFFFFFF;
	(pc) =	sbr.abs _section_cstart, $3  }
0xc2: {  	[dreg:$0x1] =	wrdreg $0xFFFFFFFF  }
0xc3: {  	_ =	task.clear_ibuf [dreg:s8], $0x2FFFF;
	_ =	strace $0x9FFFFFFF  }
0xc4: {  	(tm) =	ssettm $0x7FFFFFFF  }
0xc5: {  	_ =	shalt  }
tec
execute0_lowered:
.L_overlay_start_1:
0x0: {  	(tag) =	ssettag $0x1  }
0x1: {  	s1 =	rddreg [dreg:$0x0]  }
0x2: {  	s0 =	rddreg [dreg:$0x1];
	s2 =	srdreg.scid  }
0x3: {  	s6 =	stileid.u32;
	s4 =	rddreg [dreg:$0x2];
	s28 =	simm.s32 $0xFF80  }
0x4: {  	s29 =	simm.s32 $0x17C80;
	s30 =	simm.s32 $0x1;
	s31 =	simm.s32 $0x2  }
0x5: {  	s2 =	sand.u32 $0x1, s2;
	s3 =	sshll.u32 s6, $0x1;
	s6 =	sshrl.u32 s6, $0x2  }
0x6: {  	s11 =	sadd.s32 $0x30, s1;
	s13 =	sadd.s32 $0x40, s1;
	s14 =	sadd.s32 $0x50, s1  }
0x7: {  	s15 =	sadd.s32 $0x60, s1;
	s16 =	sadd.s32 $0x70, s1;
	s5 =	sor.u32 s2, s3  }
0x8: {  	s3 =	simm.s32 $0x0;
	s8 =	sshll.u32 s6, $0xA;
	s6 =	sshll.u32 s6, $0xD  }
0x9: {  	s2 =	ssub.s32 $0x2, s2;
	s7 =	sshll.u32 s5, $0x7;
	[smem:$0x7FF] =	sst s3  }
0xa: {  	s18 =	sshrl.u32 s2, $0x1;
	s19 =	sshll.u32 s5, $0x3;
	s10 =	smul.u32 $0x3E800, s5  }
0xb: {  	s7 =	sand.u32 $0x380, s7;
	_ =	strace $0x80000047;
	s2 =	ssub.s32 s2, s18  }
0xc: {  	s0 =	sadd.s32 s0, s19;
	s8 =	sor.u32 s8, s7;
	s6 =	sor.u32 s6, s7  }
0xd: {  	[dreg:$0x4] =	wrdreg s0;
	s20 =	sadd.s32 s1, s10;
	s7 =	sadd.s32 $0x10, s1  }
0xe: {  	s23 =	sadd.s32 s10, s11;
	s0 =	simm.s32 $0x4;
	s17 =	sshrl.u32 s8, $0x3  }
0xf: {  	s6 =	sshrl.u32 s6, $0x3;
	[dreg:$0x5] =	wrdreg s20;
	s8 =	sadd.s32 $0x20, s1  }
0x10: {  	s21 =	sadd.s32 s10, s7;
	[dreg:$0x8] =	wrdreg s23;
	s23 =	simm.s32 $0x80  }
0x11: {  	s9 =	sadd.s32 s17, s4;
	s6 =	sadd.s32 s6, s4;
	s4 =	sshll.u32 s5, $0x6  }
0x12: {  	[dreg:$0x6] =	wrdreg s21;
	s22 =	sadd.s32 s10, s8;
	s21 =	smax.u32 s2, $0x1  }
.Ltmp0:
0x13: {  	[dreg:$0x7] =	wrdreg s22;
	s24 =	sadd.s32 $0x2000, s9;
	(pc) =	sbr.rel .LBB2_1-.Ltmp0, $4  }
0x14: {  	s2 =	simm.s32 $0x3;
	s25 =	sadd.s32 $0x2200, s9;
	[dreg:$0x9] =	wrdreg s24  }
0x15: {  	s5 =	simm.s32 $0x0;
	s26 =	sadd.s32 $0x1000, s6;
	[dreg:$0xa] =	wrdreg s25  }
0x16: {  	s17 =	sor.u32 $0x4, s4;
	s22 =	simm.s32 $0x5;
	[dreg:$0xb] =	wrdreg s26  }
0x17: {  	v0 =	vimm.f32 $0.0e+00;
	v1 =	vlaneseq.u32;
	v2 =	vimm.s32 $0x0;
	s24 =	simm.s32 $0x400;
	s25 =	simm.s32 $0x580;
	s26 =	simm.s32 $0x8280  }
.LBB2_36:
0x18: {  	v3 =	vld [tilespmem:$0x0]  }
0x19: {  	v4 =	vld [tilespmem:$0x10]  }
0x1a: {  	v5 =	vld [tilespmem:$0x20]  }
0x1b: {  	v6 =	vld [tilespmem:$0x30];
	_ =	sdelay $0x2  }
0x1c: {  	vm0 =	vne.s32 v3, $0x0;
	vm1 =	vne.s32 v4, $0x0  }
0x1d: {  	vm14 =	vne.s32 v5, $0x0;
	v3 =	vsel vm0, $0x1, v2;
	v4 =	vsel vm1, $0x1, v2  }
0x1e: {  	vm15 =	vne.s32 v6, $0x0;
	v62 =	vsel vm14, $0x1, v2;
	v3 =	vadd.s32 v3, v4  }
0x1f: {  	v63 =	vsel vm15, $0x1, v2;
	v3 =	vadd.s32 v62, v3  }
0x20: {  	v3 =	vadd.s32 v63, v3  }
0x21: {  	s6 =	rddreg [dreg:$0x9];
	[tilespmem:$0x100] =	vst v3  }
0x22: {  	[hbm4b:s6+s3] =	stream.linear.scatter [tilespmem:s23], [sflag:$0x5], $0x80, $0x38;
	[tilespmem:$0x1F980] =	vst v63  }
0x23: {  	_ =	swait.ge [sflag:s22], $0x80  }
0x24: {  	[sflag:s22] =	ssyncset.done $0x0  }
0x25: {  	s9 =	simm.s32 $0x100;
	s18 =	rddreg [dreg:$0xa];
	[sflag:s22] =	ssyncadd.s32 $0xFFFFFF80  }
0x26: {  	[hbm4b:s18+s3] =	stream.linear.scatter [tilespmem:s9], [sflag:$0x5], $0x80, $0x38;
	[tilespmem:$0x1F980] =	vst v63  }
0x27: {  	s5 =	sadd.s32 $0x1, s5;
	_ =	swait.ge [sflag:s22], $0x80  }
0x28: {  	s20 =	simm.s32 $0x180;
	p0 =	sne.s32 s5, s21;
	[sflag:s22] =	ssyncset.done $0x0  }
.Ltmp1:
0x29: {  	s19 =	rddreg [dreg:$0xb];
	[sflag:s22] =	ssyncadd.s32 $0xFFFFFF80;
	(pc) =	sbr.rel @!p0 .LBB2_37-.Ltmp1, $4  }
0x2a: {  	[hbm4b:s19+s23] =	stream.strided.scatter [tilespmem:s20], [sflag:$0x5], $0x400, s24, s23, $0x38;
	[tilespmem:$0x1F980] =	vst v63  }
0x2b: {  	_ =	swait.ge [sflag:s22], $0x400  }
0x2c: {  	[sflag:s22] =	ssyncset.done $0x0  }
0x2d: {  	[sflag:s22] =	ssyncadd.s32 $0xFFFFFC00  }
.LBB2_1:
0x2e: {  	s6 =	rddreg [dreg:$0x4]  }
0x2f: {  	[tilespmem:s3], [sflag:$0x5] =	stream.linear.gather [hbm4b:s6+s3], $0x40, $0x38;
	[tilespmem:$0x1F980] =	vst v63  }
0x30: {  	_ =	swait.ge [sflag:s22], $0x40  }
0x31: {  	[sflag:s22] =	ssyncset.done $0x0  }
0x32: {  	s12 =	rddreg [dreg:$0x5];
	[sflag:s22] =	ssyncadd.s32 $0xFFFFFFC0  }
0x33: {  	[tilespmem:s25], [sflag:$0x1] =	stream.strided.gather [hbm4b:s12+s23], $0x7D00, s24, s23, $0x38;
	[tilespmem:$0x1F980] =	vst v63  }
0x34: {  	s18 =	rddreg [dreg:$0x6]  }
0x35: {  	[tilespmem:s26], [sflag:$0x2] =	stream.strided.gather [hbm4b:s18+s23], $0x7D00, s24, s23, $0x38;
	[tilespmem:$0x1F980] =	vst v63  }
0x36: {  	s19 =	rddreg [dreg:$0x7]  }
0x37: {  	[tilespmem:s28], [sflag:$0x3] =	stream.strided.gather [hbm4b:s19+s23], $0x7D00, s24, s23, $0x38;
	[tilespmem:$0x1F980] =	vst v63  }
0x38: {  	s20 =	rddreg [dreg:$0x8]  }
0x39: {  	[tilespmem:s29], [sflag:$0x4] =	stream.strided.gather [hbm4b:s20+s23], $0x7D00, s24, s23, $0x38;
	[tilespmem:$0x1F980] =	vst v63  }
0x3a: {  	s6 =	simm.s32 $0x0;
	[tilespmem:$0x80] =	vst v0  }
.LBB2_2:
0x3b: {  	s9 =	sshll.u32 s6, $0x4  }
0x3c: {  	v3 =	vld [tilespmem:s9+$0x0];
	_ =	swait.ge [sflag:s30], $0x7D00  }
0x3d: {  	[sflag:s30] =	ssyncset.done $0x0  }
0x3e: {  	s18 =	simm.s32 $0x0;
	[sflag:s30] =	ssyncadd.s32 $0xFFFF8300  }
0x3f: {  	v4 =	vld [tilespmem:s18+$0x670]  }
0x40: {  	v6 =	vld [tilespmem:s18+$0x580]  }
0x41: {  	v7 =	vld [tilespmem:s18+$0x590]  }
0x42: {  	v8 =	vld [tilespmem:s18+$0x5A0]  }
0x43: {  	v9 =	vld [tilespmem:s18+$0x5B0]  }
0x44: {  	v10 =	vld [tilespmem:s18+$0x5C0]  }
0x45: {  	v11 =	vld [tilespmem:s18+$0x5D0]  }
0x46: {  	v12 =	vld [tilespmem:s18+$0x5E0]  }
0x47: {  	v20 =	vld [tilespmem:s18+$0x5F0]  }
0x48: {  	v5 =	vimm.f32 $0.0e+00;
	v21 =	vld [tilespmem:s18+$0x600]  }
0x49: {  	v25 =	vld [tilespmem:s18+$0x610];
	v4 =	vadd.f32 v4, v5  }
0x4a: {  	v18 =	vadd.f32 v6, v5;
	v19 =	vadd.f32 v7, v5  }
0x4b: {  	v24 =	vld [tilespmem:s18+$0x620];
	v17 =	vadd.f32 v8, v5;
	v16 =	vadd.f32 v9, v5  }
0x4c: {  	v23 =	vld [tilespmem:s18+$0x630];
	v15 =	vadd.f32 v10, v5;
	v14 =	vadd.f32 v11, v5  }
0x4d: {  	v22 =	vld [tilespmem:s18+$0x640];
	v13 =	vadd.f32 v12, v5;
	v12 =	vadd.f32 v20, v5  }
0x4e: {  	v11 =	vadd.f32 v21, v5;
	v20 =	vld [tilespmem:s18+$0x650];
	v10 =	vadd.f32 v25, v5;
	v8 =	vimm.f32 $0.0e+00  }
0x4f: {  	s10 =	simm.s32 $0x100;
	s12 =	simm.s32 $0x800;
	v21 =	vld [tilespmem:s18+$0x660];
	v9 =	vimm.f32 $0.0e+00;
	v7 =	vimm.f32 $0.0e+00;
	v6 =	vimm.f32 $0.0e+00  }
.LBB2_3:
0x50: {  	p0 =	sne.s32 s12, $0x1F000;
	v25 =	vld [tilespmem:s10+$0x670];
	v5 =	vadd.f32 v24, v5  }
0x51: {  	v24 =	vld [tilespmem:s10+$0x580];
	v8 =	vadd.f32 v23, v8  }
0x52: {  	v23 =	vld [tilespmem:s10+$0x590];
	v9 =	vadd.f32 v22, v9  }
0x53: {  	v22 =	vld [tilespmem:s10+$0x5A0];
	v7 =	vadd.f32 v20, v7  }
0x54: {  	v20 =	vld [tilespmem:s10+$0x5B0];
	v6 =	vadd.f32 v21, v6  }
0x55: {  	v21 =	vld [tilespmem:s10+$0x5C0];
	v4 =	vadd.f32 v25, v4  }
0x56: {  	v18 =	vadd.f32 v24, v18;
	v24 =	vld [tilespmem:s10+$0x5D0]  }
0x57: {  	v19 =	vadd.f32 v23, v19;
	v23 =	vld [tilespmem:s10+$0x5E0]  }
0x58: {  	v17 =	vadd.f32 v22, v17;
	v22 =	vld [tilespmem:s10+$0x5F0]  }
0x59: {  	v16 =	vadd.f32 v20, v16;
	v20 =	vld [tilespmem:s10+$0x600]  }
0x5a: {  	v15 =	vadd.f32 v21, v15;
	v21 =	vld [tilespmem:s10+$0x610]  }
.Ltmp2:
0x5b: {  	v14 =	vadd.f32 v24, v14;
	v24 =	vld [tilespmem:s10+$0x620];
	(pc) =	sbr.rel @p0 .LBB2_3-.Ltmp2, $4  }
0x5c: {  	v13 =	vadd.f32 v23, v13;
	v23 =	vld [tilespmem:s10+$0x630]  }
0x5d: {  	v12 =	vadd.f32 v22, v12;
	v22 =	vld [tilespmem:s10+$0x640]  }
0x5e: {  	v11 =	vadd.f32 v20, v11;
	v20 =	vld [tilespmem:s10+$0x650]  }
0x5f: {  	v10 =	vadd.f32 v21, v10;
	v21 =	vld [tilespmem:s10+$0x660];
	s10 =	sshra.s32 s12, $0x2;
	s12 =	sadd.s32 $0x400, s12  }
0x60: {  	v25 =	vld [tilespmem:s10+$0x580]  }
0x61: {  	v26 =	vld [tilespmem:s10+$0x590];
	_ =	sdelay $0x1  }
0x62: {  	v27 =	vld [tilespmem:s10+$0x5A0];
	_ =	sdelay $0x1  }
0x63: {  	v28 =	vld [tilespmem:s10+$0x5B0]  }
0x64: {  	v18 =	vadd.f32 v25, v18;
	v19 =	vadd.f32 v26, v19  }
0x65: {  	v25 =	vld [tilespmem:s10+$0x5C0]  }
0x66: {  	v17 =	vadd.f32 v27, v17;
	v18 =	vadd.f32 v19, v18  }
0x67: {  	v19 =	vld [tilespmem:s10+$0x5D0]  }
0x68: {  	v16 =	vadd.f32 v28, v16;
	v17 =	vadd.f32 v17, v18  }
0x69: {  	v18 =	vld [tilespmem:s10+$0x5E0]  }
0x6a: {  	v15 =	vadd.f32 v25, v15;
	v16 =	vadd.f32 v16, v17  }
0x6b: {  	v17 =	vld [tilespmem:s10+$0x5F0]  }
0x6c: {  	v14 =	vadd.f32 v19, v14;
	v15 =	vadd.f32 v15, v16  }
0x6d: {  	v16 =	vld [tilespmem:s10+$0x600]  }
0x6e: {  	v13 =	vadd.f32 v18, v13;
	v14 =	vadd.f32 v14, v15  }
0x6f: {  	v19 =	vld [tilespmem:s10+$0x610]  }
0x70: {  	v12 =	vadd.f32 v17, v12;
	v13 =	vadd.f32 v13, v14  }
0x71: {  	v14 =	vld [tilespmem:s10+$0x620]  }
0x72: {  	v11 =	vadd.f32 v16, v11;
	v12 =	vadd.f32 v12, v13  }
0x73: {  	v5 =	vadd.f32 v24, v5;
	(v2sf) =	vpush v3, $0x0;
	v13 =	vld [tilespmem:s10+$0x630]  }
0x74: {  	v10 =	vadd.f32 v19, v10;
	v11 =	vadd.f32 v11, v12  }
0x75: {  	v8 =	vadd.f32 v23, v8;
	v12 =	vld [tilespmem:s10+$0x640]  }
0x76: {  	v5 =	vadd.f32 v14, v5;
	v10 =	vadd.f32 v10, v11  }
0x77: {  	v9 =	vadd.f32 v22, v9;
	v11 =	vld [tilespmem:s10+$0x650]  }
0x78: {  	v8 =	vadd.f32 v13, v8;
	v5 =	vadd.f32 v5, v10  }
0x79: {  	v7 =	vadd.f32 v20, v7;
	v10 =	vld [tilespmem:s10+$0x660]  }
0x7a: {  	v9 =	vadd.f32 v12, v9;
	v5 =	vadd.f32 v8, v5  }
0x7b: {  	v6 =	vadd.f32 v21, v6;
	v8 =	vld [tilespmem:s10+$0x670]  }
0x7c: {  	v7 =	vadd.f32 v11, v7;
	v5 =	vadd.f32 v9, v5;
	_ =	sdelay $0x1  }
0x7d: {  	v6 =	vadd.f32 v10, v6;
	v5 =	vadd.f32 v7, v5;
	_ =	sdelay $0x1  }
0x7e: {  	v4 =	vadd.f32 v8, v4;
	v5 =	vadd.f32 v6, v5;
	_ =	sdelay $0x1  }
0x7f: {  	s18 =	sshll.u32 s6, $0x8;
	v4 =	vadd.f32 v4, v5  }
0x80: {  	s12 =	spop (v2sf);
	s10 =	sand.u32 $0x3FFFFF00, s18  }
0x81: {  	s18 =	sand.u32 $0xFFFFFFF0, s12;
	[tilespmem:s10+$0x180] =	vst v4  }
0x82: {  	v4 =	vld [tilespmem:s18+$0x580];
	_ =	sdelay $0x1  }
0x83: {  	s19 =	sand.u32 $0xF, s12  }
0x84: {  	v5 =	vmov s19;
	v6 =	vld [tilespmem:$0x80]  }
0x85: {  	p0 =	seq.s32 s12, $0x0;
	s12 =	simm.f32 $0.0e+00;
	vm0 =	veq.s32 v5, v1  }
0x86: {  	s12 =	simm.s32 @!p0 $0x3F800000;
	v4 =	vnsel vm0, $0x0, v4  }
0x87: {  	s20 =	sor.u32 s4, s9;
	v4 =	vmul.f32 s12, v4  }
0x88: {  	s19 =	sshrl.u32 s20, $0x3  }
0x89: {  	s12 =	smul.u32 $0x7D00, s19;
	v4 =	vadd.f32 v4, v6;
	_ =	sdelay $0x1  }
0x8a: {  	s20 =	sadd.s32 s12, s13;
	[tilespmem:$0x80] =	vst v4  }
0x8b: {  	[tilespmem:s25], [sflag:$0x1] =	stream.strided.gather [hbm4b:s20+s23], $0x7D00, s24, s23, $0x38;
	[tilespmem:$0x1F980] =	vst v63  }
0x8c: {  	_ =	swait.ge [sflag:s31], $0x7D00  }
0x8d: {  	[sflag:s31] =	ssyncset.done $0x0  }
0x8e: {  	s20 =	simm.s32 $0x0;
	[sflag:s31] =	ssyncadd.s32 $0xFFFF8300  }
0x8f: {  	v4 =	vld [tilespmem:s20+$0x8370]  }
0x90: {  	v6 =	vld [tilespmem:s20+$0x8280]  }
0x91: {  	v7 =	vld [tilespmem:s20+$0x8290]  }
0x92: {  	v8 =	vld [tilespmem:s20+$0x82A0]  }
0x93: {  	v9 =	vld [tilespmem:s20+$0x82B0]  }
0x94: {  	v10 =	vld [tilespmem:s20+$0x82C0]  }
0x95: {  	v11 =	vld [tilespmem:s20+$0x82D0]  }
0x96: {  	v12 =	vld [tilespmem:s20+$0x82E0]  }
0x97: {  	v20 =	vld [tilespmem:s20+$0x82F0]  }
0x98: {  	v5 =	vimm.f32 $0.0e+00;
	v21 =	vld [tilespmem:s20+$0x8300]  }
0x99: {  	v25 =	vld [tilespmem:s20+$0x8310];
	v4 =	vadd.f32 v4, v5  }
0x9a: {  	v18 =	vadd.f32 v6, v5;
	v19 =	vadd.f32 v7, v5  }
0x9b: {  	v24 =	vld [tilespmem:s20+$0x8320];
	v17 =	vadd.f32 v8, v5;
	v16 =	vadd.f32 v9, v5  }
0x9c: {  	v23 =	vld [tilespmem:s20+$0x8330];
	v15 =	vadd.f32 v10, v5;
	v14 =	vadd.f32 v11, v5  }
0x9d: {  	v22 =	vld [tilespmem:s20+$0x8340];
	v13 =	vadd.f32 v12, v5;
	v12 =	vadd.f32 v20, v5  }
0x9e: {  	v11 =	vadd.f32 v21, v5;
	v20 =	vld [tilespmem:s20+$0x8350];
	v10 =	vadd.f32 v25, v5;
	v8 =	vimm.f32 $0.0e+00  }
0x9f: {  	s18 =	simm.s32 $0x100;
	s19 =	simm.s32 $0x800;
	v21 =	vld [tilespmem:s20+$0x8360];
	v9 =	vimm.f32 $0.0e+00;
	v7 =	vimm.f32 $0.0e+00;
	v6 =	vimm.f32 $0.0e+00  }
.LBB2_5:
0xa0: {  	p0 =	sne.s32 s19, $0x1F000;
	v25 =	vld [tilespmem:s18+$0x8370];
	v5 =	vadd.f32 v24, v5  }
0xa1: {  	v24 =	vld [tilespmem:s18+$0x8280];
	v8 =	vadd.f32 v23, v8  }
0xa2: {  	v23 =	vld [tilespmem:s18+$0x8290];
	v9 =	vadd.f32 v22, v9  }
0xa3: {  	v22 =	vld [tilespmem:s18+$0x82A0];
	v7 =	vadd.f32 v20, v7  }
0xa4: {  	v20 =	vld [tilespmem:s18+$0x82B0];
	v6 =	vadd.f32 v21, v6  }
0xa5: {  	v21 =	vld [tilespmem:s18+$0x82C0];
	v4 =	vadd.f32 v25, v4  }
0xa6: {  	v18 =	vadd.f32 v24, v18;
	v24 =	vld [tilespmem:s18+$0x82D0]  }
0xa7: {  	v19 =	vadd.f32 v23, v19;
	v23 =	vld [tilespmem:s18+$0x82E0]  }
0xa8: {  	v17 =	vadd.f32 v22, v17;
	v22 =	vld [tilespmem:s18+$0x82F0]  }
0xa9: {  	v16 =	vadd.f32 v20, v16;
	v20 =	vld [tilespmem:s18+$0x8300]  }
0xaa: {  	v15 =	vadd.f32 v21, v15;
	v21 =	vld [tilespmem:s18+$0x8310]  }
.Ltmp3:
0xab: {  	v14 =	vadd.f32 v24, v14;
	v24 =	vld [tilespmem:s18+$0x8320];
	(pc) =	sbr.rel @p0 .LBB2_5-.Ltmp3, $4  }
0xac: {  	v13 =	vadd.f32 v23, v13;
	v23 =	vld [tilespmem:s18+$0x8330]  }
0xad: {  	v12 =	vadd.f32 v22, v12;
	v22 =	vld [tilespmem:s18+$0x8340]  }
0xae: {  	v11 =	vadd.f32 v20, v11;
	v20 =	vld [tilespmem:s18+$0x8350]  }
0xaf: {  	v10 =	vadd.f32 v21, v10;
	v21 =	vld [tilespmem:s18+$0x8360];
	s18 =	sshra.s32 s19, $0x2;
	s19 =	sadd.s32 $0x400, s19  }
0xb0: {  	v25 =	vld [tilespmem:s18+$0x8280]  }
0xb1: {  	v26 =	vld [tilespmem:s18+$0x8290];
	_ =	sdelay $0x1  }
0xb2: {  	v27 =	vld [tilespmem:s18+$0x82A0];
	_ =	sdelay $0x1  }
0xb3: {  	v28 =	vld [tilespmem:s18+$0x82B0]  }
0xb4: {  	v18 =	vadd.f32 v25, v18;
	v19 =	vadd.f32 v26, v19  }
0xb5: {  	v25 =	vld [tilespmem:s18+$0x82C0]  }
0xb6: {  	v17 =	vadd.f32 v27, v17;
	v18 =	vadd.f32 v19, v18  }
0xb7: {  	v19 =	vld [tilespmem:s18+$0x82D0]  }
0xb8: {  	v16 =	vadd.f32 v28, v16;
	v17 =	vadd.f32 v17, v18  }
0xb9: {  	v18 =	vld [tilespmem:s18+$0x82E0]  }
0xba: {  	v15 =	vadd.f32 v25, v15;
	v16 =	vadd.f32 v16, v17  }
0xbb: {  	v17 =	vld [tilespmem:s18+$0x82F0]  }
0xbc: {  	v14 =	vadd.f32 v19, v14;
	v15 =	vadd.f32 v15, v16  }
0xbd: {  	v16 =	vld [tilespmem:s18+$0x8300]  }
0xbe: {  	v13 =	vadd.f32 v18, v13;
	v14 =	vadd.f32 v14, v15  }
0xbf: {  	v19 =	vld [tilespmem:s18+$0x8310]  }
0xc0: {  	v12 =	vadd.f32 v17, v12;
	v13 =	vadd.f32 v13, v14  }
0xc1: {  	v14 =	vld [tilespmem:s18+$0x8320]  }
0xc2: {  	v11 =	vadd.f32 v16, v11;
	v12 =	vadd.f32 v12, v13  }
0xc3: {  	v5 =	vadd.f32 v24, v5;
	(v2sf) =	vpush v3, $0x1;
	v13 =	vld [tilespmem:s18+$0x8330]  }
0xc4: {  	v10 =	vadd.f32 v19, v10;
	v11 =	vadd.f32 v11, v12  }
0xc5: {  	v8 =	vadd.f32 v23, v8;
	v12 =	vld [tilespmem:s18+$0x8340]  }
0xc6: {  	v5 =	vadd.f32 v14, v5;
	v10 =	vadd.f32 v10, v11  }
0xc7: {  	v9 =	vadd.f32 v22, v9;
	v11 =	vld [tilespmem:s18+$0x8350]  }
0xc8: {  	v8 =	vadd.f32 v13, v8;
	v5 =	vadd.f32 v5, v10  }
0xc9: {  	v7 =	vadd.f32 v20, v7;
	v10 =	vld [tilespmem:s18+$0x8360]  }
0xca: {  	v9 =	vadd.f32 v12, v9;
	v5 =	vadd.f32 v8, v5  }
0xcb: {  	v6 =	vadd.f32 v21, v6;
	v8 =	vld [tilespmem:s18+$0x8370]  }
0xcc: {  	v7 =	vadd.f32 v11, v7;
	v5 =	vadd.f32 v9, v5;
	_ =	sdelay $0x1  }
0xcd: {  	v6 =	vadd.f32 v10, v6;
	v5 =	vadd.f32 v7, v5;
	_ =	sdelay $0x1  }
0xce: {  	v4 =	vadd.f32 v8, v4;
	v5 =	vadd.f32 v6, v5;
	_ =	sdelay $0x1  }
0xcf: {  	v4 =	vadd.f32 v4, v5  }
0xd0: {  	s18 =	spop (v2sf)  }
0xd1: {  	s19 =	sand.u32 $0xFFFFFFF0, s18;
	[tilespmem:s10+$0x190] =	vst v4  }
0xd2: {  	v4 =	vld [tilespmem:s19+$0x8280];
	_ =	sdelay $0x1  }
0xd3: {  	s20 =	sand.u32 $0xF, s18  }
0xd4: {  	v5 =	vmov s20;
	v6 =	vld [tilespmem:$0x80]  }
0xd5: {  	p0 =	seq.s32 s18, $0x0;
	s18 =	simm.f32 $0.0e+00;
	vm0 =	veq.s32 v5, v1  }
0xd6: {  	s18 =	simm.s32 @!p0 $0x3F800000;
	v4 =	vnsel vm0, $0x0, v4  }
0xd7: {  	v4 =	vmul.f32 s18, v4;
	_ =	sdelay $0x1  }
0xd8: {  	v4 =	vadd.f32 v4, v6;
	_ =	sdelay $0x1  }
0xd9: {  	s20 =	sadd.s32 s12, s14;
	[tilespmem:$0x80] =	vst v4  }
0xda: {  	[tilespmem:s26], [sflag:$0x2] =	stream.strided.gather [hbm4b:s20+s23], $0x7D00, s24, s23, $0x38;
	[tilespmem:$0x1F980] =	vst v63  }
0xdb: {  	_ =	swait.ge [sflag:s2], $0x7D00  }
0xdc: {  	[sflag:s2] =	ssyncset.done $0x0  }
0xdd: {  	s20 =	simm.s32 $0x0;
	[sflag:s2] =	ssyncadd.s32 $0xFFFF8300  }
0xde: {  	v4 =	vld [tilespmem:s20+$0x10070]  }
0xdf: {  	v6 =	vld [tilespmem:s20+$0xFF80]  }
0xe0: {  	v7 =	vld [tilespmem:s20+$0xFF90]  }
0xe1: {  	v8 =	vld [tilespmem:s20+$0xFFA0]  }
0xe2: {  	v9 =	vld [tilespmem:s20+$0xFFB0]  }
0xe3: {  	v10 =	vld [tilespmem:s20+$0xFFC0]  }
0xe4: {  	v11 =	vld [tilespmem:s20+$0xFFD0]  }
0xe5: {  	v12 =	vld [tilespmem:s20+$0xFFE0]  }
0xe6: {  	v20 =	vld [tilespmem:s20+$0xFFF0]  }
0xe7: {  	v5 =	vimm.f32 $0.0e+00;
	v21 =	vld [tilespmem:s20+$0x10000]  }
0xe8: {  	v25 =	vld [tilespmem:s20+$0x10010];
	v4 =	vadd.f32 v4, v5  }
0xe9: {  	v18 =	vadd.f32 v6, v5;
	v19 =	vadd.f32 v7, v5  }
0xea: {  	v24 =	vld [tilespmem:s20+$0x10020];
	v17 =	vadd.f32 v8, v5;
	v16 =	vadd.f32 v9, v5  }
0xeb: {  	v23 =	vld [tilespmem:s20+$0x10030];
	v15 =	vadd.f32 v10, v5;
	v14 =	vadd.f32 v11, v5  }
0xec: {  	v22 =	vld [tilespmem:s20+$0x10040];
	v13 =	vadd.f32 v12, v5;
	v12 =	vadd.f32 v20, v5  }
0xed: {  	v11 =	vadd.f32 v21, v5;
	v20 =	vld [tilespmem:s20+$0x10050];
	v10 =	vadd.f32 v25, v5;
	v8 =	vimm.f32 $0.0e+00  }
0xee: {  	s19 =	simm.s32 $0x800;
	s18 =	simm.s32 $0x100;
	v21 =	vld [tilespmem:s20+$0x10060];
	v9 =	vimm.f32 $0.0e+00;
	v7 =	vimm.f32 $0.0e+00;
	v6 =	vimm.f32 $0.0e+00  }
.LBB2_7:
0xef: {  	p0 =	sne.s32 s19, $0x1F000;
	v25 =	vld [tilespmem:s18+$0x10070];
	v5 =	vadd.f32 v24, v5  }
0xf0: {  	v24 =	vld [tilespmem:s18+$0xFF80];
	v8 =	vadd.f32 v23, v8  }
0xf1: {  	v23 =	vld [tilespmem:s18+$0xFF90];
	v9 =	vadd.f32 v22, v9  }
0xf2: {  	v22 =	vld [tilespmem:s18+$0xFFA0];
	v7 =	vadd.f32 v20, v7  }
0xf3: {  	v20 =	vld [tilespmem:s18+$0xFFB0];
	v6 =	vadd.f32 v21, v6  }
0xf4: {  	v21 =	vld [tilespmem:s18+$0xFFC0];
	v4 =	vadd.f32 v25, v4  }
0xf5: {  	v18 =	vadd.f32 v24, v18;
	v24 =	vld [tilespmem:s18+$0xFFD0]  }
0xf6: {  	v19 =	vadd.f32 v23, v19;
	v23 =	vld [tilespmem:s18+$0xFFE0]  }
0xf7: {  	v17 =	vadd.f32 v22, v17;
	v22 =	vld [tilespmem:s18+$0xFFF0]  }
0xf8: {  	v16 =	vadd.f32 v20, v16;
	v20 =	vld [tilespmem:s18+$0x10000]  }
0xf9: {  	v15 =	vadd.f32 v21, v15;
	v21 =	vld [tilespmem:s18+$0x10010]  }
.Ltmp4:
0xfa: {  	v14 =	vadd.f32 v24, v14;
	v24 =	vld [tilespmem:s18+$0x10020];
	(pc) =	sbr.rel @p0 .LBB2_7-.Ltmp4, $4  }
0xfb: {  	v13 =	vadd.f32 v23, v13;
	v23 =	vld [tilespmem:s18+$0x10030]  }
0xfc: {  	v12 =	vadd.f32 v22, v12;
	v22 =	vld [tilespmem:s18+$0x10040]  }
0xfd: {  	v11 =	vadd.f32 v20, v11;
	v20 =	vld [tilespmem:s18+$0x10050]  }
0xfe: {  	v10 =	vadd.f32 v21, v10;
	v21 =	vld [tilespmem:s18+$0x10060];
	s18 =	sshra.s32 s19, $0x2;
	s19 =	sadd.s32 $0x400, s19  }
0xff: {  	v25 =	vld [tilespmem:s18+$0xFF80]  }
0x100: {  	v26 =	vld [tilespmem:s18+$0xFF90];
	_ =	sdelay $0x1  }
0x101: {  	v27 =	vld [tilespmem:s18+$0xFFA0];
	_ =	sdelay $0x1  }
0x102: {  	v28 =	vld [tilespmem:s18+$0xFFB0]  }
0x103: {  	v18 =	vadd.f32 v25, v18;
	v19 =	vadd.f32 v26, v19  }
0x104: {  	v25 =	vld [tilespmem:s18+$0xFFC0]  }
0x105: {  	v17 =	vadd.f32 v27, v17;
	v18 =	vadd.f32 v19, v18  }
0x106: {  	v19 =	vld [tilespmem:s18+$0xFFD0]  }
0x107: {  	v16 =	vadd.f32 v28, v16;
	v17 =	vadd.f32 v17, v18  }
0x108: {  	v18 =	vld [tilespmem:s18+$0xFFE0]  }
0x109: {  	v15 =	vadd.f32 v25, v15;
	v16 =	vadd.f32 v16, v17  }
0x10a: {  	v17 =	vld [tilespmem:s18+$0xFFF0]  }
0x10b: {  	v14 =	vadd.f32 v19, v14;
	v15 =	vadd.f32 v15, v16  }
0x10c: {  	v16 =	vld [tilespmem:s18+$0x10000]  }
0x10d: {  	v13 =	vadd.f32 v18, v13;
	v14 =	vadd.f32 v14, v15  }
0x10e: {  	v19 =	vld [tilespmem:s18+$0x10010]  }
0x10f: {  	v12 =	vadd.f32 v17, v12;
	v13 =	vadd.f32 v13, v14  }
0x110: {  	v14 =	vld [tilespmem:s18+$0x10020]  }
0x111: {  	v11 =	vadd.f32 v16, v11;
	v12 =	vadd.f32 v12, v13  }
0x112: {  	v5 =	vadd.f32 v24, v5;
	(v2sf) =	vpush v3, $0x2;
	v13 =	vld [tilespmem:s18+$0x10030]  }
0x113: {  	v10 =	vadd.f32 v19, v10;
	v11 =	vadd.f32 v11, v12  }
0x114: {  	v8 =	vadd.f32 v23, v8;
	v12 =	vld [tilespmem:s18+$0x10040]  }
0x115: {  	v5 =	vadd.f32 v14, v5;
	v10 =	vadd.f32 v10, v11  }
0x116: {  	v9 =	vadd.f32 v22, v9;
	v11 =	vld [tilespmem:s18+$0x10050]  }
0x117: {  	v8 =	vadd.f32 v13, v8;
	v5 =	vadd.f32 v5, v10  }
0x118: {  	v7 =	vadd.f32 v20, v7;
	v10 =	vld [tilespmem:s18+$0x10060]  }
0x119: {  	v9 =	vadd.f32 v12, v9;
	v5 =	vadd.f32 v8, v5  }
0x11a: {  	v6 =	vadd.f32 v21, v6;
	v8 =	vld [tilespmem:s18+$0x10070]  }
0x11b: {  	v7 =	vadd.f32 v11, v7;
	v5 =	vadd.f32 v9, v5;
	_ =	sdelay $0x1  }
0x11c: {  	v6 =	vadd.f32 v10, v6;
	v5 =	vadd.f32 v7, v5;
	_ =	sdelay $0x1  }
0x11d: {  	v4 =	vadd.f32 v8, v4;
	v5 =	vadd.f32 v6, v5;
	_ =	sdelay $0x1  }
0x11e: {  	v4 =	vadd.f32 v4, v5  }
0x11f: {  	s18 =	spop (v2sf)  }
0x120: {  	s19 =	sand.u32 $0xFFFFFFF0, s18;
	[tilespmem:s10+$0x1A0] =	vst v4  }
0x121: {  	v4 =	vld [tilespmem:s19+$0xFF80];
	_ =	sdelay $0x1  }
0x122: {  	s20 =	sand.u32 $0xF, s18  }
0x123: {  	v5 =	vmov s20;
	v6 =	vld [tilespmem:$0x80]  }
0x124: {  	p0 =	seq.s32 s18, $0x0;
	s18 =	simm.f32 $0.0e+00;
	vm0 =	veq.s32 v5, v1  }
0x125: {  	s18 =	simm.s32 @!p0 $0x3F800000;
	v4 =	vnsel vm0, $0x0, v4  }
0x126: {  	v4 =	vmul.f32 s18, v4;
	_ =	sdelay $0x1  }
0x127: {  	v4 =	vadd.f32 v4, v6;
	_ =	sdelay $0x1  }
0x128: {  	s20 =	sadd.s32 s12, s15;
	[tilespmem:$0x80] =	vst v4  }
0x129: {  	[tilespmem:s28], [sflag:$0x3] =	stream.strided.gather [hbm4b:s20+s23], $0x7D00, s24, s23, $0x38;
	[tilespmem:$0x1F980] =	vst v63  }
0x12a: {  	_ =	swait.ge [sflag:s0], $0x7D00  }
0x12b: {  	[sflag:s0] =	ssyncset.done $0x0  }
0x12c: {  	s20 =	simm.s32 $0x0;
	[sflag:s0] =	ssyncadd.s32 $0xFFFF8300  }
0x12d: {  	v4 =	vld [tilespmem:s20+$0x17D70]  }
0x12e: {  	v6 =	vld [tilespmem:s20+$0x17C80]  }
0x12f: {  	v7 =	vld [tilespmem:s20+$0x17C90]  }
0x130: {  	v8 =	vld [tilespmem:s20+$0x17CA0]  }
0x131: {  	v9 =	vld [tilespmem:s20+$0x17CB0]  }
0x132: {  	v10 =	vld [tilespmem:s20+$0x17CC0]  }
0x133: {  	v11 =	vld [tilespmem:s20+$0x17CD0]  }
0x134: {  	v12 =	vld [tilespmem:s20+$0x17CE0]  }
0x135: {  	v20 =	vld [tilespmem:s20+$0x17CF0]  }
0x136: {  	v5 =	vimm.f32 $0.0e+00;
	v21 =	vld [tilespmem:s20+$0x17D00]  }
0x137: {  	v25 =	vld [tilespmem:s20+$0x17D10];
	v4 =	vadd.f32 v4, v5  }
0x138: {  	v18 =	vadd.f32 v6, v5;
	v19 =	vadd.f32 v7, v5  }
0x139: {  	v24 =	vld [tilespmem:s20+$0x17D20];
	v17 =	vadd.f32 v8, v5;
	v16 =	vadd.f32 v9, v5  }
0x13a: {  	v23 =	vld [tilespmem:s20+$0x17D30];
	v15 =	vadd.f32 v10, v5;
	v14 =	vadd.f32 v11, v5  }
0x13b: {  	v22 =	vld [tilespmem:s20+$0x17D40];
	v13 =	vadd.f32 v12, v5;
	v12 =	vadd.f32 v20, v5  }
0x13c: {  	v11 =	vadd.f32 v21, v5;
	v20 =	vld [tilespmem:s20+$0x17D50];
	v10 =	vadd.f32 v25, v5;
	v8 =	vimm.f32 $0.0e+00  }
0x13d: {  	s19 =	simm.s32 $0x800;
	s18 =	simm.s32 $0x100;
	v21 =	vld [tilespmem:s20+$0x17D60];
	v9 =	vimm.f32 $0.0e+00;
	v7 =	vimm.f32 $0.0e+00;
	v6 =	vimm.f32 $0.0e+00  }
.LBB2_9:
0x13e: {  	p0 =	sne.s32 s19, $0x1F000;
	v25 =	vld [tilespmem:s18+$0x17D70];
	v5 =	vadd.f32 v24, v5  }
0x13f: {  	v24 =	vld [tilespmem:s18+$0x17C80];
	v8 =	vadd.f32 v23, v8  }
0x140: {  	v23 =	vld [tilespmem:s18+$0x17C90];
	v9 =	vadd.f32 v22, v9  }
0x141: {  	v22 =	vld [tilespmem:s18+$0x17CA0];
	v7 =	vadd.f32 v20, v7  }
0x142: {  	v20 =	vld [tilespmem:s18+$0x17CB0];
	v6 =	vadd.f32 v21, v6  }
0x143: {  	v21 =	vld [tilespmem:s18+$0x17CC0];
	v4 =	vadd.f32 v25, v4  }
0x144: {  	v18 =	vadd.f32 v24, v18;
	v24 =	vld [tilespmem:s18+$0x17CD0]  }
0x145: {  	v19 =	vadd.f32 v23, v19;
	v23 =	vld [tilespmem:s18+$0x17CE0]  }
0x146: {  	v17 =	vadd.f32 v22, v17;
	v22 =	vld [tilespmem:s18+$0x17CF0]  }
0x147: {  	v16 =	vadd.f32 v20, v16;
	v20 =	vld [tilespmem:s18+$0x17D00]  }
0x148: {  	v15 =	vadd.f32 v21, v15;
	v21 =	vld [tilespmem:s18+$0x17D10]  }
.Ltmp5:
0x149: {  	v14 =	vadd.f32 v24, v14;
	v24 =	vld [tilespmem:s18+$0x17D20];
	(pc) =	sbr.rel @p0 .LBB2_9-.Ltmp5, $4  }
0x14a: {  	v13 =	vadd.f32 v23, v13;
	v23 =	vld [tilespmem:s18+$0x17D30]  }
0x14b: {  	v12 =	vadd.f32 v22, v12;
	v22 =	vld [tilespmem:s18+$0x17D40]  }
0x14c: {  	v11 =	vadd.f32 v20, v11;
	v20 =	vld [tilespmem:s18+$0x17D50]  }
0x14d: {  	v10 =	vadd.f32 v21, v10;
	v21 =	vld [tilespmem:s18+$0x17D60];
	s18 =	sshra.s32 s19, $0x2;
	s19 =	sadd.s32 $0x400, s19  }
0x14e: {  	v25 =	vld [tilespmem:s18+$0x17C80]  }
0x14f: {  	v26 =	vld [tilespmem:s18+$0x17C90];
	_ =	sdelay $0x1  }
0x150: {  	v27 =	vld [tilespmem:s18+$0x17CA0];
	_ =	sdelay $0x1  }
0x151: {  	v28 =	vld [tilespmem:s18+$0x17CB0]  }
0x152: {  	v18 =	vadd.f32 v25, v18;
	v19 =	vadd.f32 v26, v19  }
0x153: {  	v25 =	vld [tilespmem:s18+$0x17CC0]  }
0x154: {  	v17 =	vadd.f32 v27, v17;
	v18 =	vadd.f32 v19, v18  }
0x155: {  	v19 =	vld [tilespmem:s18+$0x17CD0]  }
0x156: {  	v16 =	vadd.f32 v28, v16;
	v17 =	vadd.f32 v17, v18  }
0x157: {  	v18 =	vld [tilespmem:s18+$0x17CE0]  }
0x158: {  	v15 =	vadd.f32 v25, v15;
	v16 =	vadd.f32 v16, v17  }
0x159: {  	v17 =	vld [tilespmem:s18+$0x17CF0]  }
0x15a: {  	v14 =	vadd.f32 v19, v14;
	v15 =	vadd.f32 v15, v16  }
0x15b: {  	v16 =	vld [tilespmem:s18+$0x17D00]  }
0x15c: {  	v13 =	vadd.f32 v18, v13;
	v14 =	vadd.f32 v14, v15  }
0x15d: {  	v19 =	vld [tilespmem:s18+$0x17D10]  }
0x15e: {  	v12 =	vadd.f32 v17, v12;
	v13 =	vadd.f32 v13, v14  }
0x15f: {  	v14 =	vld [tilespmem:s18+$0x17D20]  }
0x160: {  	v11 =	vadd.f32 v16, v11;
	v12 =	vadd.f32 v12, v13  }
0x161: {  	v5 =	vadd.f32 v24, v5;
	(v2sf) =	vpush v3, $0x3;
	v13 =	vld [tilespmem:s18+$0x17D30]  }
0x162: {  	v10 =	vadd.f32 v19, v10;
	v11 =	vadd.f32 v11, v12  }
0x163: {  	v8 =	vadd.f32 v23, v8;
	v12 =	vld [tilespmem:s18+$0x17D40]  }
0x164: {  	v5 =	vadd.f32 v14, v5;
	v10 =	vadd.f32 v10, v11  }
0x165: {  	v9 =	vadd.f32 v22, v9;
	v11 =	vld [tilespmem:s18+$0x17D50]  }
0x166: {  	v8 =	vadd.f32 v13, v8;
	v5 =	vadd.f32 v5, v10  }
0x167: {  	v7 =	vadd.f32 v20, v7;
	v10 =	vld [tilespmem:s18+$0x17D60]  }
0x168: {  	v9 =	vadd.f32 v12, v9;
	v5 =	vadd.f32 v8, v5  }
0x169: {  	v6 =	vadd.f32 v21, v6;
	v8 =	vld [tilespmem:s18+$0x17D70]  }
0x16a: {  	v7 =	vadd.f32 v11, v7;
	v5 =	vadd.f32 v9, v5;
	_ =	sdelay $0x1  }
0x16b: {  	v6 =	vadd.f32 v10, v6;
	v5 =	vadd.f32 v7, v5;
	_ =	sdelay $0x1  }
0x16c: {  	v4 =	vadd.f32 v8, v4;
	v5 =	vadd.f32 v6, v5;
	_ =	sdelay $0x1  }
0x16d: {  	v4 =	vadd.f32 v4, v5  }
0x16e: {  	s18 =	spop (v2sf)  }
0x16f: {  	s19 =	sand.u32 $0xFFFFFFF0, s18;
	[tilespmem:s10+$0x1B0] =	vst v4  }
0x170: {  	v4 =	vld [tilespmem:s19+$0x17C80];
	_ =	sdelay $0x1  }
0x171: {  	s20 =	sand.u32 $0xF, s18  }
0x172: {  	v5 =	vmov s20;
	v6 =	vld [tilespmem:$0x80]  }
0x173: {  	p0 =	seq.s32 s18, $0x0;
	s18 =	simm.f32 $0.0e+00;
	vm0 =	veq.s32 v5, v1  }
0x174: {  	s18 =	simm.s32 @!p0 $0x3F800000;
	v4 =	vnsel vm0, $0x0, v4  }
0x175: {  	v4 =	vmul.f32 s18, v4;
	_ =	sdelay $0x1  }
0x176: {  	v4 =	vadd.f32 v4, v6;
	_ =	sdelay $0x1  }
0x177: {  	s12 =	sadd.s32 s12, s16;
	[tilespmem:$0x80] =	vst v4  }
0x178: {  	[tilespmem:s29], [sflag:$0x4] =	stream.strided.gather [hbm4b:s12+s23], $0x7D00, s24, s23, $0x38;
	[tilespmem:$0x1F980] =	vst v63  }
0x179: {  	_ =	swait.ge [sflag:s30], $0x7D00  }
0x17a: {  	[sflag:s30] =	ssyncset.done $0x0  }
0x17b: {  	s20 =	simm.s32 $0x0;
	[sflag:s30] =	ssyncadd.s32 $0xFFFF8300  }
0x17c: {  	v4 =	vld [tilespmem:s20+$0x670]  }
0x17d: {  	v6 =	vld [tilespmem:s20+$0x580]  }
0x17e: {  	v7 =	vld [tilespmem:s20+$0x590]  }
0x17f: {  	v8 =	vld [tilespmem:s20+$0x5A0]  }
0x180: {  	v9 =	vld [tilespmem:s20+$0x5B0]  }
0x181: {  	v10 =	vld [tilespmem:s20+$0x5C0]  }
0x182: {  	v11 =	vld [tilespmem:s20+$0x5D0]  }
0x183: {  	v12 =	vld [tilespmem:s20+$0x5E0]  }
0x184: {  	v20 =	vld [tilespmem:s20+$0x5F0]  }
0x185: {  	v5 =	vimm.f32 $0.0e+00;
	v21 =	vld [tilespmem:s20+$0x600]  }
0x186: {  	v25 =	vld [tilespmem:s20+$0x610];
	v4 =	vadd.f32 v4, v5  }
0x187: {  	v18 =	vadd.f32 v6, v5;
	v19 =	vadd.f32 v7, v5  }
0x188: {  	v24 =	vld [tilespmem:s20+$0x620];
	v17 =	vadd.f32 v8, v5;
	v16 =	vadd.f32 v9, v5  }
0x189: {  	v23 =	vld [tilespmem:s20+$0x630];
	v15 =	vadd.f32 v10, v5;
	v14 =	vadd.f32 v11, v5  }
0x18a: {  	v22 =	vld [tilespmem:s20+$0x640];
	v13 =	vadd.f32 v12, v5;
	v12 =	vadd.f32 v20, v5  }
0x18b: {  	v11 =	vadd.f32 v21, v5;
	v20 =	vld [tilespmem:s20+$0x650];
	v10 =	vadd.f32 v25, v5;
	v8 =	vimm.f32 $0.0e+00  }
0x18c: {  	s18 =	simm.s32 $0x800;
	s12 =	simm.s32 $0x100;
	v21 =	vld [tilespmem:s20+$0x660];
	v9 =	vimm.f32 $0.0e+00;
	v7 =	vimm.f32 $0.0e+00;
	v6 =	vimm.f32 $0.0e+00  }
.LBB2_11:
0x18d: {  	p0 =	sne.s32 s18, $0x1F000;
	v25 =	vld [tilespmem:s12+$0x670];
	v5 =	vadd.f32 v24, v5  }
0x18e: {  	v24 =	vld [tilespmem:s12+$0x580];
	v8 =	vadd.f32 v23, v8  }
0x18f: {  	v23 =	vld [tilespmem:s12+$0x590];
	v9 =	vadd.f32 v22, v9  }
0x190: {  	v22 =	vld [tilespmem:s12+$0x5A0];
	v7 =	vadd.f32 v20, v7  }
0x191: {  	v20 =	vld [tilespmem:s12+$0x5B0];
	v6 =	vadd.f32 v21, v6  }
0x192: {  	v21 =	vld [tilespmem:s12+$0x5C0];
	v4 =	vadd.f32 v25, v4  }
0x193: {  	v18 =	vadd.f32 v24, v18;
	v24 =	vld [tilespmem:s12+$0x5D0]  }
0x194: {  	v19 =	vadd.f32 v23, v19;
	v23 =	vld [tilespmem:s12+$0x5E0]  }
0x195: {  	v17 =	vadd.f32 v22, v17;
	v22 =	vld [tilespmem:s12+$0x5F0]  }
0x196: {  	v16 =	vadd.f32 v20, v16;
	v20 =	vld [tilespmem:s12+$0x600]  }
0x197: {  	v15 =	vadd.f32 v21, v15;
	v21 =	vld [tilespmem:s12+$0x610]  }
.Ltmp6:
0x198: {  	v14 =	vadd.f32 v24, v14;
	v24 =	vld [tilespmem:s12+$0x620];
	(pc) =	sbr.rel @p0 .LBB2_11-.Ltmp6, $4  }
0x199: {  	v13 =	vadd.f32 v23, v13;
	v23 =	vld [tilespmem:s12+$0x630]  }
0x19a: {  	v12 =	vadd.f32 v22, v12;
	v22 =	vld [tilespmem:s12+$0x640]  }
0x19b: {  	v11 =	vadd.f32 v20, v11;
	v20 =	vld [tilespmem:s12+$0x650]  }
0x19c: {  	v10 =	vadd.f32 v21, v10;
	v21 =	vld [tilespmem:s12+$0x660];
	s12 =	sshra.s32 s18, $0x2;
	s18 =	sadd.s32 $0x400, s18  }
0x19d: {  	v25 =	vld [tilespmem:s12+$0x580]  }
0x19e: {  	v26 =	vld [tilespmem:s12+$0x590];
	_ =	sdelay $0x1  }
0x19f: {  	v27 =	vld [tilespmem:s12+$0x5A0];
	_ =	sdelay $0x1  }
0x1a0: {  	v28 =	vld [tilespmem:s12+$0x5B0]  }
0x1a1: {  	v18 =	vadd.f32 v25, v18;
	v19 =	vadd.f32 v26, v19  }
0x1a2: {  	v25 =	vld [tilespmem:s12+$0x5C0]  }
0x1a3: {  	v17 =	vadd.f32 v27, v17;
	v18 =	vadd.f32 v19, v18  }
0x1a4: {  	v19 =	vld [tilespmem:s12+$0x5D0]  }
0x1a5: {  	v16 =	vadd.f32 v28, v16;
	v17 =	vadd.f32 v17, v18  }
0x1a6: {  	v18 =	vld [tilespmem:s12+$0x5E0]  }
0x1a7: {  	v15 =	vadd.f32 v25, v15;
	v16 =	vadd.f32 v16, v17  }
0x1a8: {  	v17 =	vld [tilespmem:s12+$0x5F0]  }
0x1a9: {  	v14 =	vadd.f32 v19, v14;
	v15 =	vadd.f32 v15, v16  }
0x1aa: {  	v16 =	vld [tilespmem:s12+$0x600]  }
0x1ab: {  	v13 =	vadd.f32 v18, v13;
	v14 =	vadd.f32 v14, v15  }
0x1ac: {  	v19 =	vld [tilespmem:s12+$0x610]  }
0x1ad: {  	v12 =	vadd.f32 v17, v12;
	v13 =	vadd.f32 v13, v14  }
0x1ae: {  	v14 =	vld [tilespmem:s12+$0x620]  }
0x1af: {  	v11 =	vadd.f32 v16, v11;
	v12 =	vadd.f32 v12, v13  }
0x1b0: {  	v5 =	vadd.f32 v24, v5;
	(v2sf) =	vpush v3, $0x4;
	v13 =	vld [tilespmem:s12+$0x630]  }
0x1b1: {  	v10 =	vadd.f32 v19, v10;
	v11 =	vadd.f32 v11, v12  }
0x1b2: {  	v8 =	vadd.f32 v23, v8;
	v12 =	vld [tilespmem:s12+$0x640]  }
0x1b3: {  	v5 =	vadd.f32 v14, v5;
	v10 =	vadd.f32 v10, v11  }
0x1b4: {  	v9 =	vadd.f32 v22, v9;
	v11 =	vld [tilespmem:s12+$0x650]  }
0x1b5: {  	v8 =	vadd.f32 v13, v8;
	v5 =	vadd.f32 v5, v10  }
0x1b6: {  	v7 =	vadd.f32 v20, v7;
	v10 =	vld [tilespmem:s12+$0x660]  }
0x1b7: {  	v9 =	vadd.f32 v12, v9;
	v5 =	vadd.f32 v8, v5  }
0x1b8: {  	v6 =	vadd.f32 v21, v6;
	v8 =	vld [tilespmem:s12+$0x670]  }
0x1b9: {  	v7 =	vadd.f32 v11, v7;
	v5 =	vadd.f32 v9, v5;
	_ =	sdelay $0x1  }
0x1ba: {  	v6 =	vadd.f32 v10, v6;
	v5 =	vadd.f32 v7, v5;
	_ =	sdelay $0x1  }
0x1bb: {  	v4 =	vadd.f32 v8, v4;
	v5 =	vadd.f32 v6, v5;
	_ =	sdelay $0x1  }
0x1bc: {  	v4 =	vadd.f32 v4, v5  }
0x1bd: {  	s20 =	spop (v2sf)  }
0x1be: {  	s18 =	sand.u32 $0xFFFFFFF0, s20;
	[tilespmem:s10+$0x1C0] =	vst v4  }
0x1bf: {  	v4 =	vld [tilespmem:s18+$0x580];
	_ =	sdelay $0x1  }
0x1c0: {  	s19 =	sand.u32 $0xF, s20  }
0x1c1: {  	v5 =	vmov s19;
	v6 =	vld [tilespmem:$0x80]  }
0x1c2: {  	p0 =	seq.s32 s20, $0x0;
	s12 =	simm.f32 $0.0e+00;
	vm0 =	veq.s32 v5, v1  }
0x1c3: {  	s20 =	sadd.s32 s9, s17;
	s12 =	simm.s32 @!p0 $0x3F800000;
	v4 =	vnsel vm0, $0x0, v4  }
0x1c4: {  	s19 =	sadd.s32 $0x4, s20;
	v4 =	vmul.f32 s12, v4  }
0x1c5: {  	s12 =	sshrl.u32 s19, $0x3  }
0x1c6: {  	s12 =	smul.u32 $0x7D00, s12;
	v4 =	vadd.f32 v4, v6;
	_ =	sdelay $0x1  }
0x1c7: {  	s20 =	sadd.s32 s1, s12;
	[tilespmem:$0x80] =	vst v4  }
0x1c8: {  	[tilespmem:s25], [sflag:$0x1] =	stream.strided.gather [hbm4b:s20+s23], $0x7D00, s24, s23, $0x38;
	[tilespmem:$0x1F980] =	vst v63  }
0x1c9: {  	_ =	swait.ge [sflag:s31], $0x7D00  }
0x1ca: {  	[sflag:s31] =	ssyncset.done $0x0  }
0x1cb: {  	s20 =	simm.s32 $0x0;
	[sflag:s31] =	ssyncadd.s32 $0xFFFF8300  }
0x1cc: {  	v4 =	vld [tilespmem:s20+$0x8370]  }
0x1cd: {  	v6 =	vld [tilespmem:s20+$0x8280]  }
0x1ce: {  	v7 =	vld [tilespmem:s20+$0x8290]  }
0x1cf: {  	v8 =	vld [tilespmem:s20+$0x82A0]  }
0x1d0: {  	v9 =	vld [tilespmem:s20+$0x82B0]  }
0x1d1: {  	v10 =	vld [tilespmem:s20+$0x82C0]  }
0x1d2: {  	v11 =	vld [tilespmem:s20+$0x82D0]  }
0x1d3: {  	v12 =	vld [tilespmem:s20+$0x82E0]  }
0x1d4: {  	v20 =	vld [tilespmem:s20+$0x82F0]  }
0x1d5: {  	v5 =	vimm.f32 $0.0e+00;
	v21 =	vld [tilespmem:s20+$0x8300]  }
0x1d6: {  	v25 =	vld [tilespmem:s20+$0x8310];
	v4 =	vadd.f32 v4, v5  }
0x1d7: {  	v18 =	vadd.f32 v6, v5;
	v19 =	vadd.f32 v7, v5  }
0x1d8: {  	v24 =	vld [tilespmem:s20+$0x8320];
	v17 =	vadd.f32 v8, v5;
	v16 =	vadd.f32 v9, v5  }
0x1d9: {  	v23 =	vld [tilespmem:s20+$0x8330];
	v15 =	vadd.f32 v10, v5;
	v14 =	vadd.f32 v11, v5  }
0x1da: {  	v22 =	vld [tilespmem:s20+$0x8340];
	v13 =	vadd.f32 v12, v5;
	v12 =	vadd.f32 v20, v5  }
0x1db: {  	v11 =	vadd.f32 v21, v5;
	v20 =	vld [tilespmem:s20+$0x8350];
	v10 =	vadd.f32 v25, v5;
	v8 =	vimm.f32 $0.0e+00  }
0x1dc: {  	s18 =	simm.s32 $0x100;
	s19 =	simm.s32 $0x800;
	v21 =	vld [tilespmem:s20+$0x8360];
	v9 =	vimm.f32 $0.0e+00;
	v7 =	vimm.f32 $0.0e+00;
	v6 =	vimm.f32 $0.0e+00  }
.LBB2_13:
0x1dd: {  	p0 =	sne.s32 s19, $0x1F000;
	v25 =	vld [tilespmem:s18+$0x8370];
	v5 =	vadd.f32 v24, v5  }
0x1de: {  	v24 =	vld [tilespmem:s18+$0x8280];
	v8 =	vadd.f32 v23, v8  }
0x1df: {  	v23 =	vld [tilespmem:s18+$0x8290];
	v9 =	vadd.f32 v22, v9  }
0x1e0: {  	v22 =	vld [tilespmem:s18+$0x82A0];
	v7 =	vadd.f32 v20, v7  }
0x1e1: {  	v20 =	vld [tilespmem:s18+$0x82B0];
	v6 =	vadd.f32 v21, v6  }
0x1e2: {  	v21 =	vld [tilespmem:s18+$0x82C0];
	v4 =	vadd.f32 v25, v4  }
0x1e3: {  	v18 =	vadd.f32 v24, v18;
	v24 =	vld [tilespmem:s18+$0x82D0]  }
0x1e4: {  	v19 =	vadd.f32 v23, v19;
	v23 =	vld [tilespmem:s18+$0x82E0]  }
0x1e5: {  	v17 =	vadd.f32 v22, v17;
	v22 =	vld [tilespmem:s18+$0x82F0]  }
0x1e6: {  	v16 =	vadd.f32 v20, v16;
	v20 =	vld [tilespmem:s18+$0x8300]  }
0x1e7: {  	v15 =	vadd.f32 v21, v15;
	v21 =	vld [tilespmem:s18+$0x8310]  }
.Ltmp7:
0x1e8: {  	v14 =	vadd.f32 v24, v14;
	v24 =	vld [tilespmem:s18+$0x8320];
	(pc) =	sbr.rel @p0 .LBB2_13-.Ltmp7, $4  }
0x1e9: {  	v13 =	vadd.f32 v23, v13;
	v23 =	vld [tilespmem:s18+$0x8330]  }
0x1ea: {  	v12 =	vadd.f32 v22, v12;
	v22 =	vld [tilespmem:s18+$0x8340]  }
0x1eb: {  	v11 =	vadd.f32 v20, v11;
	v20 =	vld [tilespmem:s18+$0x8350]  }
0x1ec: {  	v10 =	vadd.f32 v21, v10;
	v21 =	vld [tilespmem:s18+$0x8360];
	s18 =	sshra.s32 s19, $0x2;
	s19 =	sadd.s32 $0x400, s19  }
0x1ed: {  	v25 =	vld [tilespmem:s18+$0x8280]  }
0x1ee: {  	v26 =	vld [tilespmem:s18+$0x8290];
	_ =	sdelay $0x1  }
0x1ef: {  	v27 =	vld [tilespmem:s18+$0x82A0];
	_ =	sdelay $0x1  }
0x1f0: {  	v28 =	vld [tilespmem:s18+$0x82B0]  }
0x1f1: {  	v18 =	vadd.f32 v25, v18;
	v19 =	vadd.f32 v26, v19  }
0x1f2: {  	v25 =	vld [tilespmem:s18+$0x82C0]  }
0x1f3: {  	v17 =	vadd.f32 v27, v17;
	v18 =	vadd.f32 v19, v18  }
0x1f4: {  	v19 =	vld [tilespmem:s18+$0x82D0]  }
0x1f5: {  	v16 =	vadd.f32 v28, v16;
	v17 =	vadd.f32 v17, v18  }
0x1f6: {  	v18 =	vld [tilespmem:s18+$0x82E0]  }
0x1f7: {  	v15 =	vadd.f32 v25, v15;
	v16 =	vadd.f32 v16, v17  }
0x1f8: {  	v17 =	vld [tilespmem:s18+$0x82F0]  }
0x1f9: {  	v14 =	vadd.f32 v19, v14;
	v15 =	vadd.f32 v15, v16  }
0x1fa: {  	v16 =	vld [tilespmem:s18+$0x8300]  }
0x1fb: {  	v13 =	vadd.f32 v18, v13;
	v14 =	vadd.f32 v14, v15  }
0x1fc: {  	v19 =	vld [tilespmem:s18+$0x8310]  }
0x1fd: {  	v12 =	vadd.f32 v17, v12;
	v13 =	vadd.f32 v13, v14  }
0x1fe: {  	v14 =	vld [tilespmem:s18+$0x8320]  }
0x1ff: {  	v11 =	vadd.f32 v16, v11;
	v12 =	vadd.f32 v12, v13  }
0x200: {  	v5 =	vadd.f32 v24, v5;
	(v2sf) =	vpush v3, $0x5;
	v13 =	vld [tilespmem:s18+$0x8330]  }
0x201: {  	v10 =	vadd.f32 v19, v10;
	v11 =	vadd.f32 v11, v12  }
0x202: {  	v8 =	vadd.f32 v23, v8;
	v12 =	vld [tilespmem:s18+$0x8340]  }
0x203: {  	v5 =	vadd.f32 v14, v5;
	v10 =	vadd.f32 v10, v11  }
0x204: {  	v9 =	vadd.f32 v22, v9;
	v11 =	vld [tilespmem:s18+$0x8350]  }
0x205: {  	v8 =	vadd.f32 v13, v8;
	v5 =	vadd.f32 v5, v10  }
0x206: {  	v7 =	vadd.f32 v20, v7;
	v10 =	vld [tilespmem:s18+$0x8360]  }
0x207: {  	v9 =	vadd.f32 v12, v9;
	v5 =	vadd.f32 v8, v5  }
0x208: {  	v6 =	vadd.f32 v21, v6;
	v8 =	vld [tilespmem:s18+$0x8370]  }
0x209: {  	v7 =	vadd.f32 v11, v7;
	v5 =	vadd.f32 v9, v5;
	_ =	sdelay $0x1  }
0x20a: {  	v6 =	vadd.f32 v10, v6;
	v5 =	vadd.f32 v7, v5;
	_ =	sdelay $0x1  }
0x20b: {  	v4 =	vadd.f32 v8, v4;
	v5 =	vadd.f32 v6, v5;
	_ =	sdelay $0x1  }
0x20c: {  	v4 =	vadd.f32 v4, v5  }
0x20d: {  	s18 =	spop (v2sf)  }
0x20e: {  	s19 =	sand.u32 $0xFFFFFFF0, s18;
	[tilespmem:s10+$0x1D0] =	vst v4  }
0x20f: {  	v4 =	vld [tilespmem:s19+$0x8280];
	_ =	sdelay $0x1  }
0x210: {  	s20 =	sand.u32 $0xF, s18  }
0x211: {  	v5 =	vmov s20;
	v6 =	vld [tilespmem:$0x80]  }
0x212: {  	p0 =	seq.s32 s18, $0x0;
	s18 =	simm.f32 $0.0e+00;
	vm0 =	veq.s32 v5, v1  }
0x213: {  	s18 =	simm.s32 @!p0 $0x3F800000;
	v4 =	vnsel vm0, $0x0, v4  }
0x214: {  	v4 =	vmul.f32 s18, v4;
	_ =	sdelay $0x1  }
0x215: {  	v4 =	vadd.f32 v4, v6;
	_ =	sdelay $0x1  }
0x216: {  	s20 =	sadd.s32 s12, s7;
	[tilespmem:$0x80] =	vst v4  }
0x217: {  	[tilespmem:s26], [sflag:$0x2] =	stream.strided.gather [hbm4b:s20+s23], $0x7D00, s24, s23, $0x38;
	[tilespmem:$0x1F980] =	vst v63  }
0x218: {  	_ =	swait.ge [sflag:s2], $0x7D00  }
0x219: {  	[sflag:s2] =	ssyncset.done $0x0  }
0x21a: {  	s20 =	simm.s32 $0x0;
	[sflag:s2] =	ssyncadd.s32 $0xFFFF8300  }
0x21b: {  	v4 =	vld [tilespmem:s20+$0x10070]  }
0x21c: {  	v6 =	vld [tilespmem:s20+$0xFF80]  }
0x21d: {  	v7 =	vld [tilespmem:s20+$0xFF90]  }
0x21e: {  	v8 =	vld [tilespmem:s20+$0xFFA0]  }
0x21f: {  	v9 =	vld [tilespmem:s20+$0xFFB0]  }
0x220: {  	v10 =	vld [tilespmem:s20+$0xFFC0]  }
0x221: {  	v11 =	vld [tilespmem:s20+$0xFFD0]  }
0x222: {  	v12 =	vld [tilespmem:s20+$0xFFE0]  }
0x223: {  	v20 =	vld [tilespmem:s20+$0xFFF0]  }
0x224: {  	v5 =	vimm.f32 $0.0e+00;
	v21 =	vld [tilespmem:s20+$0x10000]  }
0x225: {  	v25 =	vld [tilespmem:s20+$0x10010];
	v4 =	vadd.f32 v4, v5  }
0x226: {  	v18 =	vadd.f32 v6, v5;
	v19 =	vadd.f32 v7, v5  }
0x227: {  	v24 =	vld [tilespmem:s20+$0x10020];
	v17 =	vadd.f32 v8, v5;
	v16 =	vadd.f32 v9, v5  }
0x228: {  	v23 =	vld [tilespmem:s20+$0x10030];
	v15 =	vadd.f32 v10, v5;
	v14 =	vadd.f32 v11, v5  }
0x229: {  	v22 =	vld [tilespmem:s20+$0x10040];
	v13 =	vadd.f32 v12, v5;
	v12 =	vadd.f32 v20, v5  }
0x22a: {  	v11 =	vadd.f32 v21, v5;
	v20 =	vld [tilespmem:s20+$0x10050];
	v10 =	vadd.f32 v25, v5;
	v8 =	vimm.f32 $0.0e+00  }
0x22b: {  	s19 =	simm.s32 $0x800;
	s18 =	simm.s32 $0x100;
	v21 =	vld [tilespmem:s20+$0x10060];
	v9 =	vimm.f32 $0.0e+00;
	v7 =	vimm.f32 $0.0e+00;
	v6 =	vimm.f32 $0.0e+00  }
.LBB2_15:
0x22c: {  	p0 =	sne.s32 s19, $0x1F000;
	v25 =	vld [tilespmem:s18+$0x10070];
	v5 =	vadd.f32 v24, v5  }
0x22d: {  	v24 =	vld [tilespmem:s18+$0xFF80];
	v8 =	vadd.f32 v23, v8  }
0x22e: {  	v23 =	vld [tilespmem:s18+$0xFF90];
	v9 =	vadd.f32 v22, v9  }
0x22f: {  	v22 =	vld [tilespmem:s18+$0xFFA0];
	v7 =	vadd.f32 v20, v7  }
0x230: {  	v20 =	vld [tilespmem:s18+$0xFFB0];
	v6 =	vadd.f32 v21, v6  }
0x231: {  	v21 =	vld [tilespmem:s18+$0xFFC0];
	v4 =	vadd.f32 v25, v4  }
0x232: {  	v18 =	vadd.f32 v24, v18;
	v24 =	vld [tilespmem:s18+$0xFFD0]  }
0x233: {  	v19 =	vadd.f32 v23, v19;
	v23 =	vld [tilespmem:s18+$0xFFE0]  }
0x234: {  	v17 =	vadd.f32 v22, v17;
	v22 =	vld [tilespmem:s18+$0xFFF0]  }
0x235: {  	v16 =	vadd.f32 v20, v16;
	v20 =	vld [tilespmem:s18+$0x10000]  }
0x236: {  	v15 =	vadd.f32 v21, v15;
	v21 =	vld [tilespmem:s18+$0x10010]  }
.Ltmp8:
0x237: {  	v14 =	vadd.f32 v24, v14;
	v24 =	vld [tilespmem:s18+$0x10020];
	(pc) =	sbr.rel @p0 .LBB2_15-.Ltmp8, $4  }
0x238: {  	v13 =	vadd.f32 v23, v13;
	v23 =	vld [tilespmem:s18+$0x10030]  }
0x239: {  	v12 =	vadd.f32 v22, v12;
	v22 =	vld [tilespmem:s18+$0x10040]  }
0x23a: {  	v11 =	vadd.f32 v20, v11;
	v20 =	vld [tilespmem:s18+$0x10050]  }
0x23b: {  	v10 =	vadd.f32 v21, v10;
	v21 =	vld [tilespmem:s18+$0x10060];
	s18 =	sshra.s32 s19, $0x2;
	s19 =	sadd.s32 $0x400, s19  }
0x23c: {  	v25 =	vld [tilespmem:s18+$0xFF80]  }
0x23d: {  	v26 =	vld [tilespmem:s18+$0xFF90];
	_ =	sdelay $0x1  }
0x23e: {  	v27 =	vld [tilespmem:s18+$0xFFA0];
	_ =	sdelay $0x1  }
0x23f: {  	v28 =	vld [tilespmem:s18+$0xFFB0]  }
0x240: {  	v18 =	vadd.f32 v25, v18;
	v19 =	vadd.f32 v26, v19  }
0x241: {  	v25 =	vld [tilespmem:s18+$0xFFC0]  }
0x242: {  	v17 =	vadd.f32 v27, v17;
	v18 =	vadd.f32 v19, v18  }
0x243: {  	v19 =	vld [tilespmem:s18+$0xFFD0]  }
0x244: {  	v16 =	vadd.f32 v28, v16;
	v17 =	vadd.f32 v17, v18  }
0x245: {  	v18 =	vld [tilespmem:s18+$0xFFE0]  }
0x246: {  	v15 =	vadd.f32 v25, v15;
	v16 =	vadd.f32 v16, v17  }
0x247: {  	v17 =	vld [tilespmem:s18+$0xFFF0]  }
0x248: {  	v14 =	vadd.f32 v19, v14;
	v15 =	vadd.f32 v15, v16  }
0x249: {  	v16 =	vld [tilespmem:s18+$0x10000]  }
0x24a: {  	v13 =	vadd.f32 v18, v13;
	v14 =	vadd.f32 v14, v15  }
0x24b: {  	v19 =	vld [tilespmem:s18+$0x10010]  }
0x24c: {  	v12 =	vadd.f32 v17, v12;
	v13 =	vadd.f32 v13, v14  }
0x24d: {  	v14 =	vld [tilespmem:s18+$0x10020]  }
0x24e: {  	v11 =	vadd.f32 v16, v11;
	v12 =	vadd.f32 v12, v13  }
0x24f: {  	v5 =	vadd.f32 v24, v5;
	(v2sf) =	vpush v3, $0x6;
	v13 =	vld [tilespmem:s18+$0x10030]  }
0x250: {  	v10 =	vadd.f32 v19, v10;
	v11 =	vadd.f32 v11, v12  }
0x251: {  	v8 =	vadd.f32 v23, v8;
	v12 =	vld [tilespmem:s18+$0x10040]  }
0x252: {  	v5 =	vadd.f32 v14, v5;
	v10 =	vadd.f32 v10, v11  }
0x253: {  	v9 =	vadd.f32 v22, v9;
	v11 =	vld [tilespmem:s18+$0x10050]  }
0x254: {  	v8 =	vadd.f32 v13, v8;
	v5 =	vadd.f32 v5, v10  }
0x255: {  	v7 =	vadd.f32 v20, v7;
	v10 =	vld [tilespmem:s18+$0x10060]  }
0x256: {  	v9 =	vadd.f32 v12, v9;
	v5 =	vadd.f32 v8, v5  }
0x257: {  	v6 =	vadd.f32 v21, v6;
	v8 =	vld [tilespmem:s18+$0x10070]  }
0x258: {  	v7 =	vadd.f32 v11, v7;
	v5 =	vadd.f32 v9, v5;
	_ =	sdelay $0x1  }
0x259: {  	v6 =	vadd.f32 v10, v6;
	v5 =	vadd.f32 v7, v5;
	_ =	sdelay $0x1  }
0x25a: {  	v4 =	vadd.f32 v8, v4;
	v5 =	vadd.f32 v6, v5;
	_ =	sdelay $0x1  }
0x25b: {  	v4 =	vadd.f32 v4, v5  }
0x25c: {  	s18 =	spop (v2sf)  }
0x25d: {  	s19 =	sand.u32 $0xFFFFFFF0, s18;
	[tilespmem:s10+$0x1E0] =	vst v4  }
0x25e: {  	v4 =	vld [tilespmem:s19+$0xFF80];
	_ =	sdelay $0x1  }
0x25f: {  	s20 =	sand.u32 $0xF, s18  }
0x260: {  	v5 =	vmov s20;
	v6 =	vld [tilespmem:$0x80]  }
0x261: {  	p0 =	seq.s32 s18, $0x0;
	s18 =	simm.f32 $0.0e+00;
	vm0 =	veq.s32 v5, v1  }
0x262: {  	s18 =	simm.s32 @!p0 $0x3F800000;
	v4 =	vnsel vm0, $0x0, v4  }
0x263: {  	v4 =	vmul.f32 s18, v4;
	_ =	sdelay $0x1  }
0x264: {  	v4 =	vadd.f32 v4, v6;
	_ =	sdelay $0x1  }
0x265: {  	s20 =	sadd.s32 s12, s8;
	[tilespmem:$0x80] =	vst v4  }
0x266: {  	[tilespmem:s28], [sflag:$0x3] =	stream.strided.gather [hbm4b:s20+s23], $0x7D00, s24, s23, $0x38;
	[tilespmem:$0x1F980] =	vst v63  }
0x267: {  	_ =	swait.ge [sflag:s0], $0x7D00  }
0x268: {  	[sflag:s0] =	ssyncset.done $0x0  }
0x269: {  	s20 =	simm.s32 $0x0;
	[sflag:s0] =	ssyncadd.s32 $0xFFFF8300  }
0x26a: {  	v4 =	vld [tilespmem:s20+$0x17D70]  }
0x26b: {  	v6 =	vld [tilespmem:s20+$0x17C80]  }
0x26c: {  	v7 =	vld [tilespmem:s20+$0x17C90]  }
0x26d: {  	v8 =	vld [tilespmem:s20+$0x17CA0]  }
0x26e: {  	v9 =	vld [tilespmem:s20+$0x17CB0]  }
0x26f: {  	v10 =	vld [tilespmem:s20+$0x17CC0]  }
0x270: {  	v11 =	vld [tilespmem:s20+$0x17CD0]  }
0x271: {  	v12 =	vld [tilespmem:s20+$0x17CE0]  }
0x272: {  	v20 =	vld [tilespmem:s20+$0x17CF0]  }
0x273: {  	v5 =	vimm.f32 $0.0e+00;
	v21 =	vld [tilespmem:s20+$0x17D00]  }
0x274: {  	v25 =	vld [tilespmem:s20+$0x17D10];
	v4 =	vadd.f32 v4, v5  }
0x275: {  	v18 =	vadd.f32 v6, v5;
	v19 =	vadd.f32 v7, v5  }
0x276: {  	v24 =	vld [tilespmem:s20+$0x17D20];
	v17 =	vadd.f32 v8, v5;
	v16 =	vadd.f32 v9, v5  }
0x277: {  	v23 =	vld [tilespmem:s20+$0x17D30];
	v15 =	vadd.f32 v10, v5;
	v14 =	vadd.f32 v11, v5  }
0x278: {  	v22 =	vld [tilespmem:s20+$0x17D40];
	v13 =	vadd.f32 v12, v5;
	v12 =	vadd.f32 v20, v5  }
0x279: {  	v11 =	vadd.f32 v21, v5;
	v20 =	vld [tilespmem:s20+$0x17D50];
	v10 =	vadd.f32 v25, v5;
	v8 =	vimm.f32 $0.0e+00  }
0x27a: {  	s19 =	simm.s32 $0x800;
	s18 =	simm.s32 $0x100;
	v21 =	vld [tilespmem:s20+$0x17D60];
	v9 =	vimm.f32 $0.0e+00;
	v7 =	vimm.f32 $0.0e+00;
	v6 =	vimm.f32 $0.0e+00  }
.LBB2_17:
0x27b: {  	p0 =	sne.s32 s19, $0x1F000;
	v25 =	vld [tilespmem:s18+$0x17D70];
	v5 =	vadd.f32 v24, v5  }
0x27c: {  	v24 =	vld [tilespmem:s18+$0x17C80];
	v8 =	vadd.f32 v23, v8  }
0x27d: {  	v23 =	vld [tilespmem:s18+$0x17C90];
	v9 =	vadd.f32 v22, v9  }
0x27e: {  	v22 =	vld [tilespmem:s18+$0x17CA0];
	v7 =	vadd.f32 v20, v7  }
0x27f: {  	v20 =	vld [tilespmem:s18+$0x17CB0];
	v6 =	vadd.f32 v21, v6  }
0x280: {  	v21 =	vld [tilespmem:s18+$0x17CC0];
	v4 =	vadd.f32 v25, v4  }
0x281: {  	v18 =	vadd.f32 v24, v18;
	v24 =	vld [tilespmem:s18+$0x17CD0]  }
0x282: {  	v19 =	vadd.f32 v23, v19;
	v23 =	vld [tilespmem:s18+$0x17CE0]  }
0x283: {  	v17 =	vadd.f32 v22, v17;
	v22 =	vld [tilespmem:s18+$0x17CF0]  }
0x284: {  	v16 =	vadd.f32 v20, v16;
	v20 =	vld [tilespmem:s18+$0x17D00]  }
0x285: {  	v15 =	vadd.f32 v21, v15;
	v21 =	vld [tilespmem:s18+$0x17D10]  }
.Ltmp9:
0x286: {  	v14 =	vadd.f32 v24, v14;
	v24 =	vld [tilespmem:s18+$0x17D20];
	(pc) =	sbr.rel @p0 .LBB2_17-.Ltmp9, $4  }
0x287: {  	v13 =	vadd.f32 v23, v13;
	v23 =	vld [tilespmem:s18+$0x17D30]  }
0x288: {  	v12 =	vadd.f32 v22, v12;
	v22 =	vld [tilespmem:s18+$0x17D40]  }
0x289: {  	v11 =	vadd.f32 v20, v11;
	v20 =	vld [tilespmem:s18+$0x17D50]  }
0x28a: {  	v10 =	vadd.f32 v21, v10;
	v21 =	vld [tilespmem:s18+$0x17D60];
	s18 =	sshra.s32 s19, $0x2;
	s19 =	sadd.s32 $0x400, s19  }
0x28b: {  	v25 =	vld [tilespmem:s18+$0x17C80]  }
0x28c: {  	v26 =	vld [tilespmem:s18+$0x17C90];
	_ =	sdelay $0x1  }
0x28d: {  	v27 =	vld [tilespmem:s18+$0x17CA0];
	_ =	sdelay $0x1  }
0x28e: {  	v28 =	vld [tilespmem:s18+$0x17CB0]  }
0x28f: {  	v18 =	vadd.f32 v25, v18;
	v19 =	vadd.f32 v26, v19  }
0x290: {  	v25 =	vld [tilespmem:s18+$0x17CC0]  }
0x291: {  	v17 =	vadd.f32 v27, v17;
	v18 =	vadd.f32 v19, v18  }
0x292: {  	v19 =	vld [tilespmem:s18+$0x17CD0]  }
0x293: {  	v16 =	vadd.f32 v28, v16;
	v17 =	vadd.f32 v17, v18  }
0x294: {  	v18 =	vld [tilespmem:s18+$0x17CE0]  }
0x295: {  	v15 =	vadd.f32 v25, v15;
	v16 =	vadd.f32 v16, v17  }
0x296: {  	v17 =	vld [tilespmem:s18+$0x17CF0]  }
0x297: {  	v14 =	vadd.f32 v19, v14;
	v15 =	vadd.f32 v15, v16  }
0x298: {  	v16 =	vld [tilespmem:s18+$0x17D00]  }
0x299: {  	v13 =	vadd.f32 v18, v13;
	v14 =	vadd.f32 v14, v15  }
0x29a: {  	v19 =	vld [tilespmem:s18+$0x17D10]  }
0x29b: {  	v12 =	vadd.f32 v17, v12;
	v13 =	vadd.f32 v13, v14  }
0x29c: {  	v14 =	vld [tilespmem:s18+$0x17D20]  }
0x29d: {  	v11 =	vadd.f32 v16, v11;
	v12 =	vadd.f32 v12, v13  }
0x29e: {  	v5 =	vadd.f32 v24, v5;
	(v2sf) =	vpush v3, $0x7;
	v13 =	vld [tilespmem:s18+$0x17D30]  }
0x29f: {  	v10 =	vadd.f32 v19, v10;
	v11 =	vadd.f32 v11, v12  }
0x2a0: {  	v8 =	vadd.f32 v23, v8;
	v12 =	vld [tilespmem:s18+$0x17D40]  }
0x2a1: {  	v5 =	vadd.f32 v14, v5;
	v10 =	vadd.f32 v10, v11  }
0x2a2: {  	v9 =	vadd.f32 v22, v9;
	v11 =	vld [tilespmem:s18+$0x17D50]  }
0x2a3: {  	v8 =	vadd.f32 v13, v8;
	v5 =	vadd.f32 v5, v10  }
0x2a4: {  	v7 =	vadd.f32 v20, v7;
	v10 =	vld [tilespmem:s18+$0x17D60]  }
0x2a5: {  	v9 =	vadd.f32 v12, v9;
	v5 =	vadd.f32 v8, v5  }
0x2a6: {  	v6 =	vadd.f32 v21, v6;
	v8 =	vld [tilespmem:s18+$0x17D70]  }
0x2a7: {  	v7 =	vadd.f32 v11, v7;
	v5 =	vadd.f32 v9, v5;
	_ =	sdelay $0x1  }
0x2a8: {  	v6 =	vadd.f32 v10, v6;
	v5 =	vadd.f32 v7, v5;
	_ =	sdelay $0x1  }
0x2a9: {  	v4 =	vadd.f32 v8, v4;
	v5 =	vadd.f32 v6, v5;
	_ =	sdelay $0x1  }
0x2aa: {  	v4 =	vadd.f32 v4, v5  }
0x2ab: {  	s18 =	spop (v2sf)  }
0x2ac: {  	s19 =	sand.u32 $0xFFFFFFF0, s18;
	[tilespmem:s10+$0x1F0] =	vst v4  }
0x2ad: {  	v4 =	vld [tilespmem:s19+$0x17C80];
	_ =	sdelay $0x1  }
0x2ae: {  	s20 =	sand.u32 $0xF, s18  }
0x2af: {  	v5 =	vmov s20;
	v6 =	vld [tilespmem:$0x80]  }
0x2b0: {  	p0 =	seq.s32 s18, $0x0;
	vm0 =	veq.s32 v5, v1;
	s10 =	simm.f32 $0.0e+00  }
0x2b1: {  	s10 =	simm.s32 @!p0 $0x3F800000;
	v4 =	vnsel vm0, $0x0, v4  }
0x2b2: {  	v4 =	vmul.f32 s10, v4;
	_ =	sdelay $0x1  }
0x2b3: {  	v4 =	vadd.f32 v4, v6;
	_ =	sdelay $0x1  }
0x2b4: {  	s19 =	sadd.s32 s12, s11;
	[tilespmem:$0x80] =	vst v4  }
0x2b5: {  	[tilespmem:s29], [sflag:$0x4] =	stream.strided.gather [hbm4b:s19+s23], $0x7D00, s24, s23, $0x38;
	[tilespmem:$0x1F980] =	vst v63  }
0x2b6: {  	_ =	swait.ge [sflag:s30], $0x7D00  }
0x2b7: {  	[sflag:s30] =	ssyncset.done $0x0  }
0x2b8: {  	s20 =	simm.s32 $0x0;
	[sflag:s30] =	ssyncadd.s32 $0xFFFF8300  }
0x2b9: {  	v4 =	vld [tilespmem:s20+$0x670]  }
0x2ba: {  	v6 =	vld [tilespmem:s20+$0x580]  }
0x2bb: {  	v7 =	vld [tilespmem:s20+$0x590]  }
0x2bc: {  	v8 =	vld [tilespmem:s20+$0x5A0]  }
0x2bd: {  	v9 =	vld [tilespmem:s20+$0x5B0]  }
0x2be: {  	v10 =	vld [tilespmem:s20+$0x5C0]  }
0x2bf: {  	v11 =	vld [tilespmem:s20+$0x5D0]  }
0x2c0: {  	v12 =	vld [tilespmem:s20+$0x5E0]  }
0x2c1: {  	v20 =	vld [tilespmem:s20+$0x5F0]  }
0x2c2: {  	v5 =	vimm.f32 $0.0e+00;
	v21 =	vld [tilespmem:s20+$0x600]  }
0x2c3: {  	v25 =	vld [tilespmem:s20+$0x610];
	v4 =	vadd.f32 v4, v5  }
0x2c4: {  	v18 =	vadd.f32 v6, v5;
	v19 =	vadd.f32 v7, v5  }
0x2c5: {  	v24 =	vld [tilespmem:s20+$0x620];
	v17 =	vadd.f32 v8, v5;
	v16 =	vadd.f32 v9, v5  }
0x2c6: {  	v23 =	vld [tilespmem:s20+$0x630];
	v15 =	vadd.f32 v10, v5;
	v14 =	vadd.f32 v11, v5  }
0x2c7: {  	v22 =	vld [tilespmem:s20+$0x640];
	v13 =	vadd.f32 v12, v5;
	v12 =	vadd.f32 v20, v5  }
0x2c8: {  	v11 =	vadd.f32 v21, v5;
	v20 =	vld [tilespmem:s20+$0x650];
	v10 =	vadd.f32 v25, v5;
	v8 =	vimm.f32 $0.0e+00  }
0x2c9: {  	s12 =	simm.s32 $0x800;
	s10 =	simm.s32 $0x100;
	v21 =	vld [tilespmem:s20+$0x660];
	v9 =	vimm.f32 $0.0e+00;
	v7 =	vimm.f32 $0.0e+00;
	v6 =	vimm.f32 $0.0e+00  }
.LBB2_19:
0x2ca: {  	p0 =	sne.s32 s12, $0x1F000;
	v25 =	vld [tilespmem:s10+$0x670];
	v5 =	vadd.f32 v24, v5  }
0x2cb: {  	v24 =	vld [tilespmem:s10+$0x580];
	v8 =	vadd.f32 v23, v8  }
0x2cc: {  	v23 =	vld [tilespmem:s10+$0x590];
	v9 =	vadd.f32 v22, v9  }
0x2cd: {  	v22 =	vld [tilespmem:s10+$0x5A0];
	v7 =	vadd.f32 v20, v7  }
0x2ce: {  	v20 =	vld [tilespmem:s10+$0x5B0];
	v6 =	vadd.f32 v21, v6  }
0x2cf: {  	v21 =	vld [tilespmem:s10+$0x5C0];
	v4 =	vadd.f32 v25, v4  }
0x2d0: {  	v18 =	vadd.f32 v24, v18;
	v24 =	vld [tilespmem:s10+$0x5D0]  }
0x2d1: {  	v19 =	vadd.f32 v23, v19;
	v23 =	vld [tilespmem:s10+$0x5E0]  }
0x2d2: {  	v17 =	vadd.f32 v22, v17;
	v22 =	vld [tilespmem:s10+$0x5F0]  }
0x2d3: {  	v16 =	vadd.f32 v20, v16;
	v20 =	vld [tilespmem:s10+$0x600]  }
0x2d4: {  	v15 =	vadd.f32 v21, v15;
	v21 =	vld [tilespmem:s10+$0x610]  }
.Ltmp10:
0x2d5: {  	v14 =	vadd.f32 v24, v14;
	v24 =	vld [tilespmem:s10+$0x620];
	(pc) =	sbr.rel @p0 .LBB2_19-.Ltmp10, $4  }
0x2d6: {  	v13 =	vadd.f32 v23, v13;
	v23 =	vld [tilespmem:s10+$0x630]  }
0x2d7: {  	v12 =	vadd.f32 v22, v12;
	v22 =	vld [tilespmem:s10+$0x640]  }
0x2d8: {  	v11 =	vadd.f32 v20, v11;
	v20 =	vld [tilespmem:s10+$0x650]  }
0x2d9: {  	v10 =	vadd.f32 v21, v10;
	v21 =	vld [tilespmem:s10+$0x660];
	s10 =	sshra.s32 s12, $0x2;
	s12 =	sadd.s32 $0x400, s12  }
0x2da: {  	v25 =	vld [tilespmem:s10+$0x580]  }
0x2db: {  	v26 =	vld [tilespmem:s10+$0x590];
	_ =	sdelay $0x1  }
0x2dc: {  	v27 =	vld [tilespmem:s10+$0x5A0];
	_ =	sdelay $0x1  }
0x2dd: {  	v28 =	vld [tilespmem:s10+$0x5B0]  }
0x2de: {  	v18 =	vadd.f32 v25, v18;
	v19 =	vadd.f32 v26, v19  }
0x2df: {  	v25 =	vld [tilespmem:s10+$0x5C0]  }
0x2e0: {  	v17 =	vadd.f32 v27, v17;
	v18 =	vadd.f32 v19, v18  }
0x2e1: {  	v19 =	vld [tilespmem:s10+$0x5D0]  }
0x2e2: {  	v16 =	vadd.f32 v28, v16;
	v17 =	vadd.f32 v17, v18  }
0x2e3: {  	v18 =	vld [tilespmem:s10+$0x5E0]  }
0x2e4: {  	v15 =	vadd.f32 v25, v15;
	v16 =	vadd.f32 v16, v17  }
0x2e5: {  	v17 =	vld [tilespmem:s10+$0x5F0]  }
0x2e6: {  	v14 =	vadd.f32 v19, v14;
	v15 =	vadd.f32 v15, v16  }
0x2e7: {  	v16 =	vld [tilespmem:s10+$0x600]  }
0x2e8: {  	v13 =	vadd.f32 v18, v13;
	v14 =	vadd.f32 v14, v15  }
0x2e9: {  	v19 =	vld [tilespmem:s10+$0x610]  }
0x2ea: {  	v12 =	vadd.f32 v17, v12;
	v13 =	vadd.f32 v13, v14  }
0x2eb: {  	v14 =	vld [tilespmem:s10+$0x620]  }
0x2ec: {  	v11 =	vadd.f32 v16, v11;
	v12 =	vadd.f32 v12, v13  }
0x2ed: {  	v5 =	vadd.f32 v24, v5;
	(v2sf) =	vpush v3, $0x8;
	v13 =	vld [tilespmem:s10+$0x630]  }
0x2ee: {  	v10 =	vadd.f32 v19, v10;
	v11 =	vadd.f32 v11, v12  }
0x2ef: {  	v8 =	vadd.f32 v23, v8;
	v12 =	vld [tilespmem:s10+$0x640]  }
0x2f0: {  	v5 =	vadd.f32 v14, v5;
	v10 =	vadd.f32 v10, v11  }
0x2f1: {  	v9 =	vadd.f32 v22, v9;
	v11 =	vld [tilespmem:s10+$0x650]  }
0x2f2: {  	v8 =	vadd.f32 v13, v8;
	v5 =	vadd.f32 v5, v10  }
0x2f3: {  	v7 =	vadd.f32 v20, v7;
	v10 =	vld [tilespmem:s10+$0x660]  }
0x2f4: {  	v9 =	vadd.f32 v12, v9;
	v5 =	vadd.f32 v8, v5  }
0x2f5: {  	v6 =	vadd.f32 v21, v6;
	v8 =	vld [tilespmem:s10+$0x670]  }
0x2f6: {  	v7 =	vadd.f32 v11, v7;
	v5 =	vadd.f32 v9, v5;
	_ =	sdelay $0x1  }
0x2f7: {  	v6 =	vadd.f32 v10, v6;
	v5 =	vadd.f32 v7, v5;
	_ =	sdelay $0x1  }
0x2f8: {  	v4 =	vadd.f32 v8, v4;
	v5 =	vadd.f32 v6, v5  }
0x2f9: {  	s10 =	sor.u32 $0x8, s9  }
0x2fa: {  	s12 =	sshll.u32 s10, $0x4;
	v4 =	vadd.f32 v4, v5  }
0x2fb: {  	s18 =	spop (v2sf);
	s12 =	sand.u32 $0x3FFFFFF0, s12  }
0x2fc: {  	s20 =	sand.u32 $0xFFFFFFF0, s18;
	[tilespmem:s12+$0x180] =	vst v4  }
0x2fd: {  	v4 =	vld [tilespmem:s20+$0x580];
	_ =	sdelay $0x1  }
0x2fe: {  	s19 =	sand.u32 $0xF, s18  }
0x2ff: {  	v5 =	vmov s19;
	v6 =	vld [tilespmem:$0x80]  }
0x300: {  	p0 =	seq.s32 s18, $0x0;
	vm0 =	veq.s32 v5, v1;
	s12 =	simm.f32 $0.0e+00  }
0x301: {  	s12 =	simm.s32 @!p0 $0x3F800000;
	v4 =	vnsel vm0, $0x0, v4  }
0x302: {  	s10 =	sor.u32 s4, s10;
	v4 =	vmul.f32 s12, v4  }
0x303: {  	s10 =	sshrl.u32 s10, $0x3  }
0x304: {  	s10 =	smul.u32 $0x7D00, s10;
	v4 =	vadd.f32 v4, v6;
	_ =	sdelay $0x1  }
0x305: {  	s10 =	sadd.s32 s10, s13;
	[tilespmem:$0x80] =	vst v4  }
0x306: {  	[tilespmem:s25], [sflag:$0x1] =	stream.strided.gather [hbm4b:s10+s23], $0x7D00, s24, s23, $0x38;
	[tilespmem:$0x1F980] =	vst v63  }
0x307: {  	_ =	swait.ge [sflag:s31], $0x7D00  }
0x308: {  	[sflag:s31] =	ssyncset.done $0x0  }
0x309: {  	s20 =	simm.s32 $0x0;
	[sflag:s31] =	ssyncadd.s32 $0xFFFF8300  }
0x30a: {  	v4 =	vld [tilespmem:s20+$0x8370]  }
0x30b: {  	v6 =	vld [tilespmem:s20+$0x8280]  }
0x30c: {  	v7 =	vld [tilespmem:s20+$0x8290]  }
0x30d: {  	v8 =	vld [tilespmem:s20+$0x82A0]  }
0x30e: {  	v9 =	vld [tilespmem:s20+$0x82B0]  }
0x30f: {  	v10 =	vld [tilespmem:s20+$0x82C0]  }
0x310: {  	v11 =	vld [tilespmem:s20+$0x82D0]  }
0x311: {  	v12 =	vld [tilespmem:s20+$0x82E0]  }
0x312: {  	v20 =	vld [tilespmem:s20+$0x82F0]  }
0x313: {  	v5 =	vimm.f32 $0.0e+00;
	v21 =	vld [tilespmem:s20+$0x8300]  }
0x314: {  	v25 =	vld [tilespmem:s20+$0x8310];
	v4 =	vadd.f32 v4, v5  }
0x315: {  	v18 =	vadd.f32 v6, v5;
	v19 =	vadd.f32 v7, v5  }
0x316: {  	v24 =	vld [tilespmem:s20+$0x8320];
	v17 =	vadd.f32 v8, v5;
	v16 =	vadd.f32 v9, v5  }
0x317: {  	v23 =	vld [tilespmem:s20+$0x8330];
	v15 =	vadd.f32 v10, v5;
	v14 =	vadd.f32 v11, v5  }
0x318: {  	v22 =	vld [tilespmem:s20+$0x8340];
	v13 =	vadd.f32 v12, v5;
	v12 =	vadd.f32 v20, v5  }
0x319: {  	v11 =	vadd.f32 v21, v5;
	v20 =	vld [tilespmem:s20+$0x8350];
	v10 =	vadd.f32 v25, v5;
	v8 =	vimm.f32 $0.0e+00  }
0x31a: {  	s12 =	simm.s32 $0x800;
	s10 =	simm.s32 $0x100;
	v21 =	vld [tilespmem:s20+$0x8360];
	v9 =	vimm.f32 $0.0e+00;
	v7 =	vimm.f32 $0.0e+00;
	v6 =	vimm.f32 $0.0e+00  }
.LBB2_21:
0x31b: {  	p0 =	sne.s32 s12, $0x1F000;
	v25 =	vld [tilespmem:s10+$0x8370];
	v5 =	vadd.f32 v24, v5  }
0x31c: {  	v24 =	vld [tilespmem:s10+$0x8280];
	v8 =	vadd.f32 v23, v8  }
0x31d: {  	v23 =	vld [tilespmem:s10+$0x8290];
	v9 =	vadd.f32 v22, v9  }
0x31e: {  	v22 =	vld [tilespmem:s10+$0x82A0];
	v7 =	vadd.f32 v20, v7  }
0x31f: {  	v20 =	vld [tilespmem:s10+$0x82B0];
	v6 =	vadd.f32 v21, v6  }
0x320: {  	v21 =	vld [tilespmem:s10+$0x82C0];
	v4 =	vadd.f32 v25, v4  }
0x321: {  	v18 =	vadd.f32 v24, v18;
	v24 =	vld [tilespmem:s10+$0x82D0]  }
0x322: {  	v19 =	vadd.f32 v23, v19;
	v23 =	vld [tilespmem:s10+$0x82E0]  }
0x323: {  	v17 =	vadd.f32 v22, v17;
	v22 =	vld [tilespmem:s10+$0x82F0]  }
0x324: {  	v16 =	vadd.f32 v20, v16;
	v20 =	vld [tilespmem:s10+$0x8300]  }
0x325: {  	v15 =	vadd.f32 v21, v15;
	v21 =	vld [tilespmem:s10+$0x8310]  }
.Ltmp11:
0x326: {  	v14 =	vadd.f32 v24, v14;
	v24 =	vld [tilespmem:s10+$0x8320];
	(pc) =	sbr.rel @p0 .LBB2_21-.Ltmp11, $4  }
0x327: {  	v13 =	vadd.f32 v23, v13;
	v23 =	vld [tilespmem:s10+$0x8330]  }
0x328: {  	v12 =	vadd.f32 v22, v12;
	v22 =	vld [tilespmem:s10+$0x8340]  }
0x329: {  	v11 =	vadd.f32 v20, v11;
	v20 =	vld [tilespmem:s10+$0x8350]  }
0x32a: {  	v10 =	vadd.f32 v21, v10;
	v21 =	vld [tilespmem:s10+$0x8360];
	s10 =	sshra.s32 s12, $0x2;
	s12 =	sadd.s32 $0x400, s12  }
0x32b: {  	v25 =	vld [tilespmem:s10+$0x8280]  }
0x32c: {  	v26 =	vld [tilespmem:s10+$0x8290];
	_ =	sdelay $0x1  }
0x32d: {  	v27 =	vld [tilespmem:s10+$0x82A0];
	_ =	sdelay $0x1  }
0x32e: {  	v28 =	vld [tilespmem:s10+$0x82B0]  }
0x32f: {  	v18 =	vadd.f32 v25, v18;
	v19 =	vadd.f32 v26, v19  }
0x330: {  	v25 =	vld [tilespmem:s10+$0x82C0]  }
0x331: {  	v17 =	vadd.f32 v27, v17;
	v18 =	vadd.f32 v19, v18  }
0x332: {  	v19 =	vld [tilespmem:s10+$0x82D0]  }
0x333: {  	v16 =	vadd.f32 v28, v16;
	v17 =	vadd.f32 v17, v18  }
0x334: {  	v18 =	vld [tilespmem:s10+$0x82E0]  }
0x335: {  	v15 =	vadd.f32 v25, v15;
	v16 =	vadd.f32 v16, v17  }
0x336: {  	v17 =	vld [tilespmem:s10+$0x82F0]  }
0x337: {  	v14 =	vadd.f32 v19, v14;
	v15 =	vadd.f32 v15, v16  }
0x338: {  	v16 =	vld [tilespmem:s10+$0x8300]  }
0x339: {  	v13 =	vadd.f32 v18, v13;
	v14 =	vadd.f32 v14, v15  }
0x33a: {  	v19 =	vld [tilespmem:s10+$0x8310]  }
0x33b: {  	v12 =	vadd.f32 v17, v12;
	v13 =	vadd.f32 v13, v14  }
0x33c: {  	v14 =	vld [tilespmem:s10+$0x8320]  }
0x33d: {  	v11 =	vadd.f32 v16, v11;
	v12 =	vadd.f32 v12, v13  }
0x33e: {  	v5 =	vadd.f32 v24, v5;
	(v2sf) =	vpush v3, $0x9;
	v13 =	vld [tilespmem:s10+$0x8330]  }
0x33f: {  	v10 =	vadd.f32 v19, v10;
	v11 =	vadd.f32 v11, v12  }
0x340: {  	v8 =	vadd.f32 v23, v8;
	v12 =	vld [tilespmem:s10+$0x8340]  }
0x341: {  	v5 =	vadd.f32 v14, v5;
	v10 =	vadd.f32 v10, v11  }
0x342: {  	v9 =	vadd.f32 v22, v9;
	v11 =	vld [tilespmem:s10+$0x8350]  }
0x343: {  	v8 =	vadd.f32 v13, v8;
	v5 =	vadd.f32 v5, v10  }
0x344: {  	v7 =	vadd.f32 v20, v7;
	v10 =	vld [tilespmem:s10+$0x8360]  }
0x345: {  	v9 =	vadd.f32 v12, v9;
	v5 =	vadd.f32 v8, v5  }
0x346: {  	v6 =	vadd.f32 v21, v6;
	v8 =	vld [tilespmem:s10+$0x8370]  }
0x347: {  	v7 =	vadd.f32 v11, v7;
	v5 =	vadd.f32 v9, v5;
	_ =	sdelay $0x1  }
0x348: {  	v6 =	vadd.f32 v10, v6;
	v5 =	vadd.f32 v7, v5;
	_ =	sdelay $0x1  }
0x349: {  	v4 =	vadd.f32 v8, v4;
	v5 =	vadd.f32 v6, v5  }
0x34a: {  	s10 =	sor.u32 $0x9, s9  }
0x34b: {  	s12 =	sshll.u32 s10, $0x4;
	v4 =	vadd.f32 v4, v5  }
0x34c: {  	s18 =	spop (v2sf);
	s12 =	sand.u32 $0x3FFFFFF0, s12  }
0x34d: {  	s20 =	sand.u32 $0xFFFFFFF0, s18;
	[tilespmem:s12+$0x180] =	vst v4  }
0x34e: {  	v4 =	vld [tilespmem:s20+$0x8280];
	_ =	sdelay $0x1  }
0x34f: {  	s19 =	sand.u32 $0xF, s18  }
0x350: {  	v5 =	vmov s19;
	v6 =	vld [tilespmem:$0x80]  }
0x351: {  	p0 =	seq.s32 s18, $0x0;
	vm0 =	veq.s32 v5, v1;
	s12 =	simm.f32 $0.0e+00  }
0x352: {  	s12 =	simm.s32 @!p0 $0x3F800000;
	v4 =	vnsel vm0, $0x0, v4  }
0x353: {  	s10 =	sor.u32 s4, s10;
	v4 =	vmul.f32 s12, v4  }
0x354: {  	s10 =	sshrl.u32 s10, $0x3  }
0x355: {  	s10 =	smul.u32 $0x7D00, s10;
	v4 =	vadd.f32 v4, v6;
	_ =	sdelay $0x1  }
0x356: {  	s10 =	sadd.s32 s10, s14;
	[tilespmem:$0x80] =	vst v4  }
0x357: {  	[tilespmem:s26], [sflag:$0x2] =	stream.strided.gather [hbm4b:s10+s23], $0x7D00, s24, s23, $0x38;
	[tilespmem:$0x1F980] =	vst v63  }
0x358: {  	_ =	swait.ge [sflag:s2], $0x7D00  }
0x359: {  	[sflag:s2] =	ssyncset.done $0x0  }
0x35a: {  	s20 =	simm.s32 $0x0;
	[sflag:s2] =	ssyncadd.s32 $0xFFFF8300  }
0x35b: {  	v4 =	vld [tilespmem:s20+$0x10070]  }
0x35c: {  	v6 =	vld [tilespmem:s20+$0xFF80]  }
0x35d: {  	v7 =	vld [tilespmem:s20+$0xFF90]  }
0x35e: {  	v8 =	vld [tilespmem:s20+$0xFFA0]  }
0x35f: {  	v9 =	vld [tilespmem:s20+$0xFFB0]  }
0x360: {  	v10 =	vld [tilespmem:s20+$0xFFC0]  }
0x361: {  	v11 =	vld [tilespmem:s20+$0xFFD0]  }
0x362: {  	v12 =	vld [tilespmem:s20+$0xFFE0]  }
0x363: {  	v20 =	vld [tilespmem:s20+$0xFFF0]  }
0x364: {  	v5 =	vimm.f32 $0.0e+00;
	v21 =	vld [tilespmem:s20+$0x10000]  }
0x365: {  	v25 =	vld [tilespmem:s20+$0x10010];
	v4 =	vadd.f32 v4, v5  }
0x366: {  	v18 =	vadd.f32 v6, v5;
	v19 =	vadd.f32 v7, v5  }
0x367: {  	v24 =	vld [tilespmem:s20+$0x10020];
	v17 =	vadd.f32 v8, v5;
	v16 =	vadd.f32 v9, v5  }
0x368: {  	v23 =	vld [tilespmem:s20+$0x10030];
	v15 =	vadd.f32 v10, v5;
	v14 =	vadd.f32 v11, v5  }
0x369: {  	v22 =	vld [tilespmem:s20+$0x10040];
	v13 =	vadd.f32 v12, v5;
	v12 =	vadd.f32 v20, v5  }
0x36a: {  	v11 =	vadd.f32 v21, v5;
	v20 =	vld [tilespmem:s20+$0x10050];
	v10 =	vadd.f32 v25, v5;
	v8 =	vimm.f32 $0.0e+00  }
0x36b: {  	s12 =	simm.s32 $0x800;
	s10 =	simm.s32 $0x100;
	v21 =	vld [tilespmem:s20+$0x10060];
	v9 =	vimm.f32 $0.0e+00;
	v7 =	vimm.f32 $0.0e+00;
	v6 =	vimm.f32 $0.0e+00  }
.LBB2_23:
0x36c: {  	p0 =	sne.s32 s12, $0x1F000;
	v25 =	vld [tilespmem:s10+$0x10070];
	v5 =	vadd.f32 v24, v5  }
0x36d: {  	v24 =	vld [tilespmem:s10+$0xFF80];
	v8 =	vadd.f32 v23, v8  }
0x36e: {  	v23 =	vld [tilespmem:s10+$0xFF90];
	v9 =	vadd.f32 v22, v9  }
0x36f: {  	v22 =	vld [tilespmem:s10+$0xFFA0];
	v7 =	vadd.f32 v20, v7  }
0x370: {  	v20 =	vld [tilespmem:s10+$0xFFB0];
	v6 =	vadd.f32 v21, v6  }
0x371: {  	v21 =	vld [tilespmem:s10+$0xFFC0];
	v4 =	vadd.f32 v25, v4  }
0x372: {  	v18 =	vadd.f32 v24, v18;
	v24 =	vld [tilespmem:s10+$0xFFD0]  }
0x373: {  	v19 =	vadd.f32 v23, v19;
	v23 =	vld [tilespmem:s10+$0xFFE0]  }
0x374: {  	v17 =	vadd.f32 v22, v17;
	v22 =	vld [tilespmem:s10+$0xFFF0]  }
0x375: {  	v16 =	vadd.f32 v20, v16;
	v20 =	vld [tilespmem:s10+$0x10000]  }
0x376: {  	v15 =	vadd.f32 v21, v15;
	v21 =	vld [tilespmem:s10+$0x10010]  }
.Ltmp12:
0x377: {  	v14 =	vadd.f32 v24, v14;
	v24 =	vld [tilespmem:s10+$0x10020];
	(pc) =	sbr.rel @p0 .LBB2_23-.Ltmp12, $4  }
0x378: {  	v13 =	vadd.f32 v23, v13;
	v23 =	vld [tilespmem:s10+$0x10030]  }
0x379: {  	v12 =	vadd.f32 v22, v12;
	v22 =	vld [tilespmem:s10+$0x10040]  }
0x37a: {  	v11 =	vadd.f32 v20, v11;
	v20 =	vld [tilespmem:s10+$0x10050]  }
0x37b: {  	v10 =	vadd.f32 v21, v10;
	v21 =	vld [tilespmem:s10+$0x10060];
	s10 =	sshra.s32 s12, $0x2;
	s12 =	sadd.s32 $0x400, s12  }
0x37c: {  	v25 =	vld [tilespmem:s10+$0xFF80]  }
0x37d: {  	v26 =	vld [tilespmem:s10+$0xFF90];
	_ =	sdelay $0x1  }
0x37e: {  	v27 =	vld [tilespmem:s10+$0xFFA0];
	_ =	sdelay $0x1  }
0x37f: {  	v28 =	vld [tilespmem:s10+$0xFFB0]  }
0x380: {  	v18 =	vadd.f32 v25, v18;
	v19 =	vadd.f32 v26, v19  }
0x381: {  	v25 =	vld [tilespmem:s10+$0xFFC0]  }
0x382: {  	v17 =	vadd.f32 v27, v17;
	v18 =	vadd.f32 v19, v18  }
0x383: {  	v19 =	vld [tilespmem:s10+$0xFFD0]  }
0x384: {  	v16 =	vadd.f32 v28, v16;
	v17 =	vadd.f32 v17, v18  }
0x385: {  	v18 =	vld [tilespmem:s10+$0xFFE0]  }
0x386: {  	v15 =	vadd.f32 v25, v15;
	v16 =	vadd.f32 v16, v17  }
0x387: {  	v17 =	vld [tilespmem:s10+$0xFFF0]  }
0x388: {  	v14 =	vadd.f32 v19, v14;
	v15 =	vadd.f32 v15, v16  }
0x389: {  	v16 =	vld [tilespmem:s10+$0x10000]  }
0x38a: {  	v13 =	vadd.f32 v18, v13;
	v14 =	vadd.f32 v14, v15  }
0x38b: {  	v19 =	vld [tilespmem:s10+$0x10010]  }
0x38c: {  	v12 =	vadd.f32 v17, v12;
	v13 =	vadd.f32 v13, v14  }
0x38d: {  	v14 =	vld [tilespmem:s10+$0x10020]  }
0x38e: {  	v11 =	vadd.f32 v16, v11;
	v12 =	vadd.f32 v12, v13  }
0x38f: {  	v5 =	vadd.f32 v24, v5;
	(v2sf) =	vpush v3, $0xA;
	v13 =	vld [tilespmem:s10+$0x10030]  }
0x390: {  	v10 =	vadd.f32 v19, v10;
	v11 =	vadd.f32 v11, v12  }
0x391: {  	v8 =	vadd.f32 v23, v8;
	v12 =	vld [tilespmem:s10+$0x10040]  }
0x392: {  	v5 =	vadd.f32 v14, v5;
	v10 =	vadd.f32 v10, v11  }
0x393: {  	v9 =	vadd.f32 v22, v9;
	v11 =	vld [tilespmem:s10+$0x10050]  }
0x394: {  	v8 =	vadd.f32 v13, v8;
	v5 =	vadd.f32 v5, v10  }
0x395: {  	v7 =	vadd.f32 v20, v7;
	v10 =	vld [tilespmem:s10+$0x10060]  }
0x396: {  	v9 =	vadd.f32 v12, v9;
	v5 =	vadd.f32 v8, v5  }
0x397: {  	v6 =	vadd.f32 v21, v6;
	v8 =	vld [tilespmem:s10+$0x10070]  }
0x398: {  	v7 =	vadd.f32 v11, v7;
	v5 =	vadd.f32 v9, v5;
	_ =	sdelay $0x1  }
0x399: {  	v6 =	vadd.f32 v10, v6;
	v5 =	vadd.f32 v7, v5;
	_ =	sdelay $0x1  }
0x39a: {  	v4 =	vadd.f32 v8, v4;
	v5 =	vadd.f32 v6, v5  }
0x39b: {  	s10 =	sor.u32 $0xA, s9  }
0x39c: {  	s12 =	sshll.u32 s10, $0x4;
	v4 =	vadd.f32 v4, v5  }
0x39d: {  	s18 =	spop (v2sf);
	s12 =	sand.u32 $0x3FFFFFF0, s12  }
0x39e: {  	s20 =	sand.u32 $0xFFFFFFF0, s18;
	[tilespmem:s12+$0x180] =	vst v4  }
0x39f: {  	v4 =	vld [tilespmem:s20+$0xFF80];
	_ =	sdelay $0x1  }
0x3a0: {  	s19 =	sand.u32 $0xF, s18  }
0x3a1: {  	v5 =	vmov s19;
	v6 =	vld [tilespmem:$0x80]  }
0x3a2: {  	p0 =	seq.s32 s18, $0x0;
	vm0 =	veq.s32 v5, v1;
	s12 =	simm.f32 $0.0e+00  }
0x3a3: {  	s12 =	simm.s32 @!p0 $0x3F800000;
	v4 =	vnsel vm0, $0x0, v4  }
0x3a4: {  	s10 =	sor.u32 s4, s10;
	v4 =	vmul.f32 s12, v4  }
0x3a5: {  	s10 =	sshrl.u32 s10, $0x3  }
0x3a6: {  	s10 =	smul.u32 $0x7D00, s10;
	v4 =	vadd.f32 v4, v6;
	_ =	sdelay $0x1  }
0x3a7: {  	s10 =	sadd.s32 s10, s15;
	[tilespmem:$0x80] =	vst v4  }
0x3a8: {  	[tilespmem:s28], [sflag:$0x3] =	stream.strided.gather [hbm4b:s10+s23], $0x7D00, s24, s23, $0x38;
	[tilespmem:$0x1F980] =	vst v63  }
0x3a9: {  	_ =	swait.ge [sflag:s0], $0x7D00  }
0x3aa: {  	[sflag:s0] =	ssyncset.done $0x0  }
0x3ab: {  	s20 =	simm.s32 $0x0;
	[sflag:s0] =	ssyncadd.s32 $0xFFFF8300  }
0x3ac: {  	v4 =	vld [tilespmem:s20+$0x17D70]  }
0x3ad: {  	v6 =	vld [tilespmem:s20+$0x17C80]  }
0x3ae: {  	v7 =	vld [tilespmem:s20+$0x17C90]  }
0x3af: {  	v8 =	vld [tilespmem:s20+$0x17CA0]  }
0x3b0: {  	v9 =	vld [tilespmem:s20+$0x17CB0]  }
0x3b1: {  	v10 =	vld [tilespmem:s20+$0x17CC0]  }
0x3b2: {  	v11 =	vld [tilespmem:s20+$0x17CD0]  }
0x3b3: {  	v12 =	vld [tilespmem:s20+$0x17CE0]  }
0x3b4: {  	v20 =	vld [tilespmem:s20+$0x17CF0]  }
0x3b5: {  	v5 =	vimm.f32 $0.0e+00;
	v21 =	vld [tilespmem:s20+$0x17D00]  }
0x3b6: {  	v25 =	vld [tilespmem:s20+$0x17D10];
	v4 =	vadd.f32 v4, v5  }
0x3b7: {  	v18 =	vadd.f32 v6, v5;
	v19 =	vadd.f32 v7, v5  }
0x3b8: {  	v24 =	vld [tilespmem:s20+$0x17D20];
	v17 =	vadd.f32 v8, v5;
	v16 =	vadd.f32 v9, v5  }
0x3b9: {  	v23 =	vld [tilespmem:s20+$0x17D30];
	v15 =	vadd.f32 v10, v5;
	v14 =	vadd.f32 v11, v5  }
0x3ba: {  	v22 =	vld [tilespmem:s20+$0x17D40];
	v13 =	vadd.f32 v12, v5;
	v12 =	vadd.f32 v20, v5  }
0x3bb: {  	v11 =	vadd.f32 v21, v5;
	v20 =	vld [tilespmem:s20+$0x17D50];
	v10 =	vadd.f32 v25, v5;
	v8 =	vimm.f32 $0.0e+00  }
0x3bc: {  	s12 =	simm.s32 $0x800;
	s10 =	simm.s32 $0x100;
	v21 =	vld [tilespmem:s20+$0x17D60];
	v9 =	vimm.f32 $0.0e+00;
	v7 =	vimm.f32 $0.0e+00;
	v6 =	vimm.f32 $0.0e+00  }
.LBB2_25:
0x3bd: {  	p0 =	sne.s32 s12, $0x1F000;
	v25 =	vld [tilespmem:s10+$0x17D70];
	v5 =	vadd.f32 v24, v5  }
0x3be: {  	v24 =	vld [tilespmem:s10+$0x17C80];
	v8 =	vadd.f32 v23, v8  }
0x3bf: {  	v23 =	vld [tilespmem:s10+$0x17C90];
	v9 =	vadd.f32 v22, v9  }
0x3c0: {  	v22 =	vld [tilespmem:s10+$0x17CA0];
	v7 =	vadd.f32 v20, v7  }
0x3c1: {  	v20 =	vld [tilespmem:s10+$0x17CB0];
	v6 =	vadd.f32 v21, v6  }
0x3c2: {  	v21 =	vld [tilespmem:s10+$0x17CC0];
	v4 =	vadd.f32 v25, v4  }
0x3c3: {  	v18 =	vadd.f32 v24, v18;
	v24 =	vld [tilespmem:s10+$0x17CD0]  }
0x3c4: {  	v19 =	vadd.f32 v23, v19;
	v23 =	vld [tilespmem:s10+$0x17CE0]  }
0x3c5: {  	v17 =	vadd.f32 v22, v17;
	v22 =	vld [tilespmem:s10+$0x17CF0]  }
0x3c6: {  	v16 =	vadd.f32 v20, v16;
	v20 =	vld [tilespmem:s10+$0x17D00]  }
0x3c7: {  	v15 =	vadd.f32 v21, v15;
	v21 =	vld [tilespmem:s10+$0x17D10]  }
.Ltmp13:
0x3c8: {  	v14 =	vadd.f32 v24, v14;
	v24 =	vld [tilespmem:s10+$0x17D20];
	(pc) =	sbr.rel @p0 .LBB2_25-.Ltmp13, $4  }
0x3c9: {  	v13 =	vadd.f32 v23, v13;
	v23 =	vld [tilespmem:s10+$0x17D30]  }
0x3ca: {  	v12 =	vadd.f32 v22, v12;
	v22 =	vld [tilespmem:s10+$0x17D40]  }
0x3cb: {  	v11 =	vadd.f32 v20, v11;
	v20 =	vld [tilespmem:s10+$0x17D50]  }
0x3cc: {  	v10 =	vadd.f32 v21, v10;
	v21 =	vld [tilespmem:s10+$0x17D60];
	s10 =	sshra.s32 s12, $0x2;
	s12 =	sadd.s32 $0x400, s12  }
0x3cd: {  	v25 =	vld [tilespmem:s10+$0x17C80]  }
0x3ce: {  	v26 =	vld [tilespmem:s10+$0x17C90];
	_ =	sdelay $0x1  }
0x3cf: {  	v27 =	vld [tilespmem:s10+$0x17CA0];
	_ =	sdelay $0x1  }
0x3d0: {  	v28 =	vld [tilespmem:s10+$0x17CB0]  }
0x3d1: {  	v18 =	vadd.f32 v25, v18;
	v19 =	vadd.f32 v26, v19  }
0x3d2: {  	v25 =	vld [tilespmem:s10+$0x17CC0]  }
0x3d3: {  	v17 =	vadd.f32 v27, v17;
	v18 =	vadd.f32 v19, v18  }
0x3d4: {  	v19 =	vld [tilespmem:s10+$0x17CD0]  }
0x3d5: {  	v16 =	vadd.f32 v28, v16;
	v17 =	vadd.f32 v17, v18  }
0x3d6: {  	v18 =	vld [tilespmem:s10+$0x17CE0]  }
0x3d7: {  	v15 =	vadd.f32 v25, v15;
	v16 =	vadd.f32 v16, v17  }
0x3d8: {  	v17 =	vld [tilespmem:s10+$0x17CF0]  }
0x3d9: {  	v14 =	vadd.f32 v19, v14;
	v15 =	vadd.f32 v15, v16  }
0x3da: {  	v16 =	vld [tilespmem:s10+$0x17D00]  }
0x3db: {  	v13 =	vadd.f32 v18, v13;
	v14 =	vadd.f32 v14, v15  }
0x3dc: {  	v19 =	vld [tilespmem:s10+$0x17D10]  }
0x3dd: {  	v12 =	vadd.f32 v17, v12;
	v13 =	vadd.f32 v13, v14  }
0x3de: {  	v14 =	vld [tilespmem:s10+$0x17D20]  }
0x3df: {  	v11 =	vadd.f32 v16, v11;
	v12 =	vadd.f32 v12, v13  }
0x3e0: {  	v5 =	vadd.f32 v24, v5;
	(v2sf) =	vpush v3, $0xB;
	v13 =	vld [tilespmem:s10+$0x17D30]  }
0x3e1: {  	v10 =	vadd.f32 v19, v10;
	v11 =	vadd.f32 v11, v12  }
0x3e2: {  	v8 =	vadd.f32 v23, v8;
	v12 =	vld [tilespmem:s10+$0x17D40]  }
0x3e3: {  	v5 =	vadd.f32 v14, v5;
	v10 =	vadd.f32 v10, v11  }
0x3e4: {  	v9 =	vadd.f32 v22, v9;
	v11 =	vld [tilespmem:s10+$0x17D50]  }
0x3e5: {  	v8 =	vadd.f32 v13, v8;
	v5 =	vadd.f32 v5, v10  }
0x3e6: {  	v7 =	vadd.f32 v20, v7;
	v10 =	vld [tilespmem:s10+$0x17D60]  }
0x3e7: {  	v9 =	vadd.f32 v12, v9;
	v5 =	vadd.f32 v8, v5  }
0x3e8: {  	v6 =	vadd.f32 v21, v6;
	v8 =	vld [tilespmem:s10+$0x17D70]  }
0x3e9: {  	v7 =	vadd.f32 v11, v7;
	v5 =	vadd.f32 v9, v5;
	_ =	sdelay $0x1  }
0x3ea: {  	v6 =	vadd.f32 v10, v6;
	v5 =	vadd.f32 v7, v5;
	_ =	sdelay $0x1  }
0x3eb: {  	v4 =	vadd.f32 v8, v4;
	v5 =	vadd.f32 v6, v5  }
0x3ec: {  	s10 =	sor.u32 $0xB, s9  }
0x3ed: {  	s12 =	sshll.u32 s10, $0x4;
	v4 =	vadd.f32 v4, v5  }
0x3ee: {  	s18 =	spop (v2sf);
	s12 =	sand.u32 $0x3FFFFFF0, s12  }
0x3ef: {  	s20 =	sand.u32 $0xFFFFFFF0, s18;
	[tilespmem:s12+$0x180] =	vst v4  }
0x3f0: {  	v4 =	vld [tilespmem:s20+$0x17C80];
	_ =	sdelay $0x1  }
0x3f1: {  	s19 =	sand.u32 $0xF, s18  }
0x3f2: {  	v5 =	vmov s19;
	v6 =	vld [tilespmem:$0x80]  }
0x3f3: {  	p0 =	seq.s32 s18, $0x0;
	vm0 =	veq.s32 v5, v1;
	s12 =	simm.f32 $0.0e+00  }
0x3f4: {  	s12 =	simm.s32 @!p0 $0x3F800000;
	v4 =	vnsel vm0, $0x0, v4  }
0x3f5: {  	s10 =	sor.u32 s4, s10;
	v4 =	vmul.f32 s12, v4  }
0x3f6: {  	s10 =	sshrl.u32 s10, $0x3  }
0x3f7: {  	s10 =	smul.u32 $0x7D00, s10;
	v4 =	vadd.f32 v4, v6;
	_ =	sdelay $0x1  }
0x3f8: {  	s10 =	sadd.s32 s10, s16;
	[tilespmem:$0x80] =	vst v4  }
0x3f9: {  	[tilespmem:s29], [sflag:$0x4] =	stream.strided.gather [hbm4b:s10+s23], $0x7D00, s24, s23, $0x38;
	[tilespmem:$0x1F980] =	vst v63  }
0x3fa: {  	_ =	swait.ge [sflag:s30], $0x7D00  }
0x3fb: {  	[sflag:s30] =	ssyncset.done $0x0  }
0x3fc: {  	s20 =	simm.s32 $0x0;
	[sflag:s30] =	ssyncadd.s32 $0xFFFF8300  }
0x3fd: {  	v4 =	vld [tilespmem:s20+$0x670]  }
0x3fe: {  	v6 =	vld [tilespmem:s20+$0x580]  }
0x3ff: {  	v7 =	vld [tilespmem:s20+$0x590]  }
0x400: {  	v8 =	vld [tilespmem:s20+$0x5A0]  }
0x401: {  	v9 =	vld [tilespmem:s20+$0x5B0]  }
0x402: {  	v10 =	vld [tilespmem:s20+$0x5C0]  }
0x403: {  	v11 =	vld [tilespmem:s20+$0x5D0]  }
0x404: {  	v12 =	vld [tilespmem:s20+$0x5E0]  }
0x405: {  	v20 =	vld [tilespmem:s20+$0x5F0]  }
0x406: {  	v5 =	vimm.f32 $0.0e+00;
	v21 =	vld [tilespmem:s20+$0x600]  }
0x407: {  	v25 =	vld [tilespmem:s20+$0x610];
	v4 =	vadd.f32 v4, v5  }
0x408: {  	v18 =	vadd.f32 v6, v5;
	v19 =	vadd.f32 v7, v5  }
0x409: {  	v24 =	vld [tilespmem:s20+$0x620];
	v17 =	vadd.f32 v8, v5;
	v16 =	vadd.f32 v9, v5  }
0x40a: {  	v23 =	vld [tilespmem:s20+$0x630];
	v15 =	vadd.f32 v10, v5;
	v14 =	vadd.f32 v11, v5  }
0x40b: {  	v22 =	vld [tilespmem:s20+$0x640];
	v13 =	vadd.f32 v12, v5;
	v12 =	vadd.f32 v20, v5  }
0x40c: {  	v11 =	vadd.f32 v21, v5;
	v20 =	vld [tilespmem:s20+$0x650];
	v10 =	vadd.f32 v25, v5;
	v8 =	vimm.f32 $0.0e+00  }
0x40d: {  	s12 =	simm.s32 $0x800;
	s10 =	simm.s32 $0x100;
	v21 =	vld [tilespmem:s20+$0x660];
	v9 =	vimm.f32 $0.0e+00;
	v7 =	vimm.f32 $0.0e+00;
	v6 =	vimm.f32 $0.0e+00  }
.LBB2_27:
0x40e: {  	p0 =	sne.s32 s12, $0x1F000;
	v25 =	vld [tilespmem:s10+$0x670];
	v5 =	vadd.f32 v24, v5  }
0x40f: {  	v24 =	vld [tilespmem:s10+$0x580];
	v8 =	vadd.f32 v23, v8  }
0x410: {  	v23 =	vld [tilespmem:s10+$0x590];
	v9 =	vadd.f32 v22, v9  }
0x411: {  	v22 =	vld [tilespmem:s10+$0x5A0];
	v7 =	vadd.f32 v20, v7  }
0x412: {  	v20 =	vld [tilespmem:s10+$0x5B0];
	v6 =	vadd.f32 v21, v6  }
0x413: {  	v21 =	vld [tilespmem:s10+$0x5C0];
	v4 =	vadd.f32 v25, v4  }
0x414: {  	v18 =	vadd.f32 v24, v18;
	v24 =	vld [tilespmem:s10+$0x5D0]  }
0x415: {  	v19 =	vadd.f32 v23, v19;
	v23 =	vld [tilespmem:s10+$0x5E0]  }
0x416: {  	v17 =	vadd.f32 v22, v17;
	v22 =	vld [tilespmem:s10+$0x5F0]  }
0x417: {  	v16 =	vadd.f32 v20, v16;
	v20 =	vld [tilespmem:s10+$0x600]  }
0x418: {  	v15 =	vadd.f32 v21, v15;
	v21 =	vld [tilespmem:s10+$0x610]  }
.Ltmp14:
0x419: {  	v14 =	vadd.f32 v24, v14;
	v24 =	vld [tilespmem:s10+$0x620];
	(pc) =	sbr.rel @p0 .LBB2_27-.Ltmp14, $4  }
0x41a: {  	v13 =	vadd.f32 v23, v13;
	v23 =	vld [tilespmem:s10+$0x630]  }
0x41b: {  	v12 =	vadd.f32 v22, v12;
	v22 =	vld [tilespmem:s10+$0x640]  }
0x41c: {  	v11 =	vadd.f32 v20, v11;
	v20 =	vld [tilespmem:s10+$0x650]  }
0x41d: {  	v10 =	vadd.f32 v21, v10;
	v21 =	vld [tilespmem:s10+$0x660];
	s10 =	sshra.s32 s12, $0x2;
	s12 =	sadd.s32 $0x400, s12  }
0x41e: {  	v25 =	vld [tilespmem:s10+$0x580]  }
0x41f: {  	v26 =	vld [tilespmem:s10+$0x590];
	_ =	sdelay $0x1  }
0x420: {  	v27 =	vld [tilespmem:s10+$0x5A0];
	_ =	sdelay $0x1  }
0x421: {  	v28 =	vld [tilespmem:s10+$0x5B0]  }
0x422: {  	v18 =	vadd.f32 v25, v18;
	v19 =	vadd.f32 v26, v19  }
0x423: {  	v25 =	vld [tilespmem:s10+$0x5C0]  }
0x424: {  	v17 =	vadd.f32 v27, v17;
	v18 =	vadd.f32 v19, v18  }
0x425: {  	v19 =	vld [tilespmem:s10+$0x5D0]  }
0x426: {  	v16 =	vadd.f32 v28, v16;
	v17 =	vadd.f32 v17, v18  }
0x427: {  	v18 =	vld [tilespmem:s10+$0x5E0]  }
0x428: {  	v15 =	vadd.f32 v25, v15;
	v16 =	vadd.f32 v16, v17  }
0x429: {  	v17 =	vld [tilespmem:s10+$0x5F0]  }
0x42a: {  	v14 =	vadd.f32 v19, v14;
	v15 =	vadd.f32 v15, v16  }
0x42b: {  	v16 =	vld [tilespmem:s10+$0x600]  }
0x42c: {  	v13 =	vadd.f32 v18, v13;
	v14 =	vadd.f32 v14, v15  }
0x42d: {  	v19 =	vld [tilespmem:s10+$0x610]  }
0x42e: {  	v12 =	vadd.f32 v17, v12;
	v13 =	vadd.f32 v13, v14  }
0x42f: {  	v14 =	vld [tilespmem:s10+$0x620]  }
0x430: {  	v11 =	vadd.f32 v16, v11;
	v12 =	vadd.f32 v12, v13  }
0x431: {  	v5 =	vadd.f32 v24, v5;
	(v2sf) =	vpush v3, $0xC;
	v13 =	vld [tilespmem:s10+$0x630]  }
0x432: {  	v10 =	vadd.f32 v19, v10;
	v11 =	vadd.f32 v11, v12  }
0x433: {  	v8 =	vadd.f32 v23, v8;
	v12 =	vld [tilespmem:s10+$0x640]  }
0x434: {  	v5 =	vadd.f32 v14, v5;
	v10 =	vadd.f32 v10, v11  }
0x435: {  	v9 =	vadd.f32 v22, v9;
	v11 =	vld [tilespmem:s10+$0x650]  }
0x436: {  	v8 =	vadd.f32 v13, v8;
	v5 =	vadd.f32 v5, v10  }
0x437: {  	v7 =	vadd.f32 v20, v7;
	v10 =	vld [tilespmem:s10+$0x660]  }
0x438: {  	v9 =	vadd.f32 v12, v9;
	v5 =	vadd.f32 v8, v5  }
0x439: {  	v6 =	vadd.f32 v21, v6;
	v8 =	vld [tilespmem:s10+$0x670]  }
0x43a: {  	v7 =	vadd.f32 v11, v7;
	v5 =	vadd.f32 v9, v5;
	_ =	sdelay $0x1  }
0x43b: {  	v6 =	vadd.f32 v10, v6;
	v5 =	vadd.f32 v7, v5;
	_ =	sdelay $0x1  }
0x43c: {  	v4 =	vadd.f32 v8, v4;
	v5 =	vadd.f32 v6, v5  }
0x43d: {  	s10 =	sor.u32 $0xC, s9  }
0x43e: {  	s12 =	sshll.u32 s10, $0x4;
	v4 =	vadd.f32 v4, v5  }
0x43f: {  	s18 =	spop (v2sf);
	s12 =	sand.u32 $0x3FFFFFF0, s12  }
0x440: {  	s19 =	sand.u32 $0xFFFFFFF0, s18;
	[tilespmem:s12+$0x180] =	vst v4  }
0x441: {  	v4 =	vld [tilespmem:s19+$0x580];
	_ =	sdelay $0x1  }
0x442: {  	s20 =	sand.u32 $0xF, s18  }
0x443: {  	v5 =	vmov s20;
	v6 =	vld [tilespmem:$0x80]  }
0x444: {  	p1 =	seq.s32 s18, $0x0;
	vm0 =	veq.s32 v5, v1;
	s12 =	simm.f32 $0.0e+00  }
0x445: {  	p0 =	seq.s32 s6, $0x3;
	s12 =	simm.s32 @!p1 $0x3F800000;
	v4 =	vnsel vm0, $0x0, v4  }
0x446: {  	s10 =	sadd.s32 @!p0 s10, s17;
	v4 =	vmul.f32 s12, v4  }
0x447: {  	s10 =	sshrl.u32 @!p0 s10, $0x3  }
0x448: {  	s10 =	smul.u32 @!p0 $0x7D00, s10;
	v4 =	vadd.f32 v4, v6  }
0x449: {  	s18 =	simm.s32 @!p0 $0x400  }
0x44a: {  	s10 =	sadd.s32 @!p0 s1, s10;
	s19 =	simm.s32 @!p0 $0x580;
	s12 =	simm.s32 @!p0 $0x80;
	[tilespmem:$0x80] =	vst v4  }
0x44b: {  	[tilespmem:s19], [sflag:$0x1] =	stream.strided.gather @!p0 [hbm4b:s10+s12], $0x7D00, s18, s12, $0x38;
	[tilespmem:$0x1F980] =	vst v63  }
0x44c: {  	_ =	swait.ge [sflag:s31], $0x7D00  }
0x44d: {  	[sflag:s31] =	ssyncset.done $0x0  }
0x44e: {  	s20 =	simm.s32 $0x0;
	[sflag:s31] =	ssyncadd.s32 $0xFFFF8300  }
0x44f: {  	v4 =	vld [tilespmem:s20+$0x8370]  }
0x450: {  	v6 =	vld [tilespmem:s20+$0x8280]  }
0x451: {  	v7 =	vld [tilespmem:s20+$0x8290]  }
0x452: {  	v8 =	vld [tilespmem:s20+$0x82A0]  }
0x453: {  	v9 =	vld [tilespmem:s20+$0x82B0]  }
0x454: {  	v10 =	vld [tilespmem:s20+$0x82C0]  }
0x455: {  	v11 =	vld [tilespmem:s20+$0x82D0]  }
0x456: {  	v12 =	vld [tilespmem:s20+$0x82E0]  }
0x457: {  	v13 =	vld [tilespmem:s20+$0x82F0]  }
0x458: {  	v5 =	vimm.f32 $0.0e+00;
	v21 =	vld [tilespmem:s20+$0x8300]  }
0x459: {  	v23 =	vld [tilespmem:s20+$0x8310];
	v4 =	vadd.f32 v4, v5  }
0x45a: {  	v18 =	vadd.f32 v6, v5;
	v19 =	vadd.f32 v7, v5  }
0x45b: {  	v24 =	vld [tilespmem:s20+$0x8320];
	v17 =	vadd.f32 v8, v5;
	v16 =	vadd.f32 v9, v5  }
0x45c: {  	v22 =	vld [tilespmem:s20+$0x8330];
	v15 =	vadd.f32 v10, v5;
	v14 =	vadd.f32 v11, v5  }
0x45d: {  	v20 =	vld [tilespmem:s20+$0x8340];
	v12 =	vadd.f32 v12, v5;
	v11 =	vadd.f32 v13, v5  }
0x45e: {  	s12 =	sor.u32 $0xD, s9;
	s10 =	sor.u32 $0xE, s9;
	v13 =	vadd.f32 v21, v5;
	v21 =	vld [tilespmem:s20+$0x8350];
	v10 =	vadd.f32 v23, v5;
	v8 =	vimm.f32 $0.0e+00  }
0x45f: {  	s9 =	sor.u32 $0xF, s9;
	s18 =	simm.s32 $0x100;
	s19 =	simm.s32 $0x800;
	v23 =	vld [tilespmem:s20+$0x8360];
	v9 =	vimm.f32 $0.0e+00;
	v7 =	vimm.f32 $0.0e+00;
	v6 =	vimm.f32 $0.0e+00  }
.LBB2_29:
0x460: {  	p1 =	sne.s32 s19, $0x1F000;
	v25 =	vld [tilespmem:s18+$0x8370];
	v5 =	vadd.f32 v24, v5  }
0x461: {  	v24 =	vld [tilespmem:s18+$0x8280];
	v8 =	vadd.f32 v22, v8  }
0x462: {  	v22 =	vld [tilespmem:s18+$0x8290];
	v9 =	vadd.f32 v20, v9  }
0x463: {  	v20 =	vld [tilespmem:s18+$0x82A0];
	v7 =	vadd.f32 v21, v7  }
0x464: {  	v21 =	vld [tilespmem:s18+$0x82B0];
	v6 =	vadd.f32 v23, v6  }
0x465: {  	v23 =	vld [tilespmem:s18+$0x82C0];
	v4 =	vadd.f32 v25, v4  }
0x466: {  	v18 =	vadd.f32 v24, v18;
	v24 =	vld [tilespmem:s18+$0x82D0]  }
0x467: {  	v19 =	vadd.f32 v22, v19;
	v22 =	vld [tilespmem:s18+$0x82E0]  }
0x468: {  	v17 =	vadd.f32 v20, v17;
	v20 =	vld [tilespmem:s18+$0x82F0]  }
0x469: {  	v16 =	vadd.f32 v21, v16;
	v21 =	vld [tilespmem:s18+$0x8300]  }
0x46a: {  	v15 =	vadd.f32 v23, v15;
	v23 =	vld [tilespmem:s18+$0x8310]  }
.Ltmp15:
0x46b: {  	v14 =	vadd.f32 v24, v14;
	v24 =	vld [tilespmem:s18+$0x8320];
	(pc) =	sbr.rel @p1 .LBB2_29-.Ltmp15, $4  }
0x46c: {  	v12 =	vadd.f32 v22, v12;
	v22 =	vld [tilespmem:s18+$0x8330]  }
0x46d: {  	v11 =	vadd.f32 v20, v11;
	v20 =	vld [tilespmem:s18+$0x8340]  }
0x46e: {  	v13 =	vadd.f32 v21, v13;
	v21 =	vld [tilespmem:s18+$0x8350]  }
0x46f: {  	v10 =	vadd.f32 v23, v10;
	v23 =	vld [tilespmem:s18+$0x8360];
	s18 =	sshra.s32 s19, $0x2;
	s19 =	sadd.s32 $0x400, s19  }
0x470: {  	v25 =	vld [tilespmem:s18+$0x8280]  }
0x471: {  	v26 =	vld [tilespmem:s18+$0x8290];
	_ =	sdelay $0x1  }
0x472: {  	v27 =	vld [tilespmem:s18+$0x82A0];
	_ =	sdelay $0x1  }
0x473: {  	v28 =	vld [tilespmem:s18+$0x82B0]  }
0x474: {  	v18 =	vadd.f32 v25, v18;
	v19 =	vadd.f32 v26, v19  }
0x475: {  	v25 =	vld [tilespmem:s18+$0x82C0]  }
0x476: {  	v17 =	vadd.f32 v27, v17;
	v18 =	vadd.f32 v19, v18  }
0x477: {  	v19 =	vld [tilespmem:s18+$0x82D0]  }
0x478: {  	v16 =	vadd.f32 v28, v16;
	v17 =	vadd.f32 v17, v18  }
0x479: {  	v18 =	vld [tilespmem:s18+$0x82E0]  }
0x47a: {  	v15 =	vadd.f32 v25, v15;
	v16 =	vadd.f32 v16, v17  }
0x47b: {  	v17 =	vld [tilespmem:s18+$0x82F0]  }
0x47c: {  	v14 =	vadd.f32 v19, v14;
	v15 =	vadd.f32 v15, v16  }
0x47d: {  	v16 =	vld [tilespmem:s18+$0x8300]  }
0x47e: {  	v12 =	vadd.f32 v18, v12;
	v14 =	vadd.f32 v14, v15  }
0x47f: {  	v19 =	vld [tilespmem:s18+$0x8310]  }
0x480: {  	v11 =	vadd.f32 v17, v11;
	v12 =	vadd.f32 v12, v14  }
0x481: {  	v14 =	vld [tilespmem:s18+$0x8320]  }
0x482: {  	v13 =	vadd.f32 v16, v13;
	v11 =	vadd.f32 v11, v12  }
0x483: {  	v5 =	vadd.f32 v24, v5;
	(v2sf) =	vpush v3, $0xD;
	v12 =	vld [tilespmem:s18+$0x8330]  }
0x484: {  	v10 =	vadd.f32 v19, v10;
	v11 =	vadd.f32 v13, v11  }
0x485: {  	v8 =	vadd.f32 v22, v8;
	v13 =	vld [tilespmem:s18+$0x8340]  }
0x486: {  	v5 =	vadd.f32 v14, v5;
	v10 =	vadd.f32 v10, v11  }
0x487: {  	v9 =	vadd.f32 v20, v9;
	v11 =	vld [tilespmem:s18+$0x8350]  }
0x488: {  	v8 =	vadd.f32 v12, v8;
	v5 =	vadd.f32 v5, v10  }
0x489: {  	v7 =	vadd.f32 v21, v7;
	v10 =	vld [tilespmem:s18+$0x8360]  }
0x48a: {  	v9 =	vadd.f32 v13, v9;
	v5 =	vadd.f32 v8, v5  }
0x48b: {  	v6 =	vadd.f32 v23, v6;
	v8 =	vld [tilespmem:s18+$0x8370]  }
0x48c: {  	v7 =	vadd.f32 v11, v7;
	v5 =	vadd.f32 v9, v5;
	_ =	sdelay $0x1  }
0x48d: {  	v6 =	vadd.f32 v10, v6;
	v5 =	vadd.f32 v7, v5;
	_ =	sdelay $0x1  }
0x48e: {  	v4 =	vadd.f32 v8, v4;
	v5 =	vadd.f32 v6, v5;
	_ =	sdelay $0x1  }
0x48f: {  	s19 =	sshll.u32 s12, $0x4;
	v4 =	vadd.f32 v4, v5  }
0x490: {  	s18 =	sand.u32 $0x3FFFFFF0, s19;
	s19 =	spop (v2sf)  }
0x491: {  	s20 =	sand.u32 $0xFFFFFFF0, s19;
	[tilespmem:s18+$0x180] =	vst v4  }
0x492: {  	v4 =	vld [tilespmem:s20+$0x8280];
	_ =	sdelay $0x1  }
0x493: {  	s20 =	sand.u32 $0xF, s19  }
0x494: {  	v6 =	vld [tilespmem:$0x80];
	v5 =	vmov s20  }
0x495: {  	p1 =	seq.s32 s19, $0x0;
	s18 =	simm.f32 $0.0e+00;
	vm0 =	veq.s32 v5, v1  }
0x496: {  	s12 =	sadd.s32 @!p0 s12, s17;
	s18 =	simm.s32 @!p1 $0x3F800000;
	v4 =	vnsel vm0, $0x0, v4  }
0x497: {  	s12 =	sshrl.u32 @!p0 s12, $0x3;
	v4 =	vmul.f32 s18, v4  }
0x498: {  	s12 =	smul.u32 @!p0 $0x7D00, s12  }
0x499: {  	v4 =	vadd.f32 v4, v6  }
0x49a: {  	s12 =	sadd.s32 @!p0 s12, s7  }
0x49b: {  	s19 =	simm.s32 @!p0 $0x400;
	s20 =	simm.s32 @!p0 $0x8280;
	s18 =	simm.s32 @!p0 $0x80;
	[tilespmem:$0x80] =	vst v4  }
0x49c: {  	[tilespmem:s20], [sflag:$0x2] =	stream.strided.gather @!p0 [hbm4b:s12+s18], $0x7D00, s19, s18, $0x38;
	[tilespmem:$0x1F980] =	vst v63  }
0x49d: {  	_ =	swait.ge [sflag:s2], $0x7D00  }
0x49e: {  	[sflag:s2] =	ssyncset.done $0x0  }
0x49f: {  	s20 =	simm.s32 $0x0;
	[sflag:s2] =	ssyncadd.s32 $0xFFFF8300  }
0x4a0: {  	v4 =	vld [tilespmem:s20+$0x10070]  }
0x4a1: {  	v6 =	vld [tilespmem:s20+$0xFF80]  }
0x4a2: {  	v7 =	vld [tilespmem:s20+$0xFF90]  }
0x4a3: {  	v8 =	vld [tilespmem:s20+$0xFFA0]  }
0x4a4: {  	v9 =	vld [tilespmem:s20+$0xFFB0]  }
0x4a5: {  	v10 =	vld [tilespmem:s20+$0xFFC0]  }
0x4a6: {  	v11 =	vld [tilespmem:s20+$0xFFD0]  }
0x4a7: {  	v12 =	vld [tilespmem:s20+$0xFFE0]  }
0x4a8: {  	v20 =	vld [tilespmem:s20+$0xFFF0]  }
0x4a9: {  	v5 =	vimm.f32 $0.0e+00;
	v21 =	vld [tilespmem:s20+$0x10000]  }
0x4aa: {  	v25 =	vld [tilespmem:s20+$0x10010];
	v4 =	vadd.f32 v4, v5  }
0x4ab: {  	v18 =	vadd.f32 v6, v5;
	v19 =	vadd.f32 v7, v5  }
0x4ac: {  	v24 =	vld [tilespmem:s20+$0x10020];
	v17 =	vadd.f32 v8, v5;
	v16 =	vadd.f32 v9, v5  }
0x4ad: {  	v23 =	vld [tilespmem:s20+$0x10030];
	v15 =	vadd.f32 v10, v5;
	v14 =	vadd.f32 v11, v5  }
0x4ae: {  	v22 =	vld [tilespmem:s20+$0x10040];
	v13 =	vadd.f32 v12, v5;
	v12 =	vadd.f32 v20, v5  }
0x4af: {  	v11 =	vadd.f32 v21, v5;
	v20 =	vld [tilespmem:s20+$0x10050];
	v10 =	vadd.f32 v25, v5;
	v8 =	vimm.f32 $0.0e+00  }
0x4b0: {  	s12 =	simm.s32 $0x100;
	s18 =	simm.s32 $0x800;
	v21 =	vld [tilespmem:s20+$0x10060];
	v9 =	vimm.f32 $0.0e+00;
	v7 =	vimm.f32 $0.0e+00;
	v6 =	vimm.f32 $0.0e+00  }
.LBB2_31:
0x4b1: {  	p1 =	sne.s32 s18, $0x1F000;
	v25 =	vld [tilespmem:s12+$0x10070];
	v5 =	vadd.f32 v24, v5  }
0x4b2: {  	v24 =	vld [tilespmem:s12+$0xFF80];
	v8 =	vadd.f32 v23, v8  }
0x4b3: {  	v23 =	vld [tilespmem:s12+$0xFF90];
	v9 =	vadd.f32 v22, v9  }
0x4b4: {  	v22 =	vld [tilespmem:s12+$0xFFA0];
	v7 =	vadd.f32 v20, v7  }
0x4b5: {  	v20 =	vld [tilespmem:s12+$0xFFB0];
	v6 =	vadd.f32 v21, v6  }
0x4b6: {  	v21 =	vld [tilespmem:s12+$0xFFC0];
	v4 =	vadd.f32 v25, v4  }
0x4b7: {  	v18 =	vadd.f32 v24, v18;
	v24 =	vld [tilespmem:s12+$0xFFD0]  }
0x4b8: {  	v19 =	vadd.f32 v23, v19;
	v23 =	vld [tilespmem:s12+$0xFFE0]  }
0x4b9: {  	v17 =	vadd.f32 v22, v17;
	v22 =	vld [tilespmem:s12+$0xFFF0]  }
0x4ba: {  	v16 =	vadd.f32 v20, v16;
	v20 =	vld [tilespmem:s12+$0x10000]  }
0x4bb: {  	v15 =	vadd.f32 v21, v15;
	v21 =	vld [tilespmem:s12+$0x10010]  }
.Ltmp16:
0x4bc: {  	v14 =	vadd.f32 v24, v14;
	v24 =	vld [tilespmem:s12+$0x10020];
	(pc) =	sbr.rel @p1 .LBB2_31-.Ltmp16, $4  }
0x4bd: {  	v13 =	vadd.f32 v23, v13;
	v23 =	vld [tilespmem:s12+$0x10030]  }
0x4be: {  	v12 =	vadd.f32 v22, v12;
	v22 =	vld [tilespmem:s12+$0x10040]  }
0x4bf: {  	v11 =	vadd.f32 v20, v11;
	v20 =	vld [tilespmem:s12+$0x10050]  }
0x4c0: {  	v10 =	vadd.f32 v21, v10;
	v21 =	vld [tilespmem:s12+$0x10060];
	s12 =	sshra.s32 s18, $0x2;
	s18 =	sadd.s32 $0x400, s18  }
0x4c1: {  	v25 =	vld [tilespmem:s12+$0xFF80]  }
0x4c2: {  	v26 =	vld [tilespmem:s12+$0xFF90];
	_ =	sdelay $0x1  }
0x4c3: {  	v27 =	vld [tilespmem:s12+$0xFFA0];
	_ =	sdelay $0x1  }
0x4c4: {  	v28 =	vld [tilespmem:s12+$0xFFB0]  }
0x4c5: {  	v18 =	vadd.f32 v25, v18;
	v19 =	vadd.f32 v26, v19  }
0x4c6: {  	v25 =	vld [tilespmem:s12+$0xFFC0]  }
0x4c7: {  	v17 =	vadd.f32 v27, v17;
	v18 =	vadd.f32 v19, v18  }
0x4c8: {  	v19 =	vld [tilespmem:s12+$0xFFD0]  }
0x4c9: {  	v16 =	vadd.f32 v28, v16;
	v17 =	vadd.f32 v17, v18  }
0x4ca: {  	v18 =	vld [tilespmem:s12+$0xFFE0]  }
0x4cb: {  	v15 =	vadd.f32 v25, v15;
	v16 =	vadd.f32 v16, v17  }
0x4cc: {  	v17 =	vld [tilespmem:s12+$0xFFF0]  }
0x4cd: {  	v14 =	vadd.f32 v19, v14;
	v15 =	vadd.f32 v15, v16  }
0x4ce: {  	v16 =	vld [tilespmem:s12+$0x10000]  }
0x4cf: {  	v13 =	vadd.f32 v18, v13;
	v14 =	vadd.f32 v14, v15  }
0x4d0: {  	v19 =	vld [tilespmem:s12+$0x10010]  }
0x4d1: {  	v12 =	vadd.f32 v17, v12;
	v13 =	vadd.f32 v13, v14  }
0x4d2: {  	v14 =	vld [tilespmem:s12+$0x10020]  }
0x4d3: {  	v11 =	vadd.f32 v16, v11;
	v12 =	vadd.f32 v12, v13  }
0x4d4: {  	v5 =	vadd.f32 v24, v5;
	(v2sf) =	vpush v3, $0xE;
	v13 =	vld [tilespmem:s12+$0x10030]  }
0x4d5: {  	v10 =	vadd.f32 v19, v10;
	v11 =	vadd.f32 v11, v12  }
0x4d6: {  	v8 =	vadd.f32 v23, v8;
	v12 =	vld [tilespmem:s12+$0x10040]  }
0x4d7: {  	v5 =	vadd.f32 v14, v5;
	v10 =	vadd.f32 v10, v11  }
0x4d8: {  	v9 =	vadd.f32 v22, v9;
	v11 =	vld [tilespmem:s12+$0x10050]  }
0x4d9: {  	v8 =	vadd.f32 v13, v8;
	v5 =	vadd.f32 v5, v10  }
0x4da: {  	v7 =	vadd.f32 v20, v7;
	v10 =	vld [tilespmem:s12+$0x10060]  }
0x4db: {  	v9 =	vadd.f32 v12, v9;
	v5 =	vadd.f32 v8, v5  }
0x4dc: {  	v6 =	vadd.f32 v21, v6;
	v8 =	vld [tilespmem:s12+$0x10070]  }
0x4dd: {  	v7 =	vadd.f32 v11, v7;
	v5 =	vadd.f32 v9, v5;
	_ =	sdelay $0x1  }
0x4de: {  	v6 =	vadd.f32 v10, v6;
	v5 =	vadd.f32 v7, v5;
	_ =	sdelay $0x1  }
0x4df: {  	v4 =	vadd.f32 v8, v4;
	v5 =	vadd.f32 v6, v5;
	_ =	sdelay $0x1  }
0x4e0: {  	s19 =	sshll.u32 s10, $0x4;
	v4 =	vadd.f32 v4, v5  }
0x4e1: {  	s18 =	spop (v2sf);
	s12 =	sand.u32 $0x3FFFFFF0, s19  }
0x4e2: {  	s20 =	sand.u32 $0xFFFFFFF0, s18;
	[tilespmem:s12+$0x180] =	vst v4  }
0x4e3: {  	v4 =	vld [tilespmem:s20+$0xFF80];
	_ =	sdelay $0x1  }
0x4e4: {  	s19 =	sand.u32 $0xF, s18  }
0x4e5: {  	v5 =	vmov s19;
	v6 =	vld [tilespmem:$0x80]  }
0x4e6: {  	p1 =	seq.s32 s18, $0x0;
	vm0 =	veq.s32 v5, v1;
	s12 =	simm.f32 $0.0e+00  }
0x4e7: {  	s10 =	sadd.s32 @!p0 s10, s17;
	s12 =	simm.s32 @!p1 $0x3F800000;
	v4 =	vnsel vm0, $0x0, v4  }
0x4e8: {  	s10 =	sshrl.u32 @!p0 s10, $0x3;
	v4 =	vmul.f32 s12, v4  }
0x4e9: {  	s10 =	smul.u32 @!p0 $0x7D00, s10  }
0x4ea: {  	v4 =	vadd.f32 v4, v6  }
0x4eb: {  	s10 =	sadd.s32 @!p0 s10, s8  }
0x4ec: {  	s18 =	simm.s32 @!p0 $0x400;
	s19 =	simm.s32 @!p0 $0xFF80;
	s12 =	simm.s32 @!p0 $0x80;
	[tilespmem:$0x80] =	vst v4  }
0x4ed: {  	[tilespmem:s19], [sflag:$0x3] =	stream.strided.gather @!p0 [hbm4b:s10+s12], $0x7D00, s18, s12, $0x38;
	[tilespmem:$0x1F980] =	vst v63  }
0x4ee: {  	_ =	swait.ge [sflag:s0], $0x7D00  }
0x4ef: {  	[sflag:s0] =	ssyncset.done $0x0  }
0x4f0: {  	s20 =	simm.s32 $0x0;
	[sflag:s0] =	ssyncadd.s32 $0xFFFF8300  }
0x4f1: {  	v4 =	vld [tilespmem:s20+$0x17D70]  }
0x4f2: {  	v6 =	vld [tilespmem:s20+$0x17C80]  }
0x4f3: {  	v7 =	vld [tilespmem:s20+$0x17C90]  }
0x4f4: {  	v8 =	vld [tilespmem:s20+$0x17CA0]  }
0x4f5: {  	v9 =	vld [tilespmem:s20+$0x17CB0]  }
0x4f6: {  	v10 =	vld [tilespmem:s20+$0x17CC0]  }
0x4f7: {  	v11 =	vld [tilespmem:s20+$0x17CD0]  }
0x4f8: {  	v12 =	vld [tilespmem:s20+$0x17CE0]  }
0x4f9: {  	v20 =	vld [tilespmem:s20+$0x17CF0]  }
0x4fa: {  	v5 =	vimm.f32 $0.0e+00;
	v21 =	vld [tilespmem:s20+$0x17D00]  }
0x4fb: {  	v25 =	vld [tilespmem:s20+$0x17D10];
	v4 =	vadd.f32 v4, v5  }
0x4fc: {  	v18 =	vadd.f32 v6, v5;
	v19 =	vadd.f32 v7, v5  }
0x4fd: {  	v24 =	vld [tilespmem:s20+$0x17D20];
	v17 =	vadd.f32 v8, v5;
	v16 =	vadd.f32 v9, v5  }
0x4fe: {  	v23 =	vld [tilespmem:s20+$0x17D30];
	v15 =	vadd.f32 v10, v5;
	v14 =	vadd.f32 v11, v5  }
0x4ff: {  	v22 =	vld [tilespmem:s20+$0x17D40];
	v13 =	vadd.f32 v12, v5;
	v12 =	vadd.f32 v20, v5  }
0x500: {  	v11 =	vadd.f32 v21, v5;
	v20 =	vld [tilespmem:s20+$0x17D50];
	v10 =	vadd.f32 v25, v5;
	v8 =	vimm.f32 $0.0e+00  }
0x501: {  	s10 =	simm.s32 $0x100;
	s12 =	simm.s32 $0x800;
	v21 =	vld [tilespmem:s20+$0x17D60];
	v9 =	vimm.f32 $0.0e+00;
	v7 =	vimm.f32 $0.0e+00;
	v6 =	vimm.f32 $0.0e+00  }
.LBB2_33:
0x502: {  	p1 =	sne.s32 s12, $0x1F000;
	v25 =	vld [tilespmem:s10+$0x17D70];
	v5 =	vadd.f32 v24, v5  }
0x503: {  	v24 =	vld [tilespmem:s10+$0x17C80];
	v8 =	vadd.f32 v23, v8  }
0x504: {  	v23 =	vld [tilespmem:s10+$0x17C90];
	v9 =	vadd.f32 v22, v9  }
0x505: {  	v22 =	vld [tilespmem:s10+$0x17CA0];
	v7 =	vadd.f32 v20, v7  }
0x506: {  	v20 =	vld [tilespmem:s10+$0x17CB0];
	v6 =	vadd.f32 v21, v6  }
0x507: {  	v21 =	vld [tilespmem:s10+$0x17CC0];
	v4 =	vadd.f32 v25, v4  }
0x508: {  	v18 =	vadd.f32 v24, v18;
	v24 =	vld [tilespmem:s10+$0x17CD0]  }
0x509: {  	v19 =	vadd.f32 v23, v19;
	v23 =	vld [tilespmem:s10+$0x17CE0]  }
0x50a: {  	v17 =	vadd.f32 v22, v17;
	v22 =	vld [tilespmem:s10+$0x17CF0]  }
0x50b: {  	v16 =	vadd.f32 v20, v16;
	v20 =	vld [tilespmem:s10+$0x17D00]  }
0x50c: {  	v15 =	vadd.f32 v21, v15;
	v21 =	vld [tilespmem:s10+$0x17D10]  }
.Ltmp17:
0x50d: {  	v14 =	vadd.f32 v24, v14;
	v24 =	vld [tilespmem:s10+$0x17D20];
	(pc) =	sbr.rel @p1 .LBB2_33-.Ltmp17, $4  }
0x50e: {  	v13 =	vadd.f32 v23, v13;
	v23 =	vld [tilespmem:s10+$0x17D30]  }
0x50f: {  	v12 =	vadd.f32 v22, v12;
	v22 =	vld [tilespmem:s10+$0x17D40]  }
0x510: {  	v11 =	vadd.f32 v20, v11;
	v20 =	vld [tilespmem:s10+$0x17D50]  }
0x511: {  	v10 =	vadd.f32 v21, v10;
	v21 =	vld [tilespmem:s10+$0x17D60];
	s10 =	sshra.s32 s12, $0x2;
	s12 =	sadd.s32 $0x400, s12  }
0x512: {  	v25 =	vld [tilespmem:s10+$0x17C80]  }
0x513: {  	v26 =	vld [tilespmem:s10+$0x17C90];
	_ =	sdelay $0x1  }
0x514: {  	v27 =	vld [tilespmem:s10+$0x17CA0];
	_ =	sdelay $0x1  }
0x515: {  	v28 =	vld [tilespmem:s10+$0x17CB0]  }
0x516: {  	v18 =	vadd.f32 v25, v18;
	v19 =	vadd.f32 v26, v19  }
0x517: {  	v50 =	vld [tilespmem:s10+$0x17CC0]  }
0x518: {  	v17 =	vadd.f32 v27, v17;
	v18 =	vadd.f32 v19, v18  }
0x519: {  	v51 =	vld [tilespmem:s10+$0x17CD0]  }
0x51a: {  	v16 =	vadd.f32 v28, v16;
	v17 =	vadd.f32 v17, v18  }
0x51b: {  	v52 =	vld [tilespmem:s10+$0x17CE0]  }
0x51c: {  	v15 =	vadd.f32 v50, v15;
	v16 =	vadd.f32 v16, v17  }
0x51d: {  	v53 =	vld [tilespmem:s10+$0x17CF0]  }
0x51e: {  	v14 =	vadd.f32 v51, v14;
	v15 =	vadd.f32 v15, v16  }
0x51f: {  	v54 =	vld [tilespmem:s10+$0x17D00]  }
0x520: {  	v13 =	vadd.f32 v52, v13;
	v14 =	vadd.f32 v14, v15  }
0x521: {  	v55 =	vld [tilespmem:s10+$0x17D10]  }
0x522: {  	v12 =	vadd.f32 v53, v12;
	v13 =	vadd.f32 v13, v14  }
0x523: {  	v56 =	vld [tilespmem:s10+$0x17D20]  }
0x524: {  	v11 =	vadd.f32 v54, v11;
	v12 =	vadd.f32 v12, v13  }
0x525: {  	v5 =	vadd.f32 v24, v5;
	v57 =	vld [tilespmem:s10+$0x17D30];
	(v2sf) =	vpush v3, $0xF  }
0x526: {  	v10 =	vadd.f32 v55, v10;
	v11 =	vadd.f32 v11, v12  }
0x527: {  	v58 =	vld [tilespmem:s10+$0x17D40];
	v3 =	vadd.f32 v23, v8  }
0x528: {  	v5 =	vadd.f32 v56, v5;
	v10 =	vadd.f32 v10, v11  }
0x529: {  	v59 =	vld [tilespmem:s10+$0x17D50];
	v9 =	vadd.f32 v22, v9  }
0x52a: {  	v3 =	vadd.f32 v57, v3;
	v5 =	vadd.f32 v5, v10  }
0x52b: {  	v60 =	vld [tilespmem:s10+$0x17D60];
	v7 =	vadd.f32 v20, v7  }
0x52c: {  	v8 =	vadd.f32 v58, v9;
	v3 =	vadd.f32 v3, v5  }
0x52d: {  	v61 =	vld [tilespmem:s10+$0x17D70];
	v6 =	vadd.f32 v21, v6  }
0x52e: {  	v7 =	vadd.f32 v59, v7;
	v3 =	vadd.f32 v8, v3;
	_ =	sdelay $0x1  }
0x52f: {  	v6 =	vadd.f32 v60, v6;
	v3 =	vadd.f32 v7, v3;
	_ =	sdelay $0x1  }
0x530: {  	v4 =	vadd.f32 v61, v4;
	v3 =	vadd.f32 v6, v3;
	_ =	sdelay $0x1  }
0x531: {  	s18 =	sshll.u32 s9, $0x4;
	v3 =	vadd.f32 v4, v3  }
0x532: {  	s10 =	sand.u32 $0x3FFFFFF0, s18;
	s12 =	spop (v2sf)  }
0x533: {  	s19 =	sand.u32 $0xFFFFFFF0, s12;
	[tilespmem:s10+$0x180] =	vst v3  }
0x534: {  	v3 =	vld [tilespmem:s19+$0x17C80];
	_ =	sdelay $0x1  }
0x535: {  	s20 =	sand.u32 $0xF, s12  }
0x536: {  	v62 =	vmov s20;
	v63 =	vld [tilespmem:$0x80]  }
0x537: {  	p1 =	seq.s32 s12, $0x0;
	vm0 =	veq.s32 v62, v1;
	s10 =	simm.f32 $0.0e+00  }
0x538: {  	s10 =	simm.s32 @!p1 $0x3F800000;
	v3 =	vnsel vm0, $0x0, v3  }
.Ltmp18:
0x539: {  	v3 =	vmul.f32 s10, v3;
	(pc) =	sbr.rel @p0 .LBB2_36-.Ltmp18, $3  }
0x53a: {  	_ = 	snop  }
0x53b: {  	v3 =	vadd.f32 v3, v63;
	_ =	sdelay $0x1  }
0x53c: {  	[tilespmem:$0x80] =	vst v3  }
0x53d: {  	s9 =	sadd.s32 s9, s17  }
.Ltmp19:
0x53e: {  	s9 =	sshrl.u32 s9, $0x3;
	(pc) =	sbr.rel .LBB2_2-.Ltmp19, $3  }
0x53f: {  	s9 =	smul.u32 $0x7D00, s9;
	_ =	sdelay $0x1  }
0x540: {  	s6 =	sadd.s32 $0x1, s6;
	s9 =	sadd.s32 s9, s11  }
0x541: {  	[tilespmem:s29], [sflag:$0x4] =	stream.strided.gather [hbm4b:s9+s23], $0x7D00, s24, s23, $0x38;
	[tilespmem:$0x1F980] =	vst v63  }
.LBB2_37:
0x542: {  	_ =	sfence.sel $0x180000  }
0x543: {  	[bflag:$0x0] =	sbarrier.arrive $0xFFFF  }
0x544: {  	_ =	strace $0x90000047  }
0x545: {  	s0 =	stileid.u32;
	[bflag:$0x2] =	sbarrier.arrive $0xFFFF  }
0x546: {  	p0 =	sne.s32 s0, $0x0;
	s0 =	rddreg [dreg:$0x3]  }
0x547: {  	s0 =	sadd.s32 @!p0 $0x100000, s0  }
0x548: {  	[sflag:s0] =	ssyncadd.tile.s32 @!p0 $0x1;
	_ =	shalt  }
.Lfunc_end2:
_tile_overlayer_lowered:
.L_overlay_start_2:
0x549: {  	(tag) =	ssettag $0x2  }
0x54a: {  	s0 =	rddreg [dreg:$0x0];
	s2 =	stileid.u32  }
0x54b: {  	s1 =	rddreg [dreg:$0x1];
	p0 =	sne.s32 s2, $0x0  }
0x54c: {  	s3 =	rddreg [dreg:$0x2];
	[bflag:$0x3] =	sbarrier.arrive $0xFFFF;
	s2 =	simm.s32 @!p0 $0x1C05  }
0x54d: {  	[timem:s3], [sflag:s2] =	dma.local @!p0 [hbm:s0], s1  }
0x54e: {  	s0 =	simm.s32 @!p0 $0x5  }
0x54f: {  	_ =	swait.ge @!p0 [sflag:s0], s1  }
0x550: {  	s1 =	ssub.s32 @!p0 $0x0, s1;
	[sflag:s0] =	ssyncset.done @!p0 $0x0  }
0x551: {  	[sflag:s0] =	ssyncadd.s32 @!p0 s1  }
0x552: {  	[bflag:$0x3] =	sbarrier.arrive $0xFFFF  }
0x553: {  	_ =	shalt  }

</sc_bundles>
